<compile_context>
chip_gen: v7x
topology: tpu7x:2x2x1
jax: 0.10.2.dev20260603
libtpu: 0.0.44.dev20260713+nightly
codegen_flags: <defaults>
</compile_context>

<pallas_src>
import functools

import jax
import jax.numpy as jnp
from jax import lax
from jax.experimental import pallas as pl
from jax.experimental.pallas import tpu as pltpu
from jax.experimental.pallas import tpu_sc as plsc

SEQ = 577
NUM_HEADS = 12
NB_R = 16
R_BLK = 40
ROWS_PAD = NB_R * R_BLK
SP = 592
NCOL = SP // 16
HEAD_HALVES = 2
HEADS_PER_HALF = NUM_HEADS // HEAD_HALVES
SLAB = R_BLK * SP


def _sc_gather_body(nrd, table_hbm, idx_hbm, pos_hbm,
                    table_v, idx_v, out_v0, out_v1, tsem, isem, osem0, osem1):
    out_bufs = (out_v0, out_v1)
    osems = (osem0, osem1)
    wid = lax.axis_index("s") * 2 + lax.axis_index("c")
    hh = wid // NB_R
    rb = wid % NB_R
    r0 = rb * R_BLK
    h0 = hh * HEADS_PER_HALF

    tcopy = pltpu.make_async_copy(table_hbm, table_v, tsem)
    tcopy.start()
    icopy = pltpu.make_async_copy(
        idx_hbm.at[pl.ds(rb * SLAB, SLAB)], idx_v, isem)
    icopy.start()
    tcopy.wait()
    icopy.wait()

    ocopies = [None, None]
    for dh in range(HEADS_PER_HALF):
        s = dh % 2
        if ocopies[s] is not None:
            ocopies[s].wait()
        out_v = out_bufs[s]
        hoff = (h0 + dh) * nrd

        def row_body(r, _, out_v=out_v, hoff=hoff):
            lanes = lax.iota(jnp.int32, 16) * NCOL
            rbase = r * SP
            for c in range(NCOL):
                idx16 = idx_v[pl.ds(rbase + c * 16, 16)]
                g = plsc.load_gather(table_v, [idx16 + hoff])
                plsc.store_scatter(out_v, [lanes + (rbase + c)], g)
            return 0

        lax.fori_loop(0, R_BLK, row_body, 0)

        ocopies[s] = pltpu.make_async_copy(
            out_v,
            pos_hbm.at[pl.ds(((h0 + dh) * NB_R + rb) * SLAB, SLAB)],
            osems[s])
        ocopies[s].start()

    for s in range(2):
        if ocopies[s] is not None:
            ocopies[s].wait()


def _sc_gather(table_t_flat, idx_pad, nrd):
    mesh = plsc.VectorSubcoreMesh(core_axis_name="c", subcore_axis_name="s")
    fn = functools.partial(
        pl.kernel,
        mesh=mesh,
        out_type=jax.ShapeDtypeStruct((NUM_HEADS * ROWS_PAD * SP,), jnp.float32),
        scratch_types=[
            pltpu.VMEM((NUM_HEADS * nrd,), jnp.float32),
            pltpu.VMEM((SLAB,), jnp.int32),
            pltpu.VMEM((SLAB,), jnp.float32),
            pltpu.VMEM((SLAB,), jnp.float32),
            pltpu.SemaphoreType.DMA,
            pltpu.SemaphoreType.DMA,
            pltpu.SemaphoreType.DMA,
            pltpu.SemaphoreType.DMA,
        ],
        compiler_params=pltpu.CompilerParams(needs_layout_passes=False),
    )(functools.partial(_sc_gather_body, nrd))
    return fn(table_t_flat, idx_pad)


def _add_body(a_ref, p_ref, o_ref):
    o_ref[...] = a_ref[...] + p_ref[:, :SEQ, :SEQ][None]


def _tc_add(attn, pos_pad):
    b, nh, s, _ = attn.shape
    return pl.pallas_call(
        _add_body,
        grid=(nh,),
        in_specs=[
            pl.BlockSpec((b, 1, s, s), lambda h: (0, h, 0, 0)),
            pl.BlockSpec((1, SEQ + 7, SP), lambda h: (h, 0, 0)),
        ],
        out_specs=pl.BlockSpec((b, 1, s, s), lambda h: (0, h, 0, 0)),
        out_shape=jax.ShapeDtypeStruct(attn.shape, attn.dtype),
        compiler_params=pltpu.CompilerParams(
            vmem_limit_bytes=110 * 1024 * 1024,
        ),
    )(attn, pos_pad)


def kernel(attention_scores, relative_position_bias_table, relative_position_index):
    nrd = relative_position_bias_table.shape[0]
    table_t_flat = jnp.transpose(relative_position_bias_table).reshape(-1)
    idx_pad = jnp.pad(
        relative_position_index,
        ((0, ROWS_PAD - SEQ), (0, SP - SEQ)),
    ).reshape(ROWS_PAD, 16, NCOL).swapaxes(1, 2).reshape(-1)
    pos_flat = _sc_gather(table_t_flat, idx_pad, nrd)
    pos_pad = pos_flat.reshape(NUM_HEADS, ROWS_PAD, SP)
    return _tc_add(attention_scores, pos_pad)

# --- scband reference (transcript-rebuilt; emitter-appended) ---
"""Pipeline reference for scband-multi-head-relative-positional-embedding-30709016167228 (READ-ONLY COPY).

The authoritative reference and input builder live on the scoring server;
editing this copy changes nothing except your own understanding.
"""

import jax, jax.numpy as jnp
import numpy as np

H = W = 24
NUM_HEADS = 12
BATCH = 8


def _build_relative_position_index():
    xx, yy = np.meshgrid(np.arange(H), np.arange(W))
    coords = np.stack([yy, xx], axis=-1).reshape(-1, 2)
    rel = coords[:, None, :] - coords[None, :, :]
    x = (rel[:, :, 0] + H - 1) * (2 * W - 1)
    y = rel[:, :, 1] + W - 1
    idx = x + y
    nrd = (2 * H - 1) * (2 * W - 1) + 3
    top = np.full((1, idx.shape[1]), nrd - 3, dtype=idx.dtype)
    left = np.full((idx.shape[0], 1), nrd - 2, dtype=idx.dtype)
    corner = np.full((1, 1), nrd - 1, dtype=idx.dtype)
    left_corner = np.concatenate([corner, left], axis=0)
    idx = np.concatenate([top, idx], axis=0)
    idx = np.concatenate([left_corner, idx], axis=1)
    return jnp.asarray(idx, dtype=jnp.int32)


def setup_inputs(seed: int = 0) -> dict:
    key = jax.random.key(seed)
    k1, k2 = jax.random.split(key)
    seq = H * W + 1
    nrd = (2 * H - 1) * (2 * W - 1) + 3
    attention_scores = jax.random.normal(k1, (BATCH, NUM_HEADS, seq, seq), dtype=jnp.float32)
    relative_position_bias_table = jax.random.normal(k2, (nrd, NUM_HEADS), dtype=jnp.float32) * 0.02
    relative_position_index = _build_relative_position_index()
    return {
        "attention_scores": attention_scores,
        "relative_position_bias_table": relative_position_bias_table,
        "relative_position_index": relative_position_index,
    }


def reference(attention_scores, relative_position_bias_table, relative_position_index):
    pos_emb = jnp.take(relative_position_bias_table, relative_position_index, axis=0)
    pos_emb = jnp.transpose(pos_emb, (2, 0, 1))
    return attention_scores + pos_emb

if __name__ == "__main__":
    import jax
    _d = setup_inputs()
    print(jax.jit(kernel)(*tuple(_d.values())))

</pallas_src>

<mosaic_0001>
#map = affine_map<(d0, d1) -> (0)>
module attributes {stable_mosaic.version = 14 : i64} {
  func.func @_sc_gather_body(%arg0: i32, %arg1: i32, %arg2: memref<26544xf32, #tpu.memory_space<hbm>>, %arg3: memref<378880xi32, #tpu.memory_space<hbm>>, %arg4: memref<4546560xf32, #tpu.memory_space<hbm>>, %arg5: memref<26544xf32, #tpu.memory_space<vmem>>, %arg6: memref<23680xi32, #tpu.memory_space<vmem>>, %arg7: memref<23680xf32, #tpu.memory_space<vmem>>, %arg8: memref<23680xf32, #tpu.memory_space<vmem>>, %arg9: memref<!tpu.dma_semaphore, #tpu.memory_space<semaphore_mem>>, %arg10: memref<!tpu.dma_semaphore, #tpu.memory_space<semaphore_mem>>, %arg11: memref<!tpu.dma_semaphore, #tpu.memory_space<semaphore_mem>>, %arg12: memref<!tpu.dma_semaphore, #tpu.memory_space<semaphore_mem>>) attributes {dimension_semantics = [#tpu.dimension_semantics<core_parallel>, #tpu.dimension_semantics<subcore_parallel>], iteration_bounds = array<i64: 2, 16>, scalar_prefetch = 0 : i64, scratch_operands = 8 : i64, tpu.core_type = #tpu.core_type<sc_vector_subcore>, window_params = [{transform_indices = #map}, {transform_indices = #map}, {transform_indices = #map}]} {
    %mul3A = arith.constant 2 : i32
    %mul3A_0 = arith.muli %arg1, %mul3A : i32
    %add3A = arith.addi %mul3A_0, %arg0 : i32
    %jit3A = arith.constant 16 : i32
    %div3A = arith.divsi %add3A, %jit3A : i32
    %sign3A = arith.constant 0 : i32
    %sign3A_1 = arith.cmpi sgt, %add3A, %sign3A : i32
    %sign3A_2 = arith.extui %sign3A_1 : i1 to i32
    %sign3A_3 = arith.constant 0 : i32
    %sign3A_4 = arith.cmpi slt, %add3A, %sign3A_3 : i32
    %sign3A_5 = arith.extui %sign3A_4 : i1 to i32
    %sign3A_6 = arith.subi %sign3A_2, %sign3A_5 : i32
    %sign3A_7 = arith.constant 0 : i32
    %sign3A_8 = arith.cmpi sgt, %jit3A, %sign3A_7 : i32
    %sign3A_9 = arith.extui %sign3A_8 : i1 to i32
    %sign3A_10 = arith.constant 0 : i32
    %sign3A_11 = arith.cmpi slt, %jit3A, %sign3A_10 : i32
    %sign3A_12 = arith.extui %sign3A_11 : i1 to i32
    %sign3A_13 = arith.subi %sign3A_9, %sign3A_12 : i32
    %ne3A = arith.cmpi ne, %sign3A_6, %sign3A_13 : i32
    %rem3A = arith.remsi %add3A, %jit3A : i32
    %ne3A_14 = arith.constant 0 : i32
    %ne3A_15 = arith.cmpi ne, %rem3A, %ne3A_14 : i32
    %and3A = arith.andi %ne3A, %ne3A_15 : i1
    %sub3A = arith.constant 1 : i32
    %sub3A_16 = arith.subi %div3A, %sub3A : i32
    %select_n3A = arith.select %and3A, %sub3A_16, %div3A : i32
    %jit3A_17 = arith.constant 16 : i32
    %eq3A = arith.constant 0 : i32
    %eq3A_18 = arith.cmpi eq, %jit3A_17, %eq3A : i32
    %jit3A_19 = arith.constant 1 : i32
    %select_n3A_20 = arith.select %eq3A_18, %jit3A_19, %jit3A_17 : i32
    %rem3A_21 = arith.remsi %add3A, %select_n3A_20 : i32
    %ne3A_22 = arith.constant 0 : i32
    %ne3A_23 = arith.cmpi ne, %rem3A_21, %ne3A_22 : i32
    %lt3A = arith.constant 0 : i32
    %lt3A_24 = arith.cmpi slt, %rem3A_21, %lt3A : i32
    %lt3A_25 = arith.constant 0 : i32
    %lt3A_26 = arith.cmpi slt, %select_n3A_20, %lt3A_25 : i32
    %ne3A_27 = arith.xori %lt3A_24, %lt3A_26 : i1
    %and3A_28 = arith.andi %ne3A_27, %ne3A_23 : i1
    %add3A_29 = arith.addi %rem3A_21, %select_n3A_20 : i32
    %select_n3A_30 = arith.select %and3A_28, %add3A_29, %rem3A_21 : i32
    %mul3A_31 = arith.constant 40 : i32
    %mul3A_32 = arith.muli %select_n3A_30, %mul3A_31 : i32
    %mul3A_33 = arith.constant 6 : i32
    %mul3A_34 = arith.muli %select_n3A, %mul3A_33 : i32
    tpu.enqueue_dma source(%arg2 : memref<26544xf32, #tpu.memory_space<hbm>>) target(%arg5 : memref<26544xf32, #tpu.memory_space<vmem>>) target_semaphore(%arg9 : memref<!tpu.dma_semaphore, #tpu.memory_space<semaphore_mem>>)
    %mul3A_35 = arith.constant 23680 : i32
    %mul3A_36 = arith.muli %select_n3A_30, %mul3A_35 : i32
    %dma_start3A = tpu.memref_slice %arg3[%mul3A_36] : memref<378880xi32, #tpu.memory_space<hbm>> -> memref<23680xi32, #tpu.memory_space<hbm>>
    %dma_start3A_37 = tpu.memref_slice %arg3[%mul3A_36] : memref<378880xi32, #tpu.memory_space<hbm>> -> memref<23680xi32, #tpu.memory_space<hbm>>
    tpu.enqueue_dma source(%dma_start3A_37 : memref<23680xi32, #tpu.memory_space<hbm>>) target(%arg6 : memref<23680xi32, #tpu.memory_space<vmem>>) target_semaphore(%arg10 : memref<!tpu.dma_semaphore, #tpu.memory_space<semaphore_mem>>)
    tpu.wait_dma2 semaphore(%arg9 : memref<!tpu.dma_semaphore, #tpu.memory_space<semaphore_mem>>) src(%arg2 : memref<26544xf32, #tpu.memory_space<hbm>>) dst(%arg5 : memref<26544xf32, #tpu.memory_space<vmem>>)
    %dma_wait3A = tpu.memref_slice %arg3[%mul3A_36] : memref<378880xi32, #tpu.memory_space<hbm>> -> memref<23680xi32, #tpu.memory_space<hbm>>
    %dma_wait3A_38 = tpu.memref_slice %arg3[%mul3A_36] : memref<378880xi32, #tpu.memory_space<hbm>> -> memref<23680xi32, #tpu.memory_space<hbm>>
    tpu.wait_dma2 semaphore(%arg10 : memref<!tpu.dma_semaphore, #tpu.memory_space<semaphore_mem>>) src(%dma_wait3A_38 : memref<23680xi32, #tpu.memory_space<hbm>>) dst(%arg6 : memref<23680xi32, #tpu.memory_space<vmem>>)
    %add3A_39 = arith.constant 0 : i32
    %add3A_40 = arith.addi %mul3A_34, %add3A_39 : i32
    %mul3A_41 = arith.constant 2212 : i32
    %mul3A_42 = arith.muli %add3A_40, %mul3A_41 : i32
    %scan3A = arith.constant 0 : i32
    %scan3A_43 = arith.constant 0 : i32
    %scan3A_44 = arith.constant 40 : i32
    %scan3A_45 = arith.addi %scan3A_43, %scan3A_44 : i32
    %scan3A_46 = arith.constant 1 : i32
    %scan3A_47 = scf.for %scan3A_170 = %scan3A_43 to %scan3A_45 step %scan3A_46 iter_args(%scan3A_171 = %scan3A) -> (i32)  : i32 {
      %iota3A = tpu.iota {dimensions = array<i32: 0>} : vector<16xi32>
      %mul3A_172 = arith.constant 37 : i32
      %mul3A_173 = vector.broadcast %mul3A_172 : i32 to vector<16xi32>
      %mul3A_174 = arith.muli %iota3A, %mul3A_173 : vector<16xi32>
      %mul3A_175 = arith.constant 592 : i32
      %mul3A_176 = arith.muli %scan3A_170, %mul3A_175 : i32
      %add3A_177 = arith.constant 0 : i32
      %add3A_178 = arith.addi %mul3A_176, %add3A_177 : i32
      %get3A = arith.index_cast %add3A_178 : i32 to index
      %get3A_179 = tpu.vector_load %arg6[%get3A] {strides = array<i32>} : memref<23680xi32, #tpu.memory_space<vmem>>, vector<16xi32>,
      %add3A_180 = vector.broadcast %mul3A_42 : i32 to vector<16xi32>
      %add3A_181 = arith.addi %get3A_179, %add3A_180 : vector<16xi32>
      %gather3A = tpu.vector_load_idx %arg5[%add3A_181] : memref<26544xf32, #tpu.memory_space<vmem>>[vector<16xi32>], vector<16xf32>,
      %add3A_182 = arith.constant 0 : i32
      %add3A_183 = arith.addi %mul3A_176, %add3A_182 : i32
      %add3A_184 = vector.broadcast %add3A_183 : i32 to vector<16xi32>
      %add3A_185 = arith.addi %mul3A_174, %add3A_184 : vector<16xi32>
      tpu.vector_store_idx %arg7[%add3A_185], %gather3A : memref<23680xf32, #tpu.memory_space<vmem>>[vector<16xi32>], vector<16xf32>,
      %add3A_186 = arith.constant 16 : i32
      %add3A_187 = arith.addi %mul3A_176, %add3A_186 : i32
      %get3A_188 = arith.index_cast %add3A_187 : i32 to index
      %get3A_189 = tpu.vector_load %arg6[%get3A_188] {strides = array<i32>} : memref<23680xi32, #tpu.memory_space<vmem>>, vector<16xi32>,
      %add3A_190 = vector.broadcast %mul3A_42 : i32 to vector<16xi32>
      %add3A_191 = arith.addi %get3A_189, %add3A_190 : vector<16xi32>
      %gather3A_192 = tpu.vector_load_idx %arg5[%add3A_191] : memref<26544xf32, #tpu.memory_space<vmem>>[vector<16xi32>], vector<16xf32>,
      %add3A_193 = arith.constant 1 : i32
      %add3A_194 = arith.addi %mul3A_176, %add3A_193 : i32
      %add3A_195 = vector.broadcast %add3A_194 : i32 to vector<16xi32>
      %add3A_196 = arith.addi %mul3A_174, %add3A_195 : vector<16xi32>
      tpu.vector_store_idx %arg7[%add3A_196], %gather3A_192 : memref<23680xf32, #tpu.memory_space<vmem>>[vector<16xi32>], vector<16xf32>,
      %add3A_197 = arith.constant 32 : i32
      %add3A_198 = arith.addi %mul3A_176, %add3A_197 : i32
      %get3A_199 = arith.index_cast %add3A_198 : i32 to index
      %get3A_200 = tpu.vector_load %arg6[%get3A_199] {strides = array<i32>} : memref<23680xi32, #tpu.memory_space<vmem>>, vector<16xi32>,
      %add3A_201 = vector.broadcast %mul3A_42 : i32 to vector<16xi32>
      %add3A_202 = arith.addi %get3A_200, %add3A_201 : vector<16xi32>
      %gather3A_203 = tpu.vector_load_idx %arg5[%add3A_202] : memref<26544xf32, #tpu.memory_space<vmem>>[vector<16xi32>], vector<16xf32>,
      %add3A_204 = arith.constant 2 : i32
      %add3A_205 = arith.addi %mul3A_176, %add3A_204 : i32
      %add3A_206 = vector.broadcast %add3A_205 : i32 to vector<16xi32>
      %add3A_207 = arith.addi %mul3A_174, %add3A_206 : vector<16xi32>
      tpu.vector_store_idx %arg7[%add3A_207], %gather3A_203 : memref<23680xf32, #tpu.memory_space<vmem>>[vector<16xi32>], vector<16xf32>,
      %add3A_208 = arith.constant 48 : i32
      %add3A_209 = arith.addi %mul3A_176, %add3A_208 : i32
      %get3A_210 = arith.index_cast %add3A_209 : i32 to index
      %get3A_211 = tpu.vector_load %arg6[%get3A_210] {strides = array<i32>} : memref<23680xi32, #tpu.memory_space<vmem>>, vector<16xi32>,
      %add3A_212 = vector.broadcast %mul3A_42 : i32 to vector<16xi32>
      %add3A_213 = arith.addi %get3A_211, %add3A_212 : vector<16xi32>
      %gather3A_214 = tpu.vector_load_idx %arg5[%add3A_213] : memref<26544xf32, #tpu.memory_space<vmem>>[vector<16xi32>], vector<16xf32>,
      %add3A_215 = arith.constant 3 : i32
      %add3A_216 = arith.addi %mul3A_176, %add3A_215 : i32
      %add3A_217 = vector.broadcast %add3A_216 : i32 to vector<16xi32>
      %add3A_218 = arith.addi %mul3A_174, %add3A_217 : vector<16xi32>
      tpu.vector_store_idx %arg7[%add3A_218], %gather3A_214 : memref<23680xf32, #tpu.memory_space<vmem>>[vector<16xi32>], vector<16xf32>,
      %add3A_219 = arith.constant 64 : i32
      %add3A_220 = arith.addi %mul3A_176, %add3A_219 : i32
      %get3A_221 = arith.index_cast %add3A_220 : i32 to index
      %get3A_222 = tpu.vector_load %arg6[%get3A_221] {strides = array<i32>} : memref<23680xi32, #tpu.memory_space<vmem>>, vector<16xi32>,
      %add3A_223 = vector.broadcast %mul3A_42 : i32 to vector<16xi32>
      %add3A_224 = arith.addi %get3A_222, %add3A_223 : vector<16xi32>
      %gather3A_225 = tpu.vector_load_idx %arg5[%add3A_224] : memref<26544xf32, #tpu.memory_space<vmem>>[vector<16xi32>], vector<16xf32>,
      %add3A_226 = arith.constant 4 : i32
      %add3A_227 = arith.addi %mul3A_176, %add3A_226 : i32
      %add3A_228 = vector.broadcast %add3A_227 : i32 to vector<16xi32>
      %add3A_229 = arith.addi %mul3A_174, %add3A_228 : vector<16xi32>
      tpu.vector_store_idx %arg7[%add3A_229], %gather3A_225 : memref<23680xf32, #tpu.memory_space<vmem>>[vector<16xi32>], vector<16xf32>,
      %add3A_230 = arith.constant 80 : i32
      %add3A_231 = arith.addi %mul3A_176, %add3A_230 : i32
      %get3A_232 = arith.index_cast %add3A_231 : i32 to index
      %get3A_233 = tpu.vector_load %arg6[%get3A_232] {strides = array<i32>} : memref<23680xi32, #tpu.memory_space<vmem>>, vector<16xi32>,
      %add3A_234 = vector.broadcast %mul3A_42 : i32 to vector<16xi32>
      %add3A_235 = arith.addi %get3A_233, %add3A_234 : vector<16xi32>
      %gather3A_236 = tpu.vector_load_idx %arg5[%add3A_235] : memref<26544xf32, #tpu.memory_space<vmem>>[vector<16xi32>], vector<16xf32>,
      %add3A_237 = arith.constant 5 : i32
      %add3A_238 = arith.addi %mul3A_176, %add3A_237 : i32
      %add3A_239 = vector.broadcast %add3A_238 : i32 to vector<16xi32>
      %add3A_240 = arith.addi %mul3A_174, %add3A_239 : vector<16xi32>
      tpu.vector_store_idx %arg7[%add3A_240], %gather3A_236 : memref<23680xf32, #tpu.memory_space<vmem>>[vector<16xi32>], vector<16xf32>,
      %add3A_241 = arith.constant 96 : i32
      %add3A_242 = arith.addi %mul3A_176, %add3A_241 : i32
      %get3A_243 = arith.index_cast %add3A_242 : i32 to index
      %get3A_244 = tpu.vector_load %arg6[%get3A_243] {strides = array<i32>} : memref<23680xi32, #tpu.memory_space<vmem>>, vector<16xi32>,
      %add3A_245 = vector.broadcast %mul3A_42 : i32 to vector<16xi32>
      %add3A_246 = arith.addi %get3A_244, %add3A_245 : vector<16xi32>
      %gather3A_247 = tpu.vector_load_idx %arg5[%add3A_246] : memref<26544xf32, #tpu.memory_space<vmem>>[vector<16xi32>], vector<16xf32>,
      %add3A_248 = arith.constant 6 : i32
      %add3A_249 = arith.addi %mul3A_176, %add3A_248 : i32
      %add3A_250 = vector.broadcast %add3A_249 : i32 to vector<16xi32>
      %add3A_251 = arith.addi %mul3A_174, %add3A_250 : vector<16xi32>
      tpu.vector_store_idx %arg7[%add3A_251], %gather3A_247 : memref<23680xf32, #tpu.memory_space<vmem>>[vector<16xi32>], vector<16xf32>,
      %add3A_252 = arith.constant 112 : i32
      %add3A_253 = arith.addi %mul3A_176, %add3A_252 : i32
      %get3A_254 = arith.index_cast %add3A_253 : i32 to index
      %get3A_255 = tpu.vector_load %arg6[%get3A_254] {strides = array<i32>} : memref<23680xi32, #tpu.memory_space<vmem>>, vector<16xi32>,
      %add3A_256 = vector.broadcast %mul3A_42 : i32 to vector<16xi32>
      %add3A_257 = arith.addi %get3A_255, %add3A_256 : vector<16xi32>
      %gather3A_258 = tpu.vector_load_idx %arg5[%add3A_257] : memref<26544xf32, #tpu.memory_space<vmem>>[vector<16xi32>], vector<16xf32>,
      %add3A_259 = arith.constant 7 : i32
      %add3A_260 = arith.addi %mul3A_176, %add3A_259 : i32
      %add3A_261 = vector.broadcast %add3A_260 : i32 to vector<16xi32>
      %add3A_262 = arith.addi %mul3A_174, %add3A_261 : vector<16xi32>
      tpu.vector_store_idx %arg7[%add3A_262], %gather3A_258 : memref<23680xf32, #tpu.memory_space<vmem>>[vector<16xi32>], vector<16xf32>,
      %add3A_263 = arith.constant 128 : i32
      %add3A_264 = arith.addi %mul3A_176, %add3A_263 : i32
      %get3A_265 = arith.index_cast %add3A_264 : i32 to index
      %get3A_266 = tpu.vector_load %arg6[%get3A_265] {strides = array<i32>} : memref<23680xi32, #tpu.memory_space<vmem>>, vector<16xi32>,
      %add3A_267 = vector.broadcast %mul3A_42 : i32 to vector<16xi32>
      %add3A_268 = arith.addi %get3A_266, %add3A_267 : vector<16xi32>
      %gather3A_269 = tpu.vector_load_idx %arg5[%add3A_268] : memref<26544xf32, #tpu.memory_space<vmem>>[vector<16xi32>], vector<16xf32>,
      %add3A_270 = arith.constant 8 : i32
      %add3A_271 = arith.addi %mul3A_176, %add3A_270 : i32
      %add3A_272 = vector.broadcast %add3A_271 : i32 to vector<16xi32>
      %add3A_273 = arith.addi %mul3A_174, %add3A_272 : vector<16xi32>
      tpu.vector_store_idx %arg7[%add3A_273], %gather3A_269 : memref<23680xf32, #tpu.memory_space<vmem>>[vector<16xi32>], vector<16xf32>,
      %add3A_274 = arith.constant 144 : i32
      %add3A_275 = arith.addi %mul3A_176, %add3A_274 : i32
      %get3A_276 = arith.index_cast %add3A_275 : i32 to index
      %get3A_277 = tpu.vector_load %arg6[%get3A_276] {strides = array<i32>} : memref<23680xi32, #tpu.memory_space<vmem>>, vector<16xi32>,
      %add3A_278 = vector.broadcast %mul3A_42 : i32 to vector<16xi32>
      %add3A_279 = arith.addi %get3A_277, %add3A_278 : vector<16xi32>
      %gather3A_280 = tpu.vector_load_idx %arg5[%add3A_279] : memref<26544xf32, #tpu.memory_space<vmem>>[vector<16xi32>], vector<16xf32>,
      %add3A_281 = arith.constant 9 : i32
      %add3A_282 = arith.addi %mul3A_176, %add3A_281 : i32
      %add3A_283 = vector.broadcast %add3A_282 : i32 to vector<16xi32>
      %add3A_284 = arith.addi %mul3A_174, %add3A_283 : vector<16xi32>
      tpu.vector_store_idx %arg7[%add3A_284], %gather3A_280 : memref<23680xf32, #tpu.memory_space<vmem>>[vector<16xi32>], vector<16xf32>,
      %add3A_285 = arith.constant 160 : i32
      %add3A_286 = arith.addi %mul3A_176, %add3A_285 : i32
      %get3A_287 = arith.index_cast %add3A_286 : i32 to index
      %get3A_288 = tpu.vector_load %arg6[%get3A_287] {strides = array<i32>} : memref<23680xi32, #tpu.memory_space<vmem>>, vector<16xi32>,
      %add3A_289 = vector.broadcast %mul3A_42 : i32 to vector<16xi32>
      %add3A_290 = arith.addi %get3A_288, %add3A_289 : vector<16xi32>
      %gather3A_291 = tpu.vector_load_idx %arg5[%add3A_290] : memref<26544xf32, #tpu.memory_space<vmem>>[vector<16xi32>], vector<16xf32>,
      %add3A_292 = arith.constant 10 : i32
      %add3A_293 = arith.addi %mul3A_176, %add3A_292 : i32
      %add3A_294 = vector.broadcast %add3A_293 : i32 to vector<16xi32>
      %add3A_295 = arith.addi %mul3A_174, %add3A_294 : vector<16xi32>
      tpu.vector_store_idx %arg7[%add3A_295], %gather3A_291 : memref<23680xf32, #tpu.memory_space<vmem>>[vector<16xi32>], vector<16xf32>,
      %add3A_296 = arith.constant 176 : i32
      %add3A_297 = arith.addi %mul3A_176, %add3A_296 : i32
      %get3A_298 = arith.index_cast %add3A_297 : i32 to index
      %get3A_299 = tpu.vector_load %arg6[%get3A_298] {strides = array<i32>} : memref<23680xi32, #tpu.memory_space<vmem>>, vector<16xi32>,
      %add3A_300 = vector.broadcast %mul3A_42 : i32 to vector<16xi32>
      %add3A_301 = arith.addi %get3A_299, %add3A_300 : vector<16xi32>
      %gather3A_302 = tpu.vector_load_idx %arg5[%add3A_301] : memref<26544xf32, #tpu.memory_space<vmem>>[vector<16xi32>], vector<16xf32>,
      %add3A_303 = arith.constant 11 : i32
      %add3A_304 = arith.addi %mul3A_176, %add3A_303 : i32
      %add3A_305 = vector.broadcast %add3A_304 : i32 to vector<16xi32>
      %add3A_306 = arith.addi %mul3A_174, %add3A_305 : vector<16xi32>
      tpu.vector_store_idx %arg7[%add3A_306], %gather3A_302 : memref<23680xf32, #tpu.memory_space<vmem>>[vector<16xi32>], vector<16xf32>,
      %add3A_307 = arith.constant 192 : i32
      %add3A_308 = arith.addi %mul3A_176, %add3A_307 : i32
      %get3A_309 = arith.index_cast %add3A_308 : i32 to index
      %get3A_310 = tpu.vector_load %arg6[%get3A_309] {strides = array<i32>} : memref<23680xi32, #tpu.memory_space<vmem>>, vector<16xi32>,
      %add3A_311 = vector.broadcast %mul3A_42 : i32 to vector<16xi32>
      %add3A_312 = arith.addi %get3A_310, %add3A_311 : vector<16xi32>
      %gather3A_313 = tpu.vector_load_idx %arg5[%add3A_312] : memref<26544xf32, #tpu.memory_space<vmem>>[vector<16xi32>], vector<16xf32>,
      %add3A_314 = arith.constant 12 : i32
      %add3A_315 = arith.addi %mul3A_176, %add3A_314 : i32
      %add3A_316 = vector.broadcast %add3A_315 : i32 to vector<16xi32>
      %add3A_317 = arith.addi %mul3A_174, %add3A_316 : vector<16xi32>
      tpu.vector_store_idx %arg7[%add3A_317], %gather3A_313 : memref<23680xf32, #tpu.memory_space<vmem>>[vector<16xi32>], vector<16xf32>,
      %add3A_318 = arith.constant 208 : i32
      %add3A_319 = arith.addi %mul3A_176, %add3A_318 : i32
      %get3A_320 = arith.index_cast %add3A_319 : i32 to index
      %get3A_321 = tpu.vector_load %arg6[%get3A_320] {strides = array<i32>} : memref<23680xi32, #tpu.memory_space<vmem>>, vector<16xi32>,
      %add3A_322 = vector.broadcast %mul3A_42 : i32 to vector<16xi32>
      %add3A_323 = arith.addi %get3A_321, %add3A_322 : vector<16xi32>
      %gather3A_324 = tpu.vector_load_idx %arg5[%add3A_323] : memref<26544xf32, #tpu.memory_space<vmem>>[vector<16xi32>], vector<16xf32>,
      %add3A_325 = arith.constant 13 : i32
      %add3A_326 = arith.addi %mul3A_176, %add3A_325 : i32
      %add3A_327 = vector.broadcast %add3A_326 : i32 to vector<16xi32>
      %add3A_328 = arith.addi %mul3A_174, %add3A_327 : vector<16xi32>
      tpu.vector_store_idx %arg7[%add3A_328], %gather3A_324 : memref<23680xf32, #tpu.memory_space<vmem>>[vector<16xi32>], vector<16xf32>,
      %add3A_329 = arith.constant 224 : i32
      %add3A_330 = arith.addi %mul3A_176, %add3A_329 : i32
      %get3A_331 = arith.index_cast %add3A_330 : i32 to index
      %get3A_332 = tpu.vector_load %arg6[%get3A_331] {strides = array<i32>} : memref<23680xi32, #tpu.memory_space<vmem>>, vector<16xi32>,
      %add3A_333 = vector.broadcast %mul3A_42 : i32 to vector<16xi32>
      %add3A_334 = arith.addi %get3A_332, %add3A_333 : vector<16xi32>
      %gather3A_335 = tpu.vector_load_idx %arg5[%add3A_334] : memref<26544xf32, #tpu.memory_space<vmem>>[vector<16xi32>], vector<16xf32>,
      %add3A_336 = arith.constant 14 : i32
      %add3A_337 = arith.addi %mul3A_176, %add3A_336 : i32
      %add3A_338 = vector.broadcast %add3A_337 : i32 to vector<16xi32>
      %add3A_339 = arith.addi %mul3A_174, %add3A_338 : vector<16xi32>
      tpu.vector_store_idx %arg7[%add3A_339], %gather3A_335 : memref<23680xf32, #tpu.memory_space<vmem>>[vector<16xi32>], vector<16xf32>,
      %add3A_340 = arith.constant 240 : i32
      %add3A_341 = arith.addi %mul3A_176, %add3A_340 : i32
      %get3A_342 = arith.index_cast %add3A_341 : i32 to index
      %get3A_343 = tpu.vector_load %arg6[%get3A_342] {strides = array<i32>} : memref<23680xi32, #tpu.memory_space<vmem>>, vector<16xi32>,
      %add3A_344 = vector.broadcast %mul3A_42 : i32 to vector<16xi32>
      %add3A_345 = arith.addi %get3A_343, %add3A_344 : vector<16xi32>
      %gather3A_346 = tpu.vector_load_idx %arg5[%add3A_345] : memref<26544xf32, #tpu.memory_space<vmem>>[vector<16xi32>], vector<16xf32>,
      %add3A_347 = arith.constant 15 : i32
      %add3A_348 = arith.addi %mul3A_176, %add3A_347 : i32
      %add3A_349 = vector.broadcast %add3A_348 : i32 to vector<16xi32>
      %add3A_350 = arith.addi %mul3A_174, %add3A_349 : vector<16xi32>
      tpu.vector_store_idx %arg7[%add3A_350], %gather3A_346 : memref<23680xf32, #tpu.memory_space<vmem>>[vector<16xi32>], vector<16xf32>,
      %add3A_351 = arith.constant 256 : i32
      %add3A_352 = arith.addi %mul3A_176, %add3A_351 : i32
      %get3A_353 = arith.index_cast %add3A_352 : i32 to index
      %get3A_354 = tpu.vector_load %arg6[%get3A_353] {strides = array<i32>} : memref<23680xi32, #tpu.memory_space<vmem>>, vector<16xi32>,
      %add3A_355 = vector.broadcast %mul3A_42 : i32 to vector<16xi32>
      %add3A_356 = arith.addi %get3A_354, %add3A_355 : vector<16xi32>
      %gather3A_357 = tpu.vector_load_idx %arg5[%add3A_356] : memref<26544xf32, #tpu.memory_space<vmem>>[vector<16xi32>], vector<16xf32>,
      %add3A_358 = arith.constant 16 : i32
      %add3A_359 = arith.addi %mul3A_176, %add3A_358 : i32
      %add3A_360 = vector.broadcast %add3A_359 : i32 to vector<16xi32>
      %add3A_361 = arith.addi %mul3A_174, %add3A_360 : vector<16xi32>
      tpu.vector_store_idx %arg7[%add3A_361], %gather3A_357 : memref<23680xf32, #tpu.memory_space<vmem>>[vector<16xi32>], vector<16xf32>,
      %add3A_362 = arith.constant 272 : i32
      %add3A_363 = arith.addi %mul3A_176, %add3A_362 : i32
      %get3A_364 = arith.index_cast %add3A_363 : i32 to index
      %get3A_365 = tpu.vector_load %arg6[%get3A_364] {strides = array<i32>} : memref<23680xi32, #tpu.memory_space<vmem>>, vector<16xi32>,
      %add3A_366 = vector.broadcast %mul3A_42 : i32 to vector<16xi32>
      %add3A_367 = arith.addi %get3A_365, %add3A_366 : vector<16xi32>
      %gather3A_368 = tpu.vector_load_idx %arg5[%add3A_367] : memref<26544xf32, #tpu.memory_space<vmem>>[vector<16xi32>], vector<16xf32>,
      %add3A_369 = arith.constant 17 : i32
      %add3A_370 = arith.addi %mul3A_176, %add3A_369 : i32
      %add3A_371 = vector.broadcast %add3A_370 : i32 to vector<16xi32>
      %add3A_372 = arith.addi %mul3A_174, %add3A_371 : vector<16xi32>
      tpu.vector_store_idx %arg7[%add3A_372], %gather3A_368 : memref<23680xf32, #tpu.memory_space<vmem>>[vector<16xi32>], vector<16xf32>,
      %add3A_373 = arith.constant 288 : i32
      %add3A_374 = arith.addi %mul3A_176, %add3A_373 : i32
      %get3A_375 = arith.index_cast %add3A_374 : i32 to index
      %get3A_376 = tpu.vector_load %arg6[%get3A_375] {strides = array<i32>} : memref<23680xi32, #tpu.memory_space<vmem>>, vector<16xi32>,
      %add3A_377 = vector.broadcast %mul3A_42 : i32 to vector<16xi32>
      %add3A_378 = arith.addi %get3A_376, %add3A_377 : vector<16xi32>
      %gather3A_379 = tpu.vector_load_idx %arg5[%add3A_378] : memref<26544xf32, #tpu.memory_space<vmem>>[vector<16xi32>], vector<16xf32>,
      %add3A_380 = arith.constant 18 : i32
      %add3A_381 = arith.addi %mul3A_176, %add3A_380 : i32
      %add3A_382 = vector.broadcast %add3A_381 : i32 to vector<16xi32>
      %add3A_383 = arith.addi %mul3A_174, %add3A_382 : vector<16xi32>
      tpu.vector_store_idx %arg7[%add3A_383], %gather3A_379 : memref<23680xf32, #tpu.memory_space<vmem>>[vector<16xi32>], vector<16xf32>,
      %add3A_384 = arith.constant 304 : i32
      %add3A_385 = arith.addi %mul3A_176, %add3A_384 : i32
      %get3A_386 = arith.index_cast %add3A_385 : i32 to index
      %get3A_387 = tpu.vector_load %arg6[%get3A_386] {strides = array<i32>} : memref<23680xi32, #tpu.memory_space<vmem>>, vector<16xi32>,
      %add3A_388 = vector.broadcast %mul3A_42 : i32 to vector<16xi32>
      %add3A_389 = arith.addi %get3A_387, %add3A_388 : vector<16xi32>
      %gather3A_390 = tpu.vector_load_idx %arg5[%add3A_389] : memref<26544xf32, #tpu.memory_space<vmem>>[vector<16xi32>], vector<16xf32>,
      %add3A_391 = arith.constant 19 : i32
      %add3A_392 = arith.addi %mul3A_176, %add3A_391 : i32
      %add3A_393 = vector.broadcast %add3A_392 : i32 to vector<16xi32>
      %add3A_394 = arith.addi %mul3A_174, %add3A_393 : vector<16xi32>
      tpu.vector_store_idx %arg7[%add3A_394], %gather3A_390 : memref<23680xf32, #tpu.memory_space<vmem>>[vector<16xi32>], vector<16xf32>,
      %add3A_395 = arith.constant 320 : i32
      %add3A_396 = arith.addi %mul3A_176, %add3A_395 : i32
      %get3A_397 = arith.index_cast %add3A_396 : i32 to index
      %get3A_398 = tpu.vector_load %arg6[%get3A_397] {strides = array<i32>} : memref<23680xi32, #tpu.memory_space<vmem>>, vector<16xi32>,
      %add3A_399 = vector.broadcast %mul3A_42 : i32 to vector<16xi32>
      %add3A_400 = arith.addi %get3A_398, %add3A_399 : vector<16xi32>
      %gather3A_401 = tpu.vector_load_idx %arg5[%add3A_400] : memref<26544xf32, #tpu.memory_space<vmem>>[vector<16xi32>], vector<16xf32>,
      %add3A_402 = arith.constant 20 : i32
      %add3A_403 = arith.addi %mul3A_176, %add3A_402 : i32
      %add3A_404 = vector.broadcast %add3A_403 : i32 to vector<16xi32>
      %add3A_405 = arith.addi %mul3A_174, %add3A_404 : vector<16xi32>
      tpu.vector_store_idx %arg7[%add3A_405], %gather3A_401 : memref<23680xf32, #tpu.memory_space<vmem>>[vector<16xi32>], vector<16xf32>,
      %add3A_406 = arith.constant 336 : i32
      %add3A_407 = arith.addi %mul3A_176, %add3A_406 : i32
      %get3A_408 = arith.index_cast %add3A_407 : i32 to index
      %get3A_409 = tpu.vector_load %arg6[%get3A_408] {strides = array<i32>} : memref<23680xi32, #tpu.memory_space<vmem>>, vector<16xi32>,
      %add3A_410 = vector.broadcast %mul3A_42 : i32 to vector<16xi32>
      %add3A_411 = arith.addi %get3A_409, %add3A_410 : vector<16xi32>
      %gather3A_412 = tpu.vector_load_idx %arg5[%add3A_411] : memref<26544xf32, #tpu.memory_space<vmem>>[vector<16xi32>], vector<16xf32>,
      %add3A_413 = arith.constant 21 : i32
      %add3A_414 = arith.addi %mul3A_176, %add3A_413 : i32
      %add3A_415 = vector.broadcast %add3A_414 : i32 to vector<16xi32>
      %add3A_416 = arith.addi %mul3A_174, %add3A_415 : vector<16xi32>
      tpu.vector_store_idx %arg7[%add3A_416], %gather3A_412 : memref<23680xf32, #tpu.memory_space<vmem>>[vector<16xi32>], vector<16xf32>,
      %add3A_417 = arith.constant 352 : i32
      %add3A_418 = arith.addi %mul3A_176, %add3A_417 : i32
      %get3A_419 = arith.index_cast %add3A_418 : i32 to index
      %get3A_420 = tpu.vector_load %arg6[%get3A_419] {strides = array<i32>} : memref<23680xi32, #tpu.memory_space<vmem>>, vector<16xi32>,
      %add3A_421 = vector.broadcast %mul3A_42 : i32 to vector<16xi32>
      %add3A_422 = arith.addi %get3A_420, %add3A_421 : vector<16xi32>
      %gather3A_423 = tpu.vector_load_idx %arg5[%add3A_422] : memref<26544xf32, #tpu.memory_space<vmem>>[vector<16xi32>], vector<16xf32>,
      %add3A_424 = arith.constant 22 : i32
      %add3A_425 = arith.addi %mul3A_176, %add3A_424 : i32
      %add3A_426 = vector.broadcast %add3A_425 : i32 to vector<16xi32>
      %add3A_427 = arith.addi %mul3A_174, %add3A_426 : vector<16xi32>
      tpu.vector_store_idx %arg7[%add3A_427], %gather3A_423 : memref<23680xf32, #tpu.memory_space<vmem>>[vector<16xi32>], vector<16xf32>,
      %add3A_428 = arith.constant 368 : i32
      %add3A_429 = arith.addi %mul3A_176, %add3A_428 : i32
      %get3A_430 = arith.index_cast %add3A_429 : i32 to index
      %get3A_431 = tpu.vector_load %arg6[%get3A_430] {strides = array<i32>} : memref<23680xi32, #tpu.memory_space<vmem>>, vector<16xi32>,
      %add3A_432 = vector.broadcast %mul3A_42 : i32 to vector<16xi32>
      %add3A_433 = arith.addi %get3A_431, %add3A_432 : vector<16xi32>
      %gather3A_434 = tpu.vector_load_idx %arg5[%add3A_433] : memref<26544xf32, #tpu.memory_space<vmem>>[vector<16xi32>], vector<16xf32>,
      %add3A_435 = arith.constant 23 : i32
      %add3A_436 = arith.addi %mul3A_176, %add3A_435 : i32
      %add3A_437 = vector.broadcast %add3A_436 : i32 to vector<16xi32>
      %add3A_438 = arith.addi %mul3A_174, %add3A_437 : vector<16xi32>
      tpu.vector_store_idx %arg7[%add3A_438], %gather3A_434 : memref<23680xf32, #tpu.memory_space<vmem>>[vector<16xi32>], vector<16xf32>,
      %add3A_439 = arith.constant 384 : i32
      %add3A_440 = arith.addi %mul3A_176, %add3A_439 : i32
      %get3A_441 = arith.index_cast %add3A_440 : i32 to index
      %get3A_442 = tpu.vector_load %arg6[%get3A_441] {strides = array<i32>} : memref<23680xi32, #tpu.memory_space<vmem>>, vector<16xi32>,
      %add3A_443 = vector.broadcast %mul3A_42 : i32 to vector<16xi32>
      %add3A_444 = arith.addi %get3A_442, %add3A_443 : vector<16xi32>
      %gather3A_445 = tpu.vector_load_idx %arg5[%add3A_444] : memref<26544xf32, #tpu.memory_space<vmem>>[vector<16xi32>], vector<16xf32>,
      %add3A_446 = arith.constant 24 : i32
      %add3A_447 = arith.addi %mul3A_176, %add3A_446 : i32
      %add3A_448 = vector.broadcast %add3A_447 : i32 to vector<16xi32>
      %add3A_449 = arith.addi %mul3A_174, %add3A_448 : vector<16xi32>
      tpu.vector_store_idx %arg7[%add3A_449], %gather3A_445 : memref<23680xf32, #tpu.memory_space<vmem>>[vector<16xi32>], vector<16xf32>,
      %add3A_450 = arith.constant 400 : i32
      %add3A_451 = arith.addi %mul3A_176, %add3A_450 : i32
      %get3A_452 = arith.index_cast %add3A_451 : i32 to index
      %get3A_453 = tpu.vector_load %arg6[%get3A_452] {strides = array<i32>} : memref<23680xi32, #tpu.memory_space<vmem>>, vector<16xi32>,
      %add3A_454 = vector.broadcast %mul3A_42 : i32 to vector<16xi32>
      %add3A_455 = arith.addi %get3A_453, %add3A_454 : vector<16xi32>
      %gather3A_456 = tpu.vector_load_idx %arg5[%add3A_455] : memref<26544xf32, #tpu.memory_space<vmem>>[vector<16xi32>], vector<16xf32>,
      %add3A_457 = arith.constant 25 : i32
      %add3A_458 = arith.addi %mul3A_176, %add3A_457 : i32
      %add3A_459 = vector.broadcast %add3A_458 : i32 to vector<16xi32>
      %add3A_460 = arith.addi %mul3A_174, %add3A_459 : vector<16xi32>
      tpu.vector_store_idx %arg7[%add3A_460], %gather3A_456 : memref<23680xf32, #tpu.memory_space<vmem>>[vector<16xi32>], vector<16xf32>,
      %add3A_461 = arith.constant 416 : i32
      %add3A_462 = arith.addi %mul3A_176, %add3A_461 : i32
      %get3A_463 = arith.index_cast %add3A_462 : i32 to index
      %get3A_464 = tpu.vector_load %arg6[%get3A_463] {strides = array<i32>} : memref<23680xi32, #tpu.memory_space<vmem>>, vector<16xi32>,
      %add3A_465 = vector.broadcast %mul3A_42 : i32 to vector<16xi32>
      %add3A_466 = arith.addi %get3A_464, %add3A_465 : vector<16xi32>
      %gather3A_467 = tpu.vector_load_idx %arg5[%add3A_466] : memref<26544xf32, #tpu.memory_space<vmem>>[vector<16xi32>], vector<16xf32>,
      %add3A_468 = arith.constant 26 : i32
      %add3A_469 = arith.addi %mul3A_176, %add3A_468 : i32
      %add3A_470 = vector.broadcast %add3A_469 : i32 to vector<16xi32>
      %add3A_471 = arith.addi %mul3A_174, %add3A_470 : vector<16xi32>
      tpu.vector_store_idx %arg7[%add3A_471], %gather3A_467 : memref<23680xf32, #tpu.memory_space<vmem>>[vector<16xi32>], vector<16xf32>,
      %add3A_472 = arith.constant 432 : i32
      %add3A_473 = arith.addi %mul3A_176, %add3A_472 : i32
      %get3A_474 = arith.index_cast %add3A_473 : i32 to index
      %get3A_475 = tpu.vector_load %arg6[%get3A_474] {strides = array<i32>} : memref<23680xi32, #tpu.memory_space<vmem>>, vector<16xi32>,
      %add3A_476 = vector.broadcast %mul3A_42 : i32 to vector<16xi32>
      %add3A_477 = arith.addi %get3A_475, %add3A_476 : vector<16xi32>
      %gather3A_478 = tpu.vector_load_idx %arg5[%add3A_477] : memref<26544xf32, #tpu.memory_space<vmem>>[vector<16xi32>], vector<16xf32>,
      %add3A_479 = arith.constant 27 : i32
      %add3A_480 = arith.addi %mul3A_176, %add3A_479 : i32
      %add3A_481 = vector.broadcast %add3A_480 : i32 to vector<16xi32>
      %add3A_482 = arith.addi %mul3A_174, %add3A_481 : vector<16xi32>
      tpu.vector_store_idx %arg7[%add3A_482], %gather3A_478 : memref<23680xf32, #tpu.memory_space<vmem>>[vector<16xi32>], vector<16xf32>,
      %add3A_483 = arith.constant 448 : i32
      %add3A_484 = arith.addi %mul3A_176, %add3A_483 : i32
      %get3A_485 = arith.index_cast %add3A_484 : i32 to index
      %get3A_486 = tpu.vector_load %arg6[%get3A_485] {strides = array<i32>} : memref<23680xi32, #tpu.memory_space<vmem>>, vector<16xi32>,
      %add3A_487 = vector.broadcast %mul3A_42 : i32 to vector<16xi32>
      %add3A_488 = arith.addi %get3A_486, %add3A_487 : vector<16xi32>
      %gather3A_489 = tpu.vector_load_idx %arg5[%add3A_488] : memref<26544xf32, #tpu.memory_space<vmem>>[vector<16xi32>], vector<16xf32>,
      %add3A_490 = arith.constant 28 : i32
      %add3A_491 = arith.addi %mul3A_176, %add3A_490 : i32
      %add3A_492 = vector.broadcast %add3A_491 : i32 to vector<16xi32>
      %add3A_493 = arith.addi %mul3A_174, %add3A_492 : vector<16xi32>
      tpu.vector_store_idx %arg7[%add3A_493], %gather3A_489 : memref<23680xf32, #tpu.memory_space<vmem>>[vector<16xi32>], vector<16xf32>,
      %add3A_494 = arith.constant 464 : i32
      %add3A_495 = arith.addi %mul3A_176, %add3A_494 : i32
      %get3A_496 = arith.index_cast %add3A_495 : i32 to index
      %get3A_497 = tpu.vector_load %arg6[%get3A_496] {strides = array<i32>} : memref<23680xi32, #tpu.memory_space<vmem>>, vector<16xi32>,
      %add3A_498 = vector.broadcast %mul3A_42 : i32 to vector<16xi32>
      %add3A_499 = arith.addi %get3A_497, %add3A_498 : vector<16xi32>
      %gather3A_500 = tpu.vector_load_idx %arg5[%add3A_499] : memref<26544xf32, #tpu.memory_space<vmem>>[vector<16xi32>], vector<16xf32>,
      %add3A_501 = arith.constant 29 : i32
      %add3A_502 = arith.addi %mul3A_176, %add3A_501 : i32
      %add3A_503 = vector.broadcast %add3A_502 : i32 to vector<16xi32>
      %add3A_504 = arith.addi %mul3A_174, %add3A_503 : vector<16xi32>
      tpu.vector_store_idx %arg7[%add3A_504], %gather3A_500 : memref<23680xf32, #tpu.memory_space<vmem>>[vector<16xi32>], vector<16xf32>,
      %add3A_505 = arith.constant 480 : i32
      %add3A_506 = arith.addi %mul3A_176, %add3A_505 : i32
      %get3A_507 = arith.index_cast %add3A_506 : i32 to index
      %get3A_508 = tpu.vector_load %arg6[%get3A_507] {strides = array<i32>} : memref<23680xi32, #tpu.memory_space<vmem>>, vector<16xi32>,
      %add3A_509 = vector.broadcast %mul3A_42 : i32 to vector<16xi32>
      %add3A_510 = arith.addi %get3A_508, %add3A_509 : vector<16xi32>
      %gather3A_511 = tpu.vector_load_idx %arg5[%add3A_510] : memref<26544xf32, #tpu.memory_space<vmem>>[vector<16xi32>], vector<16xf32>,
      %add3A_512 = arith.constant 30 : i32
      %add3A_513 = arith.addi %mul3A_176, %add3A_512 : i32
      %add3A_514 = vector.broadcast %add3A_513 : i32 to vector<16xi32>
      %add3A_515 = arith.addi %mul3A_174, %add3A_514 : vector<16xi32>
      tpu.vector_store_idx %arg7[%add3A_515], %gather3A_511 : memref<23680xf32, #tpu.memory_space<vmem>>[vector<16xi32>], vector<16xf32>,
      %add3A_516 = arith.constant 496 : i32
      %add3A_517 = arith.addi %mul3A_176, %add3A_516 : i32
      %get3A_518 = arith.index_cast %add3A_517 : i32 to index
      %get3A_519 = tpu.vector_load %arg6[%get3A_518] {strides = array<i32>} : memref<23680xi32, #tpu.memory_space<vmem>>, vector<16xi32>,
      %add3A_520 = vector.broadcast %mul3A_42 : i32 to vector<16xi32>
      %add3A_521 = arith.addi %get3A_519, %add3A_520 : vector<16xi32>
      %gather3A_522 = tpu.vector_load_idx %arg5[%add3A_521] : memref<26544xf32, #tpu.memory_space<vmem>>[vector<16xi32>], vector<16xf32>,
      %add3A_523 = arith.constant 31 : i32
      %add3A_524 = arith.addi %mul3A_176, %add3A_523 : i32
      %add3A_525 = vector.broadcast %add3A_524 : i32 to vector<16xi32>
      %add3A_526 = arith.addi %mul3A_174, %add3A_525 : vector<16xi32>
      tpu.vector_store_idx %arg7[%add3A_526], %gather3A_522 : memref<23680xf32, #tpu.memory_space<vmem>>[vector<16xi32>], vector<16xf32>,
      %add3A_527 = arith.constant 512 : i32
      %add3A_528 = arith.addi %mul3A_176, %add3A_527 : i32
      %get3A_529 = arith.index_cast %add3A_528 : i32 to index
      %get3A_530 = tpu.vector_load %arg6[%get3A_529] {strides = array<i32>} : memref<23680xi32, #tpu.memory_space<vmem>>, vector<16xi32>,
      %add3A_531 = vector.broadcast %mul3A_42 : i32 to vector<16xi32>
      %add3A_532 = arith.addi %get3A_530, %add3A_531 : vector<16xi32>
      %gather3A_533 = tpu.vector_load_idx %arg5[%add3A_532] : memref<26544xf32, #tpu.memory_space<vmem>>[vector<16xi32>], vector<16xf32>,
      %add3A_534 = arith.constant 32 : i32
      %add3A_535 = arith.addi %mul3A_176, %add3A_534 : i32
      %add3A_536 = vector.broadcast %add3A_535 : i32 to vector<16xi32>
      %add3A_537 = arith.addi %mul3A_174, %add3A_536 : vector<16xi32>
      tpu.vector_store_idx %arg7[%add3A_537], %gather3A_533 : memref<23680xf32, #tpu.memory_space<vmem>>[vector<16xi32>], vector<16xf32>,
      %add3A_538 = arith.constant 528 : i32
      %add3A_539 = arith.addi %mul3A_176, %add3A_538 : i32
      %get3A_540 = arith.index_cast %add3A_539 : i32 to index
      %get3A_541 = tpu.vector_load %arg6[%get3A_540] {strides = array<i32>} : memref<23680xi32, #tpu.memory_space<vmem>>, vector<16xi32>,
      %add3A_542 = vector.broadcast %mul3A_42 : i32 to vector<16xi32>
      %add3A_543 = arith.addi %get3A_541, %add3A_542 : vector<16xi32>
      %gather3A_544 = tpu.vector_load_idx %arg5[%add3A_543] : memref<26544xf32, #tpu.memory_space<vmem>>[vector<16xi32>], vector<16xf32>,
      %add3A_545 = arith.constant 33 : i32
      %add3A_546 = arith.addi %mul3A_176, %add3A_545 : i32
      %add3A_547 = vector.broadcast %add3A_546 : i32 to vector<16xi32>
      %add3A_548 = arith.addi %mul3A_174, %add3A_547 : vector<16xi32>
      tpu.vector_store_idx %arg7[%add3A_548], %gather3A_544 : memref<23680xf32, #tpu.memory_space<vmem>>[vector<16xi32>], vector<16xf32>,
      %add3A_549 = arith.constant 544 : i32
      %add3A_550 = arith.addi %mul3A_176, %add3A_549 : i32
      %get3A_551 = arith.index_cast %add3A_550 : i32 to index
      %get3A_552 = tpu.vector_load %arg6[%get3A_551] {strides = array<i32>} : memref<23680xi32, #tpu.memory_space<vmem>>, vector<16xi32>,
      %add3A_553 = vector.broadcast %mul3A_42 : i32 to vector<16xi32>
      %add3A_554 = arith.addi %get3A_552, %add3A_553 : vector<16xi32>
      %gather3A_555 = tpu.vector_load_idx %arg5[%add3A_554] : memref<26544xf32, #tpu.memory_space<vmem>>[vector<16xi32>], vector<16xf32>,
      %add3A_556 = arith.constant 34 : i32
      %add3A_557 = arith.addi %mul3A_176, %add3A_556 : i32
      %add3A_558 = vector.broadcast %add3A_557 : i32 to vector<16xi32>
      %add3A_559 = arith.addi %mul3A_174, %add3A_558 : vector<16xi32>
      tpu.vector_store_idx %arg7[%add3A_559], %gather3A_555 : memref<23680xf32, #tpu.memory_space<vmem>>[vector<16xi32>], vector<16xf32>,
      %add3A_560 = arith.constant 560 : i32
      %add3A_561 = arith.addi %mul3A_176, %add3A_560 : i32
      %get3A_562 = arith.index_cast %add3A_561 : i32 to index
      %get3A_563 = tpu.vector_load %arg6[%get3A_562] {strides = array<i32>} : memref<23680xi32, #tpu.memory_space<vmem>>, vector<16xi32>,
      %add3A_564 = vector.broadcast %mul3A_42 : i32 to vector<16xi32>
      %add3A_565 = arith.addi %get3A_563, %add3A_564 : vector<16xi32>
      %gather3A_566 = tpu.vector_load_idx %arg5[%add3A_565] : memref<26544xf32, #tpu.memory_space<vmem>>[vector<16xi32>], vector<16xf32>,
      %add3A_567 = arith.constant 35 : i32
      %add3A_568 = arith.addi %mul3A_176, %add3A_567 : i32
      %add3A_569 = vector.broadcast %add3A_568 : i32 to vector<16xi32>
      %add3A_570 = arith.addi %mul3A_174, %add3A_569 : vector<16xi32>
      tpu.vector_store_idx %arg7[%add3A_570], %gather3A_566 : memref<23680xf32, #tpu.memory_space<vmem>>[vector<16xi32>], vector<16xf32>,
      %add3A_571 = arith.constant 576 : i32
      %add3A_572 = arith.addi %mul3A_176, %add3A_571 : i32
      %get3A_573 = arith.index_cast %add3A_572 : i32 to index
      %get3A_574 = tpu.vector_load %arg6[%get3A_573] {strides = array<i32>} : memref<23680xi32, #tpu.memory_space<vmem>>, vector<16xi32>,
      %add3A_575 = vector.broadcast %mul3A_42 : i32 to vector<16xi32>
      %add3A_576 = arith.addi %get3A_574, %add3A_575 : vector<16xi32>
      %gather3A_577 = tpu.vector_load_idx %arg5[%add3A_576] : memref<26544xf32, #tpu.memory_space<vmem>>[vector<16xi32>], vector<16xf32>,
      %add3A_578 = arith.constant 36 : i32
      %add3A_579 = arith.addi %mul3A_176, %add3A_578 : i32
      %add3A_580 = vector.broadcast %add3A_579 : i32 to vector<16xi32>
      %add3A_581 = arith.addi %mul3A_174, %add3A_580 : vector<16xi32>
      tpu.vector_store_idx %arg7[%add3A_581], %gather3A_577 : memref<23680xf32, #tpu.memory_space<vmem>>[vector<16xi32>], vector<16xf32>,
      %scan3A_582 = arith.constant 0 : i32
      scf.yield %scan3A_582 : i32
    }
    %scan3A_48 = arith.constant 40 : i32
    %add3A_49 = arith.constant 0 : i32
    %add3A_50 = arith.addi %mul3A_34, %add3A_49 : i32
    %mul3A_51 = arith.constant 16 : i32
    %mul3A_52 = arith.muli %add3A_50, %mul3A_51 : i32
    %add3A_53 = arith.addi %mul3A_52, %select_n3A_30 : i32
    %mul3A_54 = arith.constant 23680 : i32
    %mul3A_55 = arith.muli %add3A_53, %mul3A_54 : i32
    %dma_start3A_56 = tpu.memref_slice %arg4[%mul3A_55] : memref<4546560xf32, #tpu.memory_space<hbm>> -> memref<23680xf32, #tpu.memory_space<hbm>>
    %dma_start3A_57 = tpu.memref_slice %arg4[%mul3A_55] : memref<4546560xf32, #tpu.memory_space<hbm>> -> memref<23680xf32, #tpu.memory_space<hbm>>
    tpu.enqueue_dma source(%arg7 : memref<23680xf32, #tpu.memory_space<vmem>>) target(%dma_start3A_57 : memref<23680xf32, #tpu.memory_space<hbm>>) target_semaphore(%arg11 : memref<!tpu.dma_semaphore, #tpu.memory_space<semaphore_mem>>)
    %add3A_58 = arith.constant 1 : i32
    %add3A_59 = arith.addi %mul3A_34, %add3A_58 : i32
    %mul3A_60 = arith.constant 2212 : i32
    %mul3A_61 = arith.muli %add3A_59, %mul3A_60 : i32
    %scan3A_62 = arith.constant 0 : i32
    %scan3A_63 = arith.constant 0 : i32
    %scan3A_64 = arith.constant 40 : i32
    %scan3A_65 = arith.addi %scan3A_63, %scan3A_64 : i32
    %scan3A_66 = arith.constant 1 : i32
    %scan3A_67 = scf.for %scan3A_170 = %scan3A_63 to %scan3A_65 step %scan3A_66 iter_args(%scan3A_171 = %scan3A_62) -> (i32)  : i32 {
      %iota3A = tpu.iota {dimensions = array<i32: 0>} : vector<16xi32>
      %mul3A_172 = arith.constant 37 : i32
      %mul3A_173 = vector.broadcast %mul3A_172 : i32 to vector<16xi32>
      %mul3A_174 = arith.muli %iota3A, %mul3A_173 : vector<16xi32>
      %mul3A_175 = arith.constant 592 : i32
      %mul3A_176 = arith.muli %scan3A_170, %mul3A_175 : i32
      %add3A_177 = arith.constant 0 : i32
      %add3A_178 = arith.addi %mul3A_176, %add3A_177 : i32
      %get3A = arith.index_cast %add3A_178 : i32 to index
      %get3A_179 = tpu.vector_load %arg6[%get3A] {strides = array<i32>} : memref<23680xi32, #tpu.memory_space<vmem>>, vector<16xi32>,
      %add3A_180 = vector.broadcast %mul3A_61 : i32 to vector<16xi32>
      %add3A_181 = arith.addi %get3A_179, %add3A_180 : vector<16xi32>
      %gather3A = tpu.vector_load_idx %arg5[%add3A_181] : memref<26544xf32, #tpu.memory_space<vmem>>[vector<16xi32>], vector<16xf32>,
      %add3A_182 = arith.constant 0 : i32
      %add3A_183 = arith.addi %mul3A_176, %add3A_182 : i32
      %add3A_184 = vector.broadcast %add3A_183 : i32 to vector<16xi32>
      %add3A_185 = arith.addi %mul3A_174, %add3A_184 : vector<16xi32>
      tpu.vector_store_idx %arg8[%add3A_185], %gather3A : memref<23680xf32, #tpu.memory_space<vmem>>[vector<16xi32>], vector<16xf32>,
      %add3A_186 = arith.constant 16 : i32
      %add3A_187 = arith.addi %mul3A_176, %add3A_186 : i32
      %get3A_188 = arith.index_cast %add3A_187 : i32 to index
      %get3A_189 = tpu.vector_load %arg6[%get3A_188] {strides = array<i32>} : memref<23680xi32, #tpu.memory_space<vmem>>, vector<16xi32>,
      %add3A_190 = vector.broadcast %mul3A_61 : i32 to vector<16xi32>
      %add3A_191 = arith.addi %get3A_189, %add3A_190 : vector<16xi32>
      %gather3A_192 = tpu.vector_load_idx %arg5[%add3A_191] : memref<26544xf32, #tpu.memory_space<vmem>>[vector<16xi32>], vector<16xf32>,
      %add3A_193 = arith.constant 1 : i32
      %add3A_194 = arith.addi %mul3A_176, %add3A_193 : i32
      %add3A_195 = vector.broadcast %add3A_194 : i32 to vector<16xi32>
      %add3A_196 = arith.addi %mul3A_174, %add3A_195 : vector<16xi32>
      tpu.vector_store_idx %arg8[%add3A_196], %gather3A_192 : memref<23680xf32, #tpu.memory_space<vmem>>[vector<16xi32>], vector<16xf32>,
      %add3A_197 = arith.constant 32 : i32
      %add3A_198 = arith.addi %mul3A_176, %add3A_197 : i32
      %get3A_199 = arith.index_cast %add3A_198 : i32 to index
      %get3A_200 = tpu.vector_load %arg6[%get3A_199] {strides = array<i32>} : memref<23680xi32, #tpu.memory_space<vmem>>, vector<16xi32>,
      %add3A_201 = vector.broadcast %mul3A_61 : i32 to vector<16xi32>
      %add3A_202 = arith.addi %get3A_200, %add3A_201 : vector<16xi32>
      %gather3A_203 = tpu.vector_load_idx %arg5[%add3A_202] : memref<26544xf32, #tpu.memory_space<vmem>>[vector<16xi32>], vector<16xf32>,
      %add3A_204 = arith.constant 2 : i32
      %add3A_205 = arith.addi %mul3A_176, %add3A_204 : i32
      %add3A_206 = vector.broadcast %add3A_205 : i32 to vector<16xi32>
      %add3A_207 = arith.addi %mul3A_174, %add3A_206 : vector<16xi32>
      tpu.vector_store_idx %arg8[%add3A_207], %gather3A_203 : memref<23680xf32, #tpu.memory_space<vmem>>[vector<16xi32>], vector<16xf32>,
      %add3A_208 = arith.constant 48 : i32
      %add3A_209 = arith.addi %mul3A_176, %add3A_208 : i32
      %get3A_210 = arith.index_cast %add3A_209 : i32 to index
      %get3A_211 = tpu.vector_load %arg6[%get3A_210] {strides = array<i32>} : memref<23680xi32, #tpu.memory_space<vmem>>, vector<16xi32>,
      %add3A_212 = vector.broadcast %mul3A_61 : i32 to vector<16xi32>
      %add3A_213 = arith.addi %get3A_211, %add3A_212 : vector<16xi32>
      %gather3A_214 = tpu.vector_load_idx %arg5[%add3A_213] : memref<26544xf32, #tpu.memory_space<vmem>>[vector<16xi32>], vector<16xf32>,
      %add3A_215 = arith.constant 3 : i32
      %add3A_216 = arith.addi %mul3A_176, %add3A_215 : i32
      %add3A_217 = vector.broadcast %add3A_216 : i32 to vector<16xi32>
      %add3A_218 = arith.addi %mul3A_174, %add3A_217 : vector<16xi32>
      tpu.vector_store_idx %arg8[%add3A_218], %gather3A_214 : memref<23680xf32, #tpu.memory_space<vmem>>[vector<16xi32>], vector<16xf32>,
      %add3A_219 = arith.constant 64 : i32
      %add3A_220 = arith.addi %mul3A_176, %add3A_219 : i32
      %get3A_221 = arith.index_cast %add3A_220 : i32 to index
      %get3A_222 = tpu.vector_load %arg6[%get3A_221] {strides = array<i32>} : memref<23680xi32, #tpu.memory_space<vmem>>, vector<16xi32>,
      %add3A_223 = vector.broadcast %mul3A_61 : i32 to vector<16xi32>
      %add3A_224 = arith.addi %get3A_222, %add3A_223 : vector<16xi32>
      %gather3A_225 = tpu.vector_load_idx %arg5[%add3A_224] : memref<26544xf32, #tpu.memory_space<vmem>>[vector<16xi32>], vector<16xf32>,
      %add3A_226 = arith.constant 4 : i32
      %add3A_227 = arith.addi %mul3A_176, %add3A_226 : i32
      %add3A_228 = vector.broadcast %add3A_227 : i32 to vector<16xi32>
      %add3A_229 = arith.addi %mul3A_174, %add3A_228 : vector<16xi32>
      tpu.vector_store_idx %arg8[%add3A_229], %gather3A_225 : memref<23680xf32, #tpu.memory_space<vmem>>[vector<16xi32>], vector<16xf32>,
      %add3A_230 = arith.constant 80 : i32
      %add3A_231 = arith.addi %mul3A_176, %add3A_230 : i32
      %get3A_232 = arith.index_cast %add3A_231 : i32 to index
      %get3A_233 = tpu.vector_load %arg6[%get3A_232] {strides = array<i32>} : memref<23680xi32, #tpu.memory_space<vmem>>, vector<16xi32>,
      %add3A_234 = vector.broadcast %mul3A_61 : i32 to vector<16xi32>
      %add3A_235 = arith.addi %get3A_233, %add3A_234 : vector<16xi32>
      %gather3A_236 = tpu.vector_load_idx %arg5[%add3A_235] : memref<26544xf32, #tpu.memory_space<vmem>>[vector<16xi32>], vector<16xf32>,
      %add3A_237 = arith.constant 5 : i32
      %add3A_238 = arith.addi %mul3A_176, %add3A_237 : i32
      %add3A_239 = vector.broadcast %add3A_238 : i32 to vector<16xi32>
      %add3A_240 = arith.addi %mul3A_174, %add3A_239 : vector<16xi32>
      tpu.vector_store_idx %arg8[%add3A_240], %gather3A_236 : memref<23680xf32, #tpu.memory_space<vmem>>[vector<16xi32>], vector<16xf32>,
      %add3A_241 = arith.constant 96 : i32
      %add3A_242 = arith.addi %mul3A_176, %add3A_241 : i32
      %get3A_243 = arith.index_cast %add3A_242 : i32 to index
      %get3A_244 = tpu.vector_load %arg6[%get3A_243] {strides = array<i32>} : memref<23680xi32, #tpu.memory_space<vmem>>, vector<16xi32>,
      %add3A_245 = vector.broadcast %mul3A_61 : i32 to vector<16xi32>
      %add3A_246 = arith.addi %get3A_244, %add3A_245 : vector<16xi32>
      %gather3A_247 = tpu.vector_load_idx %arg5[%add3A_246] : memref<26544xf32, #tpu.memory_space<vmem>>[vector<16xi32>], vector<16xf32>,
      %add3A_248 = arith.constant 6 : i32
      %add3A_249 = arith.addi %mul3A_176, %add3A_248 : i32
      %add3A_250 = vector.broadcast %add3A_249 : i32 to vector<16xi32>
      %add3A_251 = arith.addi %mul3A_174, %add3A_250 : vector<16xi32>
      tpu.vector_store_idx %arg8[%add3A_251], %gather3A_247 : memref<23680xf32, #tpu.memory_space<vmem>>[vector<16xi32>], vector<16xf32>,
      %add3A_252 = arith.constant 112 : i32
      %add3A_253 = arith.addi %mul3A_176, %add3A_252 : i32
      %get3A_254 = arith.index_cast %add3A_253 : i32 to index
      %get3A_255 = tpu.vector_load %arg6[%get3A_254] {strides = array<i32>} : memref<23680xi32, #tpu.memory_space<vmem>>, vector<16xi32>,
      %add3A_256 = vector.broadcast %mul3A_61 : i32 to vector<16xi32>
      %add3A_257 = arith.addi %get3A_255, %add3A_256 : vector<16xi32>
      %gather3A_258 = tpu.vector_load_idx %arg5[%add3A_257] : memref<26544xf32, #tpu.memory_space<vmem>>[vector<16xi32>], vector<16xf32>,
      %add3A_259 = arith.constant 7 : i32
      %add3A_260 = arith.addi %mul3A_176, %add3A_259 : i32
      %add3A_261 = vector.broadcast %add3A_260 : i32 to vector<16xi32>
      %add3A_262 = arith.addi %mul3A_174, %add3A_261 : vector<16xi32>
      tpu.vector_store_idx %arg8[%add3A_262], %gather3A_258 : memref<23680xf32, #tpu.memory_space<vmem>>[vector<16xi32>], vector<16xf32>,
      %add3A_263 = arith.constant 128 : i32
      %add3A_264 = arith.addi %mul3A_176, %add3A_263 : i32
      %get3A_265 = arith.index_cast %add3A_264 : i32 to index
      %get3A_266 = tpu.vector_load %arg6[%get3A_265] {strides = array<i32>} : memref<23680xi32, #tpu.memory_space<vmem>>, vector<16xi32>,
      %add3A_267 = vector.broadcast %mul3A_61 : i32 to vector<16xi32>
      %add3A_268 = arith.addi %get3A_266, %add3A_267 : vector<16xi32>
      %gather3A_269 = tpu.vector_load_idx %arg5[%add3A_268] : memref<26544xf32, #tpu.memory_space<vmem>>[vector<16xi32>], vector<16xf32>,
      %add3A_270 = arith.constant 8 : i32
      %add3A_271 = arith.addi %mul3A_176, %add3A_270 : i32
      %add3A_272 = vector.broadcast %add3A_271 : i32 to vector<16xi32>
      %add3A_273 = arith.addi %mul3A_174, %add3A_272 : vector<16xi32>
      tpu.vector_store_idx %arg8[%add3A_273], %gather3A_269 : memref<23680xf32, #tpu.memory_space<vmem>>[vector<16xi32>], vector<16xf32>,
      %add3A_274 = arith.constant 144 : i32
      %add3A_275 = arith.addi %mul3A_176, %add3A_274 : i32
      %get3A_276 = arith.index_cast %add3A_275 : i32 to index
      %get3A_277 = tpu.vector_load %arg6[%get3A_276] {strides = array<i32>} : memref<23680xi32, #tpu.memory_space<vmem>>, vector<16xi32>,
      %add3A_278 = vector.broadcast %mul3A_61 : i32 to vector<16xi32>
      %add3A_279 = arith.addi %get3A_277, %add3A_278 : vector<16xi32>
      %gather3A_280 = tpu.vector_load_idx %arg5[%add3A_279] : memref<26544xf32, #tpu.memory_space<vmem>>[vector<16xi32>], vector<16xf32>,
      %add3A_281 = arith.constant 9 : i32
      %add3A_282 = arith.addi %mul3A_176, %add3A_281 : i32
      %add3A_283 = vector.broadcast %add3A_282 : i32 to vector<16xi32>
      %add3A_284 = arith.addi %mul3A_174, %add3A_283 : vector<16xi32>
      tpu.vector_store_idx %arg8[%add3A_284], %gather3A_280 : memref<23680xf32, #tpu.memory_space<vmem>>[vector<16xi32>], vector<16xf32>,
      %add3A_285 = arith.constant 160 : i32
      %add3A_286 = arith.addi %mul3A_176, %add3A_285 : i32
      %get3A_287 = arith.index_cast %add3A_286 : i32 to index
      %get3A_288 = tpu.vector_load %arg6[%get3A_287] {strides = array<i32>} : memref<23680xi32, #tpu.memory_space<vmem>>, vector<16xi32>,
      %add3A_289 = vector.broadcast %mul3A_61 : i32 to vector<16xi32>
      %add3A_290 = arith.addi %get3A_288, %add3A_289 : vector<16xi32>
      %gather3A_291 = tpu.vector_load_idx %arg5[%add3A_290] : memref<26544xf32, #tpu.memory_space<vmem>>[vector<16xi32>], vector<16xf32>,
      %add3A_292 = arith.constant 10 : i32
      %add3A_293 = arith.addi %mul3A_176, %add3A_292 : i32
      %add3A_294 = vector.broadcast %add3A_293 : i32 to vector<16xi32>
      %add3A_295 = arith.addi %mul3A_174, %add3A_294 : vector<16xi32>
      tpu.vector_store_idx %arg8[%add3A_295], %gather3A_291 : memref<23680xf32, #tpu.memory_space<vmem>>[vector<16xi32>], vector<16xf32>,
      %add3A_296 = arith.constant 176 : i32
      %add3A_297 = arith.addi %mul3A_176, %add3A_296 : i32
      %get3A_298 = arith.index_cast %add3A_297 : i32 to index
      %get3A_299 = tpu.vector_load %arg6[%get3A_298] {strides = array<i32>} : memref<23680xi32, #tpu.memory_space<vmem>>, vector<16xi32>,
      %add3A_300 = vector.broadcast %mul3A_61 : i32 to vector<16xi32>
      %add3A_301 = arith.addi %get3A_299, %add3A_300 : vector<16xi32>
      %gather3A_302 = tpu.vector_load_idx %arg5[%add3A_301] : memref<26544xf32, #tpu.memory_space<vmem>>[vector<16xi32>], vector<16xf32>,
      %add3A_303 = arith.constant 11 : i32
      %add3A_304 = arith.addi %mul3A_176, %add3A_303 : i32
      %add3A_305 = vector.broadcast %add3A_304 : i32 to vector<16xi32>
      %add3A_306 = arith.addi %mul3A_174, %add3A_305 : vector<16xi32>
      tpu.vector_store_idx %arg8[%add3A_306], %gather3A_302 : memref<23680xf32, #tpu.memory_space<vmem>>[vector<16xi32>], vector<16xf32>,
      %add3A_307 = arith.constant 192 : i32
      %add3A_308 = arith.addi %mul3A_176, %add3A_307 : i32
      %get3A_309 = arith.index_cast %add3A_308 : i32 to index
      %get3A_310 = tpu.vector_load %arg6[%get3A_309] {strides = array<i32>} : memref<23680xi32, #tpu.memory_space<vmem>>, vector<16xi32>,
      %add3A_311 = vector.broadcast %mul3A_61 : i32 to vector<16xi32>
      %add3A_312 = arith.addi %get3A_310, %add3A_311 : vector<16xi32>
      %gather3A_313 = tpu.vector_load_idx %arg5[%add3A_312] : memref<26544xf32, #tpu.memory_space<vmem>>[vector<16xi32>], vector<16xf32>,
      %add3A_314 = arith.constant 12 : i32
      %add3A_315 = arith.addi %mul3A_176, %add3A_314 : i32
      %add3A_316 = vector.broadcast %add3A_315 : i32 to vector<16xi32>
      %add3A_317 = arith.addi %mul3A_174, %add3A_316 : vector<16xi32>
      tpu.vector_store_idx %arg8[%add3A_317], %gather3A_313 : memref<23680xf32, #tpu.memory_space<vmem>>[vector<16xi32>], vector<16xf32>,
      %add3A_318 = arith.constant 208 : i32
      %add3A_319 = arith.addi %mul3A_176, %add3A_318 : i32
      %get3A_320 = arith.index_cast %add3A_319 : i32 to index
      %get3A_321 = tpu.vector_load %arg6[%get3A_320] {strides = array<i32>} : memref<23680xi32, #tpu.memory_space<vmem>>, vector<16xi32>,
      %add3A_322 = vector.broadcast %mul3A_61 : i32 to vector<16xi32>
      %add3A_323 = arith.addi %get3A_321, %add3A_322 : vector<16xi32>
      %gather3A_324 = tpu.vector_load_idx %arg5[%add3A_323] : memref<26544xf32, #tpu.memory_space<vmem>>[vector<16xi32>], vector<16xf32>,
      %add3A_325 = arith.constant 13 : i32
      %add3A_326 = arith.addi %mul3A_176, %add3A_325 : i32
      %add3A_327 = vector.broadcast %add3A_326 : i32 to vector<16xi32>
      %add3A_328 = arith.addi %mul3A_174, %add3A_327 : vector<16xi32>
      tpu.vector_store_idx %arg8[%add3A_328], %gather3A_324 : memref<23680xf32, #tpu.memory_space<vmem>>[vector<16xi32>], vector<16xf32>,
      %add3A_329 = arith.constant 224 : i32
      %add3A_330 = arith.addi %mul3A_176, %add3A_329 : i32
      %get3A_331 = arith.index_cast %add3A_330 : i32 to index
      %get3A_332 = tpu.vector_load %arg6[%get3A_331] {strides = array<i32>} : memref<23680xi32, #tpu.memory_space<vmem>>, vector<16xi32>,
      %add3A_333 = vector.broadcast %mul3A_61 : i32 to vector<16xi32>
      %add3A_334 = arith.addi %get3A_332, %add3A_333 : vector<16xi32>
      %gather3A_335 = tpu.vector_load_idx %arg5[%add3A_334] : memref<26544xf32, #tpu.memory_space<vmem>>[vector<16xi32>], vector<16xf32>,
      %add3A_336 = arith.constant 14 : i32
      %add3A_337 = arith.addi %mul3A_176, %add3A_336 : i32
      %add3A_338 = vector.broadcast %add3A_337 : i32 to vector<16xi32>
      %add3A_339 = arith.addi %mul3A_174, %add3A_338 : vector<16xi32>
      tpu.vector_store_idx %arg8[%add3A_339], %gather3A_335 : memref<23680xf32, #tpu.memory_space<vmem>>[vector<16xi32>], vector<16xf32>,
      %add3A_340 = arith.constant 240 : i32
      %add3A_341 = arith.addi %mul3A_176, %add3A_340 : i32
      %get3A_342 = arith.index_cast %add3A_341 : i32 to index
      %get3A_343 = tpu.vector_load %arg6[%get3A_342] {strides = array<i32>} : memref<23680xi32, #tpu.memory_space<vmem>>, vector<16xi32>,
      %add3A_344 = vector.broadcast %mul3A_61 : i32 to vector<16xi32>
      %add3A_345 = arith.addi %get3A_343, %add3A_344 : vector<16xi32>
      %gather3A_346 = tpu.vector_load_idx %arg5[%add3A_345] : memref<26544xf32, #tpu.memory_space<vmem>>[vector<16xi32>], vector<16xf32>,
      %add3A_347 = arith.constant 15 : i32
      %add3A_348 = arith.addi %mul3A_176, %add3A_347 : i32
      %add3A_349 = vector.broadcast %add3A_348 : i32 to vector<16xi32>
      %add3A_350 = arith.addi %mul3A_174, %add3A_349 : vector<16xi32>
      tpu.vector_store_idx %arg8[%add3A_350], %gather3A_346 : memref<23680xf32, #tpu.memory_space<vmem>>[vector<16xi32>], vector<16xf32>,
      %add3A_351 = arith.constant 256 : i32
      %add3A_352 = arith.addi %mul3A_176, %add3A_351 : i32
      %get3A_353 = arith.index_cast %add3A_352 : i32 to index
      %get3A_354 = tpu.vector_load %arg6[%get3A_353] {strides = array<i32>} : memref<23680xi32, #tpu.memory_space<vmem>>, vector<16xi32>,
      %add3A_355 = vector.broadcast %mul3A_61 : i32 to vector<16xi32>
      %add3A_356 = arith.addi %get3A_354, %add3A_355 : vector<16xi32>
      %gather3A_357 = tpu.vector_load_idx %arg5[%add3A_356] : memref<26544xf32, #tpu.memory_space<vmem>>[vector<16xi32>], vector<16xf32>,
      %add3A_358 = arith.constant 16 : i32
      %add3A_359 = arith.addi %mul3A_176, %add3A_358 : i32
      %add3A_360 = vector.broadcast %add3A_359 : i32 to vector<16xi32>
      %add3A_361 = arith.addi %mul3A_174, %add3A_360 : vector<16xi32>
      tpu.vector_store_idx %arg8[%add3A_361], %gather3A_357 : memref<23680xf32, #tpu.memory_space<vmem>>[vector<16xi32>], vector<16xf32>,
      %add3A_362 = arith.constant 272 : i32
      %add3A_363 = arith.addi %mul3A_176, %add3A_362 : i32
      %get3A_364 = arith.index_cast %add3A_363 : i32 to index
      %get3A_365 = tpu.vector_load %arg6[%get3A_364] {strides = array<i32>} : memref<23680xi32, #tpu.memory_space<vmem>>, vector<16xi32>,
      %add3A_366 = vector.broadcast %mul3A_61 : i32 to vector<16xi32>
      %add3A_367 = arith.addi %get3A_365, %add3A_366 : vector<16xi32>
      %gather3A_368 = tpu.vector_load_idx %arg5[%add3A_367] : memref<26544xf32, #tpu.memory_space<vmem>>[vector<16xi32>], vector<16xf32>,
      %add3A_369 = arith.constant 17 : i32
      %add3A_370 = arith.addi %mul3A_176, %add3A_369 : i32
      %add3A_371 = vector.broadcast %add3A_370 : i32 to vector<16xi32>
      %add3A_372 = arith.addi %mul3A_174, %add3A_371 : vector<16xi32>
      tpu.vector_store_idx %arg8[%add3A_372], %gather3A_368 : memref<23680xf32, #tpu.memory_space<vmem>>[vector<16xi32>], vector<16xf32>,
      %add3A_373 = arith.constant 288 : i32
      %add3A_374 = arith.addi %mul3A_176, %add3A_373 : i32
      %get3A_375 = arith.index_cast %add3A_374 : i32 to index
      %get3A_376 = tpu.vector_load %arg6[%get3A_375] {strides = array<i32>} : memref<23680xi32, #tpu.memory_space<vmem>>, vector<16xi32>,
      %add3A_377 = vector.broadcast %mul3A_61 : i32 to vector<16xi32>
      %add3A_378 = arith.addi %get3A_376, %add3A_377 : vector<16xi32>
      %gather3A_379 = tpu.vector_load_idx %arg5[%add3A_378] : memref<26544xf32, #tpu.memory_space<vmem>>[vector<16xi32>], vector<16xf32>,
      %add3A_380 = arith.constant 18 : i32
      %add3A_381 = arith.addi %mul3A_176, %add3A_380 : i32
      %add3A_382 = vector.broadcast %add3A_381 : i32 to vector<16xi32>
      %add3A_383 = arith.addi %mul3A_174, %add3A_382 : vector<16xi32>
      tpu.vector_store_idx %arg8[%add3A_383], %gather3A_379 : memref<23680xf32, #tpu.memory_space<vmem>>[vector<16xi32>], vector<16xf32>,
      %add3A_384 = arith.constant 304 : i32
      %add3A_385 = arith.addi %mul3A_176, %add3A_384 : i32
      %get3A_386 = arith.index_cast %add3A_385 : i32 to index
      %get3A_387 = tpu.vector_load %arg6[%get3A_386] {strides = array<i32>} : memref<23680xi32, #tpu.memory_space<vmem>>, vector<16xi32>,
      %add3A_388 = vector.broadcast %mul3A_61 : i32 to vector<16xi32>
      %add3A_389 = arith.addi %get3A_387, %add3A_388 : vector<16xi32>
      %gather3A_390 = tpu.vector_load_idx %arg5[%add3A_389] : memref<26544xf32, #tpu.memory_space<vmem>>[vector<16xi32>], vector<16xf32>,
      %add3A_391 = arith.constant 19 : i32
      %add3A_392 = arith.addi %mul3A_176, %add3A_391 : i32
      %add3A_393 = vector.broadcast %add3A_392 : i32 to vector<16xi32>
      %add3A_394 = arith.addi %mul3A_174, %add3A_393 : vector<16xi32>
      tpu.vector_store_idx %arg8[%add3A_394], %gather3A_390 : memref<23680xf32, #tpu.memory_space<vmem>>[vector<16xi32>], vector<16xf32>,
      %add3A_395 = arith.constant 320 : i32
      %add3A_396 = arith.addi %mul3A_176, %add3A_395 : i32
      %get3A_397 = arith.index_cast %add3A_396 : i32 to index
      %get3A_398 = tpu.vector_load %arg6[%get3A_397] {strides = array<i32>} : memref<23680xi32, #tpu.memory_space<vmem>>, vector<16xi32>,
      %add3A_399 = vector.broadcast %mul3A_61 : i32 to vector<16xi32>
      %add3A_400 = arith.addi %get3A_398, %add3A_399 : vector<16xi32>
      %gather3A_401 = tpu.vector_load_idx %arg5[%add3A_400] : memref<26544xf32, #tpu.memory_space<vmem>>[vector<16xi32>], vector<16xf32>,
      %add3A_402 = arith.constant 20 : i32
      %add3A_403 = arith.addi %mul3A_176, %add3A_402 : i32
      %add3A_404 = vector.broadcast %add3A_403 : i32 to vector<16xi32>
      %add3A_405 = arith.addi %mul3A_174, %add3A_404 : vector<16xi32>
      tpu.vector_store_idx %arg8[%add3A_405], %gather3A_401 : memref<23680xf32, #tpu.memory_space<vmem>>[vector<16xi32>], vector<16xf32>,
      %add3A_406 = arith.constant 336 : i32
      %add3A_407 = arith.addi %mul3A_176, %add3A_406 : i32
      %get3A_408 = arith.index_cast %add3A_407 : i32 to index
      %get3A_409 = tpu.vector_load %arg6[%get3A_408] {strides = array<i32>} : memref<23680xi32, #tpu.memory_space<vmem>>, vector<16xi32>,
      %add3A_410 = vector.broadcast %mul3A_61 : i32 to vector<16xi32>
      %add3A_411 = arith.addi %get3A_409, %add3A_410 : vector<16xi32>
      %gather3A_412 = tpu.vector_load_idx %arg5[%add3A_411] : memref<26544xf32, #tpu.memory_space<vmem>>[vector<16xi32>], vector<16xf32>,
      %add3A_413 = arith.constant 21 : i32
      %add3A_414 = arith.addi %mul3A_176, %add3A_413 : i32
      %add3A_415 = vector.broadcast %add3A_414 : i32 to vector<16xi32>
      %add3A_416 = arith.addi %mul3A_174, %add3A_415 : vector<16xi32>
      tpu.vector_store_idx %arg8[%add3A_416], %gather3A_412 : memref<23680xf32, #tpu.memory_space<vmem>>[vector<16xi32>], vector<16xf32>,
      %add3A_417 = arith.constant 352 : i32
      %add3A_418 = arith.addi %mul3A_176, %add3A_417 : i32
      %get3A_419 = arith.index_cast %add3A_418 : i32 to index
      %get3A_420 = tpu.vector_load %arg6[%get3A_419] {strides = array<i32>} : memref<23680xi32, #tpu.memory_space<vmem>>, vector<16xi32>,
      %add3A_421 = vector.broadcast %mul3A_61 : i32 to vector<16xi32>
      %add3A_422 = arith.addi %get3A_420, %add3A_421 : vector<16xi32>
      %gather3A_423 = tpu.vector_load_idx %arg5[%add3A_422] : memref<26544xf32, #tpu.memory_space<vmem>>[vector<16xi32>], vector<16xf32>,
      %add3A_424 = arith.constant 22 : i32
      %add3A_425 = arith.addi %mul3A_176, %add3A_424 : i32
      %add3A_426 = vector.broadcast %add3A_425 : i32 to vector<16xi32>
      %add3A_427 = arith.addi %mul3A_174, %add3A_426 : vector<16xi32>
      tpu.vector_store_idx %arg8[%add3A_427], %gather3A_423 : memref<23680xf32, #tpu.memory_space<vmem>>[vector<16xi32>], vector<16xf32>,
      %add3A_428 = arith.constant 368 : i32
      %add3A_429 = arith.addi %mul3A_176, %add3A_428 : i32
      %get3A_430 = arith.index_cast %add3A_429 : i32 to index
      %get3A_431 = tpu.vector_load %arg6[%get3A_430] {strides = array<i32>} : memref<23680xi32, #tpu.memory_space<vmem>>, vector<16xi32>,
      %add3A_432 = vector.broadcast %mul3A_61 : i32 to vector<16xi32>
      %add3A_433 = arith.addi %get3A_431, %add3A_432 : vector<16xi32>
      %gather3A_434 = tpu.vector_load_idx %arg5[%add3A_433] : memref<26544xf32, #tpu.memory_space<vmem>>[vector<16xi32>], vector<16xf32>,
      %add3A_435 = arith.constant 23 : i32
      %add3A_436 = arith.addi %mul3A_176, %add3A_435 : i32
      %add3A_437 = vector.broadcast %add3A_436 : i32 to vector<16xi32>
      %add3A_438 = arith.addi %mul3A_174, %add3A_437 : vector<16xi32>
      tpu.vector_store_idx %arg8[%add3A_438], %gather3A_434 : memref<23680xf32, #tpu.memory_space<vmem>>[vector<16xi32>], vector<16xf32>,
      %add3A_439 = arith.constant 384 : i32
      %add3A_440 = arith.addi %mul3A_176, %add3A_439 : i32
      %get3A_441 = arith.index_cast %add3A_440 : i32 to index
      %get3A_442 = tpu.vector_load %arg6[%get3A_441] {strides = array<i32>} : memref<23680xi32, #tpu.memory_space<vmem>>, vector<16xi32>,
      %add3A_443 = vector.broadcast %mul3A_61 : i32 to vector<16xi32>
      %add3A_444 = arith.addi %get3A_442, %add3A_443 : vector<16xi32>
      %gather3A_445 = tpu.vector_load_idx %arg5[%add3A_444] : memref<26544xf32, #tpu.memory_space<vmem>>[vector<16xi32>], vector<16xf32>,
      %add3A_446 = arith.constant 24 : i32
      %add3A_447 = arith.addi %mul3A_176, %add3A_446 : i32
      %add3A_448 = vector.broadcast %add3A_447 : i32 to vector<16xi32>
      %add3A_449 = arith.addi %mul3A_174, %add3A_448 : vector<16xi32>
      tpu.vector_store_idx %arg8[%add3A_449], %gather3A_445 : memref<23680xf32, #tpu.memory_space<vmem>>[vector<16xi32>], vector<16xf32>,
      %add3A_450 = arith.constant 400 : i32
      %add3A_451 = arith.addi %mul3A_176, %add3A_450 : i32
      %get3A_452 = arith.index_cast %add3A_451 : i32 to index
      %get3A_453 = tpu.vector_load %arg6[%get3A_452] {strides = array<i32>} : memref<23680xi32, #tpu.memory_space<vmem>>, vector<16xi32>,
      %add3A_454 = vector.broadcast %mul3A_61 : i32 to vector<16xi32>
      %add3A_455 = arith.addi %get3A_453, %add3A_454 : vector<16xi32>
      %gather3A_456 = tpu.vector_load_idx %arg5[%add3A_455] : memref<26544xf32, #tpu.memory_space<vmem>>[vector<16xi32>], vector<16xf32>,
      %add3A_457 = arith.constant 25 : i32
      %add3A_458 = arith.addi %mul3A_176, %add3A_457 : i32
      %add3A_459 = vector.broadcast %add3A_458 : i32 to vector<16xi32>
      %add3A_460 = arith.addi %mul3A_174, %add3A_459 : vector<16xi32>
      tpu.vector_store_idx %arg8[%add3A_460], %gather3A_456 : memref<23680xf32, #tpu.memory_space<vmem>>[vector<16xi32>], vector<16xf32>,
      %add3A_461 = arith.constant 416 : i32
      %add3A_462 = arith.addi %mul3A_176, %add3A_461 : i32
      %get3A_463 = arith.index_cast %add3A_462 : i32 to index
      %get3A_464 = tpu.vector_load %arg6[%get3A_463] {strides = array<i32>} : memref<23680xi32, #tpu.memory_space<vmem>>, vector<16xi32>,
      %add3A_465 = vector.broadcast %mul3A_61 : i32 to vector<16xi32>
      %add3A_466 = arith.addi %get3A_464, %add3A_465 : vector<16xi32>
      %gather3A_467 = tpu.vector_load_idx %arg5[%add3A_466] : memref<26544xf32, #tpu.memory_space<vmem>>[vector<16xi32>], vector<16xf32>,
      %add3A_468 = arith.constant 26 : i32
      %add3A_469 = arith.addi %mul3A_176, %add3A_468 : i32
      %add3A_470 = vector.broadcast %add3A_469 : i32 to vector<16xi32>
      %add3A_471 = arith.addi %mul3A_174, %add3A_470 : vector<16xi32>
      tpu.vector_store_idx %arg8[%add3A_471], %gather3A_467 : memref<23680xf32, #tpu.memory_space<vmem>>[vector<16xi32>], vector<16xf32>,
      %add3A_472 = arith.constant 432 : i32
      %add3A_473 = arith.addi %mul3A_176, %add3A_472 : i32
      %get3A_474 = arith.index_cast %add3A_473 : i32 to index
      %get3A_475 = tpu.vector_load %arg6[%get3A_474] {strides = array<i32>} : memref<23680xi32, #tpu.memory_space<vmem>>, vector<16xi32>,
      %add3A_476 = vector.broadcast %mul3A_61 : i32 to vector<16xi32>
      %add3A_477 = arith.addi %get3A_475, %add3A_476 : vector<16xi32>
      %gather3A_478 = tpu.vector_load_idx %arg5[%add3A_477] : memref<26544xf32, #tpu.memory_space<vmem>>[vector<16xi32>], vector<16xf32>,
      %add3A_479 = arith.constant 27 : i32
      %add3A_480 = arith.addi %mul3A_176, %add3A_479 : i32
      %add3A_481 = vector.broadcast %add3A_480 : i32 to vector<16xi32>
      %add3A_482 = arith.addi %mul3A_174, %add3A_481 : vector<16xi32>
      tpu.vector_store_idx %arg8[%add3A_482], %gather3A_478 : memref<23680xf32, #tpu.memory_space<vmem>>[vector<16xi32>], vector<16xf32>,
      %add3A_483 = arith.constant 448 : i32
      %add3A_484 = arith.addi %mul3A_176, %add3A_483 : i32
      %get3A_485 = arith.index_cast %add3A_484 : i32 to index
      %get3A_486 = tpu.vector_load %arg6[%get3A_485] {strides = array<i32>} : memref<23680xi32, #tpu.memory_space<vmem>>, vector<16xi32>,
      %add3A_487 = vector.broadcast %mul3A_61 : i32 to vector<16xi32>
      %add3A_488 = arith.addi %get3A_486, %add3A_487 : vector<16xi32>
      %gather3A_489 = tpu.vector_load_idx %arg5[%add3A_488] : memref<26544xf32, #tpu.memory_space<vmem>>[vector<16xi32>], vector<16xf32>,
      %add3A_490 = arith.constant 28 : i32
      %add3A_491 = arith.addi %mul3A_176, %add3A_490 : i32
      %add3A_492 = vector.broadcast %add3A_491 : i32 to vector<16xi32>
      %add3A_493 = arith.addi %mul3A_174, %add3A_492 : vector<16xi32>
      tpu.vector_store_idx %arg8[%add3A_493], %gather3A_489 : memref<23680xf32, #tpu.memory_space<vmem>>[vector<16xi32>], vector<16xf32>,
      %add3A_494 = arith.constant 464 : i32
      %add3A_495 = arith.addi %mul3A_176, %add3A_494 : i32
      %get3A_496 = arith.index_cast %add3A_495 : i32 to index
      %get3A_497 = tpu.vector_load %arg6[%get3A_496] {strides = array<i32>} : memref<23680xi32, #tpu.memory_space<vmem>>, vector<16xi32>,
      %add3A_498 = vector.broadcast %mul3A_61 : i32 to vector<16xi32>
      %add3A_499 = arith.addi %get3A_497, %add3A_498 : vector<16xi32>
      %gather3A_500 = tpu.vector_load_idx %arg5[%add3A_499] : memref<26544xf32, #tpu.memory_space<vmem>>[vector<16xi32>], vector<16xf32>,
      %add3A_501 = arith.constant 29 : i32
      %add3A_502 = arith.addi %mul3A_176, %add3A_501 : i32
      %add3A_503 = vector.broadcast %add3A_502 : i32 to vector<16xi32>
      %add3A_504 = arith.addi %mul3A_174, %add3A_503 : vector<16xi32>
      tpu.vector_store_idx %arg8[%add3A_504], %gather3A_500 : memref<23680xf32, #tpu.memory_space<vmem>>[vector<16xi32>], vector<16xf32>,
      %add3A_505 = arith.constant 480 : i32
      %add3A_506 = arith.addi %mul3A_176, %add3A_505 : i32
      %get3A_507 = arith.index_cast %add3A_506 : i32 to index
      %get3A_508 = tpu.vector_load %arg6[%get3A_507] {strides = array<i32>} : memref<23680xi32, #tpu.memory_space<vmem>>, vector<16xi32>,
      %add3A_509 = vector.broadcast %mul3A_61 : i32 to vector<16xi32>
      %add3A_510 = arith.addi %get3A_508, %add3A_509 : vector<16xi32>
      %gather3A_511 = tpu.vector_load_idx %arg5[%add3A_510] : memref<26544xf32, #tpu.memory_space<vmem>>[vector<16xi32>], vector<16xf32>,
      %add3A_512 = arith.constant 30 : i32
      %add3A_513 = arith.addi %mul3A_176, %add3A_512 : i32
      %add3A_514 = vector.broadcast %add3A_513 : i32 to vector<16xi32>
      %add3A_515 = arith.addi %mul3A_174, %add3A_514 : vector<16xi32>
      tpu.vector_store_idx %arg8[%add3A_515], %gather3A_511 : memref<23680xf32, #tpu.memory_space<vmem>>[vector<16xi32>], vector<16xf32>,
      %add3A_516 = arith.constant 496 : i32
      %add3A_517 = arith.addi %mul3A_176, %add3A_516 : i32
      %get3A_518 = arith.index_cast %add3A_517 : i32 to index
      %get3A_519 = tpu.vector_load %arg6[%get3A_518] {strides = array<i32>} : memref<23680xi32, #tpu.memory_space<vmem>>, vector<16xi32>,
      %add3A_520 = vector.broadcast %mul3A_61 : i32 to vector<16xi32>
      %add3A_521 = arith.addi %get3A_519, %add3A_520 : vector<16xi32>
      %gather3A_522 = tpu.vector_load_idx %arg5[%add3A_521] : memref<26544xf32, #tpu.memory_space<vmem>>[vector<16xi32>], vector<16xf32>,
      %add3A_523 = arith.constant 31 : i32
      %add3A_524 = arith.addi %mul3A_176, %add3A_523 : i32
      %add3A_525 = vector.broadcast %add3A_524 : i32 to vector<16xi32>
      %add3A_526 = arith.addi %mul3A_174, %add3A_525 : vector<16xi32>
      tpu.vector_store_idx %arg8[%add3A_526], %gather3A_522 : memref<23680xf32, #tpu.memory_space<vmem>>[vector<16xi32>], vector<16xf32>,
      %add3A_527 = arith.constant 512 : i32
      %add3A_528 = arith.addi %mul3A_176, %add3A_527 : i32
      %get3A_529 = arith.index_cast %add3A_528 : i32 to index
      %get3A_530 = tpu.vector_load %arg6[%get3A_529] {strides = array<i32>} : memref<23680xi32, #tpu.memory_space<vmem>>, vector<16xi32>,
      %add3A_531 = vector.broadcast %mul3A_61 : i32 to vector<16xi32>
      %add3A_532 = arith.addi %get3A_530, %add3A_531 : vector<16xi32>
      %gather3A_533 = tpu.vector_load_idx %arg5[%add3A_532] : memref<26544xf32, #tpu.memory_space<vmem>>[vector<16xi32>], vector<16xf32>,
      %add3A_534 = arith.constant 32 : i32
      %add3A_535 = arith.addi %mul3A_176, %add3A_534 : i32
      %add3A_536 = vector.broadcast %add3A_535 : i32 to vector<16xi32>
      %add3A_537 = arith.addi %mul3A_174, %add3A_536 : vector<16xi32>
      tpu.vector_store_idx %arg8[%add3A_537], %gather3A_533 : memref<23680xf32, #tpu.memory_space<vmem>>[vector<16xi32>], vector<16xf32>,
      %add3A_538 = arith.constant 528 : i32
      %add3A_539 = arith.addi %mul3A_176, %add3A_538 : i32
      %get3A_540 = arith.index_cast %add3A_539 : i32 to index
      %get3A_541 = tpu.vector_load %arg6[%get3A_540] {strides = array<i32>} : memref<23680xi32, #tpu.memory_space<vmem>>, vector<16xi32>,
      %add3A_542 = vector.broadcast %mul3A_61 : i32 to vector<16xi32>
      %add3A_543 = arith.addi %get3A_541, %add3A_542 : vector<16xi32>
      %gather3A_544 = tpu.vector_load_idx %arg5[%add3A_543] : memref<26544xf32, #tpu.memory_space<vmem>>[vector<16xi32>], vector<16xf32>,
      %add3A_545 = arith.constant 33 : i32
      %add3A_546 = arith.addi %mul3A_176, %add3A_545 : i32
      %add3A_547 = vector.broadcast %add3A_546 : i32 to vector<16xi32>
      %add3A_548 = arith.addi %mul3A_174, %add3A_547 : vector<16xi32>
      tpu.vector_store_idx %arg8[%add3A_548], %gather3A_544 : memref<23680xf32, #tpu.memory_space<vmem>>[vector<16xi32>], vector<16xf32>,
      %add3A_549 = arith.constant 544 : i32
      %add3A_550 = arith.addi %mul3A_176, %add3A_549 : i32
      %get3A_551 = arith.index_cast %add3A_550 : i32 to index
      %get3A_552 = tpu.vector_load %arg6[%get3A_551] {strides = array<i32>} : memref<23680xi32, #tpu.memory_space<vmem>>, vector<16xi32>,
      %add3A_553 = vector.broadcast %mul3A_61 : i32 to vector<16xi32>
      %add3A_554 = arith.addi %get3A_552, %add3A_553 : vector<16xi32>
      %gather3A_555 = tpu.vector_load_idx %arg5[%add3A_554] : memref<26544xf32, #tpu.memory_space<vmem>>[vector<16xi32>], vector<16xf32>,
      %add3A_556 = arith.constant 34 : i32
      %add3A_557 = arith.addi %mul3A_176, %add3A_556 : i32
      %add3A_558 = vector.broadcast %add3A_557 : i32 to vector<16xi32>
      %add3A_559 = arith.addi %mul3A_174, %add3A_558 : vector<16xi32>
      tpu.vector_store_idx %arg8[%add3A_559], %gather3A_555 : memref<23680xf32, #tpu.memory_space<vmem>>[vector<16xi32>], vector<16xf32>,
      %add3A_560 = arith.constant 560 : i32
      %add3A_561 = arith.addi %mul3A_176, %add3A_560 : i32
      %get3A_562 = arith.index_cast %add3A_561 : i32 to index
      %get3A_563 = tpu.vector_load %arg6[%get3A_562] {strides = array<i32>} : memref<23680xi32, #tpu.memory_space<vmem>>, vector<16xi32>,
      %add3A_564 = vector.broadcast %mul3A_61 : i32 to vector<16xi32>
      %add3A_565 = arith.addi %get3A_563, %add3A_564 : vector<16xi32>
      %gather3A_566 = tpu.vector_load_idx %arg5[%add3A_565] : memref<26544xf32, #tpu.memory_space<vmem>>[vector<16xi32>], vector<16xf32>,
      %add3A_567 = arith.constant 35 : i32
      %add3A_568 = arith.addi %mul3A_176, %add3A_567 : i32
      %add3A_569 = vector.broadcast %add3A_568 : i32 to vector<16xi32>
      %add3A_570 = arith.addi %mul3A_174, %add3A_569 : vector<16xi32>
      tpu.vector_store_idx %arg8[%add3A_570], %gather3A_566 : memref<23680xf32, #tpu.memory_space<vmem>>[vector<16xi32>], vector<16xf32>,
      %add3A_571 = arith.constant 576 : i32
      %add3A_572 = arith.addi %mul3A_176, %add3A_571 : i32
      %get3A_573 = arith.index_cast %add3A_572 : i32 to index
      %get3A_574 = tpu.vector_load %arg6[%get3A_573] {strides = array<i32>} : memref<23680xi32, #tpu.memory_space<vmem>>, vector<16xi32>,
      %add3A_575 = vector.broadcast %mul3A_61 : i32 to vector<16xi32>
      %add3A_576 = arith.addi %get3A_574, %add3A_575 : vector<16xi32>
      %gather3A_577 = tpu.vector_load_idx %arg5[%add3A_576] : memref<26544xf32, #tpu.memory_space<vmem>>[vector<16xi32>], vector<16xf32>,
      %add3A_578 = arith.constant 36 : i32
      %add3A_579 = arith.addi %mul3A_176, %add3A_578 : i32
      %add3A_580 = vector.broadcast %add3A_579 : i32 to vector<16xi32>
      %add3A_581 = arith.addi %mul3A_174, %add3A_580 : vector<16xi32>
      tpu.vector_store_idx %arg8[%add3A_581], %gather3A_577 : memref<23680xf32, #tpu.memory_space<vmem>>[vector<16xi32>], vector<16xf32>,
      %scan3A_582 = arith.constant 0 : i32
      scf.yield %scan3A_582 : i32
    }
    %scan3A_68 = arith.constant 40 : i32
    %add3A_69 = arith.constant 1 : i32
    %add3A_70 = arith.addi %mul3A_34, %add3A_69 : i32
    %mul3A_71 = arith.constant 16 : i32
    %mul3A_72 = arith.muli %add3A_70, %mul3A_71 : i32
    %add3A_73 = arith.addi %mul3A_72, %select_n3A_30 : i32
    %mul3A_74 = arith.constant 23680 : i32
    %mul3A_75 = arith.muli %add3A_73, %mul3A_74 : i32
    %dma_start3A_76 = tpu.memref_slice %arg4[%mul3A_75] : memref<4546560xf32, #tpu.memory_space<hbm>> -> memref<23680xf32, #tpu.memory_space<hbm>>
    %dma_start3A_77 = tpu.memref_slice %arg4[%mul3A_75] : memref<4546560xf32, #tpu.memory_space<hbm>> -> memref<23680xf32, #tpu.memory_space<hbm>>
    tpu.enqueue_dma source(%arg8 : memref<23680xf32, #tpu.memory_space<vmem>>) target(%dma_start3A_77 : memref<23680xf32, #tpu.memory_space<hbm>>) target_semaphore(%arg12 : memref<!tpu.dma_semaphore, #tpu.memory_space<semaphore_mem>>)
    %dma_wait3A_78 = tpu.memref_slice %arg4[%mul3A_55] : memref<4546560xf32, #tpu.memory_space<hbm>> -> memref<23680xf32, #tpu.memory_space<hbm>>
    %dma_wait3A_79 = tpu.memref_slice %arg4[%mul3A_55] : memref<4546560xf32, #tpu.memory_space<hbm>> -> memref<23680xf32, #tpu.memory_space<hbm>>
    tpu.wait_dma2 semaphore(%arg11 : memref<!tpu.dma_semaphore, #tpu.memory_space<semaphore_mem>>) src(%arg7 : memref<23680xf32, #tpu.memory_space<vmem>>) dst(%dma_wait3A_79 : memref<23680xf32, #tpu.memory_space<hbm>>)
    %add3A_80 = arith.constant 2 : i32
    %add3A_81 = arith.addi %mul3A_34, %add3A_80 : i32
    %mul3A_82 = arith.constant 2212 : i32
    %mul3A_83 = arith.muli %add3A_81, %mul3A_82 : i32
    %scan3A_84 = arith.constant 0 : i32
    %scan3A_85 = arith.constant 0 : i32
    %scan3A_86 = arith.constant 40 : i32
    %scan3A_87 = arith.addi %scan3A_85, %scan3A_86 : i32
    %scan3A_88 = arith.constant 1 : i32
    %scan3A_89 = scf.for %scan3A_170 = %scan3A_85 to %scan3A_87 step %scan3A_88 iter_args(%scan3A_171 = %scan3A_84) -> (i32)  : i32 {
      %iota3A = tpu.iota {dimensions = array<i32: 0>} : vector<16xi32>
      %mul3A_172 = arith.constant 37 : i32
      %mul3A_173 = vector.broadcast %mul3A_172 : i32 to vector<16xi32>
      %mul3A_174 = arith.muli %iota3A, %mul3A_173 : vector<16xi32>
      %mul3A_175 = arith.constant 592 : i32
      %mul3A_176 = arith.muli %scan3A_170, %mul3A_175 : i32
      %add3A_177 = arith.constant 0 : i32
      %add3A_178 = arith.addi %mul3A_176, %add3A_177 : i32
      %get3A = arith.index_cast %add3A_178 : i32 to index
      %get3A_179 = tpu.vector_load %arg6[%get3A] {strides = array<i32>} : memref<23680xi32, #tpu.memory_space<vmem>>, vector<16xi32>,
      %add3A_180 = vector.broadcast %mul3A_83 : i32 to vector<16xi32>
      %add3A_181 = arith.addi %get3A_179, %add3A_180 : vector<16xi32>
      %gather3A = tpu.vector_load_idx %arg5[%add3A_181] : memref<26544xf32, #tpu.memory_space<vmem>>[vector<16xi32>], vector<16xf32>,
      %add3A_182 = arith.constant 0 : i32
      %add3A_183 = arith.addi %mul3A_176, %add3A_182 : i32
      %add3A_184 = vector.broadcast %add3A_183 : i32 to vector<16xi32>
      %add3A_185 = arith.addi %mul3A_174, %add3A_184 : vector<16xi32>
      tpu.vector_store_idx %arg7[%add3A_185], %gather3A : memref<23680xf32, #tpu.memory_space<vmem>>[vector<16xi32>], vector<16xf32>,
      %add3A_186 = arith.constant 16 : i32
      %add3A_187 = arith.addi %mul3A_176, %add3A_186 : i32
      %get3A_188 = arith.index_cast %add3A_187 : i32 to index
      %get3A_189 = tpu.vector_load %arg6[%get3A_188] {strides = array<i32>} : memref<23680xi32, #tpu.memory_space<vmem>>, vector<16xi32>,
      %add3A_190 = vector.broadcast %mul3A_83 : i32 to vector<16xi32>
      %add3A_191 = arith.addi %get3A_189, %add3A_190 : vector<16xi32>
      %gather3A_192 = tpu.vector_load_idx %arg5[%add3A_191] : memref<26544xf32, #tpu.memory_space<vmem>>[vector<16xi32>], vector<16xf32>,
      %add3A_193 = arith.constant 1 : i32
      %add3A_194 = arith.addi %mul3A_176, %add3A_193 : i32
      %add3A_195 = vector.broadcast %add3A_194 : i32 to vector<16xi32>
      %add3A_196 = arith.addi %mul3A_174, %add3A_195 : vector<16xi32>
      tpu.vector_store_idx %arg7[%add3A_196], %gather3A_192 : memref<23680xf32, #tpu.memory_space<vmem>>[vector<16xi32>], vector<16xf32>,
      %add3A_197 = arith.constant 32 : i32
      %add3A_198 = arith.addi %mul3A_176, %add3A_197 : i32
      %get3A_199 = arith.index_cast %add3A_198 : i32 to index
      %get3A_200 = tpu.vector_load %arg6[%get3A_199] {strides = array<i32>} : memref<23680xi32, #tpu.memory_space<vmem>>, vector<16xi32>,
      %add3A_201 = vector.broadcast %mul3A_83 : i32 to vector<16xi32>
      %add3A_202 = arith.addi %get3A_200, %add3A_201 : vector<16xi32>
      %gather3A_203 = tpu.vector_load_idx %arg5[%add3A_202] : memref<26544xf32, #tpu.memory_space<vmem>>[vector<16xi32>], vector<16xf32>,
      %add3A_204 = arith.constant 2 : i32
      %add3A_205 = arith.addi %mul3A_176, %add3A_204 : i32
      %add3A_206 = vector.broadcast %add3A_205 : i32 to vector<16xi32>
      %add3A_207 = arith.addi %mul3A_174, %add3A_206 : vector<16xi32>
      tpu.vector_store_idx %arg7[%add3A_207], %gather3A_203 : memref<23680xf32, #tpu.memory_space<vmem>>[vector<16xi32>], vector<16xf32>,
      %add3A_208 = arith.constant 48 : i32
      %add3A_209 = arith.addi %mul3A_176, %add3A_208 : i32
      %get3A_210 = arith.index_cast %add3A_209 : i32 to index
      %get3A_211 = tpu.vector_load %arg6[%get3A_210] {strides = array<i32>} : memref<23680xi32, #tpu.memory_space<vmem>>, vector<16xi32>,
      %add3A_212 = vector.broadcast %mul3A_83 : i32 to vector<16xi32>
      %add3A_213 = arith.addi %get3A_211, %add3A_212 : vector<16xi32>
      %gather3A_214 = tpu.vector_load_idx %arg5[%add3A_213] : memref<26544xf32, #tpu.memory_space<vmem>>[vector<16xi32>], vector<16xf32>,
      %add3A_215 = arith.constant 3 : i32
      %add3A_216 = arith.addi %mul3A_176, %add3A_215 : i32
      %add3A_217 = vector.broadcast %add3A_216 : i32 to vector<16xi32>
      %add3A_218 = arith.addi %mul3A_174, %add3A_217 : vector<16xi32>
      tpu.vector_store_idx %arg7[%add3A_218], %gather3A_214 : memref<23680xf32, #tpu.memory_space<vmem>>[vector<16xi32>], vector<16xf32>,
      %add3A_219 = arith.constant 64 : i32
      %add3A_220 = arith.addi %mul3A_176, %add3A_219 : i32
      %get3A_221 = arith.index_cast %add3A_220 : i32 to index
      %get3A_222 = tpu.vector_load %arg6[%get3A_221] {strides = array<i32>} : memref<23680xi32, #tpu.memory_space<vmem>>, vector<16xi32>,
      %add3A_223 = vector.broadcast %mul3A_83 : i32 to vector<16xi32>
      %add3A_224 = arith.addi %get3A_222, %add3A_223 : vector<16xi32>
      %gather3A_225 = tpu.vector_load_idx %arg5[%add3A_224] : memref<26544xf32, #tpu.memory_space<vmem>>[vector<16xi32>], vector<16xf32>,
      %add3A_226 = arith.constant 4 : i32
      %add3A_227 = arith.addi %mul3A_176, %add3A_226 : i32
      %add3A_228 = vector.broadcast %add3A_227 : i32 to vector<16xi32>
      %add3A_229 = arith.addi %mul3A_174, %add3A_228 : vector<16xi32>
      tpu.vector_store_idx %arg7[%add3A_229], %gather3A_225 : memref<23680xf32, #tpu.memory_space<vmem>>[vector<16xi32>], vector<16xf32>,
      %add3A_230 = arith.constant 80 : i32
      %add3A_231 = arith.addi %mul3A_176, %add3A_230 : i32
      %get3A_232 = arith.index_cast %add3A_231 : i32 to index
      %get3A_233 = tpu.vector_load %arg6[%get3A_232] {strides = array<i32>} : memref<23680xi32, #tpu.memory_space<vmem>>, vector<16xi32>,
      %add3A_234 = vector.broadcast %mul3A_83 : i32 to vector<16xi32>
      %add3A_235 = arith.addi %get3A_233, %add3A_234 : vector<16xi32>
      %gather3A_236 = tpu.vector_load_idx %arg5[%add3A_235] : memref<26544xf32, #tpu.memory_space<vmem>>[vector<16xi32>], vector<16xf32>,
      %add3A_237 = arith.constant 5 : i32
      %add3A_238 = arith.addi %mul3A_176, %add3A_237 : i32
      %add3A_239 = vector.broadcast %add3A_238 : i32 to vector<16xi32>
      %add3A_240 = arith.addi %mul3A_174, %add3A_239 : vector<16xi32>
      tpu.vector_store_idx %arg7[%add3A_240], %gather3A_236 : memref<23680xf32, #tpu.memory_space<vmem>>[vector<16xi32>], vector<16xf32>,
      %add3A_241 = arith.constant 96 : i32
      %add3A_242 = arith.addi %mul3A_176, %add3A_241 : i32
      %get3A_243 = arith.index_cast %add3A_242 : i32 to index
      %get3A_244 = tpu.vector_load %arg6[%get3A_243] {strides = array<i32>} : memref<23680xi32, #tpu.memory_space<vmem>>, vector<16xi32>,
      %add3A_245 = vector.broadcast %mul3A_83 : i32 to vector<16xi32>
      %add3A_246 = arith.addi %get3A_244, %add3A_245 : vector<16xi32>
      %gather3A_247 = tpu.vector_load_idx %arg5[%add3A_246] : memref<26544xf32, #tpu.memory_space<vmem>>[vector<16xi32>], vector<16xf32>,
      %add3A_248 = arith.constant 6 : i32
      %add3A_249 = arith.addi %mul3A_176, %add3A_248 : i32
      %add3A_250 = vector.broadcast %add3A_249 : i32 to vector<16xi32>
      %add3A_251 = arith.addi %mul3A_174, %add3A_250 : vector<16xi32>
      tpu.vector_store_idx %arg7[%add3A_251], %gather3A_247 : memref<23680xf32, #tpu.memory_space<vmem>>[vector<16xi32>], vector<16xf32>,
      %add3A_252 = arith.constant 112 : i32
      %add3A_253 = arith.addi %mul3A_176, %add3A_252 : i32
      %get3A_254 = arith.index_cast %add3A_253 : i32 to index
      %get3A_255 = tpu.vector_load %arg6[%get3A_254] {strides = array<i32>} : memref<23680xi32, #tpu.memory_space<vmem>>, vector<16xi32>,
      %add3A_256 = vector.broadcast %mul3A_83 : i32 to vector<16xi32>
      %add3A_257 = arith.addi %get3A_255, %add3A_256 : vector<16xi32>
      %gather3A_258 = tpu.vector_load_idx %arg5[%add3A_257] : memref<26544xf32, #tpu.memory_space<vmem>>[vector<16xi32>], vector<16xf32>,
      %add3A_259 = arith.constant 7 : i32
      %add3A_260 = arith.addi %mul3A_176, %add3A_259 : i32
      %add3A_261 = vector.broadcast %add3A_260 : i32 to vector<16xi32>
      %add3A_262 = arith.addi %mul3A_174, %add3A_261 : vector<16xi32>
      tpu.vector_store_idx %arg7[%add3A_262], %gather3A_258 : memref<23680xf32, #tpu.memory_space<vmem>>[vector<16xi32>], vector<16xf32>,
      %add3A_263 = arith.constant 128 : i32
      %add3A_264 = arith.addi %mul3A_176, %add3A_263 : i32
      %get3A_265 = arith.index_cast %add3A_264 : i32 to index
      %get3A_266 = tpu.vector_load %arg6[%get3A_265] {strides = array<i32>} : memref<23680xi32, #tpu.memory_space<vmem>>, vector<16xi32>,
      %add3A_267 = vector.broadcast %mul3A_83 : i32 to vector<16xi32>
      %add3A_268 = arith.addi %get3A_266, %add3A_267 : vector<16xi32>
      %gather3A_269 = tpu.vector_load_idx %arg5[%add3A_268] : memref<26544xf32, #tpu.memory_space<vmem>>[vector<16xi32>], vector<16xf32>,
      %add3A_270 = arith.constant 8 : i32
      %add3A_271 = arith.addi %mul3A_176, %add3A_270 : i32
      %add3A_272 = vector.broadcast %add3A_271 : i32 to vector<16xi32>
      %add3A_273 = arith.addi %mul3A_174, %add3A_272 : vector<16xi32>
      tpu.vector_store_idx %arg7[%add3A_273], %gather3A_269 : memref<23680xf32, #tpu.memory_space<vmem>>[vector<16xi32>], vector<16xf32>,
      %add3A_274 = arith.constant 144 : i32
      %add3A_275 = arith.addi %mul3A_176, %add3A_274 : i32
      %get3A_276 = arith.index_cast %add3A_275 : i32 to index
      %get3A_277 = tpu.vector_load %arg6[%get3A_276] {strides = array<i32>} : memref<23680xi32, #tpu.memory_space<vmem>>, vector<16xi32>,
      %add3A_278 = vector.broadcast %mul3A_83 : i32 to vector<16xi32>
      %add3A_279 = arith.addi %get3A_277, %add3A_278 : vector<16xi32>
      %gather3A_280 = tpu.vector_load_idx %arg5[%add3A_279] : memref<26544xf32, #tpu.memory_space<vmem>>[vector<16xi32>], vector<16xf32>,
      %add3A_281 = arith.constant 9 : i32
      %add3A_282 = arith.addi %mul3A_176, %add3A_281 : i32
      %add3A_283 = vector.broadcast %add3A_282 : i32 to vector<16xi32>
      %add3A_284 = arith.addi %mul3A_174, %add3A_283 : vector<16xi32>
      tpu.vector_store_idx %arg7[%add3A_284], %gather3A_280 : memref<23680xf32, #tpu.memory_space<vmem>>[vector<16xi32>], vector<16xf32>,
      %add3A_285 = arith.constant 160 : i32
      %add3A_286 = arith.addi %mul3A_176, %add3A_285 : i32
      %get3A_287 = arith.index_cast %add3A_286 : i32 to index
      %get3A_288 = tpu.vector_load %arg6[%get3A_287] {strides = array<i32>} : memref<23680xi32, #tpu.memory_space<vmem>>, vector<16xi32>,
      %add3A_289 = vector.broadcast %mul3A_83 : i32 to vector<16xi32>
      %add3A_290 = arith.addi %get3A_288, %add3A_289 : vector<16xi32>
      %gather3A_291 = tpu.vector_load_idx %arg5[%add3A_290] : memref<26544xf32, #tpu.memory_space<vmem>>[vector<16xi32>], vector<16xf32>,
      %add3A_292 = arith.constant 10 : i32
      %add3A_293 = arith.addi %mul3A_176, %add3A_292 : i32
      %add3A_294 = vector.broadcast %add3A_293 : i32 to vector<16xi32>
      %add3A_295 = arith.addi %mul3A_174, %add3A_294 : vector<16xi32>
      tpu.vector_store_idx %arg7[%add3A_295], %gather3A_291 : memref<23680xf32, #tpu.memory_space<vmem>>[vector<16xi32>], vector<16xf32>,
      %add3A_296 = arith.constant 176 : i32
      %add3A_297 = arith.addi %mul3A_176, %add3A_296 : i32
      %get3A_298 = arith.index_cast %add3A_297 : i32 to index
      %get3A_299 = tpu.vector_load %arg6[%get3A_298] {strides = array<i32>} : memref<23680xi32, #tpu.memory_space<vmem>>, vector<16xi32>,
      %add3A_300 = vector.broadcast %mul3A_83 : i32 to vector<16xi32>
      %add3A_301 = arith.addi %get3A_299, %add3A_300 : vector<16xi32>
      %gather3A_302 = tpu.vector_load_idx %arg5[%add3A_301] : memref<26544xf32, #tpu.memory_space<vmem>>[vector<16xi32>], vector<16xf32>,
      %add3A_303 = arith.constant 11 : i32
      %add3A_304 = arith.addi %mul3A_176, %add3A_303 : i32
      %add3A_305 = vector.broadcast %add3A_304 : i32 to vector<16xi32>
      %add3A_306 = arith.addi %mul3A_174, %add3A_305 : vector<16xi32>
      tpu.vector_store_idx %arg7[%add3A_306], %gather3A_302 : memref<23680xf32, #tpu.memory_space<vmem>>[vector<16xi32>], vector<16xf32>,
      %add3A_307 = arith.constant 192 : i32
      %add3A_308 = arith.addi %mul3A_176, %add3A_307 : i32
      %get3A_309 = arith.index_cast %add3A_308 : i32 to index
      %get3A_310 = tpu.vector_load %arg6[%get3A_309] {strides = array<i32>} : memref<23680xi32, #tpu.memory_space<vmem>>, vector<16xi32>,
      %add3A_311 = vector.broadcast %mul3A_83 : i32 to vector<16xi32>
      %add3A_312 = arith.addi %get3A_310, %add3A_311 : vector<16xi32>
      %gather3A_313 = tpu.vector_load_idx %arg5[%add3A_312] : memref<26544xf32, #tpu.memory_space<vmem>>[vector<16xi32>], vector<16xf32>,
      %add3A_314 = arith.constant 12 : i32
      %add3A_315 = arith.addi %mul3A_176, %add3A_314 : i32
      %add3A_316 = vector.broadcast %add3A_315 : i32 to vector<16xi32>
      %add3A_317 = arith.addi %mul3A_174, %add3A_316 : vector<16xi32>
      tpu.vector_store_idx %arg7[%add3A_317], %gather3A_313 : memref<23680xf32, #tpu.memory_space<vmem>>[vector<16xi32>], vector<16xf32>,
      %add3A_318 = arith.constant 208 : i32
      %add3A_319 = arith.addi %mul3A_176, %add3A_318 : i32
      %get3A_320 = arith.index_cast %add3A_319 : i32 to index
      %get3A_321 = tpu.vector_load %arg6[%get3A_320] {strides = array<i32>} : memref<23680xi32, #tpu.memory_space<vmem>>, vector<16xi32>,
      %add3A_322 = vector.broadcast %mul3A_83 : i32 to vector<16xi32>
      %add3A_323 = arith.addi %get3A_321, %add3A_322 : vector<16xi32>
      %gather3A_324 = tpu.vector_load_idx %arg5[%add3A_323] : memref<26544xf32, #tpu.memory_space<vmem>>[vector<16xi32>], vector<16xf32>,
      %add3A_325 = arith.constant 13 : i32
      %add3A_326 = arith.addi %mul3A_176, %add3A_325 : i32
      %add3A_327 = vector.broadcast %add3A_326 : i32 to vector<16xi32>
      %add3A_328 = arith.addi %mul3A_174, %add3A_327 : vector<16xi32>
      tpu.vector_store_idx %arg7[%add3A_328], %gather3A_324 : memref<23680xf32, #tpu.memory_space<vmem>>[vector<16xi32>], vector<16xf32>,
      %add3A_329 = arith.constant 224 : i32
      %add3A_330 = arith.addi %mul3A_176, %add3A_329 : i32
      %get3A_331 = arith.index_cast %add3A_330 : i32 to index
      %get3A_332 = tpu.vector_load %arg6[%get3A_331] {strides = array<i32>} : memref<23680xi32, #tpu.memory_space<vmem>>, vector<16xi32>,
      %add3A_333 = vector.broadcast %mul3A_83 : i32 to vector<16xi32>
      %add3A_334 = arith.addi %get3A_332, %add3A_333 : vector<16xi32>
      %gather3A_335 = tpu.vector_load_idx %arg5[%add3A_334] : memref<26544xf32, #tpu.memory_space<vmem>>[vector<16xi32>], vector<16xf32>,
      %add3A_336 = arith.constant 14 : i32
      %add3A_337 = arith.addi %mul3A_176, %add3A_336 : i32
      %add3A_338 = vector.broadcast %add3A_337 : i32 to vector<16xi32>
      %add3A_339 = arith.addi %mul3A_174, %add3A_338 : vector<16xi32>
      tpu.vector_store_idx %arg7[%add3A_339], %gather3A_335 : memref<23680xf32, #tpu.memory_space<vmem>>[vector<16xi32>], vector<16xf32>,
      %add3A_340 = arith.constant 240 : i32
      %add3A_341 = arith.addi %mul3A_176, %add3A_340 : i32
      %get3A_342 = arith.index_cast %add3A_341 : i32 to index
      %get3A_343 = tpu.vector_load %arg6[%get3A_342] {strides = array<i32>} : memref<23680xi32, #tpu.memory_space<vmem>>, vector<16xi32>,
      %add3A_344 = vector.broadcast %mul3A_83 : i32 to vector<16xi32>
      %add3A_345 = arith.addi %get3A_343, %add3A_344 : vector<16xi32>
      %gather3A_346 = tpu.vector_load_idx %arg5[%add3A_345] : memref<26544xf32, #tpu.memory_space<vmem>>[vector<16xi32>], vector<16xf32>,
      %add3A_347 = arith.constant 15 : i32
      %add3A_348 = arith.addi %mul3A_176, %add3A_347 : i32
      %add3A_349 = vector.broadcast %add3A_348 : i32 to vector<16xi32>
      %add3A_350 = arith.addi %mul3A_174, %add3A_349 : vector<16xi32>
      tpu.vector_store_idx %arg7[%add3A_350], %gather3A_346 : memref<23680xf32, #tpu.memory_space<vmem>>[vector<16xi32>], vector<16xf32>,
      %add3A_351 = arith.constant 256 : i32
      %add3A_352 = arith.addi %mul3A_176, %add3A_351 : i32
      %get3A_353 = arith.index_cast %add3A_352 : i32 to index
      %get3A_354 = tpu.vector_load %arg6[%get3A_353] {strides = array<i32>} : memref<23680xi32, #tpu.memory_space<vmem>>, vector<16xi32>,
      %add3A_355 = vector.broadcast %mul3A_83 : i32 to vector<16xi32>
      %add3A_356 = arith.addi %get3A_354, %add3A_355 : vector<16xi32>
      %gather3A_357 = tpu.vector_load_idx %arg5[%add3A_356] : memref<26544xf32, #tpu.memory_space<vmem>>[vector<16xi32>], vector<16xf32>,
      %add3A_358 = arith.constant 16 : i32
      %add3A_359 = arith.addi %mul3A_176, %add3A_358 : i32
      %add3A_360 = vector.broadcast %add3A_359 : i32 to vector<16xi32>
      %add3A_361 = arith.addi %mul3A_174, %add3A_360 : vector<16xi32>
      tpu.vector_store_idx %arg7[%add3A_361], %gather3A_357 : memref<23680xf32, #tpu.memory_space<vmem>>[vector<16xi32>], vector<16xf32>,
      %add3A_362 = arith.constant 272 : i32
      %add3A_363 = arith.addi %mul3A_176, %add3A_362 : i32
      %get3A_364 = arith.index_cast %add3A_363 : i32 to index
      %get3A_365 = tpu.vector_load %arg6[%get3A_364] {strides = array<i32>} : memref<23680xi32, #tpu.memory_space<vmem>>, vector<16xi32>,
      %add3A_366 = vector.broadcast %mul3A_83 : i32 to vector<16xi32>
      %add3A_367 = arith.addi %get3A_365, %add3A_366 : vector<16xi32>
      %gather3A_368 = tpu.vector_load_idx %arg5[%add3A_367] : memref<26544xf32, #tpu.memory_space<vmem>>[vector<16xi32>], vector<16xf32>,
      %add3A_369 = arith.constant 17 : i32
      %add3A_370 = arith.addi %mul3A_176, %add3A_369 : i32
      %add3A_371 = vector.broadcast %add3A_370 : i32 to vector<16xi32>
      %add3A_372 = arith.addi %mul3A_174, %add3A_371 : vector<16xi32>
      tpu.vector_store_idx %arg7[%add3A_372], %gather3A_368 : memref<23680xf32, #tpu.memory_space<vmem>>[vector<16xi32>], vector<16xf32>,
      %add3A_373 = arith.constant 288 : i32
      %add3A_374 = arith.addi %mul3A_176, %add3A_373 : i32
      %get3A_375 = arith.index_cast %add3A_374 : i32 to index
      %get3A_376 = tpu.vector_load %arg6[%get3A_375] {strides = array<i32>} : memref<23680xi32, #tpu.memory_space<vmem>>, vector<16xi32>,
      %add3A_377 = vector.broadcast %mul3A_83 : i32 to vector<16xi32>
      %add3A_378 = arith.addi %get3A_376, %add3A_377 : vector<16xi32>
      %gather3A_379 = tpu.vector_load_idx %arg5[%add3A_378] : memref<26544xf32, #tpu.memory_space<vmem>>[vector<16xi32>], vector<16xf32>,
      %add3A_380 = arith.constant 18 : i32
      %add3A_381 = arith.addi %mul3A_176, %add3A_380 : i32
      %add3A_382 = vector.broadcast %add3A_381 : i32 to vector<16xi32>
      %add3A_383 = arith.addi %mul3A_174, %add3A_382 : vector<16xi32>
      tpu.vector_store_idx %arg7[%add3A_383], %gather3A_379 : memref<23680xf32, #tpu.memory_space<vmem>>[vector<16xi32>], vector<16xf32>,
      %add3A_384 = arith.constant 304 : i32
      %add3A_385 = arith.addi %mul3A_176, %add3A_384 : i32
      %get3A_386 = arith.index_cast %add3A_385 : i32 to index
      %get3A_387 = tpu.vector_load %arg6[%get3A_386] {strides = array<i32>} : memref<23680xi32, #tpu.memory_space<vmem>>, vector<16xi32>,
      %add3A_388 = vector.broadcast %mul3A_83 : i32 to vector<16xi32>
      %add3A_389 = arith.addi %get3A_387, %add3A_388 : vector<16xi32>
      %gather3A_390 = tpu.vector_load_idx %arg5[%add3A_389] : memref<26544xf32, #tpu.memory_space<vmem>>[vector<16xi32>], vector<16xf32>,
      %add3A_391 = arith.constant 19 : i32
      %add3A_392 = arith.addi %mul3A_176, %add3A_391 : i32
      %add3A_393 = vector.broadcast %add3A_392 : i32 to vector<16xi32>
      %add3A_394 = arith.addi %mul3A_174, %add3A_393 : vector<16xi32>
      tpu.vector_store_idx %arg7[%add3A_394], %gather3A_390 : memref<23680xf32, #tpu.memory_space<vmem>>[vector<16xi32>], vector<16xf32>,
      %add3A_395 = arith.constant 320 : i32
      %add3A_396 = arith.addi %mul3A_176, %add3A_395 : i32
      %get3A_397 = arith.index_cast %add3A_396 : i32 to index
      %get3A_398 = tpu.vector_load %arg6[%get3A_397] {strides = array<i32>} : memref<23680xi32, #tpu.memory_space<vmem>>, vector<16xi32>,
      %add3A_399 = vector.broadcast %mul3A_83 : i32 to vector<16xi32>
      %add3A_400 = arith.addi %get3A_398, %add3A_399 : vector<16xi32>
      %gather3A_401 = tpu.vector_load_idx %arg5[%add3A_400] : memref<26544xf32, #tpu.memory_space<vmem>>[vector<16xi32>], vector<16xf32>,
      %add3A_402 = arith.constant 20 : i32
      %add3A_403 = arith.addi %mul3A_176, %add3A_402 : i32
      %add3A_404 = vector.broadcast %add3A_403 : i32 to vector<16xi32>
      %add3A_405 = arith.addi %mul3A_174, %add3A_404 : vector<16xi32>
      tpu.vector_store_idx %arg7[%add3A_405], %gather3A_401 : memref<23680xf32, #tpu.memory_space<vmem>>[vector<16xi32>], vector<16xf32>,
      %add3A_406 = arith.constant 336 : i32
      %add3A_407 = arith.addi %mul3A_176, %add3A_406 : i32
      %get3A_408 = arith.index_cast %add3A_407 : i32 to index
      %get3A_409 = tpu.vector_load %arg6[%get3A_408] {strides = array<i32>} : memref<23680xi32, #tpu.memory_space<vmem>>, vector<16xi32>,
      %add3A_410 = vector.broadcast %mul3A_83 : i32 to vector<16xi32>
      %add3A_411 = arith.addi %get3A_409, %add3A_410 : vector<16xi32>
      %gather3A_412 = tpu.vector_load_idx %arg5[%add3A_411] : memref<26544xf32, #tpu.memory_space<vmem>>[vector<16xi32>], vector<16xf32>,
      %add3A_413 = arith.constant 21 : i32
      %add3A_414 = arith.addi %mul3A_176, %add3A_413 : i32
      %add3A_415 = vector.broadcast %add3A_414 : i32 to vector<16xi32>
      %add3A_416 = arith.addi %mul3A_174, %add3A_415 : vector<16xi32>
      tpu.vector_store_idx %arg7[%add3A_416], %gather3A_412 : memref<23680xf32, #tpu.memory_space<vmem>>[vector<16xi32>], vector<16xf32>,
      %add3A_417 = arith.constant 352 : i32
      %add3A_418 = arith.addi %mul3A_176, %add3A_417 : i32
      %get3A_419 = arith.index_cast %add3A_418 : i32 to index
      %get3A_420 = tpu.vector_load %arg6[%get3A_419] {strides = array<i32>} : memref<23680xi32, #tpu.memory_space<vmem>>, vector<16xi32>,
      %add3A_421 = vector.broadcast %mul3A_83 : i32 to vector<16xi32>
      %add3A_422 = arith.addi %get3A_420, %add3A_421 : vector<16xi32>
      %gather3A_423 = tpu.vector_load_idx %arg5[%add3A_422] : memref<26544xf32, #tpu.memory_space<vmem>>[vector<16xi32>], vector<16xf32>,
      %add3A_424 = arith.constant 22 : i32
      %add3A_425 = arith.addi %mul3A_176, %add3A_424 : i32
      %add3A_426 = vector.broadcast %add3A_425 : i32 to vector<16xi32>
      %add3A_427 = arith.addi %mul3A_174, %add3A_426 : vector<16xi32>
      tpu.vector_store_idx %arg7[%add3A_427], %gather3A_423 : memref<23680xf32, #tpu.memory_space<vmem>>[vector<16xi32>], vector<16xf32>,
      %add3A_428 = arith.constant 368 : i32
      %add3A_429 = arith.addi %mul3A_176, %add3A_428 : i32
      %get3A_430 = arith.index_cast %add3A_429 : i32 to index
      %get3A_431 = tpu.vector_load %arg6[%get3A_430] {strides = array<i32>} : memref<23680xi32, #tpu.memory_space<vmem>>, vector<16xi32>,
      %add3A_432 = vector.broadcast %mul3A_83 : i32 to vector<16xi32>
      %add3A_433 = arith.addi %get3A_431, %add3A_432 : vector<16xi32>
      %gather3A_434 = tpu.vector_load_idx %arg5[%add3A_433] : memref<26544xf32, #tpu.memory_space<vmem>>[vector<16xi32>], vector<16xf32>,
      %add3A_435 = arith.constant 23 : i32
      %add3A_436 = arith.addi %mul3A_176, %add3A_435 : i32
      %add3A_437 = vector.broadcast %add3A_436 : i32 to vector<16xi32>
      %add3A_438 = arith.addi %mul3A_174, %add3A_437 : vector<16xi32>
      tpu.vector_store_idx %arg7[%add3A_438], %gather3A_434 : memref<23680xf32, #tpu.memory_space<vmem>>[vector<16xi32>], vector<16xf32>,
      %add3A_439 = arith.constant 384 : i32
      %add3A_440 = arith.addi %mul3A_176, %add3A_439 : i32
      %get3A_441 = arith.index_cast %add3A_440 : i32 to index
      %get3A_442 = tpu.vector_load %arg6[%get3A_441] {strides = array<i32>} : memref<23680xi32, #tpu.memory_space<vmem>>, vector<16xi32>,
      %add3A_443 = vector.broadcast %mul3A_83 : i32 to vector<16xi32>
      %add3A_444 = arith.addi %get3A_442, %add3A_443 : vector<16xi32>
      %gather3A_445 = tpu.vector_load_idx %arg5[%add3A_444] : memref<26544xf32, #tpu.memory_space<vmem>>[vector<16xi32>], vector<16xf32>,
      %add3A_446 = arith.constant 24 : i32
      %add3A_447 = arith.addi %mul3A_176, %add3A_446 : i32
      %add3A_448 = vector.broadcast %add3A_447 : i32 to vector<16xi32>
      %add3A_449 = arith.addi %mul3A_174, %add3A_448 : vector<16xi32>
      tpu.vector_store_idx %arg7[%add3A_449], %gather3A_445 : memref<23680xf32, #tpu.memory_space<vmem>>[vector<16xi32>], vector<16xf32>,
      %add3A_450 = arith.constant 400 : i32
      %add3A_451 = arith.addi %mul3A_176, %add3A_450 : i32
      %get3A_452 = arith.index_cast %add3A_451 : i32 to index
      %get3A_453 = tpu.vector_load %arg6[%get3A_452] {strides = array<i32>} : memref<23680xi32, #tpu.memory_space<vmem>>, vector<16xi32>,
      %add3A_454 = vector.broadcast %mul3A_83 : i32 to vector<16xi32>
      %add3A_455 = arith.addi %get3A_453, %add3A_454 : vector<16xi32>
      %gather3A_456 = tpu.vector_load_idx %arg5[%add3A_455] : memref<26544xf32, #tpu.memory_space<vmem>>[vector<16xi32>], vector<16xf32>,
      %add3A_457 = arith.constant 25 : i32
      %add3A_458 = arith.addi %mul3A_176, %add3A_457 : i32
      %add3A_459 = vector.broadcast %add3A_458 : i32 to vector<16xi32>
      %add3A_460 = arith.addi %mul3A_174, %add3A_459 : vector<16xi32>
      tpu.vector_store_idx %arg7[%add3A_460], %gather3A_456 : memref<23680xf32, #tpu.memory_space<vmem>>[vector<16xi32>], vector<16xf32>,
      %add3A_461 = arith.constant 416 : i32
      %add3A_462 = arith.addi %mul3A_176, %add3A_461 : i32
      %get3A_463 = arith.index_cast %add3A_462 : i32 to index
      %get3A_464 = tpu.vector_load %arg6[%get3A_463] {strides = array<i32>} : memref<23680xi32, #tpu.memory_space<vmem>>, vector<16xi32>,
      %add3A_465 = vector.broadcast %mul3A_83 : i32 to vector<16xi32>
      %add3A_466 = arith.addi %get3A_464, %add3A_465 : vector<16xi32>
      %gather3A_467 = tpu.vector_load_idx %arg5[%add3A_466] : memref<26544xf32, #tpu.memory_space<vmem>>[vector<16xi32>], vector<16xf32>,
      %add3A_468 = arith.constant 26 : i32
      %add3A_469 = arith.addi %mul3A_176, %add3A_468 : i32
      %add3A_470 = vector.broadcast %add3A_469 : i32 to vector<16xi32>
      %add3A_471 = arith.addi %mul3A_174, %add3A_470 : vector<16xi32>
      tpu.vector_store_idx %arg7[%add3A_471], %gather3A_467 : memref<23680xf32, #tpu.memory_space<vmem>>[vector<16xi32>], vector<16xf32>,
      %add3A_472 = arith.constant 432 : i32
      %add3A_473 = arith.addi %mul3A_176, %add3A_472 : i32
      %get3A_474 = arith.index_cast %add3A_473 : i32 to index
      %get3A_475 = tpu.vector_load %arg6[%get3A_474] {strides = array<i32>} : memref<23680xi32, #tpu.memory_space<vmem>>, vector<16xi32>,
      %add3A_476 = vector.broadcast %mul3A_83 : i32 to vector<16xi32>
      %add3A_477 = arith.addi %get3A_475, %add3A_476 : vector<16xi32>
      %gather3A_478 = tpu.vector_load_idx %arg5[%add3A_477] : memref<26544xf32, #tpu.memory_space<vmem>>[vector<16xi32>], vector<16xf32>,
      %add3A_479 = arith.constant 27 : i32
      %add3A_480 = arith.addi %mul3A_176, %add3A_479 : i32
      %add3A_481 = vector.broadcast %add3A_480 : i32 to vector<16xi32>
      %add3A_482 = arith.addi %mul3A_174, %add3A_481 : vector<16xi32>
      tpu.vector_store_idx %arg7[%add3A_482], %gather3A_478 : memref<23680xf32, #tpu.memory_space<vmem>>[vector<16xi32>], vector<16xf32>,
      %add3A_483 = arith.constant 448 : i32
      %add3A_484 = arith.addi %mul3A_176, %add3A_483 : i32
      %get3A_485 = arith.index_cast %add3A_484 : i32 to index
      %get3A_486 = tpu.vector_load %arg6[%get3A_485] {strides = array<i32>} : memref<23680xi32, #tpu.memory_space<vmem>>, vector<16xi32>,
      %add3A_487 = vector.broadcast %mul3A_83 : i32 to vector<16xi32>
      %add3A_488 = arith.addi %get3A_486, %add3A_487 : vector<16xi32>
      %gather3A_489 = tpu.vector_load_idx %arg5[%add3A_488] : memref<26544xf32, #tpu.memory_space<vmem>>[vector<16xi32>], vector<16xf32>,
      %add3A_490 = arith.constant 28 : i32
      %add3A_491 = arith.addi %mul3A_176, %add3A_490 : i32
      %add3A_492 = vector.broadcast %add3A_491 : i32 to vector<16xi32>
      %add3A_493 = arith.addi %mul3A_174, %add3A_492 : vector<16xi32>
      tpu.vector_store_idx %arg7[%add3A_493], %gather3A_489 : memref<23680xf32, #tpu.memory_space<vmem>>[vector<16xi32>], vector<16xf32>,
      %add3A_494 = arith.constant 464 : i32
      %add3A_495 = arith.addi %mul3A_176, %add3A_494 : i32
      %get3A_496 = arith.index_cast %add3A_495 : i32 to index
      %get3A_497 = tpu.vector_load %arg6[%get3A_496] {strides = array<i32>} : memref<23680xi32, #tpu.memory_space<vmem>>, vector<16xi32>,
      %add3A_498 = vector.broadcast %mul3A_83 : i32 to vector<16xi32>
      %add3A_499 = arith.addi %get3A_497, %add3A_498 : vector<16xi32>
      %gather3A_500 = tpu.vector_load_idx %arg5[%add3A_499] : memref<26544xf32, #tpu.memory_space<vmem>>[vector<16xi32>], vector<16xf32>,
      %add3A_501 = arith.constant 29 : i32
      %add3A_502 = arith.addi %mul3A_176, %add3A_501 : i32
      %add3A_503 = vector.broadcast %add3A_502 : i32 to vector<16xi32>
      %add3A_504 = arith.addi %mul3A_174, %add3A_503 : vector<16xi32>
      tpu.vector_store_idx %arg7[%add3A_504], %gather3A_500 : memref<23680xf32, #tpu.memory_space<vmem>>[vector<16xi32>], vector<16xf32>,
      %add3A_505 = arith.constant 480 : i32
      %add3A_506 = arith.addi %mul3A_176, %add3A_505 : i32
      %get3A_507 = arith.index_cast %add3A_506 : i32 to index
      %get3A_508 = tpu.vector_load %arg6[%get3A_507] {strides = array<i32>} : memref<23680xi32, #tpu.memory_space<vmem>>, vector<16xi32>,
      %add3A_509 = vector.broadcast %mul3A_83 : i32 to vector<16xi32>
      %add3A_510 = arith.addi %get3A_508, %add3A_509 : vector<16xi32>
      %gather3A_511 = tpu.vector_load_idx %arg5[%add3A_510] : memref<26544xf32, #tpu.memory_space<vmem>>[vector<16xi32>], vector<16xf32>,
      %add3A_512 = arith.constant 30 : i32
      %add3A_513 = arith.addi %mul3A_176, %add3A_512 : i32
      %add3A_514 = vector.broadcast %add3A_513 : i32 to vector<16xi32>
      %add3A_515 = arith.addi %mul3A_174, %add3A_514 : vector<16xi32>
      tpu.vector_store_idx %arg7[%add3A_515], %gather3A_511 : memref<23680xf32, #tpu.memory_space<vmem>>[vector<16xi32>], vector<16xf32>,
      %add3A_516 = arith.constant 496 : i32
      %add3A_517 = arith.addi %mul3A_176, %add3A_516 : i32
      %get3A_518 = arith.index_cast %add3A_517 : i32 to index
      %get3A_519 = tpu.vector_load %arg6[%get3A_518] {strides = array<i32>} : memref<23680xi32, #tpu.memory_space<vmem>>, vector<16xi32>,
      %add3A_520 = vector.broadcast %mul3A_83 : i32 to vector<16xi32>
      %add3A_521 = arith.addi %get3A_519, %add3A_520 : vector<16xi32>
      %gather3A_522 = tpu.vector_load_idx %arg5[%add3A_521] : memref<26544xf32, #tpu.memory_space<vmem>>[vector<16xi32>], vector<16xf32>,
      %add3A_523 = arith.constant 31 : i32
      %add3A_524 = arith.addi %mul3A_176, %add3A_523 : i32
      %add3A_525 = vector.broadcast %add3A_524 : i32 to vector<16xi32>
      %add3A_526 = arith.addi %mul3A_174, %add3A_525 : vector<16xi32>
      tpu.vector_store_idx %arg7[%add3A_526], %gather3A_522 : memref<23680xf32, #tpu.memory_space<vmem>>[vector<16xi32>], vector<16xf32>,
      %add3A_527 = arith.constant 512 : i32
      %add3A_528 = arith.addi %mul3A_176, %add3A_527 : i32
      %get3A_529 = arith.index_cast %add3A_528 : i32 to index
      %get3A_530 = tpu.vector_load %arg6[%get3A_529] {strides = array<i32>} : memref<23680xi32, #tpu.memory_space<vmem>>, vector<16xi32>,
      %add3A_531 = vector.broadcast %mul3A_83 : i32 to vector<16xi32>
      %add3A_532 = arith.addi %get3A_530, %add3A_531 : vector<16xi32>
      %gather3A_533 = tpu.vector_load_idx %arg5[%add3A_532] : memref<26544xf32, #tpu.memory_space<vmem>>[vector<16xi32>], vector<16xf32>,
      %add3A_534 = arith.constant 32 : i32
      %add3A_535 = arith.addi %mul3A_176, %add3A_534 : i32
      %add3A_536 = vector.broadcast %add3A_535 : i32 to vector<16xi32>
      %add3A_537 = arith.addi %mul3A_174, %add3A_536 : vector<16xi32>
      tpu.vector_store_idx %arg7[%add3A_537], %gather3A_533 : memref<23680xf32, #tpu.memory_space<vmem>>[vector<16xi32>], vector<16xf32>,
      %add3A_538 = arith.constant 528 : i32
      %add3A_539 = arith.addi %mul3A_176, %add3A_538 : i32
      %get3A_540 = arith.index_cast %add3A_539 : i32 to index
      %get3A_541 = tpu.vector_load %arg6[%get3A_540] {strides = array<i32>} : memref<23680xi32, #tpu.memory_space<vmem>>, vector<16xi32>,
      %add3A_542 = vector.broadcast %mul3A_83 : i32 to vector<16xi32>
      %add3A_543 = arith.addi %get3A_541, %add3A_542 : vector<16xi32>
      %gather3A_544 = tpu.vector_load_idx %arg5[%add3A_543] : memref<26544xf32, #tpu.memory_space<vmem>>[vector<16xi32>], vector<16xf32>,
      %add3A_545 = arith.constant 33 : i32
      %add3A_546 = arith.addi %mul3A_176, %add3A_545 : i32
      %add3A_547 = vector.broadcast %add3A_546 : i32 to vector<16xi32>
      %add3A_548 = arith.addi %mul3A_174, %add3A_547 : vector<16xi32>
      tpu.vector_store_idx %arg7[%add3A_548], %gather3A_544 : memref<23680xf32, #tpu.memory_space<vmem>>[vector<16xi32>], vector<16xf32>,
      %add3A_549 = arith.constant 544 : i32
      %add3A_550 = arith.addi %mul3A_176, %add3A_549 : i32
      %get3A_551 = arith.index_cast %add3A_550 : i32 to index
      %get3A_552 = tpu.vector_load %arg6[%get3A_551] {strides = array<i32>} : memref<23680xi32, #tpu.memory_space<vmem>>, vector<16xi32>,
      %add3A_553 = vector.broadcast %mul3A_83 : i32 to vector<16xi32>
      %add3A_554 = arith.addi %get3A_552, %add3A_553 : vector<16xi32>
      %gather3A_555 = tpu.vector_load_idx %arg5[%add3A_554] : memref<26544xf32, #tpu.memory_space<vmem>>[vector<16xi32>], vector<16xf32>,
      %add3A_556 = arith.constant 34 : i32
      %add3A_557 = arith.addi %mul3A_176, %add3A_556 : i32
      %add3A_558 = vector.broadcast %add3A_557 : i32 to vector<16xi32>
      %add3A_559 = arith.addi %mul3A_174, %add3A_558 : vector<16xi32>
      tpu.vector_store_idx %arg7[%add3A_559], %gather3A_555 : memref<23680xf32, #tpu.memory_space<vmem>>[vector<16xi32>], vector<16xf32>,
      %add3A_560 = arith.constant 560 : i32
      %add3A_561 = arith.addi %mul3A_176, %add3A_560 : i32
      %get3A_562 = arith.index_cast %add3A_561 : i32 to index
      %get3A_563 = tpu.vector_load %arg6[%get3A_562] {strides = array<i32>} : memref<23680xi32, #tpu.memory_space<vmem>>, vector<16xi32>,
      %add3A_564 = vector.broadcast %mul3A_83 : i32 to vector<16xi32>
      %add3A_565 = arith.addi %get3A_563, %add3A_564 : vector<16xi32>
      %gather3A_566 = tpu.vector_load_idx %arg5[%add3A_565] : memref<26544xf32, #tpu.memory_space<vmem>>[vector<16xi32>], vector<16xf32>,
      %add3A_567 = arith.constant 35 : i32
      %add3A_568 = arith.addi %mul3A_176, %add3A_567 : i32
      %add3A_569 = vector.broadcast %add3A_568 : i32 to vector<16xi32>
      %add3A_570 = arith.addi %mul3A_174, %add3A_569 : vector<16xi32>
      tpu.vector_store_idx %arg7[%add3A_570], %gather3A_566 : memref<23680xf32, #tpu.memory_space<vmem>>[vector<16xi32>], vector<16xf32>,
      %add3A_571 = arith.constant 576 : i32
      %add3A_572 = arith.addi %mul3A_176, %add3A_571 : i32
      %get3A_573 = arith.index_cast %add3A_572 : i32 to index
      %get3A_574 = tpu.vector_load %arg6[%get3A_573] {strides = array<i32>} : memref<23680xi32, #tpu.memory_space<vmem>>, vector<16xi32>,
      %add3A_575 = vector.broadcast %mul3A_83 : i32 to vector<16xi32>
      %add3A_576 = arith.addi %get3A_574, %add3A_575 : vector<16xi32>
      %gather3A_577 = tpu.vector_load_idx %arg5[%add3A_576] : memref<26544xf32, #tpu.memory_space<vmem>>[vector<16xi32>], vector<16xf32>,
      %add3A_578 = arith.constant 36 : i32
      %add3A_579 = arith.addi %mul3A_176, %add3A_578 : i32
      %add3A_580 = vector.broadcast %add3A_579 : i32 to vector<16xi32>
      %add3A_581 = arith.addi %mul3A_174, %add3A_580 : vector<16xi32>
      tpu.vector_store_idx %arg7[%add3A_581], %gather3A_577 : memref<23680xf32, #tpu.memory_space<vmem>>[vector<16xi32>], vector<16xf32>,
      %scan3A_582 = arith.constant 0 : i32
      scf.yield %scan3A_582 : i32
    }
    %scan3A_90 = arith.constant 40 : i32
    %add3A_91 = arith.constant 2 : i32
    %add3A_92 = arith.addi %mul3A_34, %add3A_91 : i32
    %mul3A_93 = arith.constant 16 : i32
    %mul3A_94 = arith.muli %add3A_92, %mul3A_93 : i32
    %add3A_95 = arith.addi %mul3A_94, %select_n3A_30 : i32
    %mul3A_96 = arith.constant 23680 : i32
    %mul3A_97 = arith.muli %add3A_95, %mul3A_96 : i32
    %dma_start3A_98 = tpu.memref_slice %arg4[%mul3A_97] : memref<4546560xf32, #tpu.memory_space<hbm>> -> memref<23680xf32, #tpu.memory_space<hbm>>
    %dma_start3A_99 = tpu.memref_slice %arg4[%mul3A_97] : memref<4546560xf32, #tpu.memory_space<hbm>> -> memref<23680xf32, #tpu.memory_space<hbm>>
    tpu.enqueue_dma source(%arg7 : memref<23680xf32, #tpu.memory_space<vmem>>) target(%dma_start3A_99 : memref<23680xf32, #tpu.memory_space<hbm>>) target_semaphore(%arg11 : memref<!tpu.dma_semaphore, #tpu.memory_space<semaphore_mem>>)
    %dma_wait3A_100 = tpu.memref_slice %arg4[%mul3A_75] : memref<4546560xf32, #tpu.memory_space<hbm>> -> memref<23680xf32, #tpu.memory_space<hbm>>
    %dma_wait3A_101 = tpu.memref_slice %arg4[%mul3A_75] : memref<4546560xf32, #tpu.memory_space<hbm>> -> memref<23680xf32, #tpu.memory_space<hbm>>
    tpu.wait_dma2 semaphore(%arg12 : memref<!tpu.dma_semaphore, #tpu.memory_space<semaphore_mem>>) src(%arg8 : memref<23680xf32, #tpu.memory_space<vmem>>) dst(%dma_wait3A_101 : memref<23680xf32, #tpu.memory_space<hbm>>)
    %add3A_102 = arith.constant 3 : i32
    %add3A_103 = arith.addi %mul3A_34, %add3A_102 : i32
    %mul3A_104 = arith.constant 2212 : i32
    %mul3A_105 = arith.muli %add3A_103, %mul3A_104 : i32
    %scan3A_106 = arith.constant 0 : i32
    %scan3A_107 = arith.constant 0 : i32
    %scan3A_108 = arith.constant 40 : i32
    %scan3A_109 = arith.addi %scan3A_107, %scan3A_108 : i32
    %scan3A_110 = arith.constant 1 : i32
    %scan3A_111 = scf.for %scan3A_170 = %scan3A_107 to %scan3A_109 step %scan3A_110 iter_args(%scan3A_171 = %scan3A_106) -> (i32)  : i32 {
      %iota3A = tpu.iota {dimensions = array<i32: 0>} : vector<16xi32>
      %mul3A_172 = arith.constant 37 : i32
      %mul3A_173 = vector.broadcast %mul3A_172 : i32 to vector<16xi32>
      %mul3A_174 = arith.muli %iota3A, %mul3A_173 : vector<16xi32>
      %mul3A_175 = arith.constant 592 : i32
      %mul3A_176 = arith.muli %scan3A_170, %mul3A_175 : i32
      %add3A_177 = arith.constant 0 : i32
      %add3A_178 = arith.addi %mul3A_176, %add3A_177 : i32
      %get3A = arith.index_cast %add3A_178 : i32 to index
      %get3A_179 = tpu.vector_load %arg6[%get3A] {strides = array<i32>} : memref<23680xi32, #tpu.memory_space<vmem>>, vector<16xi32>,
      %add3A_180 = vector.broadcast %mul3A_105 : i32 to vector<16xi32>
      %add3A_181 = arith.addi %get3A_179, %add3A_180 : vector<16xi32>
      %gather3A = tpu.vector_load_idx %arg5[%add3A_181] : memref<26544xf32, #tpu.memory_space<vmem>>[vector<16xi32>], vector<16xf32>,
      %add3A_182 = arith.constant 0 : i32
      %add3A_183 = arith.addi %mul3A_176, %add3A_182 : i32
      %add3A_184 = vector.broadcast %add3A_183 : i32 to vector<16xi32>
      %add3A_185 = arith.addi %mul3A_174, %add3A_184 : vector<16xi32>
      tpu.vector_store_idx %arg8[%add3A_185], %gather3A : memref<23680xf32, #tpu.memory_space<vmem>>[vector<16xi32>], vector<16xf32>,
      %add3A_186 = arith.constant 16 : i32
      %add3A_187 = arith.addi %mul3A_176, %add3A_186 : i32
      %get3A_188 = arith.index_cast %add3A_187 : i32 to index
      %get3A_189 = tpu.vector_load %arg6[%get3A_188] {strides = array<i32>} : memref<23680xi32, #tpu.memory_space<vmem>>, vector<16xi32>,
      %add3A_190 = vector.broadcast %mul3A_105 : i32 to vector<16xi32>
      %add3A_191 = arith.addi %get3A_189, %add3A_190 : vector<16xi32>
      %gather3A_192 = tpu.vector_load_idx %arg5[%add3A_191] : memref<26544xf32, #tpu.memory_space<vmem>>[vector<16xi32>], vector<16xf32>,
      %add3A_193 = arith.constant 1 : i32
      %add3A_194 = arith.addi %mul3A_176, %add3A_193 : i32
      %add3A_195 = vector.broadcast %add3A_194 : i32 to vector<16xi32>
      %add3A_196 = arith.addi %mul3A_174, %add3A_195 : vector<16xi32>
      tpu.vector_store_idx %arg8[%add3A_196], %gather3A_192 : memref<23680xf32, #tpu.memory_space<vmem>>[vector<16xi32>], vector<16xf32>,
      %add3A_197 = arith.constant 32 : i32
      %add3A_198 = arith.addi %mul3A_176, %add3A_197 : i32
      %get3A_199 = arith.index_cast %add3A_198 : i32 to index
      %get3A_200 = tpu.vector_load %arg6[%get3A_199] {strides = array<i32>} : memref<23680xi32, #tpu.memory_space<vmem>>, vector<16xi32>,
      %add3A_201 = vector.broadcast %mul3A_105 : i32 to vector<16xi32>
      %add3A_202 = arith.addi %get3A_200, %add3A_201 : vector<16xi32>
      %gather3A_203 = tpu.vector_load_idx %arg5[%add3A_202] : memref<26544xf32, #tpu.memory_space<vmem>>[vector<16xi32>], vector<16xf32>,
      %add3A_204 = arith.constant 2 : i32
      %add3A_205 = arith.addi %mul3A_176, %add3A_204 : i32
      %add3A_206 = vector.broadcast %add3A_205 : i32 to vector<16xi32>
      %add3A_207 = arith.addi %mul3A_174, %add3A_206 : vector<16xi32>
      tpu.vector_store_idx %arg8[%add3A_207], %gather3A_203 : memref<23680xf32, #tpu.memory_space<vmem>>[vector<16xi32>], vector<16xf32>,
      %add3A_208 = arith.constant 48 : i32
      %add3A_209 = arith.addi %mul3A_176, %add3A_208 : i32
      %get3A_210 = arith.index_cast %add3A_209 : i32 to index
      %get3A_211 = tpu.vector_load %arg6[%get3A_210] {strides = array<i32>} : memref<23680xi32, #tpu.memory_space<vmem>>, vector<16xi32>,
      %add3A_212 = vector.broadcast %mul3A_105 : i32 to vector<16xi32>
      %add3A_213 = arith.addi %get3A_211, %add3A_212 : vector<16xi32>
      %gather3A_214 = tpu.vector_load_idx %arg5[%add3A_213] : memref<26544xf32, #tpu.memory_space<vmem>>[vector<16xi32>], vector<16xf32>,
      %add3A_215 = arith.constant 3 : i32
      %add3A_216 = arith.addi %mul3A_176, %add3A_215 : i32
      %add3A_217 = vector.broadcast %add3A_216 : i32 to vector<16xi32>
      %add3A_218 = arith.addi %mul3A_174, %add3A_217 : vector<16xi32>
      tpu.vector_store_idx %arg8[%add3A_218], %gather3A_214 : memref<23680xf32, #tpu.memory_space<vmem>>[vector<16xi32>], vector<16xf32>,
      %add3A_219 = arith.constant 64 : i32
      %add3A_220 = arith.addi %mul3A_176, %add3A_219 : i32
      %get3A_221 = arith.index_cast %add3A_220 : i32 to index
      %get3A_222 = tpu.vector_load %arg6[%get3A_221] {strides = array<i32>} : memref<23680xi32, #tpu.memory_space<vmem>>, vector<16xi32>,
      %add3A_223 = vector.broadcast %mul3A_105 : i32 to vector<16xi32>
      %add3A_224 = arith.addi %get3A_222, %add3A_223 : vector<16xi32>
      %gather3A_225 = tpu.vector_load_idx %arg5[%add3A_224] : memref<26544xf32, #tpu.memory_space<vmem>>[vector<16xi32>], vector<16xf32>,
      %add3A_226 = arith.constant 4 : i32
      %add3A_227 = arith.addi %mul3A_176, %add3A_226 : i32
      %add3A_228 = vector.broadcast %add3A_227 : i32 to vector<16xi32>
      %add3A_229 = arith.addi %mul3A_174, %add3A_228 : vector<16xi32>
      tpu.vector_store_idx %arg8[%add3A_229], %gather3A_225 : memref<23680xf32, #tpu.memory_space<vmem>>[vector<16xi32>], vector<16xf32>,
      %add3A_230 = arith.constant 80 : i32
      %add3A_231 = arith.addi %mul3A_176, %add3A_230 : i32
      %get3A_232 = arith.index_cast %add3A_231 : i32 to index
      %get3A_233 = tpu.vector_load %arg6[%get3A_232] {strides = array<i32>} : memref<23680xi32, #tpu.memory_space<vmem>>, vector<16xi32>,
      %add3A_234 = vector.broadcast %mul3A_105 : i32 to vector<16xi32>
      %add3A_235 = arith.addi %get3A_233, %add3A_234 : vector<16xi32>
      %gather3A_236 = tpu.vector_load_idx %arg5[%add3A_235] : memref<26544xf32, #tpu.memory_space<vmem>>[vector<16xi32>], vector<16xf32>,
      %add3A_237 = arith.constant 5 : i32
      %add3A_238 = arith.addi %mul3A_176, %add3A_237 : i32
      %add3A_239 = vector.broadcast %add3A_238 : i32 to vector<16xi32>
      %add3A_240 = arith.addi %mul3A_174, %add3A_239 : vector<16xi32>
      tpu.vector_store_idx %arg8[%add3A_240], %gather3A_236 : memref<23680xf32, #tpu.memory_space<vmem>>[vector<16xi32>], vector<16xf32>,
      %add3A_241 = arith.constant 96 : i32
      %add3A_242 = arith.addi %mul3A_176, %add3A_241 : i32
      %get3A_243 = arith.index_cast %add3A_242 : i32 to index
      %get3A_244 = tpu.vector_load %arg6[%get3A_243] {strides = array<i32>} : memref<23680xi32, #tpu.memory_space<vmem>>, vector<16xi32>,
      %add3A_245 = vector.broadcast %mul3A_105 : i32 to vector<16xi32>
      %add3A_246 = arith.addi %get3A_244, %add3A_245 : vector<16xi32>
      %gather3A_247 = tpu.vector_load_idx %arg5[%add3A_246] : memref<26544xf32, #tpu.memory_space<vmem>>[vector<16xi32>], vector<16xf32>,
      %add3A_248 = arith.constant 6 : i32
      %add3A_249 = arith.addi %mul3A_176, %add3A_248 : i32
      %add3A_250 = vector.broadcast %add3A_249 : i32 to vector<16xi32>
      %add3A_251 = arith.addi %mul3A_174, %add3A_250 : vector<16xi32>
      tpu.vector_store_idx %arg8[%add3A_251], %gather3A_247 : memref<23680xf32, #tpu.memory_space<vmem>>[vector<16xi32>], vector<16xf32>,
      %add3A_252 = arith.constant 112 : i32
      %add3A_253 = arith.addi %mul3A_176, %add3A_252 : i32
      %get3A_254 = arith.index_cast %add3A_253 : i32 to index
      %get3A_255 = tpu.vector_load %arg6[%get3A_254] {strides = array<i32>} : memref<23680xi32, #tpu.memory_space<vmem>>, vector<16xi32>,
      %add3A_256 = vector.broadcast %mul3A_105 : i32 to vector<16xi32>
      %add3A_257 = arith.addi %get3A_255, %add3A_256 : vector<16xi32>
      %gather3A_258 = tpu.vector_load_idx %arg5[%add3A_257] : memref<26544xf32, #tpu.memory_space<vmem>>[vector<16xi32>], vector<16xf32>,
      %add3A_259 = arith.constant 7 : i32
      %add3A_260 = arith.addi %mul3A_176, %add3A_259 : i32
      %add3A_261 = vector.broadcast %add3A_260 : i32 to vector<16xi32>
      %add3A_262 = arith.addi %mul3A_174, %add3A_261 : vector<16xi32>
      tpu.vector_store_idx %arg8[%add3A_262], %gather3A_258 : memref<23680xf32, #tpu.memory_space<vmem>>[vector<16xi32>], vector<16xf32>,
      %add3A_263 = arith.constant 128 : i32
      %add3A_264 = arith.addi %mul3A_176, %add3A_263 : i32
      %get3A_265 = arith.index_cast %add3A_264 : i32 to index
      %get3A_266 = tpu.vector_load %arg6[%get3A_265] {strides = array<i32>} : memref<23680xi32, #tpu.memory_space<vmem>>, vector<16xi32>,
      %add3A_267 = vector.broadcast %mul3A_105 : i32 to vector<16xi32>
      %add3A_268 = arith.addi %get3A_266, %add3A_267 : vector<16xi32>
      %gather3A_269 = tpu.vector_load_idx %arg5[%add3A_268] : memref<26544xf32, #tpu.memory_space<vmem>>[vector<16xi32>], vector<16xf32>,
      %add3A_270 = arith.constant 8 : i32
      %add3A_271 = arith.addi %mul3A_176, %add3A_270 : i32
      %add3A_272 = vector.broadcast %add3A_271 : i32 to vector<16xi32>
      %add3A_273 = arith.addi %mul3A_174, %add3A_272 : vector<16xi32>
      tpu.vector_store_idx %arg8[%add3A_273], %gather3A_269 : memref<23680xf32, #tpu.memory_space<vmem>>[vector<16xi32>], vector<16xf32>,
      %add3A_274 = arith.constant 144 : i32
      %add3A_275 = arith.addi %mul3A_176, %add3A_274 : i32
      %get3A_276 = arith.index_cast %add3A_275 : i32 to index
      %get3A_277 = tpu.vector_load %arg6[%get3A_276] {strides = array<i32>} : memref<23680xi32, #tpu.memory_space<vmem>>, vector<16xi32>,
      %add3A_278 = vector.broadcast %mul3A_105 : i32 to vector<16xi32>
      %add3A_279 = arith.addi %get3A_277, %add3A_278 : vector<16xi32>
      %gather3A_280 = tpu.vector_load_idx %arg5[%add3A_279] : memref<26544xf32, #tpu.memory_space<vmem>>[vector<16xi32>], vector<16xf32>,
      %add3A_281 = arith.constant 9 : i32
      %add3A_282 = arith.addi %mul3A_176, %add3A_281 : i32
      %add3A_283 = vector.broadcast %add3A_282 : i32 to vector<16xi32>
      %add3A_284 = arith.addi %mul3A_174, %add3A_283 : vector<16xi32>
      tpu.vector_store_idx %arg8[%add3A_284], %gather3A_280 : memref<23680xf32, #tpu.memory_space<vmem>>[vector<16xi32>], vector<16xf32>,
      %add3A_285 = arith.constant 160 : i32
      %add3A_286 = arith.addi %mul3A_176, %add3A_285 : i32
      %get3A_287 = arith.index_cast %add3A_286 : i32 to index
      %get3A_288 = tpu.vector_load %arg6[%get3A_287] {strides = array<i32>} : memref<23680xi32, #tpu.memory_space<vmem>>, vector<16xi32>,
      %add3A_289 = vector.broadcast %mul3A_105 : i32 to vector<16xi32>
      %add3A_290 = arith.addi %get3A_288, %add3A_289 : vector<16xi32>
      %gather3A_291 = tpu.vector_load_idx %arg5[%add3A_290] : memref<26544xf32, #tpu.memory_space<vmem>>[vector<16xi32>], vector<16xf32>,
      %add3A_292 = arith.constant 10 : i32
      %add3A_293 = arith.addi %mul3A_176, %add3A_292 : i32
      %add3A_294 = vector.broadcast %add3A_293 : i32 to vector<16xi32>
      %add3A_295 = arith.addi %mul3A_174, %add3A_294 : vector<16xi32>
      tpu.vector_store_idx %arg8[%add3A_295], %gather3A_291 : memref<23680xf32, #tpu.memory_space<vmem>>[vector<16xi32>], vector<16xf32>,
      %add3A_296 = arith.constant 176 : i32
      %add3A_297 = arith.addi %mul3A_176, %add3A_296 : i32
      %get3A_298 = arith.index_cast %add3A_297 : i32 to index
      %get3A_299 = tpu.vector_load %arg6[%get3A_298] {strides = array<i32>} : memref<23680xi32, #tpu.memory_space<vmem>>, vector<16xi32>,
      %add3A_300 = vector.broadcast %mul3A_105 : i32 to vector<16xi32>
      %add3A_301 = arith.addi %get3A_299, %add3A_300 : vector<16xi32>
      %gather3A_302 = tpu.vector_load_idx %arg5[%add3A_301] : memref<26544xf32, #tpu.memory_space<vmem>>[vector<16xi32>], vector<16xf32>,
      %add3A_303 = arith.constant 11 : i32
      %add3A_304 = arith.addi %mul3A_176, %add3A_303 : i32
      %add3A_305 = vector.broadcast %add3A_304 : i32 to vector<16xi32>
      %add3A_306 = arith.addi %mul3A_174, %add3A_305 : vector<16xi32>
      tpu.vector_store_idx %arg8[%add3A_306], %gather3A_302 : memref<23680xf32, #tpu.memory_space<vmem>>[vector<16xi32>], vector<16xf32>,
      %add3A_307 = arith.constant 192 : i32
      %add3A_308 = arith.addi %mul3A_176, %add3A_307 : i32
      %get3A_309 = arith.index_cast %add3A_308 : i32 to index
      %get3A_310 = tpu.vector_load %arg6[%get3A_309] {strides = array<i32>} : memref<23680xi32, #tpu.memory_space<vmem>>, vector<16xi32>,
      %add3A_311 = vector.broadcast %mul3A_105 : i32 to vector<16xi32>
      %add3A_312 = arith.addi %get3A_310, %add3A_311 : vector<16xi32>
      %gather3A_313 = tpu.vector_load_idx %arg5[%add3A_312] : memref<26544xf32, #tpu.memory_space<vmem>>[vector<16xi32>], vector<16xf32>,
      %add3A_314 = arith.constant 12 : i32
      %add3A_315 = arith.addi %mul3A_176, %add3A_314 : i32
      %add3A_316 = vector.broadcast %add3A_315 : i32 to vector<16xi32>
      %add3A_317 = arith.addi %mul3A_174, %add3A_316 : vector<16xi32>
      tpu.vector_store_idx %arg8[%add3A_317], %gather3A_313 : memref<23680xf32, #tpu.memory_space<vmem>>[vector<16xi32>], vector<16xf32>,
      %add3A_318 = arith.constant 208 : i32
      %add3A_319 = arith.addi %mul3A_176, %add3A_318 : i32
      %get3A_320 = arith.index_cast %add3A_319 : i32 to index
      %get3A_321 = tpu.vector_load %arg6[%get3A_320] {strides = array<i32>} : memref<23680xi32, #tpu.memory_space<vmem>>, vector<16xi32>,
      %add3A_322 = vector.broadcast %mul3A_105 : i32 to vector<16xi32>
      %add3A_323 = arith.addi %get3A_321, %add3A_322 : vector<16xi32>
      %gather3A_324 = tpu.vector_load_idx %arg5[%add3A_323] : memref<26544xf32, #tpu.memory_space<vmem>>[vector<16xi32>], vector<16xf32>,
      %add3A_325 = arith.constant 13 : i32
      %add3A_326 = arith.addi %mul3A_176, %add3A_325 : i32
      %add3A_327 = vector.broadcast %add3A_326 : i32 to vector<16xi32>
      %add3A_328 = arith.addi %mul3A_174, %add3A_327 : vector<16xi32>
      tpu.vector_store_idx %arg8[%add3A_328], %gather3A_324 : memref<23680xf32, #tpu.memory_space<vmem>>[vector<16xi32>], vector<16xf32>,
      %add3A_329 = arith.constant 224 : i32
      %add3A_330 = arith.addi %mul3A_176, %add3A_329 : i32
      %get3A_331 = arith.index_cast %add3A_330 : i32 to index
      %get3A_332 = tpu.vector_load %arg6[%get3A_331] {strides = array<i32>} : memref<23680xi32, #tpu.memory_space<vmem>>, vector<16xi32>,
      %add3A_333 = vector.broadcast %mul3A_105 : i32 to vector<16xi32>
      %add3A_334 = arith.addi %get3A_332, %add3A_333 : vector<16xi32>
      %gather3A_335 = tpu.vector_load_idx %arg5[%add3A_334] : memref<26544xf32, #tpu.memory_space<vmem>>[vector<16xi32>], vector<16xf32>,
      %add3A_336 = arith.constant 14 : i32
      %add3A_337 = arith.addi %mul3A_176, %add3A_336 : i32
      %add3A_338 = vector.broadcast %add3A_337 : i32 to vector<16xi32>
      %add3A_339 = arith.addi %mul3A_174, %add3A_338 : vector<16xi32>
      tpu.vector_store_idx %arg8[%add3A_339], %gather3A_335 : memref<23680xf32, #tpu.memory_space<vmem>>[vector<16xi32>], vector<16xf32>,
      %add3A_340 = arith.constant 240 : i32
      %add3A_341 = arith.addi %mul3A_176, %add3A_340 : i32
      %get3A_342 = arith.index_cast %add3A_341 : i32 to index
      %get3A_343 = tpu.vector_load %arg6[%get3A_342] {strides = array<i32>} : memref<23680xi32, #tpu.memory_space<vmem>>, vector<16xi32>,
      %add3A_344 = vector.broadcast %mul3A_105 : i32 to vector<16xi32>
      %add3A_345 = arith.addi %get3A_343, %add3A_344 : vector<16xi32>
      %gather3A_346 = tpu.vector_load_idx %arg5[%add3A_345] : memref<26544xf32, #tpu.memory_space<vmem>>[vector<16xi32>], vector<16xf32>,
      %add3A_347 = arith.constant 15 : i32
      %add3A_348 = arith.addi %mul3A_176, %add3A_347 : i32
      %add3A_349 = vector.broadcast %add3A_348 : i32 to vector<16xi32>
      %add3A_350 = arith.addi %mul3A_174, %add3A_349 : vector<16xi32>
      tpu.vector_store_idx %arg8[%add3A_350], %gather3A_346 : memref<23680xf32, #tpu.memory_space<vmem>>[vector<16xi32>], vector<16xf32>,
      %add3A_351 = arith.constant 256 : i32
      %add3A_352 = arith.addi %mul3A_176, %add3A_351 : i32
      %get3A_353 = arith.index_cast %add3A_352 : i32 to index
      %get3A_354 = tpu.vector_load %arg6[%get3A_353] {strides = array<i32>} : memref<23680xi32, #tpu.memory_space<vmem>>, vector<16xi32>,
      %add3A_355 = vector.broadcast %mul3A_105 : i32 to vector<16xi32>
      %add3A_356 = arith.addi %get3A_354, %add3A_355 : vector<16xi32>
      %gather3A_357 = tpu.vector_load_idx %arg5[%add3A_356] : memref<26544xf32, #tpu.memory_space<vmem>>[vector<16xi32>], vector<16xf32>,
      %add3A_358 = arith.constant 16 : i32
      %add3A_359 = arith.addi %mul3A_176, %add3A_358 : i32
      %add3A_360 = vector.broadcast %add3A_359 : i32 to vector<16xi32>
      %add3A_361 = arith.addi %mul3A_174, %add3A_360 : vector<16xi32>
      tpu.vector_store_idx %arg8[%add3A_361], %gather3A_357 : memref<23680xf32, #tpu.memory_space<vmem>>[vector<16xi32>], vector<16xf32>,
      %add3A_362 = arith.constant 272 : i32
      %add3A_363 = arith.addi %mul3A_176, %add3A_362 : i32
      %get3A_364 = arith.index_cast %add3A_363 : i32 to index
      %get3A_365 = tpu.vector_load %arg6[%get3A_364] {strides = array<i32>} : memref<23680xi32, #tpu.memory_space<vmem>>, vector<16xi32>,
      %add3A_366 = vector.broadcast %mul3A_105 : i32 to vector<16xi32>
      %add3A_367 = arith.addi %get3A_365, %add3A_366 : vector<16xi32>
      %gather3A_368 = tpu.vector_load_idx %arg5[%add3A_367] : memref<26544xf32, #tpu.memory_space<vmem>>[vector<16xi32>], vector<16xf32>,
      %add3A_369 = arith.constant 17 : i32
      %add3A_370 = arith.addi %mul3A_176, %add3A_369 : i32
      %add3A_371 = vector.broadcast %add3A_370 : i32 to vector<16xi32>
      %add3A_372 = arith.addi %mul3A_174, %add3A_371 : vector<16xi32>
      tpu.vector_store_idx %arg8[%add3A_372], %gather3A_368 : memref<23680xf32, #tpu.memory_space<vmem>>[vector<16xi32>], vector<16xf32>,
      %add3A_373 = arith.constant 288 : i32
      %add3A_374 = arith.addi %mul3A_176, %add3A_373 : i32
      %get3A_375 = arith.index_cast %add3A_374 : i32 to index
      %get3A_376 = tpu.vector_load %arg6[%get3A_375] {strides = array<i32>} : memref<23680xi32, #tpu.memory_space<vmem>>, vector<16xi32>,
      %add3A_377 = vector.broadcast %mul3A_105 : i32 to vector<16xi32>
      %add3A_378 = arith.addi %get3A_376, %add3A_377 : vector<16xi32>
      %gather3A_379 = tpu.vector_load_idx %arg5[%add3A_378] : memref<26544xf32, #tpu.memory_space<vmem>>[vector<16xi32>], vector<16xf32>,
      %add3A_380 = arith.constant 18 : i32
      %add3A_381 = arith.addi %mul3A_176, %add3A_380 : i32
      %add3A_382 = vector.broadcast %add3A_381 : i32 to vector<16xi32>
      %add3A_383 = arith.addi %mul3A_174, %add3A_382 : vector<16xi32>
      tpu.vector_store_idx %arg8[%add3A_383], %gather3A_379 : memref<23680xf32, #tpu.memory_space<vmem>>[vector<16xi32>], vector<16xf32>,
      %add3A_384 = arith.constant 304 : i32
      %add3A_385 = arith.addi %mul3A_176, %add3A_384 : i32
      %get3A_386 = arith.index_cast %add3A_385 : i32 to index
      %get3A_387 = tpu.vector_load %arg6[%get3A_386] {strides = array<i32>} : memref<23680xi32, #tpu.memory_space<vmem>>, vector<16xi32>,
      %add3A_388 = vector.broadcast %mul3A_105 : i32 to vector<16xi32>
      %add3A_389 = arith.addi %get3A_387, %add3A_388 : vector<16xi32>
      %gather3A_390 = tpu.vector_load_idx %arg5[%add3A_389] : memref<26544xf32, #tpu.memory_space<vmem>>[vector<16xi32>], vector<16xf32>,
      %add3A_391 = arith.constant 19 : i32
      %add3A_392 = arith.addi %mul3A_176, %add3A_391 : i32
      %add3A_393 = vector.broadcast %add3A_392 : i32 to vector<16xi32>
      %add3A_394 = arith.addi %mul3A_174, %add3A_393 : vector<16xi32>
      tpu.vector_store_idx %arg8[%add3A_394], %gather3A_390 : memref<23680xf32, #tpu.memory_space<vmem>>[vector<16xi32>], vector<16xf32>,
      %add3A_395 = arith.constant 320 : i32
      %add3A_396 = arith.addi %mul3A_176, %add3A_395 : i32
      %get3A_397 = arith.index_cast %add3A_396 : i32 to index
      %get3A_398 = tpu.vector_load %arg6[%get3A_397] {strides = array<i32>} : memref<23680xi32, #tpu.memory_space<vmem>>, vector<16xi32>,
      %add3A_399 = vector.broadcast %mul3A_105 : i32 to vector<16xi32>
      %add3A_400 = arith.addi %get3A_398, %add3A_399 : vector<16xi32>
      %gather3A_401 = tpu.vector_load_idx %arg5[%add3A_400] : memref<26544xf32, #tpu.memory_space<vmem>>[vector<16xi32>], vector<16xf32>,
      %add3A_402 = arith.constant 20 : i32
      %add3A_403 = arith.addi %mul3A_176, %add3A_402 : i32
      %add3A_404 = vector.broadcast %add3A_403 : i32 to vector<16xi32>
      %add3A_405 = arith.addi %mul3A_174, %add3A_404 : vector<16xi32>
      tpu.vector_store_idx %arg8[%add3A_405], %gather3A_401 : memref<23680xf32, #tpu.memory_space<vmem>>[vector<16xi32>], vector<16xf32>,
      %add3A_406 = arith.constant 336 : i32
      %add3A_407 = arith.addi %mul3A_176, %add3A_406 : i32
      %get3A_408 = arith.index_cast %add3A_407 : i32 to index
      %get3A_409 = tpu.vector_load %arg6[%get3A_408] {strides = array<i32>} : memref<23680xi32, #tpu.memory_space<vmem>>, vector<16xi32>,
      %add3A_410 = vector.broadcast %mul3A_105 : i32 to vector<16xi32>
      %add3A_411 = arith.addi %get3A_409, %add3A_410 : vector<16xi32>
      %gather3A_412 = tpu.vector_load_idx %arg5[%add3A_411] : memref<26544xf32, #tpu.memory_space<vmem>>[vector<16xi32>], vector<16xf32>,
      %add3A_413 = arith.constant 21 : i32
      %add3A_414 = arith.addi %mul3A_176, %add3A_413 : i32
      %add3A_415 = vector.broadcast %add3A_414 : i32 to vector<16xi32>
      %add3A_416 = arith.addi %mul3A_174, %add3A_415 : vector<16xi32>
      tpu.vector_store_idx %arg8[%add3A_416], %gather3A_412 : memref<23680xf32, #tpu.memory_space<vmem>>[vector<16xi32>], vector<16xf32>,
      %add3A_417 = arith.constant 352 : i32
      %add3A_418 = arith.addi %mul3A_176, %add3A_417 : i32
      %get3A_419 = arith.index_cast %add3A_418 : i32 to index
      %get3A_420 = tpu.vector_load %arg6[%get3A_419] {strides = array<i32>} : memref<23680xi32, #tpu.memory_space<vmem>>, vector<16xi32>,
      %add3A_421 = vector.broadcast %mul3A_105 : i32 to vector<16xi32>
      %add3A_422 = arith.addi %get3A_420, %add3A_421 : vector<16xi32>
      %gather3A_423 = tpu.vector_load_idx %arg5[%add3A_422] : memref<26544xf32, #tpu.memory_space<vmem>>[vector<16xi32>], vector<16xf32>,
      %add3A_424 = arith.constant 22 : i32
      %add3A_425 = arith.addi %mul3A_176, %add3A_424 : i32
      %add3A_426 = vector.broadcast %add3A_425 : i32 to vector<16xi32>
      %add3A_427 = arith.addi %mul3A_174, %add3A_426 : vector<16xi32>
      tpu.vector_store_idx %arg8[%add3A_427], %gather3A_423 : memref<23680xf32, #tpu.memory_space<vmem>>[vector<16xi32>], vector<16xf32>,
      %add3A_428 = arith.constant 368 : i32
      %add3A_429 = arith.addi %mul3A_176, %add3A_428 : i32
      %get3A_430 = arith.index_cast %add3A_429 : i32 to index
      %get3A_431 = tpu.vector_load %arg6[%get3A_430] {strides = array<i32>} : memref<23680xi32, #tpu.memory_space<vmem>>, vector<16xi32>,
      %add3A_432 = vector.broadcast %mul3A_105 : i32 to vector<16xi32>
      %add3A_433 = arith.addi %get3A_431, %add3A_432 : vector<16xi32>
      %gather3A_434 = tpu.vector_load_idx %arg5[%add3A_433] : memref<26544xf32, #tpu.memory_space<vmem>>[vector<16xi32>], vector<16xf32>,
      %add3A_435 = arith.constant 23 : i32
      %add3A_436 = arith.addi %mul3A_176, %add3A_435 : i32
      %add3A_437 = vector.broadcast %add3A_436 : i32 to vector<16xi32>
      %add3A_438 = arith.addi %mul3A_174, %add3A_437 : vector<16xi32>
      tpu.vector_store_idx %arg8[%add3A_438], %gather3A_434 : memref<23680xf32, #tpu.memory_space<vmem>>[vector<16xi32>], vector<16xf32>,
      %add3A_439 = arith.constant 384 : i32
      %add3A_440 = arith.addi %mul3A_176, %add3A_439 : i32
      %get3A_441 = arith.index_cast %add3A_440 : i32 to index
      %get3A_442 = tpu.vector_load %arg6[%get3A_441] {strides = array<i32>} : memref<23680xi32, #tpu.memory_space<vmem>>, vector<16xi32>,
      %add3A_443 = vector.broadcast %mul3A_105 : i32 to vector<16xi32>
      %add3A_444 = arith.addi %get3A_442, %add3A_443 : vector<16xi32>
      %gather3A_445 = tpu.vector_load_idx %arg5[%add3A_444] : memref<26544xf32, #tpu.memory_space<vmem>>[vector<16xi32>], vector<16xf32>,
      %add3A_446 = arith.constant 24 : i32
      %add3A_447 = arith.addi %mul3A_176, %add3A_446 : i32
      %add3A_448 = vector.broadcast %add3A_447 : i32 to vector<16xi32>
      %add3A_449 = arith.addi %mul3A_174, %add3A_448 : vector<16xi32>
      tpu.vector_store_idx %arg8[%add3A_449], %gather3A_445 : memref<23680xf32, #tpu.memory_space<vmem>>[vector<16xi32>], vector<16xf32>,
      %add3A_450 = arith.constant 400 : i32
      %add3A_451 = arith.addi %mul3A_176, %add3A_450 : i32
      %get3A_452 = arith.index_cast %add3A_451 : i32 to index
      %get3A_453 = tpu.vector_load %arg6[%get3A_452] {strides = array<i32>} : memref<23680xi32, #tpu.memory_space<vmem>>, vector<16xi32>,
      %add3A_454 = vector.broadcast %mul3A_105 : i32 to vector<16xi32>
      %add3A_455 = arith.addi %get3A_453, %add3A_454 : vector<16xi32>
      %gather3A_456 = tpu.vector_load_idx %arg5[%add3A_455] : memref<26544xf32, #tpu.memory_space<vmem>>[vector<16xi32>], vector<16xf32>,
      %add3A_457 = arith.constant 25 : i32
      %add3A_458 = arith.addi %mul3A_176, %add3A_457 : i32
      %add3A_459 = vector.broadcast %add3A_458 : i32 to vector<16xi32>
      %add3A_460 = arith.addi %mul3A_174, %add3A_459 : vector<16xi32>
      tpu.vector_store_idx %arg8[%add3A_460], %gather3A_456 : memref<23680xf32, #tpu.memory_space<vmem>>[vector<16xi32>], vector<16xf32>,
      %add3A_461 = arith.constant 416 : i32
      %add3A_462 = arith.addi %mul3A_176, %add3A_461 : i32
      %get3A_463 = arith.index_cast %add3A_462 : i32 to index
      %get3A_464 = tpu.vector_load %arg6[%get3A_463] {strides = array<i32>} : memref<23680xi32, #tpu.memory_space<vmem>>, vector<16xi32>,
      %add3A_465 = vector.broadcast %mul3A_105 : i32 to vector<16xi32>
      %add3A_466 = arith.addi %get3A_464, %add3A_465 : vector<16xi32>
      %gather3A_467 = tpu.vector_load_idx %arg5[%add3A_466] : memref<26544xf32, #tpu.memory_space<vmem>>[vector<16xi32>], vector<16xf32>,
      %add3A_468 = arith.constant 26 : i32
      %add3A_469 = arith.addi %mul3A_176, %add3A_468 : i32
      %add3A_470 = vector.broadcast %add3A_469 : i32 to vector<16xi32>
      %add3A_471 = arith.addi %mul3A_174, %add3A_470 : vector<16xi32>
      tpu.vector_store_idx %arg8[%add3A_471], %gather3A_467 : memref<23680xf32, #tpu.memory_space<vmem>>[vector<16xi32>], vector<16xf32>,
      %add3A_472 = arith.constant 432 : i32
      %add3A_473 = arith.addi %mul3A_176, %add3A_472 : i32
      %get3A_474 = arith.index_cast %add3A_473 : i32 to index
      %get3A_475 = tpu.vector_load %arg6[%get3A_474] {strides = array<i32>} : memref<23680xi32, #tpu.memory_space<vmem>>, vector<16xi32>,
      %add3A_476 = vector.broadcast %mul3A_105 : i32 to vector<16xi32>
      %add3A_477 = arith.addi %get3A_475, %add3A_476 : vector<16xi32>
      %gather3A_478 = tpu.vector_load_idx %arg5[%add3A_477] : memref<26544xf32, #tpu.memory_space<vmem>>[vector<16xi32>], vector<16xf32>,
      %add3A_479 = arith.constant 27 : i32
      %add3A_480 = arith.addi %mul3A_176, %add3A_479 : i32
      %add3A_481 = vector.broadcast %add3A_480 : i32 to vector<16xi32>
      %add3A_482 = arith.addi %mul3A_174, %add3A_481 : vector<16xi32>
      tpu.vector_store_idx %arg8[%add3A_482], %gather3A_478 : memref<23680xf32, #tpu.memory_space<vmem>>[vector<16xi32>], vector<16xf32>,
      %add3A_483 = arith.constant 448 : i32
      %add3A_484 = arith.addi %mul3A_176, %add3A_483 : i32
      %get3A_485 = arith.index_cast %add3A_484 : i32 to index
      %get3A_486 = tpu.vector_load %arg6[%get3A_485] {strides = array<i32>} : memref<23680xi32, #tpu.memory_space<vmem>>, vector<16xi32>,
      %add3A_487 = vector.broadcast %mul3A_105 : i32 to vector<16xi32>
      %add3A_488 = arith.addi %get3A_486, %add3A_487 : vector<16xi32>
      %gather3A_489 = tpu.vector_load_idx %arg5[%add3A_488] : memref<26544xf32, #tpu.memory_space<vmem>>[vector<16xi32>], vector<16xf32>,
      %add3A_490 = arith.constant 28 : i32
      %add3A_491 = arith.addi %mul3A_176, %add3A_490 : i32
      %add3A_492 = vector.broadcast %add3A_491 : i32 to vector<16xi32>
      %add3A_493 = arith.addi %mul3A_174, %add3A_492 : vector<16xi32>
      tpu.vector_store_idx %arg8[%add3A_493], %gather3A_489 : memref<23680xf32, #tpu.memory_space<vmem>>[vector<16xi32>], vector<16xf32>,
      %add3A_494 = arith.constant 464 : i32
      %add3A_495 = arith.addi %mul3A_176, %add3A_494 : i32
      %get3A_496 = arith.index_cast %add3A_495 : i32 to index
      %get3A_497 = tpu.vector_load %arg6[%get3A_496] {strides = array<i32>} : memref<23680xi32, #tpu.memory_space<vmem>>, vector<16xi32>,
      %add3A_498 = vector.broadcast %mul3A_105 : i32 to vector<16xi32>
      %add3A_499 = arith.addi %get3A_497, %add3A_498 : vector<16xi32>
      %gather3A_500 = tpu.vector_load_idx %arg5[%add3A_499] : memref<26544xf32, #tpu.memory_space<vmem>>[vector<16xi32>], vector<16xf32>,
      %add3A_501 = arith.constant 29 : i32
      %add3A_502 = arith.addi %mul3A_176, %add3A_501 : i32
      %add3A_503 = vector.broadcast %add3A_502 : i32 to vector<16xi32>
      %add3A_504 = arith.addi %mul3A_174, %add3A_503 : vector<16xi32>
      tpu.vector_store_idx %arg8[%add3A_504], %gather3A_500 : memref<23680xf32, #tpu.memory_space<vmem>>[vector<16xi32>], vector<16xf32>,
      %add3A_505 = arith.constant 480 : i32
      %add3A_506 = arith.addi %mul3A_176, %add3A_505 : i32
      %get3A_507 = arith.index_cast %add3A_506 : i32 to index
      %get3A_508 = tpu.vector_load %arg6[%get3A_507] {strides = array<i32>} : memref<23680xi32, #tpu.memory_space<vmem>>, vector<16xi32>,
      %add3A_509 = vector.broadcast %mul3A_105 : i32 to vector<16xi32>
      %add3A_510 = arith.addi %get3A_508, %add3A_509 : vector<16xi32>
      %gather3A_511 = tpu.vector_load_idx %arg5[%add3A_510] : memref<26544xf32, #tpu.memory_space<vmem>>[vector<16xi32>], vector<16xf32>,
      %add3A_512 = arith.constant 30 : i32
      %add3A_513 = arith.addi %mul3A_176, %add3A_512 : i32
      %add3A_514 = vector.broadcast %add3A_513 : i32 to vector<16xi32>
      %add3A_515 = arith.addi %mul3A_174, %add3A_514 : vector<16xi32>
      tpu.vector_store_idx %arg8[%add3A_515], %gather3A_511 : memref<23680xf32, #tpu.memory_space<vmem>>[vector<16xi32>], vector<16xf32>,
      %add3A_516 = arith.constant 496 : i32
      %add3A_517 = arith.addi %mul3A_176, %add3A_516 : i32
      %get3A_518 = arith.index_cast %add3A_517 : i32 to index
      %get3A_519 = tpu.vector_load %arg6[%get3A_518] {strides = array<i32>} : memref<23680xi32, #tpu.memory_space<vmem>>, vector<16xi32>,
      %add3A_520 = vector.broadcast %mul3A_105 : i32 to vector<16xi32>
      %add3A_521 = arith.addi %get3A_519, %add3A_520 : vector<16xi32>
      %gather3A_522 = tpu.vector_load_idx %arg5[%add3A_521] : memref<26544xf32, #tpu.memory_space<vmem>>[vector<16xi32>], vector<16xf32>,
      %add3A_523 = arith.constant 31 : i32
      %add3A_524 = arith.addi %mul3A_176, %add3A_523 : i32
      %add3A_525 = vector.broadcast %add3A_524 : i32 to vector<16xi32>
      %add3A_526 = arith.addi %mul3A_174, %add3A_525 : vector<16xi32>
      tpu.vector_store_idx %arg8[%add3A_526], %gather3A_522 : memref<23680xf32, #tpu.memory_space<vmem>>[vector<16xi32>], vector<16xf32>,
      %add3A_527 = arith.constant 512 : i32
      %add3A_528 = arith.addi %mul3A_176, %add3A_527 : i32
      %get3A_529 = arith.index_cast %add3A_528 : i32 to index
      %get3A_530 = tpu.vector_load %arg6[%get3A_529] {strides = array<i32>} : memref<23680xi32, #tpu.memory_space<vmem>>, vector<16xi32>,
      %add3A_531 = vector.broadcast %mul3A_105 : i32 to vector<16xi32>
      %add3A_532 = arith.addi %get3A_530, %add3A_531 : vector<16xi32>
      %gather3A_533 = tpu.vector_load_idx %arg5[%add3A_532] : memref<26544xf32, #tpu.memory_space<vmem>>[vector<16xi32>], vector<16xf32>,
      %add3A_534 = arith.constant 32 : i32
      %add3A_535 = arith.addi %mul3A_176, %add3A_534 : i32
      %add3A_536 = vector.broadcast %add3A_535 : i32 to vector<16xi32>
      %add3A_537 = arith.addi %mul3A_174, %add3A_536 : vector<16xi32>
      tpu.vector_store_idx %arg8[%add3A_537], %gather3A_533 : memref<23680xf32, #tpu.memory_space<vmem>>[vector<16xi32>], vector<16xf32>,
      %add3A_538 = arith.constant 528 : i32
      %add3A_539 = arith.addi %mul3A_176, %add3A_538 : i32
      %get3A_540 = arith.index_cast %add3A_539 : i32 to index
      %get3A_541 = tpu.vector_load %arg6[%get3A_540] {strides = array<i32>} : memref<23680xi32, #tpu.memory_space<vmem>>, vector<16xi32>,
      %add3A_542 = vector.broadcast %mul3A_105 : i32 to vector<16xi32>
      %add3A_543 = arith.addi %get3A_541, %add3A_542 : vector<16xi32>
      %gather3A_544 = tpu.vector_load_idx %arg5[%add3A_543] : memref<26544xf32, #tpu.memory_space<vmem>>[vector<16xi32>], vector<16xf32>,
      %add3A_545 = arith.constant 33 : i32
      %add3A_546 = arith.addi %mul3A_176, %add3A_545 : i32
      %add3A_547 = vector.broadcast %add3A_546 : i32 to vector<16xi32>
      %add3A_548 = arith.addi %mul3A_174, %add3A_547 : vector<16xi32>
      tpu.vector_store_idx %arg8[%add3A_548], %gather3A_544 : memref<23680xf32, #tpu.memory_space<vmem>>[vector<16xi32>], vector<16xf32>,
      %add3A_549 = arith.constant 544 : i32
      %add3A_550 = arith.addi %mul3A_176, %add3A_549 : i32
      %get3A_551 = arith.index_cast %add3A_550 : i32 to index
      %get3A_552 = tpu.vector_load %arg6[%get3A_551] {strides = array<i32>} : memref<23680xi32, #tpu.memory_space<vmem>>, vector<16xi32>,
      %add3A_553 = vector.broadcast %mul3A_105 : i32 to vector<16xi32>
      %add3A_554 = arith.addi %get3A_552, %add3A_553 : vector<16xi32>
      %gather3A_555 = tpu.vector_load_idx %arg5[%add3A_554] : memref<26544xf32, #tpu.memory_space<vmem>>[vector<16xi32>], vector<16xf32>,
      %add3A_556 = arith.constant 34 : i32
      %add3A_557 = arith.addi %mul3A_176, %add3A_556 : i32
      %add3A_558 = vector.broadcast %add3A_557 : i32 to vector<16xi32>
      %add3A_559 = arith.addi %mul3A_174, %add3A_558 : vector<16xi32>
      tpu.vector_store_idx %arg8[%add3A_559], %gather3A_555 : memref<23680xf32, #tpu.memory_space<vmem>>[vector<16xi32>], vector<16xf32>,
      %add3A_560 = arith.constant 560 : i32
      %add3A_561 = arith.addi %mul3A_176, %add3A_560 : i32
      %get3A_562 = arith.index_cast %add3A_561 : i32 to index
      %get3A_563 = tpu.vector_load %arg6[%get3A_562] {strides = array<i32>} : memref<23680xi32, #tpu.memory_space<vmem>>, vector<16xi32>,
      %add3A_564 = vector.broadcast %mul3A_105 : i32 to vector<16xi32>
      %add3A_565 = arith.addi %get3A_563, %add3A_564 : vector<16xi32>
      %gather3A_566 = tpu.vector_load_idx %arg5[%add3A_565] : memref<26544xf32, #tpu.memory_space<vmem>>[vector<16xi32>], vector<16xf32>,
      %add3A_567 = arith.constant 35 : i32
      %add3A_568 = arith.addi %mul3A_176, %add3A_567 : i32
      %add3A_569 = vector.broadcast %add3A_568 : i32 to vector<16xi32>
      %add3A_570 = arith.addi %mul3A_174, %add3A_569 : vector<16xi32>
      tpu.vector_store_idx %arg8[%add3A_570], %gather3A_566 : memref<23680xf32, #tpu.memory_space<vmem>>[vector<16xi32>], vector<16xf32>,
      %add3A_571 = arith.constant 576 : i32
      %add3A_572 = arith.addi %mul3A_176, %add3A_571 : i32
      %get3A_573 = arith.index_cast %add3A_572 : i32 to index
      %get3A_574 = tpu.vector_load %arg6[%get3A_573] {strides = array<i32>} : memref<23680xi32, #tpu.memory_space<vmem>>, vector<16xi32>,
      %add3A_575 = vector.broadcast %mul3A_105 : i32 to vector<16xi32>
      %add3A_576 = arith.addi %get3A_574, %add3A_575 : vector<16xi32>
      %gather3A_577 = tpu.vector_load_idx %arg5[%add3A_576] : memref<26544xf32, #tpu.memory_space<vmem>>[vector<16xi32>], vector<16xf32>,
      %add3A_578 = arith.constant 36 : i32
      %add3A_579 = arith.addi %mul3A_176, %add3A_578 : i32
      %add3A_580 = vector.broadcast %add3A_579 : i32 to vector<16xi32>
      %add3A_581 = arith.addi %mul3A_174, %add3A_580 : vector<16xi32>
      tpu.vector_store_idx %arg8[%add3A_581], %gather3A_577 : memref<23680xf32, #tpu.memory_space<vmem>>[vector<16xi32>], vector<16xf32>,
      %scan3A_582 = arith.constant 0 : i32
      scf.yield %scan3A_582 : i32
    }
    %scan3A_112 = arith.constant 40 : i32
    %add3A_113 = arith.constant 3 : i32
    %add3A_114 = arith.addi %mul3A_34, %add3A_113 : i32
    %mul3A_115 = arith.constant 16 : i32
    %mul3A_116 = arith.muli %add3A_114, %mul3A_115 : i32
    %add3A_117 = arith.addi %mul3A_116, %select_n3A_30 : i32
    %mul3A_118 = arith.constant 23680 : i32
    %mul3A_119 = arith.muli %add3A_117, %mul3A_118 : i32
    %dma_start3A_120 = tpu.memref_slice %arg4[%mul3A_119] : memref<4546560xf32, #tpu.memory_space<hbm>> -> memref<23680xf32, #tpu.memory_space<hbm>>
    %dma_start3A_121 = tpu.memref_slice %arg4[%mul3A_119] : memref<4546560xf32, #tpu.memory_space<hbm>> -> memref<23680xf32, #tpu.memory_space<hbm>>
    tpu.enqueue_dma source(%arg8 : memref<23680xf32, #tpu.memory_space<vmem>>) target(%dma_start3A_121 : memref<23680xf32, #tpu.memory_space<hbm>>) target_semaphore(%arg12 : memref<!tpu.dma_semaphore, #tpu.memory_space<semaphore_mem>>)
    %dma_wait3A_122 = tpu.memref_slice %arg4[%mul3A_97] : memref<4546560xf32, #tpu.memory_space<hbm>> -> memref<23680xf32, #tpu.memory_space<hbm>>
    %dma_wait3A_123 = tpu.memref_slice %arg4[%mul3A_97] : memref<4546560xf32, #tpu.memory_space<hbm>> -> memref<23680xf32, #tpu.memory_space<hbm>>
    tpu.wait_dma2 semaphore(%arg11 : memref<!tpu.dma_semaphore, #tpu.memory_space<semaphore_mem>>) src(%arg7 : memref<23680xf32, #tpu.memory_space<vmem>>) dst(%dma_wait3A_123 : memref<23680xf32, #tpu.memory_space<hbm>>)
    %add3A_124 = arith.constant 4 : i32
    %add3A_125 = arith.addi %mul3A_34, %add3A_124 : i32
    %mul3A_126 = arith.constant 2212 : i32
    %mul3A_127 = arith.muli %add3A_125, %mul3A_126 : i32
    %scan3A_128 = arith.constant 0 : i32
    %scan3A_129 = arith.constant 0 : i32
    %scan3A_130 = arith.constant 40 : i32
    %scan3A_131 = arith.addi %scan3A_129, %scan3A_130 : i32
    %scan3A_132 = arith.constant 1 : i32
    %scan3A_133 = scf.for %scan3A_170 = %scan3A_129 to %scan3A_131 step %scan3A_132 iter_args(%scan3A_171 = %scan3A_128) -> (i32)  : i32 {
      %iota3A = tpu.iota {dimensions = array<i32: 0>} : vector<16xi32>
      %mul3A_172 = arith.constant 37 : i32
      %mul3A_173 = vector.broadcast %mul3A_172 : i32 to vector<16xi32>
      %mul3A_174 = arith.muli %iota3A, %mul3A_173 : vector<16xi32>
      %mul3A_175 = arith.constant 592 : i32
      %mul3A_176 = arith.muli %scan3A_170, %mul3A_175 : i32
      %add3A_177 = arith.constant 0 : i32
      %add3A_178 = arith.addi %mul3A_176, %add3A_177 : i32
      %get3A = arith.index_cast %add3A_178 : i32 to index
      %get3A_179 = tpu.vector_load %arg6[%get3A] {strides = array<i32>} : memref<23680xi32, #tpu.memory_space<vmem>>, vector<16xi32>,
      %add3A_180 = vector.broadcast %mul3A_127 : i32 to vector<16xi32>
      %add3A_181 = arith.addi %get3A_179, %add3A_180 : vector<16xi32>
      %gather3A = tpu.vector_load_idx %arg5[%add3A_181] : memref<26544xf32, #tpu.memory_space<vmem>>[vector<16xi32>], vector<16xf32>,
      %add3A_182 = arith.constant 0 : i32
      %add3A_183 = arith.addi %mul3A_176, %add3A_182 : i32
      %add3A_184 = vector.broadcast %add3A_183 : i32 to vector<16xi32>
      %add3A_185 = arith.addi %mul3A_174, %add3A_184 : vector<16xi32>
      tpu.vector_store_idx %arg7[%add3A_185], %gather3A : memref<23680xf32, #tpu.memory_space<vmem>>[vector<16xi32>], vector<16xf32>,
      %add3A_186 = arith.constant 16 : i32
      %add3A_187 = arith.addi %mul3A_176, %add3A_186 : i32
      %get3A_188 = arith.index_cast %add3A_187 : i32 to index
      %get3A_189 = tpu.vector_load %arg6[%get3A_188] {strides = array<i32>} : memref<23680xi32, #tpu.memory_space<vmem>>, vector<16xi32>,
      %add3A_190 = vector.broadcast %mul3A_127 : i32 to vector<16xi32>
      %add3A_191 = arith.addi %get3A_189, %add3A_190 : vector<16xi32>
      %gather3A_192 = tpu.vector_load_idx %arg5[%add3A_191] : memref<26544xf32, #tpu.memory_space<vmem>>[vector<16xi32>], vector<16xf32>,
      %add3A_193 = arith.constant 1 : i32
      %add3A_194 = arith.addi %mul3A_176, %add3A_193 : i32
      %add3A_195 = vector.broadcast %add3A_194 : i32 to vector<16xi32>
      %add3A_196 = arith.addi %mul3A_174, %add3A_195 : vector<16xi32>
      tpu.vector_store_idx %arg7[%add3A_196], %gather3A_192 : memref<23680xf32, #tpu.memory_space<vmem>>[vector<16xi32>], vector<16xf32>,
      %add3A_197 = arith.constant 32 : i32
      %add3A_198 = arith.addi %mul3A_176, %add3A_197 : i32
      %get3A_199 = arith.index_cast %add3A_198 : i32 to index
      %get3A_200 = tpu.vector_load %arg6[%get3A_199] {strides = array<i32>} : memref<23680xi32, #tpu.memory_space<vmem>>, vector<16xi32>,
      %add3A_201 = vector.broadcast %mul3A_127 : i32 to vector<16xi32>
      %add3A_202 = arith.addi %get3A_200, %add3A_201 : vector<16xi32>
      %gather3A_203 = tpu.vector_load_idx %arg5[%add3A_202] : memref<26544xf32, #tpu.memory_space<vmem>>[vector<16xi32>], vector<16xf32>,
      %add3A_204 = arith.constant 2 : i32
      %add3A_205 = arith.addi %mul3A_176, %add3A_204 : i32
      %add3A_206 = vector.broadcast %add3A_205 : i32 to vector<16xi32>
      %add3A_207 = arith.addi %mul3A_174, %add3A_206 : vector<16xi32>
      tpu.vector_store_idx %arg7[%add3A_207], %gather3A_203 : memref<23680xf32, #tpu.memory_space<vmem>>[vector<16xi32>], vector<16xf32>,
      %add3A_208 = arith.constant 48 : i32
      %add3A_209 = arith.addi %mul3A_176, %add3A_208 : i32
      %get3A_210 = arith.index_cast %add3A_209 : i32 to index
      %get3A_211 = tpu.vector_load %arg6[%get3A_210] {strides = array<i32>} : memref<23680xi32, #tpu.memory_space<vmem>>, vector<16xi32>,
      %add3A_212 = vector.broadcast %mul3A_127 : i32 to vector<16xi32>
      %add3A_213 = arith.addi %get3A_211, %add3A_212 : vector<16xi32>
      %gather3A_214 = tpu.vector_load_idx %arg5[%add3A_213] : memref<26544xf32, #tpu.memory_space<vmem>>[vector<16xi32>], vector<16xf32>,
      %add3A_215 = arith.constant 3 : i32
      %add3A_216 = arith.addi %mul3A_176, %add3A_215 : i32
      %add3A_217 = vector.broadcast %add3A_216 : i32 to vector<16xi32>
      %add3A_218 = arith.addi %mul3A_174, %add3A_217 : vector<16xi32>
      tpu.vector_store_idx %arg7[%add3A_218], %gather3A_214 : memref<23680xf32, #tpu.memory_space<vmem>>[vector<16xi32>], vector<16xf32>,
      %add3A_219 = arith.constant 64 : i32
      %add3A_220 = arith.addi %mul3A_176, %add3A_219 : i32
      %get3A_221 = arith.index_cast %add3A_220 : i32 to index
      %get3A_222 = tpu.vector_load %arg6[%get3A_221] {strides = array<i32>} : memref<23680xi32, #tpu.memory_space<vmem>>, vector<16xi32>,
      %add3A_223 = vector.broadcast %mul3A_127 : i32 to vector<16xi32>
      %add3A_224 = arith.addi %get3A_222, %add3A_223 : vector<16xi32>
      %gather3A_225 = tpu.vector_load_idx %arg5[%add3A_224] : memref<26544xf32, #tpu.memory_space<vmem>>[vector<16xi32>], vector<16xf32>,
      %add3A_226 = arith.constant 4 : i32
      %add3A_227 = arith.addi %mul3A_176, %add3A_226 : i32
      %add3A_228 = vector.broadcast %add3A_227 : i32 to vector<16xi32>
      %add3A_229 = arith.addi %mul3A_174, %add3A_228 : vector<16xi32>
      tpu.vector_store_idx %arg7[%add3A_229], %gather3A_225 : memref<23680xf32, #tpu.memory_space<vmem>>[vector<16xi32>], vector<16xf32>,
      %add3A_230 = arith.constant 80 : i32
      %add3A_231 = arith.addi %mul3A_176, %add3A_230 : i32
      %get3A_232 = arith.index_cast %add3A_231 : i32 to index
      %get3A_233 = tpu.vector_load %arg6[%get3A_232] {strides = array<i32>} : memref<23680xi32, #tpu.memory_space<vmem>>, vector<16xi32>,
      %add3A_234 = vector.broadcast %mul3A_127 : i32 to vector<16xi32>
      %add3A_235 = arith.addi %get3A_233, %add3A_234 : vector<16xi32>
      %gather3A_236 = tpu.vector_load_idx %arg5[%add3A_235] : memref<26544xf32, #tpu.memory_space<vmem>>[vector<16xi32>], vector<16xf32>,
      %add3A_237 = arith.constant 5 : i32
      %add3A_238 = arith.addi %mul3A_176, %add3A_237 : i32
      %add3A_239 = vector.broadcast %add3A_238 : i32 to vector<16xi32>
      %add3A_240 = arith.addi %mul3A_174, %add3A_239 : vector<16xi32>
      tpu.vector_store_idx %arg7[%add3A_240], %gather3A_236 : memref<23680xf32, #tpu.memory_space<vmem>>[vector<16xi32>], vector<16xf32>,
      %add3A_241 = arith.constant 96 : i32
      %add3A_242 = arith.addi %mul3A_176, %add3A_241 : i32
      %get3A_243 = arith.index_cast %add3A_242 : i32 to index
      %get3A_244 = tpu.vector_load %arg6[%get3A_243] {strides = array<i32>} : memref<23680xi32, #tpu.memory_space<vmem>>, vector<16xi32>,
      %add3A_245 = vector.broadcast %mul3A_127 : i32 to vector<16xi32>
      %add3A_246 = arith.addi %get3A_244, %add3A_245 : vector<16xi32>
      %gather3A_247 = tpu.vector_load_idx %arg5[%add3A_246] : memref<26544xf32, #tpu.memory_space<vmem>>[vector<16xi32>], vector<16xf32>,
      %add3A_248 = arith.constant 6 : i32
      %add3A_249 = arith.addi %mul3A_176, %add3A_248 : i32
      %add3A_250 = vector.broadcast %add3A_249 : i32 to vector<16xi32>
      %add3A_251 = arith.addi %mul3A_174, %add3A_250 : vector<16xi32>
      tpu.vector_store_idx %arg7[%add3A_251], %gather3A_247 : memref<23680xf32, #tpu.memory_space<vmem>>[vector<16xi32>], vector<16xf32>,
      %add3A_252 = arith.constant 112 : i32
      %add3A_253 = arith.addi %mul3A_176, %add3A_252 : i32
      %get3A_254 = arith.index_cast %add3A_253 : i32 to index
      %get3A_255 = tpu.vector_load %arg6[%get3A_254] {strides = array<i32>} : memref<23680xi32, #tpu.memory_space<vmem>>, vector<16xi32>,
      %add3A_256 = vector.broadcast %mul3A_127 : i32 to vector<16xi32>
      %add3A_257 = arith.addi %get3A_255, %add3A_256 : vector<16xi32>
      %gather3A_258 = tpu.vector_load_idx %arg5[%add3A_257] : memref<26544xf32, #tpu.memory_space<vmem>>[vector<16xi32>], vector<16xf32>,
      %add3A_259 = arith.constant 7 : i32
      %add3A_260 = arith.addi %mul3A_176, %add3A_259 : i32
      %add3A_261 = vector.broadcast %add3A_260 : i32 to vector<16xi32>
      %add3A_262 = arith.addi %mul3A_174, %add3A_261 : vector<16xi32>
      tpu.vector_store_idx %arg7[%add3A_262], %gather3A_258 : memref<23680xf32, #tpu.memory_space<vmem>>[vector<16xi32>], vector<16xf32>,
      %add3A_263 = arith.constant 128 : i32
      %add3A_264 = arith.addi %mul3A_176, %add3A_263 : i32
      %get3A_265 = arith.index_cast %add3A_264 : i32 to index
      %get3A_266 = tpu.vector_load %arg6[%get3A_265] {strides = array<i32>} : memref<23680xi32, #tpu.memory_space<vmem>>, vector<16xi32>,
      %add3A_267 = vector.broadcast %mul3A_127 : i32 to vector<16xi32>
      %add3A_268 = arith.addi %get3A_266, %add3A_267 : vector<16xi32>
      %gather3A_269 = tpu.vector_load_idx %arg5[%add3A_268] : memref<26544xf32, #tpu.memory_space<vmem>>[vector<16xi32>], vector<16xf32>,
      %add3A_270 = arith.constant 8 : i32
      %add3A_271 = arith.addi %mul3A_176, %add3A_270 : i32
      %add3A_272 = vector.broadcast %add3A_271 : i32 to vector<16xi32>
      %add3A_273 = arith.addi %mul3A_174, %add3A_272 : vector<16xi32>
      tpu.vector_store_idx %arg7[%add3A_273], %gather3A_269 : memref<23680xf32, #tpu.memory_space<vmem>>[vector<16xi32>], vector<16xf32>,
      %add3A_274 = arith.constant 144 : i32
      %add3A_275 = arith.addi %mul3A_176, %add3A_274 : i32
      %get3A_276 = arith.index_cast %add3A_275 : i32 to index
      %get3A_277 = tpu.vector_load %arg6[%get3A_276] {strides = array<i32>} : memref<23680xi32, #tpu.memory_space<vmem>>, vector<16xi32>,
      %add3A_278 = vector.broadcast %mul3A_127 : i32 to vector<16xi32>
      %add3A_279 = arith.addi %get3A_277, %add3A_278 : vector<16xi32>
      %gather3A_280 = tpu.vector_load_idx %arg5[%add3A_279] : memref<26544xf32, #tpu.memory_space<vmem>>[vector<16xi32>], vector<16xf32>,
      %add3A_281 = arith.constant 9 : i32
      %add3A_282 = arith.addi %mul3A_176, %add3A_281 : i32
      %add3A_283 = vector.broadcast %add3A_282 : i32 to vector<16xi32>
      %add3A_284 = arith.addi %mul3A_174, %add3A_283 : vector<16xi32>
      tpu.vector_store_idx %arg7[%add3A_284], %gather3A_280 : memref<23680xf32, #tpu.memory_space<vmem>>[vector<16xi32>], vector<16xf32>,
      %add3A_285 = arith.constant 160 : i32
      %add3A_286 = arith.addi %mul3A_176, %add3A_285 : i32
      %get3A_287 = arith.index_cast %add3A_286 : i32 to index
      %get3A_288 = tpu.vector_load %arg6[%get3A_287] {strides = array<i32>} : memref<23680xi32, #tpu.memory_space<vmem>>, vector<16xi32>,
      %add3A_289 = vector.broadcast %mul3A_127 : i32 to vector<16xi32>
      %add3A_290 = arith.addi %get3A_288, %add3A_289 : vector<16xi32>
      %gather3A_291 = tpu.vector_load_idx %arg5[%add3A_290] : memref<26544xf32, #tpu.memory_space<vmem>>[vector<16xi32>], vector<16xf32>,
      %add3A_292 = arith.constant 10 : i32
      %add3A_293 = arith.addi %mul3A_176, %add3A_292 : i32
      %add3A_294 = vector.broadcast %add3A_293 : i32 to vector<16xi32>
      %add3A_295 = arith.addi %mul3A_174, %add3A_294 : vector<16xi32>
      tpu.vector_store_idx %arg7[%add3A_295], %gather3A_291 : memref<23680xf32, #tpu.memory_space<vmem>>[vector<16xi32>], vector<16xf32>,
      %add3A_296 = arith.constant 176 : i32
      %add3A_297 = arith.addi %mul3A_176, %add3A_296 : i32
      %get3A_298 = arith.index_cast %add3A_297 : i32 to index
      %get3A_299 = tpu.vector_load %arg6[%get3A_298] {strides = array<i32>} : memref<23680xi32, #tpu.memory_space<vmem>>, vector<16xi32>,
      %add3A_300 = vector.broadcast %mul3A_127 : i32 to vector<16xi32>
      %add3A_301 = arith.addi %get3A_299, %add3A_300 : vector<16xi32>
      %gather3A_302 = tpu.vector_load_idx %arg5[%add3A_301] : memref<26544xf32, #tpu.memory_space<vmem>>[vector<16xi32>], vector<16xf32>,
      %add3A_303 = arith.constant 11 : i32
      %add3A_304 = arith.addi %mul3A_176, %add3A_303 : i32
      %add3A_305 = vector.broadcast %add3A_304 : i32 to vector<16xi32>
      %add3A_306 = arith.addi %mul3A_174, %add3A_305 : vector<16xi32>
      tpu.vector_store_idx %arg7[%add3A_306], %gather3A_302 : memref<23680xf32, #tpu.memory_space<vmem>>[vector<16xi32>], vector<16xf32>,
      %add3A_307 = arith.constant 192 : i32
      %add3A_308 = arith.addi %mul3A_176, %add3A_307 : i32
      %get3A_309 = arith.index_cast %add3A_308 : i32 to index
      %get3A_310 = tpu.vector_load %arg6[%get3A_309] {strides = array<i32>} : memref<23680xi32, #tpu.memory_space<vmem>>, vector<16xi32>,
      %add3A_311 = vector.broadcast %mul3A_127 : i32 to vector<16xi32>
      %add3A_312 = arith.addi %get3A_310, %add3A_311 : vector<16xi32>
      %gather3A_313 = tpu.vector_load_idx %arg5[%add3A_312] : memref<26544xf32, #tpu.memory_space<vmem>>[vector<16xi32>], vector<16xf32>,
      %add3A_314 = arith.constant 12 : i32
      %add3A_315 = arith.addi %mul3A_176, %add3A_314 : i32
      %add3A_316 = vector.broadcast %add3A_315 : i32 to vector<16xi32>
      %add3A_317 = arith.addi %mul3A_174, %add3A_316 : vector<16xi32>
      tpu.vector_store_idx %arg7[%add3A_317], %gather3A_313 : memref<23680xf32, #tpu.memory_space<vmem>>[vector<16xi32>], vector<16xf32>,
      %add3A_318 = arith.constant 208 : i32
      %add3A_319 = arith.addi %mul3A_176, %add3A_318 : i32
      %get3A_320 = arith.index_cast %add3A_319 : i32 to index
      %get3A_321 = tpu.vector_load %arg6[%get3A_320] {strides = array<i32>} : memref<23680xi32, #tpu.memory_space<vmem>>, vector<16xi32>,
      %add3A_322 = vector.broadcast %mul3A_127 : i32 to vector<16xi32>
      %add3A_323 = arith.addi %get3A_321, %add3A_322 : vector<16xi32>
      %gather3A_324 = tpu.vector_load_idx %arg5[%add3A_323] : memref<26544xf32, #tpu.memory_space<vmem>>[vector<16xi32>], vector<16xf32>,
      %add3A_325 = arith.constant 13 : i32
      %add3A_326 = arith.addi %mul3A_176, %add3A_325 : i32
      %add3A_327 = vector.broadcast %add3A_326 : i32 to vector<16xi32>
      %add3A_328 = arith.addi %mul3A_174, %add3A_327 : vector<16xi32>
      tpu.vector_store_idx %arg7[%add3A_328], %gather3A_324 : memref<23680xf32, #tpu.memory_space<vmem>>[vector<16xi32>], vector<16xf32>,
      %add3A_329 = arith.constant 224 : i32
      %add3A_330 = arith.addi %mul3A_176, %add3A_329 : i32
      %get3A_331 = arith.index_cast %add3A_330 : i32 to index
      %get3A_332 = tpu.vector_load %arg6[%get3A_331] {strides = array<i32>} : memref<23680xi32, #tpu.memory_space<vmem>>, vector<16xi32>,
      %add3A_333 = vector.broadcast %mul3A_127 : i32 to vector<16xi32>
      %add3A_334 = arith.addi %get3A_332, %add3A_333 : vector<16xi32>
      %gather3A_335 = tpu.vector_load_idx %arg5[%add3A_334] : memref<26544xf32, #tpu.memory_space<vmem>>[vector<16xi32>], vector<16xf32>,
      %add3A_336 = arith.constant 14 : i32
      %add3A_337 = arith.addi %mul3A_176, %add3A_336 : i32
      %add3A_338 = vector.broadcast %add3A_337 : i32 to vector<16xi32>
      %add3A_339 = arith.addi %mul3A_174, %add3A_338 : vector<16xi32>
      tpu.vector_store_idx %arg7[%add3A_339], %gather3A_335 : memref<23680xf32, #tpu.memory_space<vmem>>[vector<16xi32>], vector<16xf32>,
      %add3A_340 = arith.constant 240 : i32
      %add3A_341 = arith.addi %mul3A_176, %add3A_340 : i32
      %get3A_342 = arith.index_cast %add3A_341 : i32 to index
      %get3A_343 = tpu.vector_load %arg6[%get3A_342] {strides = array<i32>} : memref<23680xi32, #tpu.memory_space<vmem>>, vector<16xi32>,
      %add3A_344 = vector.broadcast %mul3A_127 : i32 to vector<16xi32>
      %add3A_345 = arith.addi %get3A_343, %add3A_344 : vector<16xi32>
      %gather3A_346 = tpu.vector_load_idx %arg5[%add3A_345] : memref<26544xf32, #tpu.memory_space<vmem>>[vector<16xi32>], vector<16xf32>,
      %add3A_347 = arith.constant 15 : i32
      %add3A_348 = arith.addi %mul3A_176, %add3A_347 : i32
      %add3A_349 = vector.broadcast %add3A_348 : i32 to vector<16xi32>
      %add3A_350 = arith.addi %mul3A_174, %add3A_349 : vector<16xi32>
      tpu.vector_store_idx %arg7[%add3A_350], %gather3A_346 : memref<23680xf32, #tpu.memory_space<vmem>>[vector<16xi32>], vector<16xf32>,
      %add3A_351 = arith.constant 256 : i32
      %add3A_352 = arith.addi %mul3A_176, %add3A_351 : i32
      %get3A_353 = arith.index_cast %add3A_352 : i32 to index
      %get3A_354 = tpu.vector_load %arg6[%get3A_353] {strides = array<i32>} : memref<23680xi32, #tpu.memory_space<vmem>>, vector<16xi32>,
      %add3A_355 = vector.broadcast %mul3A_127 : i32 to vector<16xi32>
      %add3A_356 = arith.addi %get3A_354, %add3A_355 : vector<16xi32>
      %gather3A_357 = tpu.vector_load_idx %arg5[%add3A_356] : memref<26544xf32, #tpu.memory_space<vmem>>[vector<16xi32>], vector<16xf32>,
      %add3A_358 = arith.constant 16 : i32
      %add3A_359 = arith.addi %mul3A_176, %add3A_358 : i32
      %add3A_360 = vector.broadcast %add3A_359 : i32 to vector<16xi32>
      %add3A_361 = arith.addi %mul3A_174, %add3A_360 : vector<16xi32>
      tpu.vector_store_idx %arg7[%add3A_361], %gather3A_357 : memref<23680xf32, #tpu.memory_space<vmem>>[vector<16xi32>], vector<16xf32>,
      %add3A_362 = arith.constant 272 : i32
      %add3A_363 = arith.addi %mul3A_176, %add3A_362 : i32
      %get3A_364 = arith.index_cast %add3A_363 : i32 to index
      %get3A_365 = tpu.vector_load %arg6[%get3A_364] {strides = array<i32>} : memref<23680xi32, #tpu.memory_space<vmem>>, vector<16xi32>,
      %add3A_366 = vector.broadcast %mul3A_127 : i32 to vector<16xi32>
      %add3A_367 = arith.addi %get3A_365, %add3A_366 : vector<16xi32>
      %gather3A_368 = tpu.vector_load_idx %arg5[%add3A_367] : memref<26544xf32, #tpu.memory_space<vmem>>[vector<16xi32>], vector<16xf32>,
      %add3A_369 = arith.constant 17 : i32
      %add3A_370 = arith.addi %mul3A_176, %add3A_369 : i32
      %add3A_371 = vector.broadcast %add3A_370 : i32 to vector<16xi32>
      %add3A_372 = arith.addi %mul3A_174, %add3A_371 : vector<16xi32>
      tpu.vector_store_idx %arg7[%add3A_372], %gather3A_368 : memref<23680xf32, #tpu.memory_space<vmem>>[vector<16xi32>], vector<16xf32>,
      %add3A_373 = arith.constant 288 : i32
      %add3A_374 = arith.addi %mul3A_176, %add3A_373 : i32
      %get3A_375 = arith.index_cast %add3A_374 : i32 to index
      %get3A_376 = tpu.vector_load %arg6[%get3A_375] {strides = array<i32>} : memref<23680xi32, #tpu.memory_space<vmem>>, vector<16xi32>,
      %add3A_377 = vector.broadcast %mul3A_127 : i32 to vector<16xi32>
      %add3A_378 = arith.addi %get3A_376, %add3A_377 : vector<16xi32>
      %gather3A_379 = tpu.vector_load_idx %arg5[%add3A_378] : memref<26544xf32, #tpu.memory_space<vmem>>[vector<16xi32>], vector<16xf32>,
      %add3A_380 = arith.constant 18 : i32
      %add3A_381 = arith.addi %mul3A_176, %add3A_380 : i32
      %add3A_382 = vector.broadcast %add3A_381 : i32 to vector<16xi32>
      %add3A_383 = arith.addi %mul3A_174, %add3A_382 : vector<16xi32>
      tpu.vector_store_idx %arg7[%add3A_383], %gather3A_379 : memref<23680xf32, #tpu.memory_space<vmem>>[vector<16xi32>], vector<16xf32>,
      %add3A_384 = arith.constant 304 : i32
      %add3A_385 = arith.addi %mul3A_176, %add3A_384 : i32
      %get3A_386 = arith.index_cast %add3A_385 : i32 to index
      %get3A_387 = tpu.vector_load %arg6[%get3A_386] {strides = array<i32>} : memref<23680xi32, #tpu.memory_space<vmem>>, vector<16xi32>,
      %add3A_388 = vector.broadcast %mul3A_127 : i32 to vector<16xi32>
      %add3A_389 = arith.addi %get3A_387, %add3A_388 : vector<16xi32>
      %gather3A_390 = tpu.vector_load_idx %arg5[%add3A_389] : memref<26544xf32, #tpu.memory_space<vmem>>[vector<16xi32>], vector<16xf32>,
      %add3A_391 = arith.constant 19 : i32
      %add3A_392 = arith.addi %mul3A_176, %add3A_391 : i32
      %add3A_393 = vector.broadcast %add3A_392 : i32 to vector<16xi32>
      %add3A_394 = arith.addi %mul3A_174, %add3A_393 : vector<16xi32>
      tpu.vector_store_idx %arg7[%add3A_394], %gather3A_390 : memref<23680xf32, #tpu.memory_space<vmem>>[vector<16xi32>], vector<16xf32>,
      %add3A_395 = arith.constant 320 : i32
      %add3A_396 = arith.addi %mul3A_176, %add3A_395 : i32
      %get3A_397 = arith.index_cast %add3A_396 : i32 to index
      %get3A_398 = tpu.vector_load %arg6[%get3A_397] {strides = array<i32>} : memref<23680xi32, #tpu.memory_space<vmem>>, vector<16xi32>,
      %add3A_399 = vector.broadcast %mul3A_127 : i32 to vector<16xi32>
      %add3A_400 = arith.addi %get3A_398, %add3A_399 : vector<16xi32>
      %gather3A_401 = tpu.vector_load_idx %arg5[%add3A_400] : memref<26544xf32, #tpu.memory_space<vmem>>[vector<16xi32>], vector<16xf32>,
      %add3A_402 = arith.constant 20 : i32
      %add3A_403 = arith.addi %mul3A_176, %add3A_402 : i32
      %add3A_404 = vector.broadcast %add3A_403 : i32 to vector<16xi32>
      %add3A_405 = arith.addi %mul3A_174, %add3A_404 : vector<16xi32>
      tpu.vector_store_idx %arg7[%add3A_405], %gather3A_401 : memref<23680xf32, #tpu.memory_space<vmem>>[vector<16xi32>], vector<16xf32>,
      %add3A_406 = arith.constant 336 : i32
      %add3A_407 = arith.addi %mul3A_176, %add3A_406 : i32
      %get3A_408 = arith.index_cast %add3A_407 : i32 to index
      %get3A_409 = tpu.vector_load %arg6[%get3A_408] {strides = array<i32>} : memref<23680xi32, #tpu.memory_space<vmem>>, vector<16xi32>,
      %add3A_410 = vector.broadcast %mul3A_127 : i32 to vector<16xi32>
      %add3A_411 = arith.addi %get3A_409, %add3A_410 : vector<16xi32>
      %gather3A_412 = tpu.vector_load_idx %arg5[%add3A_411] : memref<26544xf32, #tpu.memory_space<vmem>>[vector<16xi32>], vector<16xf32>,
      %add3A_413 = arith.constant 21 : i32
      %add3A_414 = arith.addi %mul3A_176, %add3A_413 : i32
      %add3A_415 = vector.broadcast %add3A_414 : i32 to vector<16xi32>
      %add3A_416 = arith.addi %mul3A_174, %add3A_415 : vector<16xi32>
      tpu.vector_store_idx %arg7[%add3A_416], %gather3A_412 : memref<23680xf32, #tpu.memory_space<vmem>>[vector<16xi32>], vector<16xf32>,
      %add3A_417 = arith.constant 352 : i32
      %add3A_418 = arith.addi %mul3A_176, %add3A_417 : i32
      %get3A_419 = arith.index_cast %add3A_418 : i32 to index
      %get3A_420 = tpu.vector_load %arg6[%get3A_419] {strides = array<i32>} : memref<23680xi32, #tpu.memory_space<vmem>>, vector<16xi32>,
      %add3A_421 = vector.broadcast %mul3A_127 : i32 to vector<16xi32>
      %add3A_422 = arith.addi %get3A_420, %add3A_421 : vector<16xi32>
      %gather3A_423 = tpu.vector_load_idx %arg5[%add3A_422] : memref<26544xf32, #tpu.memory_space<vmem>>[vector<16xi32>], vector<16xf32>,
      %add3A_424 = arith.constant 22 : i32
      %add3A_425 = arith.addi %mul3A_176, %add3A_424 : i32
      %add3A_426 = vector.broadcast %add3A_425 : i32 to vector<16xi32>
      %add3A_427 = arith.addi %mul3A_174, %add3A_426 : vector<16xi32>
      tpu.vector_store_idx %arg7[%add3A_427], %gather3A_423 : memref<23680xf32, #tpu.memory_space<vmem>>[vector<16xi32>], vector<16xf32>,
      %add3A_428 = arith.constant 368 : i32
      %add3A_429 = arith.addi %mul3A_176, %add3A_428 : i32
      %get3A_430 = arith.index_cast %add3A_429 : i32 to index
      %get3A_431 = tpu.vector_load %arg6[%get3A_430] {strides = array<i32>} : memref<23680xi32, #tpu.memory_space<vmem>>, vector<16xi32>,
      %add3A_432 = vector.broadcast %mul3A_127 : i32 to vector<16xi32>
      %add3A_433 = arith.addi %get3A_431, %add3A_432 : vector<16xi32>
      %gather3A_434 = tpu.vector_load_idx %arg5[%add3A_433] : memref<26544xf32, #tpu.memory_space<vmem>>[vector<16xi32>], vector<16xf32>,
      %add3A_435 = arith.constant 23 : i32
      %add3A_436 = arith.addi %mul3A_176, %add3A_435 : i32
      %add3A_437 = vector.broadcast %add3A_436 : i32 to vector<16xi32>
      %add3A_438 = arith.addi %mul3A_174, %add3A_437 : vector<16xi32>
      tpu.vector_store_idx %arg7[%add3A_438], %gather3A_434 : memref<23680xf32, #tpu.memory_space<vmem>>[vector<16xi32>], vector<16xf32>,
      %add3A_439 = arith.constant 384 : i32
      %add3A_440 = arith.addi %mul3A_176, %add3A_439 : i32
      %get3A_441 = arith.index_cast %add3A_440 : i32 to index
      %get3A_442 = tpu.vector_load %arg6[%get3A_441] {strides = array<i32>} : memref<23680xi32, #tpu.memory_space<vmem>>, vector<16xi32>,
      %add3A_443 = vector.broadcast %mul3A_127 : i32 to vector<16xi32>
      %add3A_444 = arith.addi %get3A_442, %add3A_443 : vector<16xi32>
      %gather3A_445 = tpu.vector_load_idx %arg5[%add3A_444] : memref<26544xf32, #tpu.memory_space<vmem>>[vector<16xi32>], vector<16xf32>,
      %add3A_446 = arith.constant 24 : i32
      %add3A_447 = arith.addi %mul3A_176, %add3A_446 : i32
      %add3A_448 = vector.broadcast %add3A_447 : i32 to vector<16xi32>
      %add3A_449 = arith.addi %mul3A_174, %add3A_448 : vector<16xi32>
      tpu.vector_store_idx %arg7[%add3A_449], %gather3A_445 : memref<23680xf32, #tpu.memory_space<vmem>>[vector<16xi32>], vector<16xf32>,
      %add3A_450 = arith.constant 400 : i32
      %add3A_451 = arith.addi %mul3A_176, %add3A_450 : i32
      %get3A_452 = arith.index_cast %add3A_451 : i32 to index
      %get3A_453 = tpu.vector_load %arg6[%get3A_452] {strides = array<i32>} : memref<23680xi32, #tpu.memory_space<vmem>>, vector<16xi32>,
      %add3A_454 = vector.broadcast %mul3A_127 : i32 to vector<16xi32>
      %add3A_455 = arith.addi %get3A_453, %add3A_454 : vector<16xi32>
      %gather3A_456 = tpu.vector_load_idx %arg5[%add3A_455] : memref<26544xf32, #tpu.memory_space<vmem>>[vector<16xi32>], vector<16xf32>,
      %add3A_457 = arith.constant 25 : i32
      %add3A_458 = arith.addi %mul3A_176, %add3A_457 : i32
      %add3A_459 = vector.broadcast %add3A_458 : i32 to vector<16xi32>
      %add3A_460 = arith.addi %mul3A_174, %add3A_459 : vector<16xi32>
      tpu.vector_store_idx %arg7[%add3A_460], %gather3A_456 : memref<23680xf32, #tpu.memory_space<vmem>>[vector<16xi32>], vector<16xf32>,
      %add3A_461 = arith.constant 416 : i32
      %add3A_462 = arith.addi %mul3A_176, %add3A_461 : i32
      %get3A_463 = arith.index_cast %add3A_462 : i32 to index
      %get3A_464 = tpu.vector_load %arg6[%get3A_463] {strides = array<i32>} : memref<23680xi32, #tpu.memory_space<vmem>>, vector<16xi32>,
      %add3A_465 = vector.broadcast %mul3A_127 : i32 to vector<16xi32>
      %add3A_466 = arith.addi %get3A_464, %add3A_465 : vector<16xi32>
      %gather3A_467 = tpu.vector_load_idx %arg5[%add3A_466] : memref<26544xf32, #tpu.memory_space<vmem>>[vector<16xi32>], vector<16xf32>,
      %add3A_468 = arith.constant 26 : i32
      %add3A_469 = arith.addi %mul3A_176, %add3A_468 : i32
      %add3A_470 = vector.broadcast %add3A_469 : i32 to vector<16xi32>
      %add3A_471 = arith.addi %mul3A_174, %add3A_470 : vector<16xi32>
      tpu.vector_store_idx %arg7[%add3A_471], %gather3A_467 : memref<23680xf32, #tpu.memory_space<vmem>>[vector<16xi32>], vector<16xf32>,
      %add3A_472 = arith.constant 432 : i32
      %add3A_473 = arith.addi %mul3A_176, %add3A_472 : i32
      %get3A_474 = arith.index_cast %add3A_473 : i32 to index
      %get3A_475 = tpu.vector_load %arg6[%get3A_474] {strides = array<i32>} : memref<23680xi32, #tpu.memory_space<vmem>>, vector<16xi32>,
      %add3A_476 = vector.broadcast %mul3A_127 : i32 to vector<16xi32>
      %add3A_477 = arith.addi %get3A_475, %add3A_476 : vector<16xi32>
      %gather3A_478 = tpu.vector_load_idx %arg5[%add3A_477] : memref<26544xf32, #tpu.memory_space<vmem>>[vector<16xi32>], vector<16xf32>,
      %add3A_479 = arith.constant 27 : i32
      %add3A_480 = arith.addi %mul3A_176, %add3A_479 : i32
      %add3A_481 = vector.broadcast %add3A_480 : i32 to vector<16xi32>
      %add3A_482 = arith.addi %mul3A_174, %add3A_481 : vector<16xi32>
      tpu.vector_store_idx %arg7[%add3A_482], %gather3A_478 : memref<23680xf32, #tpu.memory_space<vmem>>[vector<16xi32>], vector<16xf32>,
      %add3A_483 = arith.constant 448 : i32
      %add3A_484 = arith.addi %mul3A_176, %add3A_483 : i32
      %get3A_485 = arith.index_cast %add3A_484 : i32 to index
      %get3A_486 = tpu.vector_load %arg6[%get3A_485] {strides = array<i32>} : memref<23680xi32, #tpu.memory_space<vmem>>, vector<16xi32>,
      %add3A_487 = vector.broadcast %mul3A_127 : i32 to vector<16xi32>
      %add3A_488 = arith.addi %get3A_486, %add3A_487 : vector<16xi32>
      %gather3A_489 = tpu.vector_load_idx %arg5[%add3A_488] : memref<26544xf32, #tpu.memory_space<vmem>>[vector<16xi32>], vector<16xf32>,
      %add3A_490 = arith.constant 28 : i32
      %add3A_491 = arith.addi %mul3A_176, %add3A_490 : i32
      %add3A_492 = vector.broadcast %add3A_491 : i32 to vector<16xi32>
      %add3A_493 = arith.addi %mul3A_174, %add3A_492 : vector<16xi32>
      tpu.vector_store_idx %arg7[%add3A_493], %gather3A_489 : memref<23680xf32, #tpu.memory_space<vmem>>[vector<16xi32>], vector<16xf32>,
      %add3A_494 = arith.constant 464 : i32
      %add3A_495 = arith.addi %mul3A_176, %add3A_494 : i32
      %get3A_496 = arith.index_cast %add3A_495 : i32 to index
      %get3A_497 = tpu.vector_load %arg6[%get3A_496] {strides = array<i32>} : memref<23680xi32, #tpu.memory_space<vmem>>, vector<16xi32>,
      %add3A_498 = vector.broadcast %mul3A_127 : i32 to vector<16xi32>
      %add3A_499 = arith.addi %get3A_497, %add3A_498 : vector<16xi32>
      %gather3A_500 = tpu.vector_load_idx %arg5[%add3A_499] : memref<26544xf32, #tpu.memory_space<vmem>>[vector<16xi32>], vector<16xf32>,
      %add3A_501 = arith.constant 29 : i32
      %add3A_502 = arith.addi %mul3A_176, %add3A_501 : i32
      %add3A_503 = vector.broadcast %add3A_502 : i32 to vector<16xi32>
      %add3A_504 = arith.addi %mul3A_174, %add3A_503 : vector<16xi32>
      tpu.vector_store_idx %arg7[%add3A_504], %gather3A_500 : memref<23680xf32, #tpu.memory_space<vmem>>[vector<16xi32>], vector<16xf32>,
      %add3A_505 = arith.constant 480 : i32
      %add3A_506 = arith.addi %mul3A_176, %add3A_505 : i32
      %get3A_507 = arith.index_cast %add3A_506 : i32 to index
      %get3A_508 = tpu.vector_load %arg6[%get3A_507] {strides = array<i32>} : memref<23680xi32, #tpu.memory_space<vmem>>, vector<16xi32>,
      %add3A_509 = vector.broadcast %mul3A_127 : i32 to vector<16xi32>
      %add3A_510 = arith.addi %get3A_508, %add3A_509 : vector<16xi32>
      %gather3A_511 = tpu.vector_load_idx %arg5[%add3A_510] : memref<26544xf32, #tpu.memory_space<vmem>>[vector<16xi32>], vector<16xf32>,
      %add3A_512 = arith.constant 30 : i32
      %add3A_513 = arith.addi %mul3A_176, %add3A_512 : i32
      %add3A_514 = vector.broadcast %add3A_513 : i32 to vector<16xi32>
      %add3A_515 = arith.addi %mul3A_174, %add3A_514 : vector<16xi32>
      tpu.vector_store_idx %arg7[%add3A_515], %gather3A_511 : memref<23680xf32, #tpu.memory_space<vmem>>[vector<16xi32>], vector<16xf32>,
      %add3A_516 = arith.constant 496 : i32
      %add3A_517 = arith.addi %mul3A_176, %add3A_516 : i32
      %get3A_518 = arith.index_cast %add3A_517 : i32 to index
      %get3A_519 = tpu.vector_load %arg6[%get3A_518] {strides = array<i32>} : memref<23680xi32, #tpu.memory_space<vmem>>, vector<16xi32>,
      %add3A_520 = vector.broadcast %mul3A_127 : i32 to vector<16xi32>
      %add3A_521 = arith.addi %get3A_519, %add3A_520 : vector<16xi32>
      %gather3A_522 = tpu.vector_load_idx %arg5[%add3A_521] : memref<26544xf32, #tpu.memory_space<vmem>>[vector<16xi32>], vector<16xf32>,
      %add3A_523 = arith.constant 31 : i32
      %add3A_524 = arith.addi %mul3A_176, %add3A_523 : i32
      %add3A_525 = vector.broadcast %add3A_524 : i32 to vector<16xi32>
      %add3A_526 = arith.addi %mul3A_174, %add3A_525 : vector<16xi32>
      tpu.vector_store_idx %arg7[%add3A_526], %gather3A_522 : memref<23680xf32, #tpu.memory_space<vmem>>[vector<16xi32>], vector<16xf32>,
      %add3A_527 = arith.constant 512 : i32
      %add3A_528 = arith.addi %mul3A_176, %add3A_527 : i32
      %get3A_529 = arith.index_cast %add3A_528 : i32 to index
      %get3A_530 = tpu.vector_load %arg6[%get3A_529] {strides = array<i32>} : memref<23680xi32, #tpu.memory_space<vmem>>, vector<16xi32>,
      %add3A_531 = vector.broadcast %mul3A_127 : i32 to vector<16xi32>
      %add3A_532 = arith.addi %get3A_530, %add3A_531 : vector<16xi32>
      %gather3A_533 = tpu.vector_load_idx %arg5[%add3A_532] : memref<26544xf32, #tpu.memory_space<vmem>>[vector<16xi32>], vector<16xf32>,
      %add3A_534 = arith.constant 32 : i32
      %add3A_535 = arith.addi %mul3A_176, %add3A_534 : i32
      %add3A_536 = vector.broadcast %add3A_535 : i32 to vector<16xi32>
      %add3A_537 = arith.addi %mul3A_174, %add3A_536 : vector<16xi32>
      tpu.vector_store_idx %arg7[%add3A_537], %gather3A_533 : memref<23680xf32, #tpu.memory_space<vmem>>[vector<16xi32>], vector<16xf32>,
      %add3A_538 = arith.constant 528 : i32
      %add3A_539 = arith.addi %mul3A_176, %add3A_538 : i32
      %get3A_540 = arith.index_cast %add3A_539 : i32 to index
      %get3A_541 = tpu.vector_load %arg6[%get3A_540] {strides = array<i32>} : memref<23680xi32, #tpu.memory_space<vmem>>, vector<16xi32>,
      %add3A_542 = vector.broadcast %mul3A_127 : i32 to vector<16xi32>
      %add3A_543 = arith.addi %get3A_541, %add3A_542 : vector<16xi32>
      %gather3A_544 = tpu.vector_load_idx %arg5[%add3A_543] : memref<26544xf32, #tpu.memory_space<vmem>>[vector<16xi32>], vector<16xf32>,
      %add3A_545 = arith.constant 33 : i32
      %add3A_546 = arith.addi %mul3A_176, %add3A_545 : i32
      %add3A_547 = vector.broadcast %add3A_546 : i32 to vector<16xi32>
      %add3A_548 = arith.addi %mul3A_174, %add3A_547 : vector<16xi32>
      tpu.vector_store_idx %arg7[%add3A_548], %gather3A_544 : memref<23680xf32, #tpu.memory_space<vmem>>[vector<16xi32>], vector<16xf32>,
      %add3A_549 = arith.constant 544 : i32
      %add3A_550 = arith.addi %mul3A_176, %add3A_549 : i32
      %get3A_551 = arith.index_cast %add3A_550 : i32 to index
      %get3A_552 = tpu.vector_load %arg6[%get3A_551] {strides = array<i32>} : memref<23680xi32, #tpu.memory_space<vmem>>, vector<16xi32>,
      %add3A_553 = vector.broadcast %mul3A_127 : i32 to vector<16xi32>
      %add3A_554 = arith.addi %get3A_552, %add3A_553 : vector<16xi32>
      %gather3A_555 = tpu.vector_load_idx %arg5[%add3A_554] : memref<26544xf32, #tpu.memory_space<vmem>>[vector<16xi32>], vector<16xf32>,
      %add3A_556 = arith.constant 34 : i32
      %add3A_557 = arith.addi %mul3A_176, %add3A_556 : i32
      %add3A_558 = vector.broadcast %add3A_557 : i32 to vector<16xi32>
      %add3A_559 = arith.addi %mul3A_174, %add3A_558 : vector<16xi32>
      tpu.vector_store_idx %arg7[%add3A_559], %gather3A_555 : memref<23680xf32, #tpu.memory_space<vmem>>[vector<16xi32>], vector<16xf32>,
      %add3A_560 = arith.constant 560 : i32
      %add3A_561 = arith.addi %mul3A_176, %add3A_560 : i32
      %get3A_562 = arith.index_cast %add3A_561 : i32 to index
      %get3A_563 = tpu.vector_load %arg6[%get3A_562] {strides = array<i32>} : memref<23680xi32, #tpu.memory_space<vmem>>, vector<16xi32>,
      %add3A_564 = vector.broadcast %mul3A_127 : i32 to vector<16xi32>
      %add3A_565 = arith.addi %get3A_563, %add3A_564 : vector<16xi32>
      %gather3A_566 = tpu.vector_load_idx %arg5[%add3A_565] : memref<26544xf32, #tpu.memory_space<vmem>>[vector<16xi32>], vector<16xf32>,
      %add3A_567 = arith.constant 35 : i32
      %add3A_568 = arith.addi %mul3A_176, %add3A_567 : i32
      %add3A_569 = vector.broadcast %add3A_568 : i32 to vector<16xi32>
      %add3A_570 = arith.addi %mul3A_174, %add3A_569 : vector<16xi32>
      tpu.vector_store_idx %arg7[%add3A_570], %gather3A_566 : memref<23680xf32, #tpu.memory_space<vmem>>[vector<16xi32>], vector<16xf32>,
      %add3A_571 = arith.constant 576 : i32
      %add3A_572 = arith.addi %mul3A_176, %add3A_571 : i32
      %get3A_573 = arith.index_cast %add3A_572 : i32 to index
      %get3A_574 = tpu.vector_load %arg6[%get3A_573] {strides = array<i32>} : memref<23680xi32, #tpu.memory_space<vmem>>, vector<16xi32>,
      %add3A_575 = vector.broadcast %mul3A_127 : i32 to vector<16xi32>
      %add3A_576 = arith.addi %get3A_574, %add3A_575 : vector<16xi32>
      %gather3A_577 = tpu.vector_load_idx %arg5[%add3A_576] : memref<26544xf32, #tpu.memory_space<vmem>>[vector<16xi32>], vector<16xf32>,
      %add3A_578 = arith.constant 36 : i32
      %add3A_579 = arith.addi %mul3A_176, %add3A_578 : i32
      %add3A_580 = vector.broadcast %add3A_579 : i32 to vector<16xi32>
      %add3A_581 = arith.addi %mul3A_174, %add3A_580 : vector<16xi32>
      tpu.vector_store_idx %arg7[%add3A_581], %gather3A_577 : memref<23680xf32, #tpu.memory_space<vmem>>[vector<16xi32>], vector<16xf32>,
      %scan3A_582 = arith.constant 0 : i32
      scf.yield %scan3A_582 : i32
    }
    %scan3A_134 = arith.constant 40 : i32
    %add3A_135 = arith.constant 4 : i32
    %add3A_136 = arith.addi %mul3A_34, %add3A_135 : i32
    %mul3A_137 = arith.constant 16 : i32
    %mul3A_138 = arith.muli %add3A_136, %mul3A_137 : i32
    %add3A_139 = arith.addi %mul3A_138, %select_n3A_30 : i32
    %mul3A_140 = arith.constant 23680 : i32
    %mul3A_141 = arith.muli %add3A_139, %mul3A_140 : i32
    %dma_start3A_142 = tpu.memref_slice %arg4[%mul3A_141] : memref<4546560xf32, #tpu.memory_space<hbm>> -> memref<23680xf32, #tpu.memory_space<hbm>>
    %dma_start3A_143 = tpu.memref_slice %arg4[%mul3A_141] : memref<4546560xf32, #tpu.memory_space<hbm>> -> memref<23680xf32, #tpu.memory_space<hbm>>
    tpu.enqueue_dma source(%arg7 : memref<23680xf32, #tpu.memory_space<vmem>>) target(%dma_start3A_143 : memref<23680xf32, #tpu.memory_space<hbm>>) target_semaphore(%arg11 : memref<!tpu.dma_semaphore, #tpu.memory_space<semaphore_mem>>)
    %dma_wait3A_144 = tpu.memref_slice %arg4[%mul3A_119] : memref<4546560xf32, #tpu.memory_space<hbm>> -> memref<23680xf32, #tpu.memory_space<hbm>>
    %dma_wait3A_145 = tpu.memref_slice %arg4[%mul3A_119] : memref<4546560xf32, #tpu.memory_space<hbm>> -> memref<23680xf32, #tpu.memory_space<hbm>>
    tpu.wait_dma2 semaphore(%arg12 : memref<!tpu.dma_semaphore, #tpu.memory_space<semaphore_mem>>) src(%arg8 : memref<23680xf32, #tpu.memory_space<vmem>>) dst(%dma_wait3A_145 : memref<23680xf32, #tpu.memory_space<hbm>>)
    %add3A_146 = arith.constant 5 : i32
    %add3A_147 = arith.addi %mul3A_34, %add3A_146 : i32
    %mul3A_148 = arith.constant 2212 : i32
    %mul3A_149 = arith.muli %add3A_147, %mul3A_148 : i32
    %scan3A_150 = arith.constant 0 : i32
    %scan3A_151 = arith.constant 0 : i32
    %scan3A_152 = arith.constant 40 : i32
    %scan3A_153 = arith.addi %scan3A_151, %scan3A_152 : i32
    %scan3A_154 = arith.constant 1 : i32
    %scan3A_155 = scf.for %scan3A_170 = %scan3A_151 to %scan3A_153 step %scan3A_154 iter_args(%scan3A_171 = %scan3A_150) -> (i32)  : i32 {
      %iota3A = tpu.iota {dimensions = array<i32: 0>} : vector<16xi32>
      %mul3A_172 = arith.constant 37 : i32
      %mul3A_173 = vector.broadcast %mul3A_172 : i32 to vector<16xi32>
      %mul3A_174 = arith.muli %iota3A, %mul3A_173 : vector<16xi32>
      %mul3A_175 = arith.constant 592 : i32
      %mul3A_176 = arith.muli %scan3A_170, %mul3A_175 : i32
      %add3A_177 = arith.constant 0 : i32
      %add3A_178 = arith.addi %mul3A_176, %add3A_177 : i32
      %get3A = arith.index_cast %add3A_178 : i32 to index
      %get3A_179 = tpu.vector_load %arg6[%get3A] {strides = array<i32>} : memref<23680xi32, #tpu.memory_space<vmem>>, vector<16xi32>,
      %add3A_180 = vector.broadcast %mul3A_149 : i32 to vector<16xi32>
      %add3A_181 = arith.addi %get3A_179, %add3A_180 : vector<16xi32>
      %gather3A = tpu.vector_load_idx %arg5[%add3A_181] : memref<26544xf32, #tpu.memory_space<vmem>>[vector<16xi32>], vector<16xf32>,
      %add3A_182 = arith.constant 0 : i32
      %add3A_183 = arith.addi %mul3A_176, %add3A_182 : i32
      %add3A_184 = vector.broadcast %add3A_183 : i32 to vector<16xi32>
      %add3A_185 = arith.addi %mul3A_174, %add3A_184 : vector<16xi32>
      tpu.vector_store_idx %arg8[%add3A_185], %gather3A : memref<23680xf32, #tpu.memory_space<vmem>>[vector<16xi32>], vector<16xf32>,
      %add3A_186 = arith.constant 16 : i32
      %add3A_187 = arith.addi %mul3A_176, %add3A_186 : i32
      %get3A_188 = arith.index_cast %add3A_187 : i32 to index
      %get3A_189 = tpu.vector_load %arg6[%get3A_188] {strides = array<i32>} : memref<23680xi32, #tpu.memory_space<vmem>>, vector<16xi32>,
      %add3A_190 = vector.broadcast %mul3A_149 : i32 to vector<16xi32>
      %add3A_191 = arith.addi %get3A_189, %add3A_190 : vector<16xi32>
      %gather3A_192 = tpu.vector_load_idx %arg5[%add3A_191] : memref<26544xf32, #tpu.memory_space<vmem>>[vector<16xi32>], vector<16xf32>,
      %add3A_193 = arith.constant 1 : i32
      %add3A_194 = arith.addi %mul3A_176, %add3A_193 : i32
      %add3A_195 = vector.broadcast %add3A_194 : i32 to vector<16xi32>
      %add3A_196 = arith.addi %mul3A_174, %add3A_195 : vector<16xi32>
      tpu.vector_store_idx %arg8[%add3A_196], %gather3A_192 : memref<23680xf32, #tpu.memory_space<vmem>>[vector<16xi32>], vector<16xf32>,
      %add3A_197 = arith.constant 32 : i32
      %add3A_198 = arith.addi %mul3A_176, %add3A_197 : i32
      %get3A_199 = arith.index_cast %add3A_198 : i32 to index
      %get3A_200 = tpu.vector_load %arg6[%get3A_199] {strides = array<i32>} : memref<23680xi32, #tpu.memory_space<vmem>>, vector<16xi32>,
      %add3A_201 = vector.broadcast %mul3A_149 : i32 to vector<16xi32>
      %add3A_202 = arith.addi %get3A_200, %add3A_201 : vector<16xi32>
      %gather3A_203 = tpu.vector_load_idx %arg5[%add3A_202] : memref<26544xf32, #tpu.memory_space<vmem>>[vector<16xi32>], vector<16xf32>,
      %add3A_204 = arith.constant 2 : i32
      %add3A_205 = arith.addi %mul3A_176, %add3A_204 : i32
      %add3A_206 = vector.broadcast %add3A_205 : i32 to vector<16xi32>
      %add3A_207 = arith.addi %mul3A_174, %add3A_206 : vector<16xi32>
      tpu.vector_store_idx %arg8[%add3A_207], %gather3A_203 : memref<23680xf32, #tpu.memory_space<vmem>>[vector<16xi32>], vector<16xf32>,
      %add3A_208 = arith.constant 48 : i32
      %add3A_209 = arith.addi %mul3A_176, %add3A_208 : i32
      %get3A_210 = arith.index_cast %add3A_209 : i32 to index
      %get3A_211 = tpu.vector_load %arg6[%get3A_210] {strides = array<i32>} : memref<23680xi32, #tpu.memory_space<vmem>>, vector<16xi32>,
      %add3A_212 = vector.broadcast %mul3A_149 : i32 to vector<16xi32>
      %add3A_213 = arith.addi %get3A_211, %add3A_212 : vector<16xi32>
      %gather3A_214 = tpu.vector_load_idx %arg5[%add3A_213] : memref<26544xf32, #tpu.memory_space<vmem>>[vector<16xi32>], vector<16xf32>,
      %add3A_215 = arith.constant 3 : i32
      %add3A_216 = arith.addi %mul3A_176, %add3A_215 : i32
      %add3A_217 = vector.broadcast %add3A_216 : i32 to vector<16xi32>
      %add3A_218 = arith.addi %mul3A_174, %add3A_217 : vector<16xi32>
      tpu.vector_store_idx %arg8[%add3A_218], %gather3A_214 : memref<23680xf32, #tpu.memory_space<vmem>>[vector<16xi32>], vector<16xf32>,
      %add3A_219 = arith.constant 64 : i32
      %add3A_220 = arith.addi %mul3A_176, %add3A_219 : i32
      %get3A_221 = arith.index_cast %add3A_220 : i32 to index
      %get3A_222 = tpu.vector_load %arg6[%get3A_221] {strides = array<i32>} : memref<23680xi32, #tpu.memory_space<vmem>>, vector<16xi32>,
      %add3A_223 = vector.broadcast %mul3A_149 : i32 to vector<16xi32>
      %add3A_224 = arith.addi %get3A_222, %add3A_223 : vector<16xi32>
      %gather3A_225 = tpu.vector_load_idx %arg5[%add3A_224] : memref<26544xf32, #tpu.memory_space<vmem>>[vector<16xi32>], vector<16xf32>,
      %add3A_226 = arith.constant 4 : i32
      %add3A_227 = arith.addi %mul3A_176, %add3A_226 : i32
      %add3A_228 = vector.broadcast %add3A_227 : i32 to vector<16xi32>
      %add3A_229 = arith.addi %mul3A_174, %add3A_228 : vector<16xi32>
      tpu.vector_store_idx %arg8[%add3A_229], %gather3A_225 : memref<23680xf32, #tpu.memory_space<vmem>>[vector<16xi32>], vector<16xf32>,
      %add3A_230 = arith.constant 80 : i32
      %add3A_231 = arith.addi %mul3A_176, %add3A_230 : i32
      %get3A_232 = arith.index_cast %add3A_231 : i32 to index
      %get3A_233 = tpu.vector_load %arg6[%get3A_232] {strides = array<i32>} : memref<23680xi32, #tpu.memory_space<vmem>>, vector<16xi32>,
      %add3A_234 = vector.broadcast %mul3A_149 : i32 to vector<16xi32>
      %add3A_235 = arith.addi %get3A_233, %add3A_234 : vector<16xi32>
      %gather3A_236 = tpu.vector_load_idx %arg5[%add3A_235] : memref<26544xf32, #tpu.memory_space<vmem>>[vector<16xi32>], vector<16xf32>,
      %add3A_237 = arith.constant 5 : i32
      %add3A_238 = arith.addi %mul3A_176, %add3A_237 : i32
      %add3A_239 = vector.broadcast %add3A_238 : i32 to vector<16xi32>
      %add3A_240 = arith.addi %mul3A_174, %add3A_239 : vector<16xi32>
      tpu.vector_store_idx %arg8[%add3A_240], %gather3A_236 : memref<23680xf32, #tpu.memory_space<vmem>>[vector<16xi32>], vector<16xf32>,
      %add3A_241 = arith.constant 96 : i32
      %add3A_242 = arith.addi %mul3A_176, %add3A_241 : i32
      %get3A_243 = arith.index_cast %add3A_242 : i32 to index
      %get3A_244 = tpu.vector_load %arg6[%get3A_243] {strides = array<i32>} : memref<23680xi32, #tpu.memory_space<vmem>>, vector<16xi32>,
      %add3A_245 = vector.broadcast %mul3A_149 : i32 to vector<16xi32>
      %add3A_246 = arith.addi %get3A_244, %add3A_245 : vector<16xi32>
      %gather3A_247 = tpu.vector_load_idx %arg5[%add3A_246] : memref<26544xf32, #tpu.memory_space<vmem>>[vector<16xi32>], vector<16xf32>,
      %add3A_248 = arith.constant 6 : i32
      %add3A_249 = arith.addi %mul3A_176, %add3A_248 : i32
      %add3A_250 = vector.broadcast %add3A_249 : i32 to vector<16xi32>
      %add3A_251 = arith.addi %mul3A_174, %add3A_250 : vector<16xi32>
      tpu.vector_store_idx %arg8[%add3A_251], %gather3A_247 : memref<23680xf32, #tpu.memory_space<vmem>>[vector<16xi32>], vector<16xf32>,
      %add3A_252 = arith.constant 112 : i32
      %add3A_253 = arith.addi %mul3A_176, %add3A_252 : i32
      %get3A_254 = arith.index_cast %add3A_253 : i32 to index
      %get3A_255 = tpu.vector_load %arg6[%get3A_254] {strides = array<i32>} : memref<23680xi32, #tpu.memory_space<vmem>>, vector<16xi32>,
      %add3A_256 = vector.broadcast %mul3A_149 : i32 to vector<16xi32>
      %add3A_257 = arith.addi %get3A_255, %add3A_256 : vector<16xi32>
      %gather3A_258 = tpu.vector_load_idx %arg5[%add3A_257] : memref<26544xf32, #tpu.memory_space<vmem>>[vector<16xi32>], vector<16xf32>,
      %add3A_259 = arith.constant 7 : i32
      %add3A_260 = arith.addi %mul3A_176, %add3A_259 : i32
      %add3A_261 = vector.broadcast %add3A_260 : i32 to vector<16xi32>
      %add3A_262 = arith.addi %mul3A_174, %add3A_261 : vector<16xi32>
      tpu.vector_store_idx %arg8[%add3A_262], %gather3A_258 : memref<23680xf32, #tpu.memory_space<vmem>>[vector<16xi32>], vector<16xf32>,
      %add3A_263 = arith.constant 128 : i32
      %add3A_264 = arith.addi %mul3A_176, %add3A_263 : i32
      %get3A_265 = arith.index_cast %add3A_264 : i32 to index
      %get3A_266 = tpu.vector_load %arg6[%get3A_265] {strides = array<i32>} : memref<23680xi32, #tpu.memory_space<vmem>>, vector<16xi32>,
      %add3A_267 = vector.broadcast %mul3A_149 : i32 to vector<16xi32>
      %add3A_268 = arith.addi %get3A_266, %add3A_267 : vector<16xi32>
      %gather3A_269 = tpu.vector_load_idx %arg5[%add3A_268] : memref<26544xf32, #tpu.memory_space<vmem>>[vector<16xi32>], vector<16xf32>,
      %add3A_270 = arith.constant 8 : i32
      %add3A_271 = arith.addi %mul3A_176, %add3A_270 : i32
      %add3A_272 = vector.broadcast %add3A_271 : i32 to vector<16xi32>
      %add3A_273 = arith.addi %mul3A_174, %add3A_272 : vector<16xi32>
      tpu.vector_store_idx %arg8[%add3A_273], %gather3A_269 : memref<23680xf32, #tpu.memory_space<vmem>>[vector<16xi32>], vector<16xf32>,
      %add3A_274 = arith.constant 144 : i32
      %add3A_275 = arith.addi %mul3A_176, %add3A_274 : i32
      %get3A_276 = arith.index_cast %add3A_275 : i32 to index
      %get3A_277 = tpu.vector_load %arg6[%get3A_276] {strides = array<i32>} : memref<23680xi32, #tpu.memory_space<vmem>>, vector<16xi32>,
      %add3A_278 = vector.broadcast %mul3A_149 : i32 to vector<16xi32>
      %add3A_279 = arith.addi %get3A_277, %add3A_278 : vector<16xi32>
      %gather3A_280 = tpu.vector_load_idx %arg5[%add3A_279] : memref<26544xf32, #tpu.memory_space<vmem>>[vector<16xi32>], vector<16xf32>,
      %add3A_281 = arith.constant 9 : i32
      %add3A_282 = arith.addi %mul3A_176, %add3A_281 : i32
      %add3A_283 = vector.broadcast %add3A_282 : i32 to vector<16xi32>
      %add3A_284 = arith.addi %mul3A_174, %add3A_283 : vector<16xi32>
      tpu.vector_store_idx %arg8[%add3A_284], %gather3A_280 : memref<23680xf32, #tpu.memory_space<vmem>>[vector<16xi32>], vector<16xf32>,
      %add3A_285 = arith.constant 160 : i32
      %add3A_286 = arith.addi %mul3A_176, %add3A_285 : i32
      %get3A_287 = arith.index_cast %add3A_286 : i32 to index
      %get3A_288 = tpu.vector_load %arg6[%get3A_287] {strides = array<i32>} : memref<23680xi32, #tpu.memory_space<vmem>>, vector<16xi32>,
      %add3A_289 = vector.broadcast %mul3A_149 : i32 to vector<16xi32>
      %add3A_290 = arith.addi %get3A_288, %add3A_289 : vector<16xi32>
      %gather3A_291 = tpu.vector_load_idx %arg5[%add3A_290] : memref<26544xf32, #tpu.memory_space<vmem>>[vector<16xi32>], vector<16xf32>,
      %add3A_292 = arith.constant 10 : i32
      %add3A_293 = arith.addi %mul3A_176, %add3A_292 : i32
      %add3A_294 = vector.broadcast %add3A_293 : i32 to vector<16xi32>
      %add3A_295 = arith.addi %mul3A_174, %add3A_294 : vector<16xi32>
      tpu.vector_store_idx %arg8[%add3A_295], %gather3A_291 : memref<23680xf32, #tpu.memory_space<vmem>>[vector<16xi32>], vector<16xf32>,
      %add3A_296 = arith.constant 176 : i32
      %add3A_297 = arith.addi %mul3A_176, %add3A_296 : i32
      %get3A_298 = arith.index_cast %add3A_297 : i32 to index
      %get3A_299 = tpu.vector_load %arg6[%get3A_298] {strides = array<i32>} : memref<23680xi32, #tpu.memory_space<vmem>>, vector<16xi32>,
      %add3A_300 = vector.broadcast %mul3A_149 : i32 to vector<16xi32>
      %add3A_301 = arith.addi %get3A_299, %add3A_300 : vector<16xi32>
      %gather3A_302 = tpu.vector_load_idx %arg5[%add3A_301] : memref<26544xf32, #tpu.memory_space<vmem>>[vector<16xi32>], vector<16xf32>,
      %add3A_303 = arith.constant 11 : i32
      %add3A_304 = arith.addi %mul3A_176, %add3A_303 : i32
      %add3A_305 = vector.broadcast %add3A_304 : i32 to vector<16xi32>
      %add3A_306 = arith.addi %mul3A_174, %add3A_305 : vector<16xi32>
      tpu.vector_store_idx %arg8[%add3A_306], %gather3A_302 : memref<23680xf32, #tpu.memory_space<vmem>>[vector<16xi32>], vector<16xf32>,
      %add3A_307 = arith.constant 192 : i32
      %add3A_308 = arith.addi %mul3A_176, %add3A_307 : i32
      %get3A_309 = arith.index_cast %add3A_308 : i32 to index
      %get3A_310 = tpu.vector_load %arg6[%get3A_309] {strides = array<i32>} : memref<23680xi32, #tpu.memory_space<vmem>>, vector<16xi32>,
      %add3A_311 = vector.broadcast %mul3A_149 : i32 to vector<16xi32>
      %add3A_312 = arith.addi %get3A_310, %add3A_311 : vector<16xi32>
      %gather3A_313 = tpu.vector_load_idx %arg5[%add3A_312] : memref<26544xf32, #tpu.memory_space<vmem>>[vector<16xi32>], vector<16xf32>,
      %add3A_314 = arith.constant 12 : i32
      %add3A_315 = arith.addi %mul3A_176, %add3A_314 : i32
      %add3A_316 = vector.broadcast %add3A_315 : i32 to vector<16xi32>
      %add3A_317 = arith.addi %mul3A_174, %add3A_316 : vector<16xi32>
      tpu.vector_store_idx %arg8[%add3A_317], %gather3A_313 : memref<23680xf32, #tpu.memory_space<vmem>>[vector<16xi32>], vector<16xf32>,
      %add3A_318 = arith.constant 208 : i32
      %add3A_319 = arith.addi %mul3A_176, %add3A_318 : i32
      %get3A_320 = arith.index_cast %add3A_319 : i32 to index
      %get3A_321 = tpu.vector_load %arg6[%get3A_320] {strides = array<i32>} : memref<23680xi32, #tpu.memory_space<vmem>>, vector<16xi32>,
      %add3A_322 = vector.broadcast %mul3A_149 : i32 to vector<16xi32>
      %add3A_323 = arith.addi %get3A_321, %add3A_322 : vector<16xi32>
      %gather3A_324 = tpu.vector_load_idx %arg5[%add3A_323] : memref<26544xf32, #tpu.memory_space<vmem>>[vector<16xi32>], vector<16xf32>,
      %add3A_325 = arith.constant 13 : i32
      %add3A_326 = arith.addi %mul3A_176, %add3A_325 : i32
      %add3A_327 = vector.broadcast %add3A_326 : i32 to vector<16xi32>
      %add3A_328 = arith.addi %mul3A_174, %add3A_327 : vector<16xi32>
      tpu.vector_store_idx %arg8[%add3A_328], %gather3A_324 : memref<23680xf32, #tpu.memory_space<vmem>>[vector<16xi32>], vector<16xf32>,
      %add3A_329 = arith.constant 224 : i32
      %add3A_330 = arith.addi %mul3A_176, %add3A_329 : i32
      %get3A_331 = arith.index_cast %add3A_330 : i32 to index
      %get3A_332 = tpu.vector_load %arg6[%get3A_331] {strides = array<i32>} : memref<23680xi32, #tpu.memory_space<vmem>>, vector<16xi32>,
      %add3A_333 = vector.broadcast %mul3A_149 : i32 to vector<16xi32>
      %add3A_334 = arith.addi %get3A_332, %add3A_333 : vector<16xi32>
      %gather3A_335 = tpu.vector_load_idx %arg5[%add3A_334] : memref<26544xf32, #tpu.memory_space<vmem>>[vector<16xi32>], vector<16xf32>,
      %add3A_336 = arith.constant 14 : i32
      %add3A_337 = arith.addi %mul3A_176, %add3A_336 : i32
      %add3A_338 = vector.broadcast %add3A_337 : i32 to vector<16xi32>
      %add3A_339 = arith.addi %mul3A_174, %add3A_338 : vector<16xi32>
      tpu.vector_store_idx %arg8[%add3A_339], %gather3A_335 : memref<23680xf32, #tpu.memory_space<vmem>>[vector<16xi32>], vector<16xf32>,
      %add3A_340 = arith.constant 240 : i32
      %add3A_341 = arith.addi %mul3A_176, %add3A_340 : i32
      %get3A_342 = arith.index_cast %add3A_341 : i32 to index
      %get3A_343 = tpu.vector_load %arg6[%get3A_342] {strides = array<i32>} : memref<23680xi32, #tpu.memory_space<vmem>>, vector<16xi32>,
      %add3A_344 = vector.broadcast %mul3A_149 : i32 to vector<16xi32>
      %add3A_345 = arith.addi %get3A_343, %add3A_344 : vector<16xi32>
      %gather3A_346 = tpu.vector_load_idx %arg5[%add3A_345] : memref<26544xf32, #tpu.memory_space<vmem>>[vector<16xi32>], vector<16xf32>,
      %add3A_347 = arith.constant 15 : i32
      %add3A_348 = arith.addi %mul3A_176, %add3A_347 : i32
      %add3A_349 = vector.broadcast %add3A_348 : i32 to vector<16xi32>
      %add3A_350 = arith.addi %mul3A_174, %add3A_349 : vector<16xi32>
      tpu.vector_store_idx %arg8[%add3A_350], %gather3A_346 : memref<23680xf32, #tpu.memory_space<vmem>>[vector<16xi32>], vector<16xf32>,
      %add3A_351 = arith.constant 256 : i32
      %add3A_352 = arith.addi %mul3A_176, %add3A_351 : i32
      %get3A_353 = arith.index_cast %add3A_352 : i32 to index
      %get3A_354 = tpu.vector_load %arg6[%get3A_353] {strides = array<i32>} : memref<23680xi32, #tpu.memory_space<vmem>>, vector<16xi32>,
      %add3A_355 = vector.broadcast %mul3A_149 : i32 to vector<16xi32>
      %add3A_356 = arith.addi %get3A_354, %add3A_355 : vector<16xi32>
      %gather3A_357 = tpu.vector_load_idx %arg5[%add3A_356] : memref<26544xf32, #tpu.memory_space<vmem>>[vector<16xi32>], vector<16xf32>,
      %add3A_358 = arith.constant 16 : i32
      %add3A_359 = arith.addi %mul3A_176, %add3A_358 : i32
      %add3A_360 = vector.broadcast %add3A_359 : i32 to vector<16xi32>
      %add3A_361 = arith.addi %mul3A_174, %add3A_360 : vector<16xi32>
      tpu.vector_store_idx %arg8[%add3A_361], %gather3A_357 : memref<23680xf32, #tpu.memory_space<vmem>>[vector<16xi32>], vector<16xf32>,
      %add3A_362 = arith.constant 272 : i32
      %add3A_363 = arith.addi %mul3A_176, %add3A_362 : i32
      %get3A_364 = arith.index_cast %add3A_363 : i32 to index
      %get3A_365 = tpu.vector_load %arg6[%get3A_364] {strides = array<i32>} : memref<23680xi32, #tpu.memory_space<vmem>>, vector<16xi32>,
      %add3A_366 = vector.broadcast %mul3A_149 : i32 to vector<16xi32>
      %add3A_367 = arith.addi %get3A_365, %add3A_366 : vector<16xi32>
      %gather3A_368 = tpu.vector_load_idx %arg5[%add3A_367] : memref<26544xf32, #tpu.memory_space<vmem>>[vector<16xi32>], vector<16xf32>,
      %add3A_369 = arith.constant 17 : i32
      %add3A_370 = arith.addi %mul3A_176, %add3A_369 : i32
      %add3A_371 = vector.broadcast %add3A_370 : i32 to vector<16xi32>
      %add3A_372 = arith.addi %mul3A_174, %add3A_371 : vector<16xi32>
      tpu.vector_store_idx %arg8[%add3A_372], %gather3A_368 : memref<23680xf32, #tpu.memory_space<vmem>>[vector<16xi32>], vector<16xf32>,
      %add3A_373 = arith.constant 288 : i32
      %add3A_374 = arith.addi %mul3A_176, %add3A_373 : i32
      %get3A_375 = arith.index_cast %add3A_374 : i32 to index
      %get3A_376 = tpu.vector_load %arg6[%get3A_375] {strides = array<i32>} : memref<23680xi32, #tpu.memory_space<vmem>>, vector<16xi32>,
      %add3A_377 = vector.broadcast %mul3A_149 : i32 to vector<16xi32>
      %add3A_378 = arith.addi %get3A_376, %add3A_377 : vector<16xi32>
      %gather3A_379 = tpu.vector_load_idx %arg5[%add3A_378] : memref<26544xf32, #tpu.memory_space<vmem>>[vector<16xi32>], vector<16xf32>,
      %add3A_380 = arith.constant 18 : i32
      %add3A_381 = arith.addi %mul3A_176, %add3A_380 : i32
      %add3A_382 = vector.broadcast %add3A_381 : i32 to vector<16xi32>
      %add3A_383 = arith.addi %mul3A_174, %add3A_382 : vector<16xi32>
      tpu.vector_store_idx %arg8[%add3A_383], %gather3A_379 : memref<23680xf32, #tpu.memory_space<vmem>>[vector<16xi32>], vector<16xf32>,
      %add3A_384 = arith.constant 304 : i32
      %add3A_385 = arith.addi %mul3A_176, %add3A_384 : i32
      %get3A_386 = arith.index_cast %add3A_385 : i32 to index
      %get3A_387 = tpu.vector_load %arg6[%get3A_386] {strides = array<i32>} : memref<23680xi32, #tpu.memory_space<vmem>>, vector<16xi32>,
      %add3A_388 = vector.broadcast %mul3A_149 : i32 to vector<16xi32>
      %add3A_389 = arith.addi %get3A_387, %add3A_388 : vector<16xi32>
      %gather3A_390 = tpu.vector_load_idx %arg5[%add3A_389] : memref<26544xf32, #tpu.memory_space<vmem>>[vector<16xi32>], vector<16xf32>,
      %add3A_391 = arith.constant 19 : i32
      %add3A_392 = arith.addi %mul3A_176, %add3A_391 : i32
      %add3A_393 = vector.broadcast %add3A_392 : i32 to vector<16xi32>
      %add3A_394 = arith.addi %mul3A_174, %add3A_393 : vector<16xi32>
      tpu.vector_store_idx %arg8[%add3A_394], %gather3A_390 : memref<23680xf32, #tpu.memory_space<vmem>>[vector<16xi32>], vector<16xf32>,
      %add3A_395 = arith.constant 320 : i32
      %add3A_396 = arith.addi %mul3A_176, %add3A_395 : i32
      %get3A_397 = arith.index_cast %add3A_396 : i32 to index
      %get3A_398 = tpu.vector_load %arg6[%get3A_397] {strides = array<i32>} : memref<23680xi32, #tpu.memory_space<vmem>>, vector<16xi32>,
      %add3A_399 = vector.broadcast %mul3A_149 : i32 to vector<16xi32>
      %add3A_400 = arith.addi %get3A_398, %add3A_399 : vector<16xi32>
      %gather3A_401 = tpu.vector_load_idx %arg5[%add3A_400] : memref<26544xf32, #tpu.memory_space<vmem>>[vector<16xi32>], vector<16xf32>,
      %add3A_402 = arith.constant 20 : i32
      %add3A_403 = arith.addi %mul3A_176, %add3A_402 : i32
      %add3A_404 = vector.broadcast %add3A_403 : i32 to vector<16xi32>
      %add3A_405 = arith.addi %mul3A_174, %add3A_404 : vector<16xi32>
      tpu.vector_store_idx %arg8[%add3A_405], %gather3A_401 : memref<23680xf32, #tpu.memory_space<vmem>>[vector<16xi32>], vector<16xf32>,
      %add3A_406 = arith.constant 336 : i32
      %add3A_407 = arith.addi %mul3A_176, %add3A_406 : i32
      %get3A_408 = arith.index_cast %add3A_407 : i32 to index
      %get3A_409 = tpu.vector_load %arg6[%get3A_408] {strides = array<i32>} : memref<23680xi32, #tpu.memory_space<vmem>>, vector<16xi32>,
      %add3A_410 = vector.broadcast %mul3A_149 : i32 to vector<16xi32>
      %add3A_411 = arith.addi %get3A_409, %add3A_410 : vector<16xi32>
      %gather3A_412 = tpu.vector_load_idx %arg5[%add3A_411] : memref<26544xf32, #tpu.memory_space<vmem>>[vector<16xi32>], vector<16xf32>,
      %add3A_413 = arith.constant 21 : i32
      %add3A_414 = arith.addi %mul3A_176, %add3A_413 : i32
      %add3A_415 = vector.broadcast %add3A_414 : i32 to vector<16xi32>
      %add3A_416 = arith.addi %mul3A_174, %add3A_415 : vector<16xi32>
      tpu.vector_store_idx %arg8[%add3A_416], %gather3A_412 : memref<23680xf32, #tpu.memory_space<vmem>>[vector<16xi32>], vector<16xf32>,
      %add3A_417 = arith.constant 352 : i32
      %add3A_418 = arith.addi %mul3A_176, %add3A_417 : i32
      %get3A_419 = arith.index_cast %add3A_418 : i32 to index
      %get3A_420 = tpu.vector_load %arg6[%get3A_419] {strides = array<i32>} : memref<23680xi32, #tpu.memory_space<vmem>>, vector<16xi32>,
      %add3A_421 = vector.broadcast %mul3A_149 : i32 to vector<16xi32>
      %add3A_422 = arith.addi %get3A_420, %add3A_421 : vector<16xi32>
      %gather3A_423 = tpu.vector_load_idx %arg5[%add3A_422] : memref<26544xf32, #tpu.memory_space<vmem>>[vector<16xi32>], vector<16xf32>,
      %add3A_424 = arith.constant 22 : i32
      %add3A_425 = arith.addi %mul3A_176, %add3A_424 : i32
      %add3A_426 = vector.broadcast %add3A_425 : i32 to vector<16xi32>
      %add3A_427 = arith.addi %mul3A_174, %add3A_426 : vector<16xi32>
      tpu.vector_store_idx %arg8[%add3A_427], %gather3A_423 : memref<23680xf32, #tpu.memory_space<vmem>>[vector<16xi32>], vector<16xf32>,
      %add3A_428 = arith.constant 368 : i32
      %add3A_429 = arith.addi %mul3A_176, %add3A_428 : i32
      %get3A_430 = arith.index_cast %add3A_429 : i32 to index
      %get3A_431 = tpu.vector_load %arg6[%get3A_430] {strides = array<i32>} : memref<23680xi32, #tpu.memory_space<vmem>>, vector<16xi32>,
      %add3A_432 = vector.broadcast %mul3A_149 : i32 to vector<16xi32>
      %add3A_433 = arith.addi %get3A_431, %add3A_432 : vector<16xi32>
      %gather3A_434 = tpu.vector_load_idx %arg5[%add3A_433] : memref<26544xf32, #tpu.memory_space<vmem>>[vector<16xi32>], vector<16xf32>,
      %add3A_435 = arith.constant 23 : i32
      %add3A_436 = arith.addi %mul3A_176, %add3A_435 : i32
      %add3A_437 = vector.broadcast %add3A_436 : i32 to vector<16xi32>
      %add3A_438 = arith.addi %mul3A_174, %add3A_437 : vector<16xi32>
      tpu.vector_store_idx %arg8[%add3A_438], %gather3A_434 : memref<23680xf32, #tpu.memory_space<vmem>>[vector<16xi32>], vector<16xf32>,
      %add3A_439 = arith.constant 384 : i32
      %add3A_440 = arith.addi %mul3A_176, %add3A_439 : i32
      %get3A_441 = arith.index_cast %add3A_440 : i32 to index
      %get3A_442 = tpu.vector_load %arg6[%get3A_441] {strides = array<i32>} : memref<23680xi32, #tpu.memory_space<vmem>>, vector<16xi32>,
      %add3A_443 = vector.broadcast %mul3A_149 : i32 to vector<16xi32>
      %add3A_444 = arith.addi %get3A_442, %add3A_443 : vector<16xi32>
      %gather3A_445 = tpu.vector_load_idx %arg5[%add3A_444] : memref<26544xf32, #tpu.memory_space<vmem>>[vector<16xi32>], vector<16xf32>,
      %add3A_446 = arith.constant 24 : i32
      %add3A_447 = arith.addi %mul3A_176, %add3A_446 : i32
      %add3A_448 = vector.broadcast %add3A_447 : i32 to vector<16xi32>
      %add3A_449 = arith.addi %mul3A_174, %add3A_448 : vector<16xi32>
      tpu.vector_store_idx %arg8[%add3A_449], %gather3A_445 : memref<23680xf32, #tpu.memory_space<vmem>>[vector<16xi32>], vector<16xf32>,
      %add3A_450 = arith.constant 400 : i32
      %add3A_451 = arith.addi %mul3A_176, %add3A_450 : i32
      %get3A_452 = arith.index_cast %add3A_451 : i32 to index
      %get3A_453 = tpu.vector_load %arg6[%get3A_452] {strides = array<i32>} : memref<23680xi32, #tpu.memory_space<vmem>>, vector<16xi32>,
      %add3A_454 = vector.broadcast %mul3A_149 : i32 to vector<16xi32>
      %add3A_455 = arith.addi %get3A_453, %add3A_454 : vector<16xi32>
      %gather3A_456 = tpu.vector_load_idx %arg5[%add3A_455] : memref<26544xf32, #tpu.memory_space<vmem>>[vector<16xi32>], vector<16xf32>,
      %add3A_457 = arith.constant 25 : i32
      %add3A_458 = arith.addi %mul3A_176, %add3A_457 : i32
      %add3A_459 = vector.broadcast %add3A_458 : i32 to vector<16xi32>
      %add3A_460 = arith.addi %mul3A_174, %add3A_459 : vector<16xi32>
      tpu.vector_store_idx %arg8[%add3A_460], %gather3A_456 : memref<23680xf32, #tpu.memory_space<vmem>>[vector<16xi32>], vector<16xf32>,
      %add3A_461 = arith.constant 416 : i32
      %add3A_462 = arith.addi %mul3A_176, %add3A_461 : i32
      %get3A_463 = arith.index_cast %add3A_462 : i32 to index
      %get3A_464 = tpu.vector_load %arg6[%get3A_463] {strides = array<i32>} : memref<23680xi32, #tpu.memory_space<vmem>>, vector<16xi32>,
      %add3A_465 = vector.broadcast %mul3A_149 : i32 to vector<16xi32>
      %add3A_466 = arith.addi %get3A_464, %add3A_465 : vector<16xi32>
      %gather3A_467 = tpu.vector_load_idx %arg5[%add3A_466] : memref<26544xf32, #tpu.memory_space<vmem>>[vector<16xi32>], vector<16xf32>,
      %add3A_468 = arith.constant 26 : i32
      %add3A_469 = arith.addi %mul3A_176, %add3A_468 : i32
      %add3A_470 = vector.broadcast %add3A_469 : i32 to vector<16xi32>
      %add3A_471 = arith.addi %mul3A_174, %add3A_470 : vector<16xi32>
      tpu.vector_store_idx %arg8[%add3A_471], %gather3A_467 : memref<23680xf32, #tpu.memory_space<vmem>>[vector<16xi32>], vector<16xf32>,
      %add3A_472 = arith.constant 432 : i32
      %add3A_473 = arith.addi %mul3A_176, %add3A_472 : i32
      %get3A_474 = arith.index_cast %add3A_473 : i32 to index
      %get3A_475 = tpu.vector_load %arg6[%get3A_474] {strides = array<i32>} : memref<23680xi32, #tpu.memory_space<vmem>>, vector<16xi32>,
      %add3A_476 = vector.broadcast %mul3A_149 : i32 to vector<16xi32>
      %add3A_477 = arith.addi %get3A_475, %add3A_476 : vector<16xi32>
      %gather3A_478 = tpu.vector_load_idx %arg5[%add3A_477] : memref<26544xf32, #tpu.memory_space<vmem>>[vector<16xi32>], vector<16xf32>,
      %add3A_479 = arith.constant 27 : i32
      %add3A_480 = arith.addi %mul3A_176, %add3A_479 : i32
      %add3A_481 = vector.broadcast %add3A_480 : i32 to vector<16xi32>
      %add3A_482 = arith.addi %mul3A_174, %add3A_481 : vector<16xi32>
      tpu.vector_store_idx %arg8[%add3A_482], %gather3A_478 : memref<23680xf32, #tpu.memory_space<vmem>>[vector<16xi32>], vector<16xf32>,
      %add3A_483 = arith.constant 448 : i32
      %add3A_484 = arith.addi %mul3A_176, %add3A_483 : i32
      %get3A_485 = arith.index_cast %add3A_484 : i32 to index
      %get3A_486 = tpu.vector_load %arg6[%get3A_485] {strides = array<i32>} : memref<23680xi32, #tpu.memory_space<vmem>>, vector<16xi32>,
      %add3A_487 = vector.broadcast %mul3A_149 : i32 to vector<16xi32>
      %add3A_488 = arith.addi %get3A_486, %add3A_487 : vector<16xi32>
      %gather3A_489 = tpu.vector_load_idx %arg5[%add3A_488] : memref<26544xf32, #tpu.memory_space<vmem>>[vector<16xi32>], vector<16xf32>,
      %add3A_490 = arith.constant 28 : i32
      %add3A_491 = arith.addi %mul3A_176, %add3A_490 : i32
      %add3A_492 = vector.broadcast %add3A_491 : i32 to vector<16xi32>
      %add3A_493 = arith.addi %mul3A_174, %add3A_492 : vector<16xi32>
      tpu.vector_store_idx %arg8[%add3A_493], %gather3A_489 : memref<23680xf32, #tpu.memory_space<vmem>>[vector<16xi32>], vector<16xf32>,
      %add3A_494 = arith.constant 464 : i32
      %add3A_495 = arith.addi %mul3A_176, %add3A_494 : i32
      %get3A_496 = arith.index_cast %add3A_495 : i32 to index
      %get3A_497 = tpu.vector_load %arg6[%get3A_496] {strides = array<i32>} : memref<23680xi32, #tpu.memory_space<vmem>>, vector<16xi32>,
      %add3A_498 = vector.broadcast %mul3A_149 : i32 to vector<16xi32>
      %add3A_499 = arith.addi %get3A_497, %add3A_498 : vector<16xi32>
      %gather3A_500 = tpu.vector_load_idx %arg5[%add3A_499] : memref<26544xf32, #tpu.memory_space<vmem>>[vector<16xi32>], vector<16xf32>,
      %add3A_501 = arith.constant 29 : i32
      %add3A_502 = arith.addi %mul3A_176, %add3A_501 : i32
      %add3A_503 = vector.broadcast %add3A_502 : i32 to vector<16xi32>
      %add3A_504 = arith.addi %mul3A_174, %add3A_503 : vector<16xi32>
      tpu.vector_store_idx %arg8[%add3A_504], %gather3A_500 : memref<23680xf32, #tpu.memory_space<vmem>>[vector<16xi32>], vector<16xf32>,
      %add3A_505 = arith.constant 480 : i32
      %add3A_506 = arith.addi %mul3A_176, %add3A_505 : i32
      %get3A_507 = arith.index_cast %add3A_506 : i32 to index
      %get3A_508 = tpu.vector_load %arg6[%get3A_507] {strides = array<i32>} : memref<23680xi32, #tpu.memory_space<vmem>>, vector<16xi32>,
      %add3A_509 = vector.broadcast %mul3A_149 : i32 to vector<16xi32>
      %add3A_510 = arith.addi %get3A_508, %add3A_509 : vector<16xi32>
      %gather3A_511 = tpu.vector_load_idx %arg5[%add3A_510] : memref<26544xf32, #tpu.memory_space<vmem>>[vector<16xi32>], vector<16xf32>,
      %add3A_512 = arith.constant 30 : i32
      %add3A_513 = arith.addi %mul3A_176, %add3A_512 : i32
      %add3A_514 = vector.broadcast %add3A_513 : i32 to vector<16xi32>
      %add3A_515 = arith.addi %mul3A_174, %add3A_514 : vector<16xi32>
      tpu.vector_store_idx %arg8[%add3A_515], %gather3A_511 : memref<23680xf32, #tpu.memory_space<vmem>>[vector<16xi32>], vector<16xf32>,
      %add3A_516 = arith.constant 496 : i32
      %add3A_517 = arith.addi %mul3A_176, %add3A_516 : i32
      %get3A_518 = arith.index_cast %add3A_517 : i32 to index
      %get3A_519 = tpu.vector_load %arg6[%get3A_518] {strides = array<i32>} : memref<23680xi32, #tpu.memory_space<vmem>>, vector<16xi32>,
      %add3A_520 = vector.broadcast %mul3A_149 : i32 to vector<16xi32>
      %add3A_521 = arith.addi %get3A_519, %add3A_520 : vector<16xi32>
      %gather3A_522 = tpu.vector_load_idx %arg5[%add3A_521] : memref<26544xf32, #tpu.memory_space<vmem>>[vector<16xi32>], vector<16xf32>,
      %add3A_523 = arith.constant 31 : i32
      %add3A_524 = arith.addi %mul3A_176, %add3A_523 : i32
      %add3A_525 = vector.broadcast %add3A_524 : i32 to vector<16xi32>
      %add3A_526 = arith.addi %mul3A_174, %add3A_525 : vector<16xi32>
      tpu.vector_store_idx %arg8[%add3A_526], %gather3A_522 : memref<23680xf32, #tpu.memory_space<vmem>>[vector<16xi32>], vector<16xf32>,
      %add3A_527 = arith.constant 512 : i32
      %add3A_528 = arith.addi %mul3A_176, %add3A_527 : i32
      %get3A_529 = arith.index_cast %add3A_528 : i32 to index
      %get3A_530 = tpu.vector_load %arg6[%get3A_529] {strides = array<i32>} : memref<23680xi32, #tpu.memory_space<vmem>>, vector<16xi32>,
      %add3A_531 = vector.broadcast %mul3A_149 : i32 to vector<16xi32>
      %add3A_532 = arith.addi %get3A_530, %add3A_531 : vector<16xi32>
      %gather3A_533 = tpu.vector_load_idx %arg5[%add3A_532] : memref<26544xf32, #tpu.memory_space<vmem>>[vector<16xi32>], vector<16xf32>,
      %add3A_534 = arith.constant 32 : i32
      %add3A_535 = arith.addi %mul3A_176, %add3A_534 : i32
      %add3A_536 = vector.broadcast %add3A_535 : i32 to vector<16xi32>
      %add3A_537 = arith.addi %mul3A_174, %add3A_536 : vector<16xi32>
      tpu.vector_store_idx %arg8[%add3A_537], %gather3A_533 : memref<23680xf32, #tpu.memory_space<vmem>>[vector<16xi32>], vector<16xf32>,
      %add3A_538 = arith.constant 528 : i32
      %add3A_539 = arith.addi %mul3A_176, %add3A_538 : i32
      %get3A_540 = arith.index_cast %add3A_539 : i32 to index
      %get3A_541 = tpu.vector_load %arg6[%get3A_540] {strides = array<i32>} : memref<23680xi32, #tpu.memory_space<vmem>>, vector<16xi32>,
      %add3A_542 = vector.broadcast %mul3A_149 : i32 to vector<16xi32>
      %add3A_543 = arith.addi %get3A_541, %add3A_542 : vector<16xi32>
      %gather3A_544 = tpu.vector_load_idx %arg5[%add3A_543] : memref<26544xf32, #tpu.memory_space<vmem>>[vector<16xi32>], vector<16xf32>,
      %add3A_545 = arith.constant 33 : i32
      %add3A_546 = arith.addi %mul3A_176, %add3A_545 : i32
      %add3A_547 = vector.broadcast %add3A_546 : i32 to vector<16xi32>
      %add3A_548 = arith.addi %mul3A_174, %add3A_547 : vector<16xi32>
      tpu.vector_store_idx %arg8[%add3A_548], %gather3A_544 : memref<23680xf32, #tpu.memory_space<vmem>>[vector<16xi32>], vector<16xf32>,
      %add3A_549 = arith.constant 544 : i32
      %add3A_550 = arith.addi %mul3A_176, %add3A_549 : i32
      %get3A_551 = arith.index_cast %add3A_550 : i32 to index
      %get3A_552 = tpu.vector_load %arg6[%get3A_551] {strides = array<i32>} : memref<23680xi32, #tpu.memory_space<vmem>>, vector<16xi32>,
      %add3A_553 = vector.broadcast %mul3A_149 : i32 to vector<16xi32>
      %add3A_554 = arith.addi %get3A_552, %add3A_553 : vector<16xi32>
      %gather3A_555 = tpu.vector_load_idx %arg5[%add3A_554] : memref<26544xf32, #tpu.memory_space<vmem>>[vector<16xi32>], vector<16xf32>,
      %add3A_556 = arith.constant 34 : i32
      %add3A_557 = arith.addi %mul3A_176, %add3A_556 : i32
      %add3A_558 = vector.broadcast %add3A_557 : i32 to vector<16xi32>
      %add3A_559 = arith.addi %mul3A_174, %add3A_558 : vector<16xi32>
      tpu.vector_store_idx %arg8[%add3A_559], %gather3A_555 : memref<23680xf32, #tpu.memory_space<vmem>>[vector<16xi32>], vector<16xf32>,
      %add3A_560 = arith.constant 560 : i32
      %add3A_561 = arith.addi %mul3A_176, %add3A_560 : i32
      %get3A_562 = arith.index_cast %add3A_561 : i32 to index
      %get3A_563 = tpu.vector_load %arg6[%get3A_562] {strides = array<i32>} : memref<23680xi32, #tpu.memory_space<vmem>>, vector<16xi32>,
      %add3A_564 = vector.broadcast %mul3A_149 : i32 to vector<16xi32>
      %add3A_565 = arith.addi %get3A_563, %add3A_564 : vector<16xi32>
      %gather3A_566 = tpu.vector_load_idx %arg5[%add3A_565] : memref<26544xf32, #tpu.memory_space<vmem>>[vector<16xi32>], vector<16xf32>,
      %add3A_567 = arith.constant 35 : i32
      %add3A_568 = arith.addi %mul3A_176, %add3A_567 : i32
      %add3A_569 = vector.broadcast %add3A_568 : i32 to vector<16xi32>
      %add3A_570 = arith.addi %mul3A_174, %add3A_569 : vector<16xi32>
      tpu.vector_store_idx %arg8[%add3A_570], %gather3A_566 : memref<23680xf32, #tpu.memory_space<vmem>>[vector<16xi32>], vector<16xf32>,
      %add3A_571 = arith.constant 576 : i32
      %add3A_572 = arith.addi %mul3A_176, %add3A_571 : i32
      %get3A_573 = arith.index_cast %add3A_572 : i32 to index
      %get3A_574 = tpu.vector_load %arg6[%get3A_573] {strides = array<i32>} : memref<23680xi32, #tpu.memory_space<vmem>>, vector<16xi32>,
      %add3A_575 = vector.broadcast %mul3A_149 : i32 to vector<16xi32>
      %add3A_576 = arith.addi %get3A_574, %add3A_575 : vector<16xi32>
      %gather3A_577 = tpu.vector_load_idx %arg5[%add3A_576] : memref<26544xf32, #tpu.memory_space<vmem>>[vector<16xi32>], vector<16xf32>,
      %add3A_578 = arith.constant 36 : i32
      %add3A_579 = arith.addi %mul3A_176, %add3A_578 : i32
      %add3A_580 = vector.broadcast %add3A_579 : i32 to vector<16xi32>
      %add3A_581 = arith.addi %mul3A_174, %add3A_580 : vector<16xi32>
      tpu.vector_store_idx %arg8[%add3A_581], %gather3A_577 : memref<23680xf32, #tpu.memory_space<vmem>>[vector<16xi32>], vector<16xf32>,
      %scan3A_582 = arith.constant 0 : i32
      scf.yield %scan3A_582 : i32
    }
    %scan3A_156 = arith.constant 40 : i32
    %add3A_157 = arith.constant 5 : i32
    %add3A_158 = arith.addi %mul3A_34, %add3A_157 : i32
    %mul3A_159 = arith.constant 16 : i32
    %mul3A_160 = arith.muli %add3A_158, %mul3A_159 : i32
    %add3A_161 = arith.addi %mul3A_160, %select_n3A_30 : i32
    %mul3A_162 = arith.constant 23680 : i32
    %mul3A_163 = arith.muli %add3A_161, %mul3A_162 : i32
    %dma_start3A_164 = tpu.memref_slice %arg4[%mul3A_163] : memref<4546560xf32, #tpu.memory_space<hbm>> -> memref<23680xf32, #tpu.memory_space<hbm>>
    %dma_start3A_165 = tpu.memref_slice %arg4[%mul3A_163] : memref<4546560xf32, #tpu.memory_space<hbm>> -> memref<23680xf32, #tpu.memory_space<hbm>>
    tpu.enqueue_dma source(%arg8 : memref<23680xf32, #tpu.memory_space<vmem>>) target(%dma_start3A_165 : memref<23680xf32, #tpu.memory_space<hbm>>) target_semaphore(%arg12 : memref<!tpu.dma_semaphore, #tpu.memory_space<semaphore_mem>>)
    %dma_wait3A_166 = tpu.memref_slice %arg4[%mul3A_141] : memref<4546560xf32, #tpu.memory_space<hbm>> -> memref<23680xf32, #tpu.memory_space<hbm>>
    %dma_wait3A_167 = tpu.memref_slice %arg4[%mul3A_141] : memref<4546560xf32, #tpu.memory_space<hbm>> -> memref<23680xf32, #tpu.memory_space<hbm>>
    tpu.wait_dma2 semaphore(%arg11 : memref<!tpu.dma_semaphore, #tpu.memory_space<semaphore_mem>>) src(%arg7 : memref<23680xf32, #tpu.memory_space<vmem>>) dst(%dma_wait3A_167 : memref<23680xf32, #tpu.memory_space<hbm>>)
    %dma_wait3A_168 = tpu.memref_slice %arg4[%mul3A_163] : memref<4546560xf32, #tpu.memory_space<hbm>> -> memref<23680xf32, #tpu.memory_space<hbm>>
    %dma_wait3A_169 = tpu.memref_slice %arg4[%mul3A_163] : memref<4546560xf32, #tpu.memory_space<hbm>> -> memref<23680xf32, #tpu.memory_space<hbm>>
    tpu.wait_dma2 semaphore(%arg12 : memref<!tpu.dma_semaphore, #tpu.memory_space<semaphore_mem>>) src(%arg8 : memref<23680xf32, #tpu.memory_space<vmem>>) dst(%dma_wait3A_169 : memref<23680xf32, #tpu.memory_space<hbm>>)
    return
  }
}

module attributes {stable_mosaic.version = 14 : i64} {
  func.func @_add_body(%arg0: i32, %arg1: memref<8x1x577x577xf32, #tpu.memory_space<vmem>>, %arg2: memref<1x584x592xf32, #tpu.memory_space<vmem>>, %arg3: memref<8x1x577x577xf32, #tpu.memory_space<vmem>>) attributes {dimension_semantics = [#tpu.dimension_semantics<arbitrary>], iteration_bounds = array<i64: 12>, scalar_prefetch = 0 : i64, scratch_operands = 0 : i64, tpu.core_type = #tpu.core_type<tc>, window_params = [{transform_indices = @transform_0, window_bounds = array<i64: 8, 1, 577, 577>}, {transform_indices = @transform_1, window_bounds = array<i64: 1, 584, 592>}, {transform_indices = @transform_2, window_bounds = array<i64: 8, 1, 577, 577>}]} {
    %get3A = arith.constant 0 : index
    %get3A_0 = arith.constant 0 : index
    %get3A_1 = arith.constant 0 : index
    %get3A_2 = arith.constant 0 : index
    %get3A_3 = vector.load %arg1[%get3A, %get3A_0, %get3A_1, %get3A_2] : memref<8x1x577x577xf32, #tpu.memory_space<vmem>>, vector<8x1x577x577xf32>
    %get3A_4 = arith.constant 0 : index
    %get3A_5 = arith.constant 0 : index
    %get3A_6 = arith.constant 0 : index
    %get3A_7 = vector.load %arg2[%get3A_4, %get3A_5, %get3A_6] : memref<1x584x592xf32, #tpu.memory_space<vmem>>, vector<1x577x577xf32>
    %broadcast_in_dim3A = vector.shape_cast %get3A_7 : vector<1x577x577xf32> to vector<1x1x577x577xf32>
    %add3A = vector.broadcast %broadcast_in_dim3A : vector<1x1x577x577xf32> to vector<8x1x577x577xf32>
    %add3A_8 = arith.addf %get3A_3, %add3A : vector<8x1x577x577xf32>
    %swap3A = arith.constant 0 : index
    %swap3A_9 = arith.constant 0 : index
    %swap3A_10 = arith.constant 0 : index
    %swap3A_11 = arith.constant 0 : index
    %swap3A_12 = vector.load %arg3[%swap3A, %swap3A_9, %swap3A_10, %swap3A_11] : memref<8x1x577x577xf32, #tpu.memory_space<vmem>>, vector<8x1x577x577xf32>
    tpu.vector_store %arg3[%swap3A, %swap3A_9, %swap3A_10, %swap3A_11], %add3A_8 {strides = array<i32>} : memref<8x1x577x577xf32, #tpu.memory_space<vmem>>, vector<8x1x577x577xf32>,
    return
  }
  func.func @transform_0(%arg0: i32) -> (i32, i32, i32, i32) {
    %c0_i32 = arith.constant 0 : i32
    %c0_i32_0 = arith.constant 0 : i32
    %c0_i32_1 = arith.constant 0 : i32
    %c0_i32_2 = arith.constant 0 : i32
    return %c0_i32, %arg0, %c0_i32_0, %c0_i32_1 : i32, i32, i32, i32
  }
  func.func @transform_1(%arg0: i32) -> (i32, i32, i32) {
    %c0_i32 = arith.constant 0 : i32
    %c0_i32_0 = arith.constant 0 : i32
    %c0_i32_1 = arith.constant 0 : i32
    return %arg0, %c0_i32, %c0_i32_0 : i32, i32, i32
  }
  func.func @transform_2(%arg0: i32) -> (i32, i32, i32, i32) {
    %c0_i32 = arith.constant 0 : i32
    %c0_i32_0 = arith.constant 0 : i32
    %c0_i32_1 = arith.constant 0 : i32
    %c0_i32_2 = arith.constant 0 : i32
    return %c0_i32, %arg0, %c0_i32_0, %c0_i32_1 : i32, i32, i32, i32
  }
}

</mosaic_0001>

<sc_bundles>
// kernel: kernel.4.cloned.1.call-start
scs
__scs_entry_jumppad:
0x0: {  	(pc) =	sbr.rel $0x88, $3  }
0x1: {  	(tag) =	ssettag $0x0;
	lr =	simm.s32 $0x1  }
0x2: {  	[smem:$0x3F9E] =	sst lr;
	_ =	strace $0xD0000000  }
0x3: {  	_ = 	snop  }
0x4: {  	_ = 	snop  }
0x5: {  	_ = 	snop  }
0x6: {  	_ = 	snop  }
0x7: {  	_ = 	snop  }
__scs_overlays_trampoline_lowered:
0x8: {  	[smem:$0x3FAD] =	sst s0  }
0x9: {  	[smem:$0x3FAE] =	sst s1  }
0xa: {  	[smem:$0x3FAF] =	sst s2  }
0xb: {  	[smem:$0x3FB0] =	sst s3  }
0xc: {  	[smem:$0x3FB1] =	sst s4  }
0xd: {  	[smem:$0x3FB2] =	sst s5  }
0xe: {  	[smem:$0x3FB3] =	sst s6  }
0xf: {  	[smem:$0x3FB4] =	sst s7  }
0x10: {  	[smem:$0x3FB5] =	sst s8  }
0x11: {  	[smem:$0x3FB6] =	sst s9;
	s0 =	simm.s32 @!p0 $0x0  }
0x12: {  	s1 =	sld [smem:$0x3F9C];
	s0 =	simm.s32 @p0 $0x1  }
0x13: {  	[smem:$0x3FB7] =	sst s0;
	s0 =	simm.s32 @!p1 $0x0  }
0x14: {  	s2 =	sld [smem:$0x3F9B];
	s0 =	simm.s32 @p1 $0x1  }
0x15: {  	[smem:$0x3FB8] =	sst s0;
	s0 =	simm.s32 @!p2 $0x0  }
0x16: {  	s3 =	sld [smem:$0x3FDB];
	s0 =	simm.s32 @p2 $0x1  }
0x17: {  	s4 =	simm.s32 $0x1BF5;
	[smem:$0x3FBA] =	sst s0  }
0x18: {  	s0 =	sld [smem:$0x3F9D];
	_ =	swait.ge [sflag:s4], $0x0  }
0x19: {  	s7 =	sld [smem:$0x3F9E]  }
0x1a: {  	s8 =	sadd.s32 $0xFFFFE003, lr  }
0x1b: {  	s9 =	sadd.s32 $0xFFFFFEF7, lr;
	s5 =	simm.s32 $0xFFFFFFFF;
	p2 =	slt.u32 s8, $0xFFFFF086  }
0x1c: {  	p1 =	slt.u32 s9, $0xF7A;
	s5 =	simm.s32 @!p2 $0x0  }
0x1d: {  	s5 =	simm.s32 @p1 $0x1;
	p0 =	seq.s32 s7, s2  }
0x1e: {  	s7 =	smul.u32 @!p0 $0xF7A, s2;
	p2 =	seq.s32 @!p0 s5, $0x0  }
0x1f: {  	s9 =	smul.u32 $0xF7A, s1;
	s8 =	simm.s32 @!p0 $0x1BF5;
	p2 =	por !p2, p0  }
0x20: {  	[sflag:s8] =	ssyncset.s32 @!p0 $0xFFFFF086;
	s6 =	sadd.s32 @!p0 s3, s7;
	s7 =	simm.s32 @!p0 $0x108  }
0x21: {  	s3 =	sadd.s32 s3, s9;
	s6 =	sadd.s32 @!p0 $0x88, s6;
	s7 =	simm.s32 @p2 $0x1082  }
0x22: {  	[simem:s7], [sflag:s8] =	dma.local @!p0 [hbm:s6], $0xF7A  }
0x23: {  	s9 =	sor.u32 $0xD0000000, s2;
	s6 =	simm.s32 $0x108;
	_ =	swait.ge @!p0 [sflag:s8], $0x0  }
0x24: {  	s3 =	sadd.s32 $0x88, s3;
	s6 =	simm.s32 @!p1 $0x1082;
	[sflag:s4] =	ssyncset.s32 $0xFFFFF086  }
0x25: {  	[simem:s6], [sflag:s4] =	dma.local [hbm:s3], $0xF7A  }
0x26: {  	[smem:$0x3F9E] =	sst s1;
	(tag) =	ssettag s2;
	_ =	strace s9  }
0x27: {  	s1 =	sld [smem:$0x3FAE]  }
0x28: {  	s2 =	sld [smem:$0x3FAF]  }
0x29: {  	s4 =	sld [smem:$0x3FB1]  }
0x2a: {  	p0 =	seq.s32 s5, $0x0;
	s5 =	sld [smem:$0x3FB2]  }
0x2b: {  	s6 =	sld [smem:$0x3FB3]  }
0x2c: {  	s7 =	sld [smem:$0x3FB4]  }
0x2d: {  	s3 =	simm.s32 $0x108;
	s8 =	sld [smem:$0x3FB5]  }
0x2e: {  	s3 =	simm.s32 @!p0 $0x1082;
	s9 =	sld [smem:$0x3FB6]  }
0x2f: {  	lr =	sadd.s32 s0, s3;
	s0 =	sld [smem:$0x3FAD]  }
0x30: {  	s3 =	sld [smem:$0x3FB0]  }
0x31: {  	[smem:$0x3FB9] =	sst s10  }
0x32: {  	s10 =	sld [smem:$0x3FB7];
	_ =	sdelay $0x3  }
0x33: {  	p0 =	seq.s32 s10, $0x1;
	s10 =	sld [smem:$0x3FB9];
	_ =	sdelay $0x3  }
0x34: {  	[smem:$0x3FB9] =	sst s10  }
0x35: {  	s10 =	sld [smem:$0x3FB8];
	_ =	sdelay $0x3  }
0x36: {  	p1 =	seq.s32 s10, $0x1;
	s10 =	sld [smem:$0x3FB9];
	_ =	sdelay $0x3  }
0x37: {  	[smem:$0x3FB9] =	sst s10  }
0x38: {  	s10 =	sld [smem:$0x3FBA]  }
0x39: {  	_ = 	snop;
	(pc) =	sbr.ind lr, $3  }
0x3a: {  	_ = 	snop  }
0x3b: {  	_ = 	snop  }
0x3c: {  	p2 =	seq.s32 s10, $0x1;
	s10 =	sld [smem:$0x3FB9]  }
0x3d: {  	_ =	shalt  }
0x3e: {  	_ =	shalt  }
0x3f: {  	_ =	shalt  }
0x40: {  	_ =	shalt  }
0x41: {  	_ =	shalt  }
0x42: {  	_ =	shalt  }
0x43: {  	_ =	shalt  }
0x44: {  	_ =	shalt  }
0x45: {  	_ =	shalt  }
0x46: {  	_ =	shalt  }
0x47: {  	_ =	shalt  }
0x48: {  	_ =	shalt  }
0x49: {  	_ =	shalt  }
0x4a: {  	_ =	shalt  }
0x4b: {  	_ =	shalt  }
0x4c: {  	_ =	shalt  }
0x4d: {  	_ =	shalt  }
0x4e: {  	_ =	shalt  }
0x4f: {  	_ =	shalt  }
0x50: {  	_ =	shalt  }
0x51: {  	_ =	shalt  }
0x52: {  	_ =	shalt  }
0x53: {  	_ =	shalt  }
0x54: {  	_ =	shalt  }
0x55: {  	_ =	shalt  }
0x56: {  	_ =	shalt  }
0x57: {  	_ =	shalt  }
0x58: {  	_ =	shalt  }
0x59: {  	_ =	shalt  }
0x5a: {  	_ =	shalt  }
0x5b: {  	_ =	shalt  }
0x5c: {  	_ =	shalt  }
0x5d: {  	_ =	shalt  }
0x5e: {  	_ =	shalt  }
0x5f: {  	_ =	shalt  }
0x60: {  	_ =	shalt  }
0x61: {  	_ =	shalt  }
0x62: {  	_ =	shalt  }
0x63: {  	_ =	shalt  }
0x64: {  	_ =	shalt  }
0x65: {  	_ =	shalt  }
0x66: {  	_ =	shalt  }
0x67: {  	_ =	shalt  }
0x68: {  	_ =	shalt  }
0x69: {  	_ =	shalt  }
0x6a: {  	_ =	shalt  }
0x6b: {  	_ =	shalt  }
0x6c: {  	_ =	shalt  }
0x6d: {  	_ =	shalt  }
0x6e: {  	_ =	shalt  }
0x6f: {  	_ =	shalt  }
0x70: {  	_ =	shalt  }
0x71: {  	_ =	shalt  }
0x72: {  	_ =	shalt  }
0x73: {  	_ =	shalt  }
0x74: {  	_ =	shalt  }
0x75: {  	_ =	shalt  }
0x76: {  	_ =	shalt  }
0x77: {  	_ =	shalt  }
0x78: {  	_ =	shalt  }
0x79: {  	_ =	shalt  }
0x7a: {  	_ =	shalt  }
0x7b: {  	_ =	shalt  }
0x7c: {  	_ =	shalt  }
0x7d: {  	_ =	shalt  }
0x7e: {  	_ =	shalt  }
0x7f: {  	_ =	shalt  }
0x80: {  	_ =	shalt  }
0x81: {  	_ =	shalt  }
0x82: {  	_ =	shalt  }
0x83: {  	_ =	shalt  }
0x84: {  	_ =	shalt  }
0x85: {  	_ =	shalt  }
0x86: {  	_ =	shalt  }
0x87: {  	_ =	shalt  }
.Lfunc_end0:
.L_simem_size_0:
called_computation_lowered:
.L_overlay_start_0:
0x88: {  	s2 =	sld [smem:$0x3FD9]  }
0x89: {  	s3 =	sld [smem:$0x3FFE];
	_ =	sdelay $0x1  }
0x8a: {  	s1 =	srdreg.scid  }
0x8b: {  	s0 =	sand.u32 $0x1, s1  }
0x8c: {  	s17 =	sshll.u32 s0, $0xA;
	s2 =	sadd.s32 s3, s2  }
0x8d: {  	s2 =	sadd.s32 s2, s17  }
0x8e: {  	[smem:$0x3FC5] =	sst s2  }
0x8f: {  	_ = 	snop  }
0x90: {  	s2 =	sld [smem:$0x3FD0];
	(tm) =	ssettm $0x1  }
0x91: {  	s18 =	sld [smem:$0x3FFB];
	_ =	sdelay $0x3  }
0x92: {  	_ =	strace s18  }
0x93: {  	s3 =	sld [smem:$0x3FFC];
	_ =	sdelay $0x3  }
0x94: {  	_ =	strace s3  }
0x95: {  	s3 =	sld [smem:$0x3FFD];
	_ =	sdelay $0x3  }
0x96: {  	_ =	strace s3  }
0x97: {  	_ =	strace $0x8FFFFFFF  }
0x98: {  	s19 =	sld [smem:$0x3FDB];
	_ =	sdelay $0x1  }
0x99: {  	s4 =	simm.s32 $_scs_section_size  }
0x9a: {  	s5 =	simm.s32 $_size__tile_overlayer_lowered;
	s6 =	simm.s32 $_tile_overlayer_lowered  }
0x9b: {  	s22 =	simm.s32 $0x1BFF;
	s21 =	sshll.u32 s6, $0x1;
	s3 =	sadd.s32 s4, s19  }
0x9c: {  	s7 =	simm.s32 $0x0;
	s20 =	sshll.u32 s5, $0x1;
	s5 =	sadd.s32 s21, s3  }
0x9d: {  	[timem:s7], [sflag:s22] =	dma.local [hbm:s5], s20  }
0x9e: {  	_ =	swait.ge [sflag:s22], s20  }
0x9f: {  	s4 =	ssub.s32 $0x0, s20;
	[sflag:s22] =	ssyncset.done $0x0  }
0xa0: {  	[sflag:s22] =	ssyncadd.s32 s4;
	_ =	sdelay $0x1  }
0xa1: {  	s23 =	simm.s32 $0x1B8B  }
0xa2: {  	_ =	swait.ge [sflag:s23], $0x1  }
0xa3: {  	[sflag:s23] =	ssyncset.done $0x0  }
0xa4: {  	s25 =	simm.s32 $0x1B8E;
	s24 =	sld [smem:$0x3FFE];
	[sflag:s23] =	ssyncadd.s32 $0xFFFFFFFF  }
0xa5: {  	s26 =	simm.s32 $execute0_lowered;
	[smem:$0x3FD2] =	sst s25  }
0xa6: {  	s5 =	sshll.u32 s26, $0x1;
	_ =	strace $0x80000046;
	[dreg:$0x1] =	wrdreg $0xFFFFFFFF  }
0xa7: {  	s28 =	simm.s32 $_size_execute0_lowered;
	s3 =	sadd.s32 s3, s5;
	[dreg:$0x0] =	wrdreg $0x0  }
0xa8: {  	s5 =	sshll.u32 s28, $0x1;
	[dreg:$0x2] =	wrdreg s3  }
0xa9: {  	[dreg:$0x3] =	wrdreg s5  }
0xaa: {  	[dreg:$0x4] =	wrdreg $0xC0  }
0xab: {  	_ =	task [dreg:s7], $0x5FFFF  }
0xac: {  	[dreg:$0x1] =	wrdreg $0xFFFFFFFF  }
0xad: {  	[dreg:$0x0] =	wrdreg $0x60  }
0xae: {  	[dreg:$0x2] =	wrdreg s24  }
0xaf: {  	[dreg:$0x3] =	wrdreg s2  }
0xb0: {  	[dreg:$0x4] =	wrdreg $0x9  }
0xb1: {  	_ =	task.clear_ibuf [dreg:s7], $0x5FFFF;
	_ =	strace $0x90000046  }
0xb2: {  	s29 =	simm.s32 $0x9;
	_ =	strace $0x80000048  }
0xb3: {  	_ =	swait.ge [sflag:s29], $0x1  }
0xb4: {  	[sflag:s29] =	ssyncadd.s32 $0xFFFFFFFF  }
0xb5: {  	_ =	strace $0x90000048  }
0xb6: {  	_ =	sfence  }
0xb7: {  	s30 =	sld [smem:$0x0];
	_ =	sdelay $0x2  }
0xb8: {  	s31 =	sshll.u32 s1, $0xD;
	s1 =	sshrl.u32 s1, $0x2  }
0xb9: {  	s3 =	sand.u32 $0x4000, s31;
	s1 =	sadd.s32 s1, s30  }
0xba: {  	s0 =	sor.u32 s3, s0;
	s1 =	sshll.u32 s1, $0x11  }
0xbb: {  	s0 =	sor.u32 s1, s0  }
0xbc: {  	s0 =	sadd.s32 $0x8F2B, s0  }
0xbd: {  	[sflag:s0] =	ssyncadd.remote.s32 $0x1  }
0xbe: {  	_ =	sfence.sel $0xFFFF  }
0xbf: {  	[dreg:$0x0] =	wrdreg $0xFFFFFFFF;
	(pc) =	sbr.abs _section_cstart, $3  }
0xc0: {  	[dreg:$0x1] =	wrdreg $0xFFFFFFFF  }
0xc1: {  	_ =	task.clear_ibuf [dreg:s7], $0x2FFFF;
	_ =	strace $0x9FFFFFFF  }
0xc2: {  	(tm) =	ssettm $0x7FFFFFFF  }
0xc3: {  	_ =	shalt  }
tec
execute0_lowered:
.L_overlay_start_1:
0x0: {  	(tag) =	ssettag $0x1  }
0x1: {  	s4 =	rddreg [dreg:$0x0]  }
0x2: {  	s5 =	rddreg [dreg:$0x1]  }
0x3: {  	s0 =	rddreg [dreg:$0x2]  }
0x4: {  	s1 =	stileid.u32;
	s2 =	simm.s32 $0x0;
	s3 =	srdreg.scid  }
0x5: {  	s19 =	simm.s32 $0x0;
	s6 =	sshll.u32 s1, $0x1;
	s8 =	sshrl.u32 s1, $0x3  }
0x6: {  	s7 =	sand.u32 $0x1, s3;
	[smem:$0x7FF] =	sst s2;
	s9 =	smul.u32 $0x6, s8  }
0x7: {  	s3 =	sadd.s32 $0x400, s4;
	s20 =	sand.u32 $0xE, s6;
	s21 =	smul.u32 $0x60, s8  }
0x8: {  	s11 =	sadd.s32 $0x1200, s4;
	s12 =	smul.u32 $0x33D8, s8;
	s6 =	sor.u32 s7, s20  }
0x9: {  	_ =	strace $0x80000047;
	s7 =	ssub.s32 $0x2, s7;
	s10 =	smul.u32 $0xB90, s6  }
0xa: {  	s22 =	sor.u32 $0x1, s9;
	s4 =	sor.u32 s21, s6;
	s14 =	sadd.s32 $0x2, s9  }
0xb: {  	s9 =	sshll.u32 s9, $0x4;
	s26 =	sshrl.u32 s7, $0x1;
	s30 =	sadd.s32 $0x19EC, s12  }
0xc: {  	s31 =	sadd.s32 $0x2290, s12;
	s18 =	sadd.s32 $0x2B34, s12;
	s15 =	smul.u32 $0xB90, s4  }
0xd: {  	v0 =	vmov s12;
	s12 =	simm.s32 $0x6800;
	s13 =	sshll.u32 s22, $0x4;
	s28 =	smul.u32 $0x8A4, s22  }
0xe: {  	s24 =	sshll.u32 s14, $0x4;
	s14 =	smul.u32 $0x8A4, s14;
	s23 =	sor.u32 s6, s13  }
0xf: {  	v5 =	vmov s18;
	s18 =	simm.s32 $0x4;
	s25 =	sor.u32 s6, s24;
	s16 =	smul.u32 $0xB90, s23  }
0x10: {  	s6 =	sor.u32 s6, s9;
	s13 =	ssub.s32 s7, s26;
	s17 =	smul.u32 $0xB90, s25  }
0x11: {  	s4 =	sadd.s32 s5, s10;
	s9 =	smul.u32 $0xB90, s6;
	s5 =	sadd.s32 s11, s15  }
0x12: {  	v2 =	vmov s14;
	s14 =	simm.s32 $0x2;
	s15 =	simm.s32 $0xC480;
	s6 =	sadd.s32 s11, s16  }
0x13: {  	v6 =	vlaneseq.u32;
	s7 =	sadd.s32 s11, s17;
	s29 =	sadd.s32 s11, s9;
	s11 =	smax.u32 s13, $0x1  }
0x14: {  	v6 =	vmul.u32 $0x25, v6;
	s13 =	simm.s32 $0x1;
	s16 =	simm.s32 $0x12100;
	s17 =	simm.s32 $0x3  }
0x15: {  	v3 =	vmov s30;
	v4 =	vmov s31;
	v1 =	vmov s28;
	s8 =	sadd.s32 $0x22B00, s29;
	s9 =	sadd.s32 $0x2E400, s29;
	s10 =	sadd.s32 $0x39D00, s29  }
.LBB2_1:
0x16: {  	[tilespmem:s2], [sflag:$0x1] =	stream.linear.gather [hbm4b:s3+s2], $0x6800, $0x38;
	[tilespmem:$0x17D80] =	vst v63  }
0x17: {  	_ = 	snop  }
0x18: {  	[tilespmem:s12], [sflag:$0x2] =	stream.linear.gather [hbm4b:s4+s2], $0x5C80, $0x38;
	[tilespmem:$0x17D80] =	vst v63  }
0x19: {  	_ =	swait.ge [sflag:s13], $0x6800  }
0x1a: {  	[sflag:s13] =	ssyncset.done $0x0  }
0x1b: {  	[sflag:s13] =	ssyncadd.s32 $0xFFFF9800  }
0x1c: {  	_ =	swait.ge [sflag:s14], $0x5C80  }
0x1d: {  	[sflag:s14] =	ssyncset.done $0x0  }
0x1e: {  	s20 =	simm.s32 $0x6920;
	s21 =	simm.s32 $0x0;
	[sflag:s14] =	ssyncadd.s32 $0xFFFFA380  }
.LBB2_2:
0x1f: {  	v7 =	vld [tilespmem:s20+$0xFFFFFEE0];
	_ =	sdelay $0x4  }
0x20: {  	v7 =	vadd.s32 v0, v7;
	_ =	sdelay $0x4  }
0x21: {  	v8 =	vadd.s32 s21, v6;
	v7 =	vld.idx.msk [tilespmem:v7+s2+$0x0], $0xffff;
	_ =	sdelay $0x4  }
0x22: {  	[tilespmem:v8+s15+$0x0] =	vst.idx.msk $0xffff, v7  }
0x23: {  	v7 =	vld [tilespmem:s20+$0xFFFFFEF0];
	_ =	sdelay $0x4  }
0x24: {  	v7 =	vadd.s32 v0, v7;
	_ =	sdelay $0x3  }
0x25: {  	s22 =	sadd.s32 $0x1, s21  }
0x26: {  	v8 =	vadd.s32 s22, v6;
	v7 =	vld.idx.msk [tilespmem:v7+s2+$0x0], $0xffff;
	_ =	sdelay $0x4  }
0x27: {  	[tilespmem:v8+s15+$0x0] =	vst.idx.msk $0xffff, v7  }
0x28: {  	v7 =	vld [tilespmem:s20+$0xFFFFFF00];
	_ =	sdelay $0x4  }
0x29: {  	v7 =	vadd.s32 v0, v7;
	_ =	sdelay $0x3  }
0x2a: {  	s26 =	sadd.s32 $0x2, s21  }
0x2b: {  	v8 =	vadd.s32 s26, v6;
	v7 =	vld.idx.msk [tilespmem:v7+s2+$0x0], $0xffff;
	_ =	sdelay $0x4  }
0x2c: {  	[tilespmem:v8+s15+$0x0] =	vst.idx.msk $0xffff, v7  }
0x2d: {  	v7 =	vld [tilespmem:s20+$0xFFFFFF10];
	_ =	sdelay $0x4  }
0x2e: {  	v7 =	vadd.s32 v0, v7;
	_ =	sdelay $0x3  }
0x2f: {  	s28 =	sadd.s32 $0x3, s21  }
0x30: {  	v8 =	vadd.s32 s28, v6;
	v7 =	vld.idx.msk [tilespmem:v7+s2+$0x0], $0xffff;
	_ =	sdelay $0x4  }
0x31: {  	[tilespmem:v8+s15+$0x0] =	vst.idx.msk $0xffff, v7  }
0x32: {  	v7 =	vld [tilespmem:s20+$0xFFFFFF20];
	_ =	sdelay $0x4  }
0x33: {  	v7 =	vadd.s32 v0, v7;
	_ =	sdelay $0x3  }
0x34: {  	s29 =	sadd.s32 $0x4, s21  }
0x35: {  	v8 =	vadd.s32 s29, v6;
	v7 =	vld.idx.msk [tilespmem:v7+s2+$0x0], $0xffff;
	_ =	sdelay $0x4  }
0x36: {  	[tilespmem:v8+s15+$0x0] =	vst.idx.msk $0xffff, v7  }
0x37: {  	v7 =	vld [tilespmem:s20+$0xFFFFFF30];
	_ =	sdelay $0x4  }
0x38: {  	v7 =	vadd.s32 v0, v7;
	_ =	sdelay $0x3  }
0x39: {  	s30 =	sadd.s32 $0x5, s21  }
0x3a: {  	v8 =	vadd.s32 s30, v6;
	v7 =	vld.idx.msk [tilespmem:v7+s2+$0x0], $0xffff;
	_ =	sdelay $0x4  }
0x3b: {  	[tilespmem:v8+s15+$0x0] =	vst.idx.msk $0xffff, v7  }
0x3c: {  	v7 =	vld [tilespmem:s20+$0xFFFFFF40];
	_ =	sdelay $0x4  }
0x3d: {  	v7 =	vadd.s32 v0, v7;
	_ =	sdelay $0x3  }
0x3e: {  	s31 =	sadd.s32 $0x6, s21  }
0x3f: {  	v8 =	vadd.s32 s31, v6;
	v7 =	vld.idx.msk [tilespmem:v7+s2+$0x0], $0xffff;
	_ =	sdelay $0x4  }
0x40: {  	[tilespmem:v8+s15+$0x0] =	vst.idx.msk $0xffff, v7  }
0x41: {  	v7 =	vld [tilespmem:s20+$0xFFFFFF50];
	_ =	sdelay $0x4  }
0x42: {  	v7 =	vadd.s32 v0, v7;
	_ =	sdelay $0x3  }
0x43: {  	s23 =	sadd.s32 $0x7, s21  }
0x44: {  	v8 =	vadd.s32 s23, v6;
	v7 =	vld.idx.msk [tilespmem:v7+s2+$0x0], $0xffff;
	_ =	sdelay $0x4  }
0x45: {  	s22 =	sand.u32 $0xFFF0, s21;
	[tilespmem:v8+s15+$0x0] =	vst.idx.msk $0xffff, v7  }
0x46: {  	v7 =	vld [tilespmem:s22+$0x6880];
	_ =	sdelay $0x4  }
0x47: {  	v7 =	vadd.s32 v0, v7;
	_ =	sdelay $0x3  }
0x48: {  	s23 =	sadd.s32 $0x8, s21  }
0x49: {  	v8 =	vadd.s32 s23, v6;
	v7 =	vld.idx.msk [tilespmem:v7+s2+$0x0], $0xffff;
	_ =	sdelay $0x4  }
0x4a: {  	[tilespmem:v8+s15+$0x0] =	vst.idx.msk $0xffff, v7  }
0x4b: {  	v7 =	vld [tilespmem:s20+$0xFFFFFF70];
	_ =	sdelay $0x4  }
0x4c: {  	v7 =	vadd.s32 v0, v7;
	_ =	sdelay $0x3  }
0x4d: {  	s24 =	sadd.s32 $0x9, s21  }
0x4e: {  	v8 =	vadd.s32 s24, v6;
	v7 =	vld.idx.msk [tilespmem:v7+s2+$0x0], $0xffff;
	_ =	sdelay $0x4  }
0x4f: {  	[tilespmem:v8+s15+$0x0] =	vst.idx.msk $0xffff, v7  }
0x50: {  	v7 =	vld [tilespmem:s20+$0xFFFFFF80];
	_ =	sdelay $0x4  }
0x51: {  	v7 =	vadd.s32 v0, v7;
	_ =	sdelay $0x3  }
0x52: {  	s25 =	sadd.s32 $0xA, s21  }
0x53: {  	v8 =	vadd.s32 s25, v6;
	v7 =	vld.idx.msk [tilespmem:v7+s2+$0x0], $0xffff;
	_ =	sdelay $0x4  }
0x54: {  	[tilespmem:v8+s15+$0x0] =	vst.idx.msk $0xffff, v7  }
0x55: {  	v7 =	vld [tilespmem:s20+$0xFFFFFF90];
	_ =	sdelay $0x4  }
0x56: {  	v7 =	vadd.s32 v0, v7;
	_ =	sdelay $0x3  }
0x57: {  	s26 =	sadd.s32 $0xB, s21  }
0x58: {  	v8 =	vadd.s32 s26, v6;
	v7 =	vld.idx.msk [tilespmem:v7+s2+$0x0], $0xffff;
	_ =	sdelay $0x4  }
0x59: {  	[tilespmem:v8+s15+$0x0] =	vst.idx.msk $0xffff, v7  }
0x5a: {  	v7 =	vld [tilespmem:s20+$0xFFFFFFA0];
	_ =	sdelay $0x4  }
0x5b: {  	v7 =	vadd.s32 v0, v7;
	_ =	sdelay $0x3  }
0x5c: {  	s28 =	sadd.s32 $0xC, s21  }
0x5d: {  	v8 =	vadd.s32 s28, v6;
	v7 =	vld.idx.msk [tilespmem:v7+s2+$0x0], $0xffff;
	_ =	sdelay $0x4  }
0x5e: {  	[tilespmem:v8+s15+$0x0] =	vst.idx.msk $0xffff, v7  }
0x5f: {  	v7 =	vld [tilespmem:s20+$0xFFFFFFB0];
	_ =	sdelay $0x4  }
0x60: {  	v7 =	vadd.s32 v0, v7;
	_ =	sdelay $0x3  }
0x61: {  	s29 =	sadd.s32 $0xD, s21  }
0x62: {  	v8 =	vadd.s32 s29, v6;
	v7 =	vld.idx.msk [tilespmem:v7+s2+$0x0], $0xffff;
	_ =	sdelay $0x4  }
0x63: {  	[tilespmem:v8+s15+$0x0] =	vst.idx.msk $0xffff, v7  }
0x64: {  	v7 =	vld [tilespmem:s20+$0xFFFFFFC0];
	_ =	sdelay $0x4  }
0x65: {  	v7 =	vadd.s32 v0, v7;
	_ =	sdelay $0x3  }
0x66: {  	s30 =	sadd.s32 $0xE, s21  }
0x67: {  	v8 =	vadd.s32 s30, v6;
	v7 =	vld.idx.msk [tilespmem:v7+s2+$0x0], $0xffff;
	_ =	sdelay $0x4  }
0x68: {  	[tilespmem:v8+s15+$0x0] =	vst.idx.msk $0xffff, v7  }
0x69: {  	v7 =	vld [tilespmem:s20+$0xFFFFFFD0];
	_ =	sdelay $0x4  }
0x6a: {  	v7 =	vadd.s32 v0, v7;
	_ =	sdelay $0x3  }
0x6b: {  	s31 =	sadd.s32 $0xF, s21  }
0x6c: {  	v8 =	vadd.s32 s31, v6;
	v7 =	vld.idx.msk [tilespmem:v7+s2+$0x0], $0xffff;
	_ =	sdelay $0x4  }
0x6d: {  	[tilespmem:v8+s15+$0x0] =	vst.idx.msk $0xffff, v7  }
0x6e: {  	v7 =	vld [tilespmem:s22+$0x6900];
	_ =	sdelay $0x4  }
0x6f: {  	v7 =	vadd.s32 v0, v7;
	_ =	sdelay $0x3  }
0x70: {  	s24 =	sadd.s32 $0x10, s21  }
0x71: {  	v8 =	vadd.s32 s24, v6;
	v7 =	vld.idx.msk [tilespmem:v7+s2+$0x0], $0xffff;
	_ =	sdelay $0x4  }
0x72: {  	[tilespmem:v8+s15+$0x0] =	vst.idx.msk $0xffff, v7  }
0x73: {  	v7 =	vld [tilespmem:s20+$0xFFFFFFF0];
	_ =	sdelay $0x4  }
0x74: {  	v7 =	vadd.s32 v0, v7;
	_ =	sdelay $0x3  }
0x75: {  	s25 =	sadd.s32 $0x11, s21  }
0x76: {  	v8 =	vadd.s32 s25, v6;
	v7 =	vld.idx.msk [tilespmem:v7+s2+$0x0], $0xffff;
	_ =	sdelay $0x4  }
0x77: {  	[tilespmem:v8+s15+$0x0] =	vst.idx.msk $0xffff, v7  }
0x78: {  	v7 =	vld [tilespmem:s20+$0x0];
	_ =	sdelay $0x4  }
0x79: {  	v7 =	vadd.s32 v0, v7;
	_ =	sdelay $0x3  }
0x7a: {  	s26 =	sadd.s32 $0x12, s21  }
0x7b: {  	v8 =	vadd.s32 s26, v6;
	v7 =	vld.idx.msk [tilespmem:v7+s2+$0x0], $0xffff;
	_ =	sdelay $0x4  }
0x7c: {  	[tilespmem:v8+s15+$0x0] =	vst.idx.msk $0xffff, v7  }
0x7d: {  	v7 =	vld [tilespmem:s20+$0x10];
	_ =	sdelay $0x4  }
0x7e: {  	v7 =	vadd.s32 v0, v7;
	_ =	sdelay $0x3  }
0x7f: {  	s28 =	sadd.s32 $0x13, s21  }
0x80: {  	v8 =	vadd.s32 s28, v6;
	v7 =	vld.idx.msk [tilespmem:v7+s2+$0x0], $0xffff;
	_ =	sdelay $0x4  }
0x81: {  	[tilespmem:v8+s15+$0x0] =	vst.idx.msk $0xffff, v7  }
0x82: {  	v7 =	vld [tilespmem:s20+$0x20];
	_ =	sdelay $0x4  }
0x83: {  	v7 =	vadd.s32 v0, v7;
	_ =	sdelay $0x3  }
0x84: {  	s29 =	sadd.s32 $0x14, s21  }
0x85: {  	v8 =	vadd.s32 s29, v6;
	v7 =	vld.idx.msk [tilespmem:v7+s2+$0x0], $0xffff;
	_ =	sdelay $0x4  }
0x86: {  	[tilespmem:v8+s15+$0x0] =	vst.idx.msk $0xffff, v7  }
0x87: {  	v7 =	vld [tilespmem:s20+$0x30];
	_ =	sdelay $0x4  }
0x88: {  	v7 =	vadd.s32 v0, v7;
	_ =	sdelay $0x3  }
0x89: {  	s30 =	sadd.s32 $0x15, s21  }
0x8a: {  	v8 =	vadd.s32 s30, v6;
	v7 =	vld.idx.msk [tilespmem:v7+s2+$0x0], $0xffff;
	_ =	sdelay $0x4  }
0x8b: {  	[tilespmem:v8+s15+$0x0] =	vst.idx.msk $0xffff, v7  }
0x8c: {  	v7 =	vld [tilespmem:s20+$0x40];
	_ =	sdelay $0x4  }
0x8d: {  	v7 =	vadd.s32 v0, v7;
	_ =	sdelay $0x3  }
0x8e: {  	s31 =	sadd.s32 $0x16, s21  }
0x8f: {  	v8 =	vadd.s32 s31, v6;
	v7 =	vld.idx.msk [tilespmem:v7+s2+$0x0], $0xffff;
	_ =	sdelay $0x4  }
0x90: {  	[tilespmem:v8+s15+$0x0] =	vst.idx.msk $0xffff, v7  }
0x91: {  	v7 =	vld [tilespmem:s20+$0x50];
	_ =	sdelay $0x4  }
0x92: {  	v7 =	vadd.s32 v0, v7;
	_ =	sdelay $0x3  }
0x93: {  	s24 =	sadd.s32 $0x17, s21  }
0x94: {  	v8 =	vadd.s32 s24, v6;
	v7 =	vld.idx.msk [tilespmem:v7+s2+$0x0], $0xffff;
	_ =	sdelay $0x4  }
0x95: {  	[tilespmem:v8+s15+$0x0] =	vst.idx.msk $0xffff, v7  }
0x96: {  	v7 =	vld [tilespmem:s22+$0x6980];
	_ =	sdelay $0x4  }
0x97: {  	v7 =	vadd.s32 v0, v7;
	_ =	sdelay $0x3  }
0x98: {  	s25 =	sadd.s32 $0x18, s21  }
0x99: {  	v8 =	vadd.s32 s25, v6;
	v7 =	vld.idx.msk [tilespmem:v7+s2+$0x0], $0xffff;
	_ =	sdelay $0x4  }
0x9a: {  	[tilespmem:v8+s15+$0x0] =	vst.idx.msk $0xffff, v7  }
0x9b: {  	v7 =	vld [tilespmem:s20+$0x70];
	_ =	sdelay $0x4  }
0x9c: {  	v7 =	vadd.s32 v0, v7;
	_ =	sdelay $0x3  }
0x9d: {  	s26 =	sadd.s32 $0x19, s21  }
0x9e: {  	v8 =	vadd.s32 s26, v6;
	v7 =	vld.idx.msk [tilespmem:v7+s2+$0x0], $0xffff;
	_ =	sdelay $0x4  }
0x9f: {  	[tilespmem:v8+s15+$0x0] =	vst.idx.msk $0xffff, v7  }
0xa0: {  	v7 =	vld [tilespmem:s20+$0x80];
	_ =	sdelay $0x4  }
0xa1: {  	v7 =	vadd.s32 v0, v7;
	_ =	sdelay $0x3  }
0xa2: {  	s28 =	sadd.s32 $0x1A, s21  }
0xa3: {  	v8 =	vadd.s32 s28, v6;
	v7 =	vld.idx.msk [tilespmem:v7+s2+$0x0], $0xffff;
	_ =	sdelay $0x4  }
0xa4: {  	[tilespmem:v8+s15+$0x0] =	vst.idx.msk $0xffff, v7  }
0xa5: {  	v7 =	vld [tilespmem:s20+$0x90];
	_ =	sdelay $0x4  }
0xa6: {  	v7 =	vadd.s32 v0, v7;
	_ =	sdelay $0x3  }
0xa7: {  	s29 =	sadd.s32 $0x1B, s21  }
0xa8: {  	v8 =	vadd.s32 s29, v6;
	v7 =	vld.idx.msk [tilespmem:v7+s2+$0x0], $0xffff;
	_ =	sdelay $0x4  }
0xa9: {  	[tilespmem:v8+s15+$0x0] =	vst.idx.msk $0xffff, v7  }
0xaa: {  	v7 =	vld [tilespmem:s20+$0xA0];
	_ =	sdelay $0x4  }
0xab: {  	v7 =	vadd.s32 v0, v7;
	_ =	sdelay $0x3  }
0xac: {  	s30 =	sadd.s32 $0x1C, s21  }
0xad: {  	v8 =	vadd.s32 s30, v6;
	v7 =	vld.idx.msk [tilespmem:v7+s2+$0x0], $0xffff;
	_ =	sdelay $0x4  }
0xae: {  	[tilespmem:v8+s15+$0x0] =	vst.idx.msk $0xffff, v7  }
0xaf: {  	v7 =	vld [tilespmem:s20+$0xB0];
	_ =	sdelay $0x4  }
0xb0: {  	v7 =	vadd.s32 v0, v7;
	_ =	sdelay $0x3  }
0xb1: {  	s31 =	sadd.s32 $0x1D, s21  }
0xb2: {  	v8 =	vadd.s32 s31, v6;
	v7 =	vld.idx.msk [tilespmem:v7+s2+$0x0], $0xffff;
	_ =	sdelay $0x4  }
0xb3: {  	[tilespmem:v8+s15+$0x0] =	vst.idx.msk $0xffff, v7  }
0xb4: {  	v7 =	vld [tilespmem:s20+$0xC0];
	_ =	sdelay $0x4  }
0xb5: {  	v7 =	vadd.s32 v0, v7;
	_ =	sdelay $0x3  }
0xb6: {  	s24 =	sadd.s32 $0x1E, s21  }
0xb7: {  	v8 =	vadd.s32 s24, v6;
	v7 =	vld.idx.msk [tilespmem:v7+s2+$0x0], $0xffff;
	_ =	sdelay $0x4  }
0xb8: {  	[tilespmem:v8+s15+$0x0] =	vst.idx.msk $0xffff, v7  }
0xb9: {  	v7 =	vld [tilespmem:s20+$0xD0];
	_ =	sdelay $0x4  }
0xba: {  	v7 =	vadd.s32 v0, v7;
	_ =	sdelay $0x3  }
0xbb: {  	s25 =	sadd.s32 $0x1F, s21  }
0xbc: {  	v8 =	vadd.s32 s25, v6;
	v7 =	vld.idx.msk [tilespmem:v7+s2+$0x0], $0xffff;
	_ =	sdelay $0x4  }
0xbd: {  	[tilespmem:v8+s15+$0x0] =	vst.idx.msk $0xffff, v7  }
0xbe: {  	v7 =	vld [tilespmem:s22+$0x6A00];
	_ =	sdelay $0x4  }
0xbf: {  	v7 =	vadd.s32 v0, v7;
	_ =	sdelay $0x3  }
0xc0: {  	s26 =	sadd.s32 $0x20, s21  }
0xc1: {  	v8 =	vadd.s32 s26, v6;
	v7 =	vld.idx.msk [tilespmem:v7+s2+$0x0], $0xffff;
	_ =	sdelay $0x4  }
0xc2: {  	[tilespmem:v8+s15+$0x0] =	vst.idx.msk $0xffff, v7  }
0xc3: {  	v7 =	vld [tilespmem:s20+$0xF0];
	_ =	sdelay $0x4  }
0xc4: {  	v7 =	vadd.s32 v0, v7;
	_ =	sdelay $0x3  }
0xc5: {  	s28 =	sadd.s32 $0x21, s21  }
0xc6: {  	v8 =	vadd.s32 s28, v6;
	v7 =	vld.idx.msk [tilespmem:v7+s2+$0x0], $0xffff;
	_ =	sdelay $0x4  }
0xc7: {  	[tilespmem:v8+s15+$0x0] =	vst.idx.msk $0xffff, v7  }
0xc8: {  	v7 =	vld [tilespmem:s20+$0x100];
	_ =	sdelay $0x4  }
0xc9: {  	v7 =	vadd.s32 v0, v7;
	_ =	sdelay $0x3  }
0xca: {  	s29 =	sadd.s32 $0x22, s21  }
0xcb: {  	v8 =	vadd.s32 s29, v6;
	v7 =	vld.idx.msk [tilespmem:v7+s2+$0x0], $0xffff;
	_ =	sdelay $0x4  }
0xcc: {  	[tilespmem:v8+s15+$0x0] =	vst.idx.msk $0xffff, v7  }
0xcd: {  	v7 =	vld [tilespmem:s20+$0x110];
	_ =	sdelay $0x4  }
0xce: {  	v7 =	vadd.s32 v0, v7;
	_ =	sdelay $0x3  }
0xcf: {  	s30 =	sadd.s32 $0x23, s21  }
0xd0: {  	v8 =	vadd.s32 s30, v6;
	v7 =	vld.idx.msk [tilespmem:v7+s2+$0x0], $0xffff;
	_ =	sdelay $0x4  }
0xd1: {  	[tilespmem:v8+s15+$0x0] =	vst.idx.msk $0xffff, v7  }
0xd2: {  	v7 =	vld [tilespmem:s20+$0x120];
	_ =	sdelay $0x4  }
0xd3: {  	v7 =	vadd.s32 v0, v7;
	_ =	sdelay $0x3  }
0xd4: {  	s31 =	sadd.s32 $0x24, s21  }
0xd5: {  	p0 =	sne.s32 s21, $0x5A30;
	v8 =	vadd.s32 s31, v6;
	v7 =	vld.idx.msk [tilespmem:v7+s2+$0x0], $0xffff  }
.Ltmp0:
0xd6: {  	_ = 	snop;
	(pc) =	sbr.rel @p0 .LBB2_2-.Ltmp0, $2  }
0xd7: {  	_ =	sdelay $0x2  }
0xd8: {  	s21 =	sadd.s32 $0x250, s21;
	s20 =	sadd.s32 $0x250, s20;
	[tilespmem:v8+s15+$0x0] =	vst.idx.msk $0xffff, v7  }
0xd9: {  	s20 =	simm.s32 $0x0;
	s21 =	simm.s32 $0x6920  }
0xda: {  	[hbm4b:s5+s20] =	stream.linear.scatter [tilespmem:s15], [sflag:$0x3], $0x5C80, $0x38;
	[tilespmem:$0x17D80] =	vst v63  }
.LBB2_4:
0xdb: {  	v7 =	vld [tilespmem:s21+$0xFFFFFEE0];
	_ =	sdelay $0x4  }
0xdc: {  	v7 =	vadd.s32 v1, v7;
	_ =	sdelay $0x4  }
0xdd: {  	v8 =	vadd.s32 s20, v6;
	v7 =	vld.idx.msk [tilespmem:v7+s2+$0x0], $0xffff;
	_ =	sdelay $0x4  }
0xde: {  	[tilespmem:v8+s16+$0x0] =	vst.idx.msk $0xffff, v7  }
0xdf: {  	v7 =	vld [tilespmem:s21+$0xFFFFFEF0];
	_ =	sdelay $0x4  }
0xe0: {  	v7 =	vadd.s32 v1, v7;
	_ =	sdelay $0x3  }
0xe1: {  	s22 =	sadd.s32 $0x1, s20  }
0xe2: {  	v8 =	vadd.s32 s22, v6;
	v7 =	vld.idx.msk [tilespmem:v7+s2+$0x0], $0xffff;
	_ =	sdelay $0x4  }
0xe3: {  	[tilespmem:v8+s16+$0x0] =	vst.idx.msk $0xffff, v7  }
0xe4: {  	v7 =	vld [tilespmem:s21+$0xFFFFFF00];
	_ =	sdelay $0x4  }
0xe5: {  	v7 =	vadd.s32 v1, v7;
	_ =	sdelay $0x3  }
0xe6: {  	s26 =	sadd.s32 $0x2, s20  }
0xe7: {  	v8 =	vadd.s32 s26, v6;
	v7 =	vld.idx.msk [tilespmem:v7+s2+$0x0], $0xffff;
	_ =	sdelay $0x4  }
0xe8: {  	[tilespmem:v8+s16+$0x0] =	vst.idx.msk $0xffff, v7  }
0xe9: {  	v7 =	vld [tilespmem:s21+$0xFFFFFF10];
	_ =	sdelay $0x4  }
0xea: {  	v7 =	vadd.s32 v1, v7;
	_ =	sdelay $0x3  }
0xeb: {  	s28 =	sadd.s32 $0x3, s20  }
0xec: {  	v8 =	vadd.s32 s28, v6;
	v7 =	vld.idx.msk [tilespmem:v7+s2+$0x0], $0xffff;
	_ =	sdelay $0x4  }
0xed: {  	[tilespmem:v8+s16+$0x0] =	vst.idx.msk $0xffff, v7  }
0xee: {  	v7 =	vld [tilespmem:s21+$0xFFFFFF20];
	_ =	sdelay $0x4  }
0xef: {  	v7 =	vadd.s32 v1, v7;
	_ =	sdelay $0x3  }
0xf0: {  	s29 =	sadd.s32 $0x4, s20  }
0xf1: {  	v8 =	vadd.s32 s29, v6;
	v7 =	vld.idx.msk [tilespmem:v7+s2+$0x0], $0xffff;
	_ =	sdelay $0x4  }
0xf2: {  	[tilespmem:v8+s16+$0x0] =	vst.idx.msk $0xffff, v7  }
0xf3: {  	v7 =	vld [tilespmem:s21+$0xFFFFFF30];
	_ =	sdelay $0x4  }
0xf4: {  	v7 =	vadd.s32 v1, v7;
	_ =	sdelay $0x3  }
0xf5: {  	s30 =	sadd.s32 $0x5, s20  }
0xf6: {  	v8 =	vadd.s32 s30, v6;
	v7 =	vld.idx.msk [tilespmem:v7+s2+$0x0], $0xffff;
	_ =	sdelay $0x4  }
0xf7: {  	[tilespmem:v8+s16+$0x0] =	vst.idx.msk $0xffff, v7  }
0xf8: {  	v7 =	vld [tilespmem:s21+$0xFFFFFF40];
	_ =	sdelay $0x4  }
0xf9: {  	v7 =	vadd.s32 v1, v7;
	_ =	sdelay $0x3  }
0xfa: {  	s31 =	sadd.s32 $0x6, s20  }
0xfb: {  	v8 =	vadd.s32 s31, v6;
	v7 =	vld.idx.msk [tilespmem:v7+s2+$0x0], $0xffff;
	_ =	sdelay $0x4  }
0xfc: {  	[tilespmem:v8+s16+$0x0] =	vst.idx.msk $0xffff, v7  }
0xfd: {  	v7 =	vld [tilespmem:s21+$0xFFFFFF50];
	_ =	sdelay $0x4  }
0xfe: {  	v7 =	vadd.s32 v1, v7;
	_ =	sdelay $0x3  }
0xff: {  	s23 =	sadd.s32 $0x7, s20  }
0x100: {  	v8 =	vadd.s32 s23, v6;
	v7 =	vld.idx.msk [tilespmem:v7+s2+$0x0], $0xffff;
	_ =	sdelay $0x4  }
0x101: {  	s22 =	sand.u32 $0xFFF0, s20;
	[tilespmem:v8+s16+$0x0] =	vst.idx.msk $0xffff, v7  }
0x102: {  	v7 =	vld [tilespmem:s22+$0x6880];
	_ =	sdelay $0x4  }
0x103: {  	v7 =	vadd.s32 v1, v7;
	_ =	sdelay $0x3  }
0x104: {  	s23 =	sadd.s32 $0x8, s20  }
0x105: {  	v8 =	vadd.s32 s23, v6;
	v7 =	vld.idx.msk [tilespmem:v7+s2+$0x0], $0xffff;
	_ =	sdelay $0x4  }
0x106: {  	[tilespmem:v8+s16+$0x0] =	vst.idx.msk $0xffff, v7  }
0x107: {  	v7 =	vld [tilespmem:s21+$0xFFFFFF70];
	_ =	sdelay $0x4  }
0x108: {  	v7 =	vadd.s32 v1, v7;
	_ =	sdelay $0x3  }
0x109: {  	s24 =	sadd.s32 $0x9, s20  }
0x10a: {  	v8 =	vadd.s32 s24, v6;
	v7 =	vld.idx.msk [tilespmem:v7+s2+$0x0], $0xffff;
	_ =	sdelay $0x4  }
0x10b: {  	[tilespmem:v8+s16+$0x0] =	vst.idx.msk $0xffff, v7  }
0x10c: {  	v7 =	vld [tilespmem:s21+$0xFFFFFF80];
	_ =	sdelay $0x4  }
0x10d: {  	v7 =	vadd.s32 v1, v7;
	_ =	sdelay $0x3  }
0x10e: {  	s25 =	sadd.s32 $0xA, s20  }
0x10f: {  	v8 =	vadd.s32 s25, v6;
	v7 =	vld.idx.msk [tilespmem:v7+s2+$0x0], $0xffff;
	_ =	sdelay $0x4  }
0x110: {  	[tilespmem:v8+s16+$0x0] =	vst.idx.msk $0xffff, v7  }
0x111: {  	v7 =	vld [tilespmem:s21+$0xFFFFFF90];
	_ =	sdelay $0x4  }
0x112: {  	v7 =	vadd.s32 v1, v7;
	_ =	sdelay $0x3  }
0x113: {  	s26 =	sadd.s32 $0xB, s20  }
0x114: {  	v8 =	vadd.s32 s26, v6;
	v7 =	vld.idx.msk [tilespmem:v7+s2+$0x0], $0xffff;
	_ =	sdelay $0x4  }
0x115: {  	[tilespmem:v8+s16+$0x0] =	vst.idx.msk $0xffff, v7  }
0x116: {  	v7 =	vld [tilespmem:s21+$0xFFFFFFA0];
	_ =	sdelay $0x4  }
0x117: {  	v7 =	vadd.s32 v1, v7;
	_ =	sdelay $0x3  }
0x118: {  	s28 =	sadd.s32 $0xC, s20  }
0x119: {  	v8 =	vadd.s32 s28, v6;
	v7 =	vld.idx.msk [tilespmem:v7+s2+$0x0], $0xffff;
	_ =	sdelay $0x4  }
0x11a: {  	[tilespmem:v8+s16+$0x0] =	vst.idx.msk $0xffff, v7  }
0x11b: {  	v7 =	vld [tilespmem:s21+$0xFFFFFFB0];
	_ =	sdelay $0x4  }
0x11c: {  	v7 =	vadd.s32 v1, v7;
	_ =	sdelay $0x3  }
0x11d: {  	s29 =	sadd.s32 $0xD, s20  }
0x11e: {  	v8 =	vadd.s32 s29, v6;
	v7 =	vld.idx.msk [tilespmem:v7+s2+$0x0], $0xffff;
	_ =	sdelay $0x4  }
0x11f: {  	[tilespmem:v8+s16+$0x0] =	vst.idx.msk $0xffff, v7  }
0x120: {  	v7 =	vld [tilespmem:s21+$0xFFFFFFC0];
	_ =	sdelay $0x4  }
0x121: {  	v7 =	vadd.s32 v1, v7;
	_ =	sdelay $0x3  }
0x122: {  	s30 =	sadd.s32 $0xE, s20  }
0x123: {  	v8 =	vadd.s32 s30, v6;
	v7 =	vld.idx.msk [tilespmem:v7+s2+$0x0], $0xffff;
	_ =	sdelay $0x4  }
0x124: {  	[tilespmem:v8+s16+$0x0] =	vst.idx.msk $0xffff, v7  }
0x125: {  	v7 =	vld [tilespmem:s21+$0xFFFFFFD0];
	_ =	sdelay $0x4  }
0x126: {  	v7 =	vadd.s32 v1, v7;
	_ =	sdelay $0x3  }
0x127: {  	s31 =	sadd.s32 $0xF, s20  }
0x128: {  	v8 =	vadd.s32 s31, v6;
	v7 =	vld.idx.msk [tilespmem:v7+s2+$0x0], $0xffff;
	_ =	sdelay $0x4  }
0x129: {  	[tilespmem:v8+s16+$0x0] =	vst.idx.msk $0xffff, v7  }
0x12a: {  	v7 =	vld [tilespmem:s22+$0x6900];
	_ =	sdelay $0x4  }
0x12b: {  	v7 =	vadd.s32 v1, v7;
	_ =	sdelay $0x3  }
0x12c: {  	s24 =	sadd.s32 $0x10, s20  }
0x12d: {  	v8 =	vadd.s32 s24, v6;
	v7 =	vld.idx.msk [tilespmem:v7+s2+$0x0], $0xffff;
	_ =	sdelay $0x4  }
0x12e: {  	[tilespmem:v8+s16+$0x0] =	vst.idx.msk $0xffff, v7  }
0x12f: {  	v7 =	vld [tilespmem:s21+$0xFFFFFFF0];
	_ =	sdelay $0x4  }
0x130: {  	v7 =	vadd.s32 v1, v7;
	_ =	sdelay $0x3  }
0x131: {  	s25 =	sadd.s32 $0x11, s20  }
0x132: {  	v8 =	vadd.s32 s25, v6;
	v7 =	vld.idx.msk [tilespmem:v7+s2+$0x0], $0xffff;
	_ =	sdelay $0x4  }
0x133: {  	[tilespmem:v8+s16+$0x0] =	vst.idx.msk $0xffff, v7  }
0x134: {  	v7 =	vld [tilespmem:s21+$0x0];
	_ =	sdelay $0x4  }
0x135: {  	v7 =	vadd.s32 v1, v7;
	_ =	sdelay $0x3  }
0x136: {  	s26 =	sadd.s32 $0x12, s20  }
0x137: {  	v8 =	vadd.s32 s26, v6;
	v7 =	vld.idx.msk [tilespmem:v7+s2+$0x0], $0xffff;
	_ =	sdelay $0x4  }
0x138: {  	[tilespmem:v8+s16+$0x0] =	vst.idx.msk $0xffff, v7  }
0x139: {  	v7 =	vld [tilespmem:s21+$0x10];
	_ =	sdelay $0x4  }
0x13a: {  	v7 =	vadd.s32 v1, v7;
	_ =	sdelay $0x3  }
0x13b: {  	s28 =	sadd.s32 $0x13, s20  }
0x13c: {  	v8 =	vadd.s32 s28, v6;
	v7 =	vld.idx.msk [tilespmem:v7+s2+$0x0], $0xffff;
	_ =	sdelay $0x4  }
0x13d: {  	[tilespmem:v8+s16+$0x0] =	vst.idx.msk $0xffff, v7  }
0x13e: {  	v7 =	vld [tilespmem:s21+$0x20];
	_ =	sdelay $0x4  }
0x13f: {  	v7 =	vadd.s32 v1, v7;
	_ =	sdelay $0x3  }
0x140: {  	s29 =	sadd.s32 $0x14, s20  }
0x141: {  	v8 =	vadd.s32 s29, v6;
	v7 =	vld.idx.msk [tilespmem:v7+s2+$0x0], $0xffff;
	_ =	sdelay $0x4  }
0x142: {  	[tilespmem:v8+s16+$0x0] =	vst.idx.msk $0xffff, v7  }
0x143: {  	v7 =	vld [tilespmem:s21+$0x30];
	_ =	sdelay $0x4  }
0x144: {  	v7 =	vadd.s32 v1, v7;
	_ =	sdelay $0x3  }
0x145: {  	s30 =	sadd.s32 $0x15, s20  }
0x146: {  	v8 =	vadd.s32 s30, v6;
	v7 =	vld.idx.msk [tilespmem:v7+s2+$0x0], $0xffff;
	_ =	sdelay $0x4  }
0x147: {  	[tilespmem:v8+s16+$0x0] =	vst.idx.msk $0xffff, v7  }
0x148: {  	v7 =	vld [tilespmem:s21+$0x40];
	_ =	sdelay $0x4  }
0x149: {  	v7 =	vadd.s32 v1, v7;
	_ =	sdelay $0x3  }
0x14a: {  	s31 =	sadd.s32 $0x16, s20  }
0x14b: {  	v8 =	vadd.s32 s31, v6;
	v7 =	vld.idx.msk [tilespmem:v7+s2+$0x0], $0xffff;
	_ =	sdelay $0x4  }
0x14c: {  	[tilespmem:v8+s16+$0x0] =	vst.idx.msk $0xffff, v7  }
0x14d: {  	v7 =	vld [tilespmem:s21+$0x50];
	_ =	sdelay $0x4  }
0x14e: {  	v7 =	vadd.s32 v1, v7;
	_ =	sdelay $0x3  }
0x14f: {  	s24 =	sadd.s32 $0x17, s20  }
0x150: {  	v8 =	vadd.s32 s24, v6;
	v7 =	vld.idx.msk [tilespmem:v7+s2+$0x0], $0xffff;
	_ =	sdelay $0x4  }
0x151: {  	[tilespmem:v8+s16+$0x0] =	vst.idx.msk $0xffff, v7  }
0x152: {  	v7 =	vld [tilespmem:s22+$0x6980];
	_ =	sdelay $0x4  }
0x153: {  	v7 =	vadd.s32 v1, v7;
	_ =	sdelay $0x3  }
0x154: {  	s25 =	sadd.s32 $0x18, s20  }
0x155: {  	v8 =	vadd.s32 s25, v6;
	v7 =	vld.idx.msk [tilespmem:v7+s2+$0x0], $0xffff;
	_ =	sdelay $0x4  }
0x156: {  	[tilespmem:v8+s16+$0x0] =	vst.idx.msk $0xffff, v7  }
0x157: {  	v7 =	vld [tilespmem:s21+$0x70];
	_ =	sdelay $0x4  }
0x158: {  	v7 =	vadd.s32 v1, v7;
	_ =	sdelay $0x3  }
0x159: {  	s26 =	sadd.s32 $0x19, s20  }
0x15a: {  	v8 =	vadd.s32 s26, v6;
	v7 =	vld.idx.msk [tilespmem:v7+s2+$0x0], $0xffff;
	_ =	sdelay $0x4  }
0x15b: {  	[tilespmem:v8+s16+$0x0] =	vst.idx.msk $0xffff, v7  }
0x15c: {  	v7 =	vld [tilespmem:s21+$0x80];
	_ =	sdelay $0x4  }
0x15d: {  	v7 =	vadd.s32 v1, v7;
	_ =	sdelay $0x3  }
0x15e: {  	s28 =	sadd.s32 $0x1A, s20  }
0x15f: {  	v8 =	vadd.s32 s28, v6;
	v7 =	vld.idx.msk [tilespmem:v7+s2+$0x0], $0xffff;
	_ =	sdelay $0x4  }
0x160: {  	[tilespmem:v8+s16+$0x0] =	vst.idx.msk $0xffff, v7  }
0x161: {  	v7 =	vld [tilespmem:s21+$0x90];
	_ =	sdelay $0x4  }
0x162: {  	v7 =	vadd.s32 v1, v7;
	_ =	sdelay $0x3  }
0x163: {  	s29 =	sadd.s32 $0x1B, s20  }
0x164: {  	v8 =	vadd.s32 s29, v6;
	v7 =	vld.idx.msk [tilespmem:v7+s2+$0x0], $0xffff;
	_ =	sdelay $0x4  }
0x165: {  	[tilespmem:v8+s16+$0x0] =	vst.idx.msk $0xffff, v7  }
0x166: {  	v7 =	vld [tilespmem:s21+$0xA0];
	_ =	sdelay $0x4  }
0x167: {  	v7 =	vadd.s32 v1, v7;
	_ =	sdelay $0x3  }
0x168: {  	s30 =	sadd.s32 $0x1C, s20  }
0x169: {  	v8 =	vadd.s32 s30, v6;
	v7 =	vld.idx.msk [tilespmem:v7+s2+$0x0], $0xffff;
	_ =	sdelay $0x4  }
0x16a: {  	[tilespmem:v8+s16+$0x0] =	vst.idx.msk $0xffff, v7  }
0x16b: {  	v7 =	vld [tilespmem:s21+$0xB0];
	_ =	sdelay $0x4  }
0x16c: {  	v7 =	vadd.s32 v1, v7;
	_ =	sdelay $0x3  }
0x16d: {  	s31 =	sadd.s32 $0x1D, s20  }
0x16e: {  	v8 =	vadd.s32 s31, v6;
	v7 =	vld.idx.msk [tilespmem:v7+s2+$0x0], $0xffff;
	_ =	sdelay $0x4  }
0x16f: {  	[tilespmem:v8+s16+$0x0] =	vst.idx.msk $0xffff, v7  }
0x170: {  	v7 =	vld [tilespmem:s21+$0xC0];
	_ =	sdelay $0x4  }
0x171: {  	v7 =	vadd.s32 v1, v7;
	_ =	sdelay $0x3  }
0x172: {  	s24 =	sadd.s32 $0x1E, s20  }
0x173: {  	v8 =	vadd.s32 s24, v6;
	v7 =	vld.idx.msk [tilespmem:v7+s2+$0x0], $0xffff;
	_ =	sdelay $0x4  }
0x174: {  	[tilespmem:v8+s16+$0x0] =	vst.idx.msk $0xffff, v7  }
0x175: {  	v7 =	vld [tilespmem:s21+$0xD0];
	_ =	sdelay $0x4  }
0x176: {  	v7 =	vadd.s32 v1, v7;
	_ =	sdelay $0x3  }
0x177: {  	s25 =	sadd.s32 $0x1F, s20  }
0x178: {  	v8 =	vadd.s32 s25, v6;
	v7 =	vld.idx.msk [tilespmem:v7+s2+$0x0], $0xffff;
	_ =	sdelay $0x4  }
0x179: {  	[tilespmem:v8+s16+$0x0] =	vst.idx.msk $0xffff, v7  }
0x17a: {  	v7 =	vld [tilespmem:s22+$0x6A00];
	_ =	sdelay $0x4  }
0x17b: {  	v7 =	vadd.s32 v1, v7;
	_ =	sdelay $0x3  }
0x17c: {  	s26 =	sadd.s32 $0x20, s20  }
0x17d: {  	v8 =	vadd.s32 s26, v6;
	v7 =	vld.idx.msk [tilespmem:v7+s2+$0x0], $0xffff;
	_ =	sdelay $0x4  }
0x17e: {  	[tilespmem:v8+s16+$0x0] =	vst.idx.msk $0xffff, v7  }
0x17f: {  	v7 =	vld [tilespmem:s21+$0xF0];
	_ =	sdelay $0x4  }
0x180: {  	v7 =	vadd.s32 v1, v7;
	_ =	sdelay $0x3  }
0x181: {  	s28 =	sadd.s32 $0x21, s20  }
0x182: {  	v8 =	vadd.s32 s28, v6;
	v7 =	vld.idx.msk [tilespmem:v7+s2+$0x0], $0xffff;
	_ =	sdelay $0x4  }
0x183: {  	[tilespmem:v8+s16+$0x0] =	vst.idx.msk $0xffff, v7  }
0x184: {  	v7 =	vld [tilespmem:s21+$0x100];
	_ =	sdelay $0x4  }
0x185: {  	v7 =	vadd.s32 v1, v7;
	_ =	sdelay $0x3  }
0x186: {  	s29 =	sadd.s32 $0x22, s20  }
0x187: {  	v8 =	vadd.s32 s29, v6;
	v7 =	vld.idx.msk [tilespmem:v7+s2+$0x0], $0xffff;
	_ =	sdelay $0x4  }
0x188: {  	[tilespmem:v8+s16+$0x0] =	vst.idx.msk $0xffff, v7  }
0x189: {  	v7 =	vld [tilespmem:s21+$0x110];
	_ =	sdelay $0x4  }
0x18a: {  	v7 =	vadd.s32 v1, v7;
	_ =	sdelay $0x3  }
0x18b: {  	s30 =	sadd.s32 $0x23, s20  }
0x18c: {  	v8 =	vadd.s32 s30, v6;
	v7 =	vld.idx.msk [tilespmem:v7+s2+$0x0], $0xffff;
	_ =	sdelay $0x4  }
0x18d: {  	[tilespmem:v8+s16+$0x0] =	vst.idx.msk $0xffff, v7  }
0x18e: {  	v7 =	vld [tilespmem:s21+$0x120];
	_ =	sdelay $0x4  }
0x18f: {  	v7 =	vadd.s32 v1, v7;
	_ =	sdelay $0x3  }
0x190: {  	s31 =	sadd.s32 $0x24, s20  }
0x191: {  	p0 =	sne.s32 s20, $0x5A30;
	v8 =	vadd.s32 s31, v6;
	v7 =	vld.idx.msk [tilespmem:v7+s2+$0x0], $0xffff  }
.Ltmp1:
0x192: {  	_ = 	snop;
	(pc) =	sbr.rel @p0 .LBB2_4-.Ltmp1, $2  }
0x193: {  	_ =	sdelay $0x2  }
0x194: {  	s20 =	sadd.s32 $0x250, s20;
	s21 =	sadd.s32 $0x250, s21;
	[tilespmem:v8+s16+$0x0] =	vst.idx.msk $0xffff, v7  }
0x195: {  	s20 =	simm.s32 $0x0  }
0x196: {  	[hbm4b:s6+s20] =	stream.linear.scatter [tilespmem:s16], [sflag:$0x4], $0x5C80, $0x38;
	[tilespmem:$0x17D80] =	vst v63  }
0x197: {  	_ =	swait.ge [sflag:s17], $0x5C80  }
0x198: {  	[sflag:s17] =	ssyncset.done $0x0  }
0x199: {  	s21 =	simm.s32 $0x6920;
	[sflag:s17] =	ssyncadd.s32 $0xFFFFA380  }
.LBB2_6:
0x19a: {  	v7 =	vld [tilespmem:s21+$0xFFFFFEE0];
	_ =	sdelay $0x4  }
0x19b: {  	v7 =	vadd.s32 v2, v7;
	_ =	sdelay $0x4  }
0x19c: {  	v8 =	vadd.s32 s20, v6;
	v7 =	vld.idx.msk [tilespmem:v7+s2+$0x0], $0xffff;
	_ =	sdelay $0x4  }
0x19d: {  	[tilespmem:v8+s15+$0x0] =	vst.idx.msk $0xffff, v7  }
0x19e: {  	v7 =	vld [tilespmem:s21+$0xFFFFFEF0];
	_ =	sdelay $0x4  }
0x19f: {  	v7 =	vadd.s32 v2, v7;
	_ =	sdelay $0x3  }
0x1a0: {  	s22 =	sadd.s32 $0x1, s20  }
0x1a1: {  	v8 =	vadd.s32 s22, v6;
	v7 =	vld.idx.msk [tilespmem:v7+s2+$0x0], $0xffff;
	_ =	sdelay $0x4  }
0x1a2: {  	[tilespmem:v8+s15+$0x0] =	vst.idx.msk $0xffff, v7  }
0x1a3: {  	v7 =	vld [tilespmem:s21+$0xFFFFFF00];
	_ =	sdelay $0x4  }
0x1a4: {  	v7 =	vadd.s32 v2, v7;
	_ =	sdelay $0x3  }
0x1a5: {  	s26 =	sadd.s32 $0x2, s20  }
0x1a6: {  	v8 =	vadd.s32 s26, v6;
	v7 =	vld.idx.msk [tilespmem:v7+s2+$0x0], $0xffff;
	_ =	sdelay $0x4  }
0x1a7: {  	[tilespmem:v8+s15+$0x0] =	vst.idx.msk $0xffff, v7  }
0x1a8: {  	v7 =	vld [tilespmem:s21+$0xFFFFFF10];
	_ =	sdelay $0x4  }
0x1a9: {  	v7 =	vadd.s32 v2, v7;
	_ =	sdelay $0x3  }
0x1aa: {  	s28 =	sadd.s32 $0x3, s20  }
0x1ab: {  	v8 =	vadd.s32 s28, v6;
	v7 =	vld.idx.msk [tilespmem:v7+s2+$0x0], $0xffff;
	_ =	sdelay $0x4  }
0x1ac: {  	[tilespmem:v8+s15+$0x0] =	vst.idx.msk $0xffff, v7  }
0x1ad: {  	v7 =	vld [tilespmem:s21+$0xFFFFFF20];
	_ =	sdelay $0x4  }
0x1ae: {  	v7 =	vadd.s32 v2, v7;
	_ =	sdelay $0x3  }
0x1af: {  	s29 =	sadd.s32 $0x4, s20  }
0x1b0: {  	v8 =	vadd.s32 s29, v6;
	v7 =	vld.idx.msk [tilespmem:v7+s2+$0x0], $0xffff;
	_ =	sdelay $0x4  }
0x1b1: {  	[tilespmem:v8+s15+$0x0] =	vst.idx.msk $0xffff, v7  }
0x1b2: {  	v7 =	vld [tilespmem:s21+$0xFFFFFF30];
	_ =	sdelay $0x4  }
0x1b3: {  	v7 =	vadd.s32 v2, v7;
	_ =	sdelay $0x3  }
0x1b4: {  	s30 =	sadd.s32 $0x5, s20  }
0x1b5: {  	v8 =	vadd.s32 s30, v6;
	v7 =	vld.idx.msk [tilespmem:v7+s2+$0x0], $0xffff;
	_ =	sdelay $0x4  }
0x1b6: {  	[tilespmem:v8+s15+$0x0] =	vst.idx.msk $0xffff, v7  }
0x1b7: {  	v7 =	vld [tilespmem:s21+$0xFFFFFF40];
	_ =	sdelay $0x4  }
0x1b8: {  	v7 =	vadd.s32 v2, v7;
	_ =	sdelay $0x3  }
0x1b9: {  	s31 =	sadd.s32 $0x6, s20  }
0x1ba: {  	v8 =	vadd.s32 s31, v6;
	v7 =	vld.idx.msk [tilespmem:v7+s2+$0x0], $0xffff;
	_ =	sdelay $0x4  }
0x1bb: {  	[tilespmem:v8+s15+$0x0] =	vst.idx.msk $0xffff, v7  }
0x1bc: {  	v7 =	vld [tilespmem:s21+$0xFFFFFF50];
	_ =	sdelay $0x4  }
0x1bd: {  	v7 =	vadd.s32 v2, v7;
	_ =	sdelay $0x3  }
0x1be: {  	s23 =	sadd.s32 $0x7, s20  }
0x1bf: {  	v8 =	vadd.s32 s23, v6;
	v7 =	vld.idx.msk [tilespmem:v7+s2+$0x0], $0xffff;
	_ =	sdelay $0x4  }
0x1c0: {  	s22 =	sand.u32 $0xFFF0, s20;
	[tilespmem:v8+s15+$0x0] =	vst.idx.msk $0xffff, v7  }
0x1c1: {  	v7 =	vld [tilespmem:s22+$0x6880];
	_ =	sdelay $0x4  }
0x1c2: {  	v7 =	vadd.s32 v2, v7;
	_ =	sdelay $0x3  }
0x1c3: {  	s23 =	sadd.s32 $0x8, s20  }
0x1c4: {  	v8 =	vadd.s32 s23, v6;
	v7 =	vld.idx.msk [tilespmem:v7+s2+$0x0], $0xffff;
	_ =	sdelay $0x4  }
0x1c5: {  	[tilespmem:v8+s15+$0x0] =	vst.idx.msk $0xffff, v7  }
0x1c6: {  	v7 =	vld [tilespmem:s21+$0xFFFFFF70];
	_ =	sdelay $0x4  }
0x1c7: {  	v7 =	vadd.s32 v2, v7;
	_ =	sdelay $0x3  }
0x1c8: {  	s24 =	sadd.s32 $0x9, s20  }
0x1c9: {  	v8 =	vadd.s32 s24, v6;
	v7 =	vld.idx.msk [tilespmem:v7+s2+$0x0], $0xffff;
	_ =	sdelay $0x4  }
0x1ca: {  	[tilespmem:v8+s15+$0x0] =	vst.idx.msk $0xffff, v7  }
0x1cb: {  	v7 =	vld [tilespmem:s21+$0xFFFFFF80];
	_ =	sdelay $0x4  }
0x1cc: {  	v7 =	vadd.s32 v2, v7;
	_ =	sdelay $0x3  }
0x1cd: {  	s25 =	sadd.s32 $0xA, s20  }
0x1ce: {  	v8 =	vadd.s32 s25, v6;
	v7 =	vld.idx.msk [tilespmem:v7+s2+$0x0], $0xffff;
	_ =	sdelay $0x4  }
0x1cf: {  	[tilespmem:v8+s15+$0x0] =	vst.idx.msk $0xffff, v7  }
0x1d0: {  	v7 =	vld [tilespmem:s21+$0xFFFFFF90];
	_ =	sdelay $0x4  }
0x1d1: {  	v7 =	vadd.s32 v2, v7;
	_ =	sdelay $0x3  }
0x1d2: {  	s26 =	sadd.s32 $0xB, s20  }
0x1d3: {  	v8 =	vadd.s32 s26, v6;
	v7 =	vld.idx.msk [tilespmem:v7+s2+$0x0], $0xffff;
	_ =	sdelay $0x4  }
0x1d4: {  	[tilespmem:v8+s15+$0x0] =	vst.idx.msk $0xffff, v7  }
0x1d5: {  	v7 =	vld [tilespmem:s21+$0xFFFFFFA0];
	_ =	sdelay $0x4  }
0x1d6: {  	v7 =	vadd.s32 v2, v7;
	_ =	sdelay $0x3  }
0x1d7: {  	s28 =	sadd.s32 $0xC, s20  }
0x1d8: {  	v8 =	vadd.s32 s28, v6;
	v7 =	vld.idx.msk [tilespmem:v7+s2+$0x0], $0xffff;
	_ =	sdelay $0x4  }
0x1d9: {  	[tilespmem:v8+s15+$0x0] =	vst.idx.msk $0xffff, v7  }
0x1da: {  	v7 =	vld [tilespmem:s21+$0xFFFFFFB0];
	_ =	sdelay $0x4  }
0x1db: {  	v7 =	vadd.s32 v2, v7;
	_ =	sdelay $0x3  }
0x1dc: {  	s29 =	sadd.s32 $0xD, s20  }
0x1dd: {  	v8 =	vadd.s32 s29, v6;
	v7 =	vld.idx.msk [tilespmem:v7+s2+$0x0], $0xffff;
	_ =	sdelay $0x4  }
0x1de: {  	[tilespmem:v8+s15+$0x0] =	vst.idx.msk $0xffff, v7  }
0x1df: {  	v7 =	vld [tilespmem:s21+$0xFFFFFFC0];
	_ =	sdelay $0x4  }
0x1e0: {  	v7 =	vadd.s32 v2, v7;
	_ =	sdelay $0x3  }
0x1e1: {  	s30 =	sadd.s32 $0xE, s20  }
0x1e2: {  	v8 =	vadd.s32 s30, v6;
	v7 =	vld.idx.msk [tilespmem:v7+s2+$0x0], $0xffff;
	_ =	sdelay $0x4  }
0x1e3: {  	[tilespmem:v8+s15+$0x0] =	vst.idx.msk $0xffff, v7  }
0x1e4: {  	v7 =	vld [tilespmem:s21+$0xFFFFFFD0];
	_ =	sdelay $0x4  }
0x1e5: {  	v7 =	vadd.s32 v2, v7;
	_ =	sdelay $0x3  }
0x1e6: {  	s31 =	sadd.s32 $0xF, s20  }
0x1e7: {  	v8 =	vadd.s32 s31, v6;
	v7 =	vld.idx.msk [tilespmem:v7+s2+$0x0], $0xffff;
	_ =	sdelay $0x4  }
0x1e8: {  	[tilespmem:v8+s15+$0x0] =	vst.idx.msk $0xffff, v7  }
0x1e9: {  	v7 =	vld [tilespmem:s22+$0x6900];
	_ =	sdelay $0x4  }
0x1ea: {  	v7 =	vadd.s32 v2, v7;
	_ =	sdelay $0x3  }
0x1eb: {  	s24 =	sadd.s32 $0x10, s20  }
0x1ec: {  	v8 =	vadd.s32 s24, v6;
	v7 =	vld.idx.msk [tilespmem:v7+s2+$0x0], $0xffff;
	_ =	sdelay $0x4  }
0x1ed: {  	[tilespmem:v8+s15+$0x0] =	vst.idx.msk $0xffff, v7  }
0x1ee: {  	v7 =	vld [tilespmem:s21+$0xFFFFFFF0];
	_ =	sdelay $0x4  }
0x1ef: {  	v7 =	vadd.s32 v2, v7;
	_ =	sdelay $0x3  }
0x1f0: {  	s25 =	sadd.s32 $0x11, s20  }
0x1f1: {  	v8 =	vadd.s32 s25, v6;
	v7 =	vld.idx.msk [tilespmem:v7+s2+$0x0], $0xffff;
	_ =	sdelay $0x4  }
0x1f2: {  	[tilespmem:v8+s15+$0x0] =	vst.idx.msk $0xffff, v7  }
0x1f3: {  	v7 =	vld [tilespmem:s21+$0x0];
	_ =	sdelay $0x4  }
0x1f4: {  	v7 =	vadd.s32 v2, v7;
	_ =	sdelay $0x3  }
0x1f5: {  	s26 =	sadd.s32 $0x12, s20  }
0x1f6: {  	v8 =	vadd.s32 s26, v6;
	v7 =	vld.idx.msk [tilespmem:v7+s2+$0x0], $0xffff;
	_ =	sdelay $0x4  }
0x1f7: {  	[tilespmem:v8+s15+$0x0] =	vst.idx.msk $0xffff, v7  }
0x1f8: {  	v7 =	vld [tilespmem:s21+$0x10];
	_ =	sdelay $0x4  }
0x1f9: {  	v7 =	vadd.s32 v2, v7;
	_ =	sdelay $0x3  }
0x1fa: {  	s28 =	sadd.s32 $0x13, s20  }
0x1fb: {  	v8 =	vadd.s32 s28, v6;
	v7 =	vld.idx.msk [tilespmem:v7+s2+$0x0], $0xffff;
	_ =	sdelay $0x4  }
0x1fc: {  	[tilespmem:v8+s15+$0x0] =	vst.idx.msk $0xffff, v7  }
0x1fd: {  	v7 =	vld [tilespmem:s21+$0x20];
	_ =	sdelay $0x4  }
0x1fe: {  	v7 =	vadd.s32 v2, v7;
	_ =	sdelay $0x3  }
0x1ff: {  	s29 =	sadd.s32 $0x14, s20  }
0x200: {  	v8 =	vadd.s32 s29, v6;
	v7 =	vld.idx.msk [tilespmem:v7+s2+$0x0], $0xffff;
	_ =	sdelay $0x4  }
0x201: {  	[tilespmem:v8+s15+$0x0] =	vst.idx.msk $0xffff, v7  }
0x202: {  	v7 =	vld [tilespmem:s21+$0x30];
	_ =	sdelay $0x4  }
0x203: {  	v7 =	vadd.s32 v2, v7;
	_ =	sdelay $0x3  }
0x204: {  	s30 =	sadd.s32 $0x15, s20  }
0x205: {  	v8 =	vadd.s32 s30, v6;
	v7 =	vld.idx.msk [tilespmem:v7+s2+$0x0], $0xffff;
	_ =	sdelay $0x4  }
0x206: {  	[tilespmem:v8+s15+$0x0] =	vst.idx.msk $0xffff, v7  }
0x207: {  	v7 =	vld [tilespmem:s21+$0x40];
	_ =	sdelay $0x4  }
0x208: {  	v7 =	vadd.s32 v2, v7;
	_ =	sdelay $0x3  }
0x209: {  	s31 =	sadd.s32 $0x16, s20  }
0x20a: {  	v8 =	vadd.s32 s31, v6;
	v7 =	vld.idx.msk [tilespmem:v7+s2+$0x0], $0xffff;
	_ =	sdelay $0x4  }
0x20b: {  	[tilespmem:v8+s15+$0x0] =	vst.idx.msk $0xffff, v7  }
0x20c: {  	v7 =	vld [tilespmem:s21+$0x50];
	_ =	sdelay $0x4  }
0x20d: {  	v7 =	vadd.s32 v2, v7;
	_ =	sdelay $0x3  }
0x20e: {  	s24 =	sadd.s32 $0x17, s20  }
0x20f: {  	v8 =	vadd.s32 s24, v6;
	v7 =	vld.idx.msk [tilespmem:v7+s2+$0x0], $0xffff;
	_ =	sdelay $0x4  }
0x210: {  	[tilespmem:v8+s15+$0x0] =	vst.idx.msk $0xffff, v7  }
0x211: {  	v7 =	vld [tilespmem:s22+$0x6980];
	_ =	sdelay $0x4  }
0x212: {  	v7 =	vadd.s32 v2, v7;
	_ =	sdelay $0x3  }
0x213: {  	s25 =	sadd.s32 $0x18, s20  }
0x214: {  	v8 =	vadd.s32 s25, v6;
	v7 =	vld.idx.msk [tilespmem:v7+s2+$0x0], $0xffff;
	_ =	sdelay $0x4  }
0x215: {  	[tilespmem:v8+s15+$0x0] =	vst.idx.msk $0xffff, v7  }
0x216: {  	v7 =	vld [tilespmem:s21+$0x70];
	_ =	sdelay $0x4  }
0x217: {  	v7 =	vadd.s32 v2, v7;
	_ =	sdelay $0x3  }
0x218: {  	s26 =	sadd.s32 $0x19, s20  }
0x219: {  	v8 =	vadd.s32 s26, v6;
	v7 =	vld.idx.msk [tilespmem:v7+s2+$0x0], $0xffff;
	_ =	sdelay $0x4  }
0x21a: {  	[tilespmem:v8+s15+$0x0] =	vst.idx.msk $0xffff, v7  }
0x21b: {  	v7 =	vld [tilespmem:s21+$0x80];
	_ =	sdelay $0x4  }
0x21c: {  	v7 =	vadd.s32 v2, v7;
	_ =	sdelay $0x3  }
0x21d: {  	s28 =	sadd.s32 $0x1A, s20  }
0x21e: {  	v8 =	vadd.s32 s28, v6;
	v7 =	vld.idx.msk [tilespmem:v7+s2+$0x0], $0xffff;
	_ =	sdelay $0x4  }
0x21f: {  	[tilespmem:v8+s15+$0x0] =	vst.idx.msk $0xffff, v7  }
0x220: {  	v7 =	vld [tilespmem:s21+$0x90];
	_ =	sdelay $0x4  }
0x221: {  	v7 =	vadd.s32 v2, v7;
	_ =	sdelay $0x3  }
0x222: {  	s29 =	sadd.s32 $0x1B, s20  }
0x223: {  	v8 =	vadd.s32 s29, v6;
	v7 =	vld.idx.msk [tilespmem:v7+s2+$0x0], $0xffff;
	_ =	sdelay $0x4  }
0x224: {  	[tilespmem:v8+s15+$0x0] =	vst.idx.msk $0xffff, v7  }
0x225: {  	v7 =	vld [tilespmem:s21+$0xA0];
	_ =	sdelay $0x4  }
0x226: {  	v7 =	vadd.s32 v2, v7;
	_ =	sdelay $0x3  }
0x227: {  	s30 =	sadd.s32 $0x1C, s20  }
0x228: {  	v8 =	vadd.s32 s30, v6;
	v7 =	vld.idx.msk [tilespmem:v7+s2+$0x0], $0xffff;
	_ =	sdelay $0x4  }
0x229: {  	[tilespmem:v8+s15+$0x0] =	vst.idx.msk $0xffff, v7  }
0x22a: {  	v7 =	vld [tilespmem:s21+$0xB0];
	_ =	sdelay $0x4  }
0x22b: {  	v7 =	vadd.s32 v2, v7;
	_ =	sdelay $0x3  }
0x22c: {  	s31 =	sadd.s32 $0x1D, s20  }
0x22d: {  	v8 =	vadd.s32 s31, v6;
	v7 =	vld.idx.msk [tilespmem:v7+s2+$0x0], $0xffff;
	_ =	sdelay $0x4  }
0x22e: {  	[tilespmem:v8+s15+$0x0] =	vst.idx.msk $0xffff, v7  }
0x22f: {  	v7 =	vld [tilespmem:s21+$0xC0];
	_ =	sdelay $0x4  }
0x230: {  	v7 =	vadd.s32 v2, v7;
	_ =	sdelay $0x3  }
0x231: {  	s24 =	sadd.s32 $0x1E, s20  }
0x232: {  	v8 =	vadd.s32 s24, v6;
	v7 =	vld.idx.msk [tilespmem:v7+s2+$0x0], $0xffff;
	_ =	sdelay $0x4  }
0x233: {  	[tilespmem:v8+s15+$0x0] =	vst.idx.msk $0xffff, v7  }
0x234: {  	v7 =	vld [tilespmem:s21+$0xD0];
	_ =	sdelay $0x4  }
0x235: {  	v7 =	vadd.s32 v2, v7;
	_ =	sdelay $0x3  }
0x236: {  	s25 =	sadd.s32 $0x1F, s20  }
0x237: {  	v8 =	vadd.s32 s25, v6;
	v7 =	vld.idx.msk [tilespmem:v7+s2+$0x0], $0xffff;
	_ =	sdelay $0x4  }
0x238: {  	[tilespmem:v8+s15+$0x0] =	vst.idx.msk $0xffff, v7  }
0x239: {  	v7 =	vld [tilespmem:s22+$0x6A00];
	_ =	sdelay $0x4  }
0x23a: {  	v7 =	vadd.s32 v2, v7;
	_ =	sdelay $0x3  }
0x23b: {  	s26 =	sadd.s32 $0x20, s20  }
0x23c: {  	v8 =	vadd.s32 s26, v6;
	v7 =	vld.idx.msk [tilespmem:v7+s2+$0x0], $0xffff;
	_ =	sdelay $0x4  }
0x23d: {  	[tilespmem:v8+s15+$0x0] =	vst.idx.msk $0xffff, v7  }
0x23e: {  	v7 =	vld [tilespmem:s21+$0xF0];
	_ =	sdelay $0x4  }
0x23f: {  	v7 =	vadd.s32 v2, v7;
	_ =	sdelay $0x3  }
0x240: {  	s28 =	sadd.s32 $0x21, s20  }
0x241: {  	v8 =	vadd.s32 s28, v6;
	v7 =	vld.idx.msk [tilespmem:v7+s2+$0x0], $0xffff;
	_ =	sdelay $0x4  }
0x242: {  	[tilespmem:v8+s15+$0x0] =	vst.idx.msk $0xffff, v7  }
0x243: {  	v7 =	vld [tilespmem:s21+$0x100];
	_ =	sdelay $0x4  }
0x244: {  	v7 =	vadd.s32 v2, v7;
	_ =	sdelay $0x3  }
0x245: {  	s29 =	sadd.s32 $0x22, s20  }
0x246: {  	v8 =	vadd.s32 s29, v6;
	v7 =	vld.idx.msk [tilespmem:v7+s2+$0x0], $0xffff;
	_ =	sdelay $0x4  }
0x247: {  	[tilespmem:v8+s15+$0x0] =	vst.idx.msk $0xffff, v7  }
0x248: {  	v7 =	vld [tilespmem:s21+$0x110];
	_ =	sdelay $0x4  }
0x249: {  	v7 =	vadd.s32 v2, v7;
	_ =	sdelay $0x3  }
0x24a: {  	s30 =	sadd.s32 $0x23, s20  }
0x24b: {  	v8 =	vadd.s32 s30, v6;
	v7 =	vld.idx.msk [tilespmem:v7+s2+$0x0], $0xffff;
	_ =	sdelay $0x4  }
0x24c: {  	[tilespmem:v8+s15+$0x0] =	vst.idx.msk $0xffff, v7  }
0x24d: {  	v7 =	vld [tilespmem:s21+$0x120];
	_ =	sdelay $0x4  }
0x24e: {  	v7 =	vadd.s32 v2, v7;
	_ =	sdelay $0x3  }
0x24f: {  	s31 =	sadd.s32 $0x24, s20  }
0x250: {  	p0 =	sne.s32 s20, $0x5A30;
	v8 =	vadd.s32 s31, v6;
	v7 =	vld.idx.msk [tilespmem:v7+s2+$0x0], $0xffff  }
.Ltmp2:
0x251: {  	_ = 	snop;
	(pc) =	sbr.rel @p0 .LBB2_6-.Ltmp2, $2  }
0x252: {  	_ =	sdelay $0x2  }
0x253: {  	s20 =	sadd.s32 $0x250, s20;
	s21 =	sadd.s32 $0x250, s21;
	[tilespmem:v8+s15+$0x0] =	vst.idx.msk $0xffff, v7  }
0x254: {  	s20 =	simm.s32 $0x0  }
0x255: {  	[hbm4b:s7+s20] =	stream.linear.scatter [tilespmem:s15], [sflag:$0x3], $0x5C80, $0x38;
	[tilespmem:$0x17D80] =	vst v63  }
0x256: {  	_ =	swait.ge [sflag:s18], $0x5C80  }
0x257: {  	[sflag:s18] =	ssyncset.done $0x0  }
0x258: {  	s21 =	simm.s32 $0x6920;
	[sflag:s18] =	ssyncadd.s32 $0xFFFFA380  }
.LBB2_8:
0x259: {  	v7 =	vld [tilespmem:s21+$0xFFFFFEE0];
	_ =	sdelay $0x4  }
0x25a: {  	v7 =	vadd.s32 v3, v7;
	_ =	sdelay $0x4  }
0x25b: {  	v8 =	vadd.s32 s20, v6;
	v7 =	vld.idx.msk [tilespmem:v7+s2+$0x0], $0xffff;
	_ =	sdelay $0x4  }
0x25c: {  	[tilespmem:v8+s16+$0x0] =	vst.idx.msk $0xffff, v7  }
0x25d: {  	v7 =	vld [tilespmem:s21+$0xFFFFFEF0];
	_ =	sdelay $0x4  }
0x25e: {  	v7 =	vadd.s32 v3, v7;
	_ =	sdelay $0x3  }
0x25f: {  	s22 =	sadd.s32 $0x1, s20  }
0x260: {  	v8 =	vadd.s32 s22, v6;
	v7 =	vld.idx.msk [tilespmem:v7+s2+$0x0], $0xffff;
	_ =	sdelay $0x4  }
0x261: {  	[tilespmem:v8+s16+$0x0] =	vst.idx.msk $0xffff, v7  }
0x262: {  	v7 =	vld [tilespmem:s21+$0xFFFFFF00];
	_ =	sdelay $0x4  }
0x263: {  	v7 =	vadd.s32 v3, v7;
	_ =	sdelay $0x3  }
0x264: {  	s26 =	sadd.s32 $0x2, s20  }
0x265: {  	v8 =	vadd.s32 s26, v6;
	v7 =	vld.idx.msk [tilespmem:v7+s2+$0x0], $0xffff;
	_ =	sdelay $0x4  }
0x266: {  	[tilespmem:v8+s16+$0x0] =	vst.idx.msk $0xffff, v7  }
0x267: {  	v7 =	vld [tilespmem:s21+$0xFFFFFF10];
	_ =	sdelay $0x4  }
0x268: {  	v7 =	vadd.s32 v3, v7;
	_ =	sdelay $0x3  }
0x269: {  	s28 =	sadd.s32 $0x3, s20  }
0x26a: {  	v8 =	vadd.s32 s28, v6;
	v7 =	vld.idx.msk [tilespmem:v7+s2+$0x0], $0xffff;
	_ =	sdelay $0x4  }
0x26b: {  	[tilespmem:v8+s16+$0x0] =	vst.idx.msk $0xffff, v7  }
0x26c: {  	v7 =	vld [tilespmem:s21+$0xFFFFFF20];
	_ =	sdelay $0x4  }
0x26d: {  	v7 =	vadd.s32 v3, v7;
	_ =	sdelay $0x3  }
0x26e: {  	s29 =	sadd.s32 $0x4, s20  }
0x26f: {  	v8 =	vadd.s32 s29, v6;
	v7 =	vld.idx.msk [tilespmem:v7+s2+$0x0], $0xffff;
	_ =	sdelay $0x4  }
0x270: {  	[tilespmem:v8+s16+$0x0] =	vst.idx.msk $0xffff, v7  }
0x271: {  	v7 =	vld [tilespmem:s21+$0xFFFFFF30];
	_ =	sdelay $0x4  }
0x272: {  	v7 =	vadd.s32 v3, v7;
	_ =	sdelay $0x3  }
0x273: {  	s30 =	sadd.s32 $0x5, s20  }
0x274: {  	v8 =	vadd.s32 s30, v6;
	v7 =	vld.idx.msk [tilespmem:v7+s2+$0x0], $0xffff;
	_ =	sdelay $0x4  }
0x275: {  	[tilespmem:v8+s16+$0x0] =	vst.idx.msk $0xffff, v7  }
0x276: {  	v7 =	vld [tilespmem:s21+$0xFFFFFF40];
	_ =	sdelay $0x4  }
0x277: {  	v7 =	vadd.s32 v3, v7;
	_ =	sdelay $0x3  }
0x278: {  	s31 =	sadd.s32 $0x6, s20  }
0x279: {  	v8 =	vadd.s32 s31, v6;
	v7 =	vld.idx.msk [tilespmem:v7+s2+$0x0], $0xffff;
	_ =	sdelay $0x4  }
0x27a: {  	[tilespmem:v8+s16+$0x0] =	vst.idx.msk $0xffff, v7  }
0x27b: {  	v7 =	vld [tilespmem:s21+$0xFFFFFF50];
	_ =	sdelay $0x4  }
0x27c: {  	v7 =	vadd.s32 v3, v7;
	_ =	sdelay $0x3  }
0x27d: {  	s23 =	sadd.s32 $0x7, s20  }
0x27e: {  	v8 =	vadd.s32 s23, v6;
	v7 =	vld.idx.msk [tilespmem:v7+s2+$0x0], $0xffff;
	_ =	sdelay $0x4  }
0x27f: {  	s22 =	sand.u32 $0xFFF0, s20;
	[tilespmem:v8+s16+$0x0] =	vst.idx.msk $0xffff, v7  }
0x280: {  	v7 =	vld [tilespmem:s22+$0x6880];
	_ =	sdelay $0x4  }
0x281: {  	v7 =	vadd.s32 v3, v7;
	_ =	sdelay $0x3  }
0x282: {  	s23 =	sadd.s32 $0x8, s20  }
0x283: {  	v8 =	vadd.s32 s23, v6;
	v7 =	vld.idx.msk [tilespmem:v7+s2+$0x0], $0xffff;
	_ =	sdelay $0x4  }
0x284: {  	[tilespmem:v8+s16+$0x0] =	vst.idx.msk $0xffff, v7  }
0x285: {  	v7 =	vld [tilespmem:s21+$0xFFFFFF70];
	_ =	sdelay $0x4  }
0x286: {  	v7 =	vadd.s32 v3, v7;
	_ =	sdelay $0x3  }
0x287: {  	s24 =	sadd.s32 $0x9, s20  }
0x288: {  	v8 =	vadd.s32 s24, v6;
	v7 =	vld.idx.msk [tilespmem:v7+s2+$0x0], $0xffff;
	_ =	sdelay $0x4  }
0x289: {  	[tilespmem:v8+s16+$0x0] =	vst.idx.msk $0xffff, v7  }
0x28a: {  	v7 =	vld [tilespmem:s21+$0xFFFFFF80];
	_ =	sdelay $0x4  }
0x28b: {  	v7 =	vadd.s32 v3, v7;
	_ =	sdelay $0x3  }
0x28c: {  	s25 =	sadd.s32 $0xA, s20  }
0x28d: {  	v8 =	vadd.s32 s25, v6;
	v7 =	vld.idx.msk [tilespmem:v7+s2+$0x0], $0xffff;
	_ =	sdelay $0x4  }
0x28e: {  	[tilespmem:v8+s16+$0x0] =	vst.idx.msk $0xffff, v7  }
0x28f: {  	v7 =	vld [tilespmem:s21+$0xFFFFFF90];
	_ =	sdelay $0x4  }
0x290: {  	v7 =	vadd.s32 v3, v7;
	_ =	sdelay $0x3  }
0x291: {  	s26 =	sadd.s32 $0xB, s20  }
0x292: {  	v8 =	vadd.s32 s26, v6;
	v7 =	vld.idx.msk [tilespmem:v7+s2+$0x0], $0xffff;
	_ =	sdelay $0x4  }
0x293: {  	[tilespmem:v8+s16+$0x0] =	vst.idx.msk $0xffff, v7  }
0x294: {  	v7 =	vld [tilespmem:s21+$0xFFFFFFA0];
	_ =	sdelay $0x4  }
0x295: {  	v7 =	vadd.s32 v3, v7;
	_ =	sdelay $0x3  }
0x296: {  	s28 =	sadd.s32 $0xC, s20  }
0x297: {  	v8 =	vadd.s32 s28, v6;
	v7 =	vld.idx.msk [tilespmem:v7+s2+$0x0], $0xffff;
	_ =	sdelay $0x4  }
0x298: {  	[tilespmem:v8+s16+$0x0] =	vst.idx.msk $0xffff, v7  }
0x299: {  	v7 =	vld [tilespmem:s21+$0xFFFFFFB0];
	_ =	sdelay $0x4  }
0x29a: {  	v7 =	vadd.s32 v3, v7;
	_ =	sdelay $0x3  }
0x29b: {  	s29 =	sadd.s32 $0xD, s20  }
0x29c: {  	v8 =	vadd.s32 s29, v6;
	v7 =	vld.idx.msk [tilespmem:v7+s2+$0x0], $0xffff;
	_ =	sdelay $0x4  }
0x29d: {  	[tilespmem:v8+s16+$0x0] =	vst.idx.msk $0xffff, v7  }
0x29e: {  	v7 =	vld [tilespmem:s21+$0xFFFFFFC0];
	_ =	sdelay $0x4  }
0x29f: {  	v7 =	vadd.s32 v3, v7;
	_ =	sdelay $0x3  }
0x2a0: {  	s30 =	sadd.s32 $0xE, s20  }
0x2a1: {  	v8 =	vadd.s32 s30, v6;
	v7 =	vld.idx.msk [tilespmem:v7+s2+$0x0], $0xffff;
	_ =	sdelay $0x4  }
0x2a2: {  	[tilespmem:v8+s16+$0x0] =	vst.idx.msk $0xffff, v7  }
0x2a3: {  	v7 =	vld [tilespmem:s21+$0xFFFFFFD0];
	_ =	sdelay $0x4  }
0x2a4: {  	v7 =	vadd.s32 v3, v7;
	_ =	sdelay $0x3  }
0x2a5: {  	s31 =	sadd.s32 $0xF, s20  }
0x2a6: {  	v8 =	vadd.s32 s31, v6;
	v7 =	vld.idx.msk [tilespmem:v7+s2+$0x0], $0xffff;
	_ =	sdelay $0x4  }
0x2a7: {  	[tilespmem:v8+s16+$0x0] =	vst.idx.msk $0xffff, v7  }
0x2a8: {  	v7 =	vld [tilespmem:s22+$0x6900];
	_ =	sdelay $0x4  }
0x2a9: {  	v7 =	vadd.s32 v3, v7;
	_ =	sdelay $0x3  }
0x2aa: {  	s24 =	sadd.s32 $0x10, s20  }
0x2ab: {  	v8 =	vadd.s32 s24, v6;
	v7 =	vld.idx.msk [tilespmem:v7+s2+$0x0], $0xffff;
	_ =	sdelay $0x4  }
0x2ac: {  	[tilespmem:v8+s16+$0x0] =	vst.idx.msk $0xffff, v7  }
0x2ad: {  	v7 =	vld [tilespmem:s21+$0xFFFFFFF0];
	_ =	sdelay $0x4  }
0x2ae: {  	v7 =	vadd.s32 v3, v7;
	_ =	sdelay $0x3  }
0x2af: {  	s25 =	sadd.s32 $0x11, s20  }
0x2b0: {  	v8 =	vadd.s32 s25, v6;
	v7 =	vld.idx.msk [tilespmem:v7+s2+$0x0], $0xffff;
	_ =	sdelay $0x4  }
0x2b1: {  	[tilespmem:v8+s16+$0x0] =	vst.idx.msk $0xffff, v7  }
0x2b2: {  	v7 =	vld [tilespmem:s21+$0x0];
	_ =	sdelay $0x4  }
0x2b3: {  	v7 =	vadd.s32 v3, v7;
	_ =	sdelay $0x3  }
0x2b4: {  	s26 =	sadd.s32 $0x12, s20  }
0x2b5: {  	v8 =	vadd.s32 s26, v6;
	v7 =	vld.idx.msk [tilespmem:v7+s2+$0x0], $0xffff;
	_ =	sdelay $0x4  }
0x2b6: {  	[tilespmem:v8+s16+$0x0] =	vst.idx.msk $0xffff, v7  }
0x2b7: {  	v7 =	vld [tilespmem:s21+$0x10];
	_ =	sdelay $0x4  }
0x2b8: {  	v7 =	vadd.s32 v3, v7;
	_ =	sdelay $0x3  }
0x2b9: {  	s28 =	sadd.s32 $0x13, s20  }
0x2ba: {  	v8 =	vadd.s32 s28, v6;
	v7 =	vld.idx.msk [tilespmem:v7+s2+$0x0], $0xffff;
	_ =	sdelay $0x4  }
0x2bb: {  	[tilespmem:v8+s16+$0x0] =	vst.idx.msk $0xffff, v7  }
0x2bc: {  	v7 =	vld [tilespmem:s21+$0x20];
	_ =	sdelay $0x4  }
0x2bd: {  	v7 =	vadd.s32 v3, v7;
	_ =	sdelay $0x3  }
0x2be: {  	s29 =	sadd.s32 $0x14, s20  }
0x2bf: {  	v8 =	vadd.s32 s29, v6;
	v7 =	vld.idx.msk [tilespmem:v7+s2+$0x0], $0xffff;
	_ =	sdelay $0x4  }
0x2c0: {  	[tilespmem:v8+s16+$0x0] =	vst.idx.msk $0xffff, v7  }
0x2c1: {  	v7 =	vld [tilespmem:s21+$0x30];
	_ =	sdelay $0x4  }
0x2c2: {  	v7 =	vadd.s32 v3, v7;
	_ =	sdelay $0x3  }
0x2c3: {  	s30 =	sadd.s32 $0x15, s20  }
0x2c4: {  	v8 =	vadd.s32 s30, v6;
	v7 =	vld.idx.msk [tilespmem:v7+s2+$0x0], $0xffff;
	_ =	sdelay $0x4  }
0x2c5: {  	[tilespmem:v8+s16+$0x0] =	vst.idx.msk $0xffff, v7  }
0x2c6: {  	v7 =	vld [tilespmem:s21+$0x40];
	_ =	sdelay $0x4  }
0x2c7: {  	v7 =	vadd.s32 v3, v7;
	_ =	sdelay $0x3  }
0x2c8: {  	s31 =	sadd.s32 $0x16, s20  }
0x2c9: {  	v8 =	vadd.s32 s31, v6;
	v7 =	vld.idx.msk [tilespmem:v7+s2+$0x0], $0xffff;
	_ =	sdelay $0x4  }
0x2ca: {  	[tilespmem:v8+s16+$0x0] =	vst.idx.msk $0xffff, v7  }
0x2cb: {  	v7 =	vld [tilespmem:s21+$0x50];
	_ =	sdelay $0x4  }
0x2cc: {  	v7 =	vadd.s32 v3, v7;
	_ =	sdelay $0x3  }
0x2cd: {  	s24 =	sadd.s32 $0x17, s20  }
0x2ce: {  	v8 =	vadd.s32 s24, v6;
	v7 =	vld.idx.msk [tilespmem:v7+s2+$0x0], $0xffff;
	_ =	sdelay $0x4  }
0x2cf: {  	[tilespmem:v8+s16+$0x0] =	vst.idx.msk $0xffff, v7  }
0x2d0: {  	v7 =	vld [tilespmem:s22+$0x6980];
	_ =	sdelay $0x4  }
0x2d1: {  	v7 =	vadd.s32 v3, v7;
	_ =	sdelay $0x3  }
0x2d2: {  	s25 =	sadd.s32 $0x18, s20  }
0x2d3: {  	v8 =	vadd.s32 s25, v6;
	v7 =	vld.idx.msk [tilespmem:v7+s2+$0x0], $0xffff;
	_ =	sdelay $0x4  }
0x2d4: {  	[tilespmem:v8+s16+$0x0] =	vst.idx.msk $0xffff, v7  }
0x2d5: {  	v7 =	vld [tilespmem:s21+$0x70];
	_ =	sdelay $0x4  }
0x2d6: {  	v7 =	vadd.s32 v3, v7;
	_ =	sdelay $0x3  }
0x2d7: {  	s26 =	sadd.s32 $0x19, s20  }
0x2d8: {  	v8 =	vadd.s32 s26, v6;
	v7 =	vld.idx.msk [tilespmem:v7+s2+$0x0], $0xffff;
	_ =	sdelay $0x4  }
0x2d9: {  	[tilespmem:v8+s16+$0x0] =	vst.idx.msk $0xffff, v7  }
0x2da: {  	v7 =	vld [tilespmem:s21+$0x80];
	_ =	sdelay $0x4  }
0x2db: {  	v7 =	vadd.s32 v3, v7;
	_ =	sdelay $0x3  }
0x2dc: {  	s28 =	sadd.s32 $0x1A, s20  }
0x2dd: {  	v8 =	vadd.s32 s28, v6;
	v7 =	vld.idx.msk [tilespmem:v7+s2+$0x0], $0xffff;
	_ =	sdelay $0x4  }
0x2de: {  	[tilespmem:v8+s16+$0x0] =	vst.idx.msk $0xffff, v7  }
0x2df: {  	v7 =	vld [tilespmem:s21+$0x90];
	_ =	sdelay $0x4  }
0x2e0: {  	v7 =	vadd.s32 v3, v7;
	_ =	sdelay $0x3  }
0x2e1: {  	s29 =	sadd.s32 $0x1B, s20  }
0x2e2: {  	v8 =	vadd.s32 s29, v6;
	v7 =	vld.idx.msk [tilespmem:v7+s2+$0x0], $0xffff;
	_ =	sdelay $0x4  }
0x2e3: {  	[tilespmem:v8+s16+$0x0] =	vst.idx.msk $0xffff, v7  }
0x2e4: {  	v7 =	vld [tilespmem:s21+$0xA0];
	_ =	sdelay $0x4  }
0x2e5: {  	v7 =	vadd.s32 v3, v7;
	_ =	sdelay $0x3  }
0x2e6: {  	s30 =	sadd.s32 $0x1C, s20  }
0x2e7: {  	v8 =	vadd.s32 s30, v6;
	v7 =	vld.idx.msk [tilespmem:v7+s2+$0x0], $0xffff;
	_ =	sdelay $0x4  }
0x2e8: {  	[tilespmem:v8+s16+$0x0] =	vst.idx.msk $0xffff, v7  }
0x2e9: {  	v7 =	vld [tilespmem:s21+$0xB0];
	_ =	sdelay $0x4  }
0x2ea: {  	v7 =	vadd.s32 v3, v7;
	_ =	sdelay $0x3  }
0x2eb: {  	s31 =	sadd.s32 $0x1D, s20  }
0x2ec: {  	v8 =	vadd.s32 s31, v6;
	v7 =	vld.idx.msk [tilespmem:v7+s2+$0x0], $0xffff;
	_ =	sdelay $0x4  }
0x2ed: {  	[tilespmem:v8+s16+$0x0] =	vst.idx.msk $0xffff, v7  }
0x2ee: {  	v7 =	vld [tilespmem:s21+$0xC0];
	_ =	sdelay $0x4  }
0x2ef: {  	v7 =	vadd.s32 v3, v7;
	_ =	sdelay $0x3  }
0x2f0: {  	s24 =	sadd.s32 $0x1E, s20  }
0x2f1: {  	v8 =	vadd.s32 s24, v6;
	v7 =	vld.idx.msk [tilespmem:v7+s2+$0x0], $0xffff;
	_ =	sdelay $0x4  }
0x2f2: {  	[tilespmem:v8+s16+$0x0] =	vst.idx.msk $0xffff, v7  }
0x2f3: {  	v7 =	vld [tilespmem:s21+$0xD0];
	_ =	sdelay $0x4  }
0x2f4: {  	v7 =	vadd.s32 v3, v7;
	_ =	sdelay $0x3  }
0x2f5: {  	s25 =	sadd.s32 $0x1F, s20  }
0x2f6: {  	v8 =	vadd.s32 s25, v6;
	v7 =	vld.idx.msk [tilespmem:v7+s2+$0x0], $0xffff;
	_ =	sdelay $0x4  }
0x2f7: {  	[tilespmem:v8+s16+$0x0] =	vst.idx.msk $0xffff, v7  }
0x2f8: {  	v7 =	vld [tilespmem:s22+$0x6A00];
	_ =	sdelay $0x4  }
0x2f9: {  	v7 =	vadd.s32 v3, v7;
	_ =	sdelay $0x3  }
0x2fa: {  	s26 =	sadd.s32 $0x20, s20  }
0x2fb: {  	v8 =	vadd.s32 s26, v6;
	v7 =	vld.idx.msk [tilespmem:v7+s2+$0x0], $0xffff;
	_ =	sdelay $0x4  }
0x2fc: {  	[tilespmem:v8+s16+$0x0] =	vst.idx.msk $0xffff, v7  }
0x2fd: {  	v7 =	vld [tilespmem:s21+$0xF0];
	_ =	sdelay $0x4  }
0x2fe: {  	v7 =	vadd.s32 v3, v7;
	_ =	sdelay $0x3  }
0x2ff: {  	s28 =	sadd.s32 $0x21, s20  }
0x300: {  	v8 =	vadd.s32 s28, v6;
	v7 =	vld.idx.msk [tilespmem:v7+s2+$0x0], $0xffff;
	_ =	sdelay $0x4  }
0x301: {  	[tilespmem:v8+s16+$0x0] =	vst.idx.msk $0xffff, v7  }
0x302: {  	v7 =	vld [tilespmem:s21+$0x100];
	_ =	sdelay $0x4  }
0x303: {  	v7 =	vadd.s32 v3, v7;
	_ =	sdelay $0x3  }
0x304: {  	s29 =	sadd.s32 $0x22, s20  }
0x305: {  	v8 =	vadd.s32 s29, v6;
	v7 =	vld.idx.msk [tilespmem:v7+s2+$0x0], $0xffff;
	_ =	sdelay $0x4  }
0x306: {  	[tilespmem:v8+s16+$0x0] =	vst.idx.msk $0xffff, v7  }
0x307: {  	v7 =	vld [tilespmem:s21+$0x110];
	_ =	sdelay $0x4  }
0x308: {  	v7 =	vadd.s32 v3, v7;
	_ =	sdelay $0x3  }
0x309: {  	s30 =	sadd.s32 $0x23, s20  }
0x30a: {  	v8 =	vadd.s32 s30, v6;
	v7 =	vld.idx.msk [tilespmem:v7+s2+$0x0], $0xffff;
	_ =	sdelay $0x4  }
0x30b: {  	[tilespmem:v8+s16+$0x0] =	vst.idx.msk $0xffff, v7  }
0x30c: {  	v7 =	vld [tilespmem:s21+$0x120];
	_ =	sdelay $0x4  }
0x30d: {  	v7 =	vadd.s32 v3, v7;
	_ =	sdelay $0x3  }
0x30e: {  	s31 =	sadd.s32 $0x24, s20  }
0x30f: {  	p0 =	sne.s32 s20, $0x5A30;
	v8 =	vadd.s32 s31, v6;
	v7 =	vld.idx.msk [tilespmem:v7+s2+$0x0], $0xffff  }
.Ltmp3:
0x310: {  	_ = 	snop;
	(pc) =	sbr.rel @p0 .LBB2_8-.Ltmp3, $2  }
0x311: {  	_ =	sdelay $0x2  }
0x312: {  	s20 =	sadd.s32 $0x250, s20;
	s21 =	sadd.s32 $0x250, s21;
	[tilespmem:v8+s16+$0x0] =	vst.idx.msk $0xffff, v7  }
0x313: {  	s20 =	simm.s32 $0x0  }
0x314: {  	[hbm4b:s8+s20] =	stream.linear.scatter [tilespmem:s16], [sflag:$0x4], $0x5C80, $0x38;
	[tilespmem:$0x17D80] =	vst v63  }
0x315: {  	_ =	swait.ge [sflag:s17], $0x5C80  }
0x316: {  	[sflag:s17] =	ssyncset.done $0x0  }
0x317: {  	s21 =	simm.s32 $0x6920;
	[sflag:s17] =	ssyncadd.s32 $0xFFFFA380  }
.LBB2_10:
0x318: {  	v7 =	vld [tilespmem:s21+$0xFFFFFEE0];
	_ =	sdelay $0x4  }
0x319: {  	v7 =	vadd.s32 v4, v7;
	_ =	sdelay $0x4  }
0x31a: {  	v8 =	vadd.s32 s20, v6;
	v7 =	vld.idx.msk [tilespmem:v7+s2+$0x0], $0xffff;
	_ =	sdelay $0x4  }
0x31b: {  	[tilespmem:v8+s15+$0x0] =	vst.idx.msk $0xffff, v7  }
0x31c: {  	v7 =	vld [tilespmem:s21+$0xFFFFFEF0];
	_ =	sdelay $0x4  }
0x31d: {  	v7 =	vadd.s32 v4, v7;
	_ =	sdelay $0x3  }
0x31e: {  	s22 =	sadd.s32 $0x1, s20  }
0x31f: {  	v8 =	vadd.s32 s22, v6;
	v7 =	vld.idx.msk [tilespmem:v7+s2+$0x0], $0xffff;
	_ =	sdelay $0x4  }
0x320: {  	[tilespmem:v8+s15+$0x0] =	vst.idx.msk $0xffff, v7  }
0x321: {  	v7 =	vld [tilespmem:s21+$0xFFFFFF00];
	_ =	sdelay $0x4  }
0x322: {  	v7 =	vadd.s32 v4, v7;
	_ =	sdelay $0x3  }
0x323: {  	s26 =	sadd.s32 $0x2, s20  }
0x324: {  	v8 =	vadd.s32 s26, v6;
	v7 =	vld.idx.msk [tilespmem:v7+s2+$0x0], $0xffff;
	_ =	sdelay $0x4  }
0x325: {  	[tilespmem:v8+s15+$0x0] =	vst.idx.msk $0xffff, v7  }
0x326: {  	v7 =	vld [tilespmem:s21+$0xFFFFFF10];
	_ =	sdelay $0x4  }
0x327: {  	v7 =	vadd.s32 v4, v7;
	_ =	sdelay $0x3  }
0x328: {  	s28 =	sadd.s32 $0x3, s20  }
0x329: {  	v8 =	vadd.s32 s28, v6;
	v7 =	vld.idx.msk [tilespmem:v7+s2+$0x0], $0xffff;
	_ =	sdelay $0x4  }
0x32a: {  	[tilespmem:v8+s15+$0x0] =	vst.idx.msk $0xffff, v7  }
0x32b: {  	v7 =	vld [tilespmem:s21+$0xFFFFFF20];
	_ =	sdelay $0x4  }
0x32c: {  	v7 =	vadd.s32 v4, v7;
	_ =	sdelay $0x3  }
0x32d: {  	s29 =	sadd.s32 $0x4, s20  }
0x32e: {  	v8 =	vadd.s32 s29, v6;
	v7 =	vld.idx.msk [tilespmem:v7+s2+$0x0], $0xffff;
	_ =	sdelay $0x4  }
0x32f: {  	[tilespmem:v8+s15+$0x0] =	vst.idx.msk $0xffff, v7  }
0x330: {  	v7 =	vld [tilespmem:s21+$0xFFFFFF30];
	_ =	sdelay $0x4  }
0x331: {  	v7 =	vadd.s32 v4, v7;
	_ =	sdelay $0x3  }
0x332: {  	s30 =	sadd.s32 $0x5, s20  }
0x333: {  	v8 =	vadd.s32 s30, v6;
	v7 =	vld.idx.msk [tilespmem:v7+s2+$0x0], $0xffff;
	_ =	sdelay $0x4  }
0x334: {  	[tilespmem:v8+s15+$0x0] =	vst.idx.msk $0xffff, v7  }
0x335: {  	v7 =	vld [tilespmem:s21+$0xFFFFFF40];
	_ =	sdelay $0x4  }
0x336: {  	v7 =	vadd.s32 v4, v7;
	_ =	sdelay $0x3  }
0x337: {  	s31 =	sadd.s32 $0x6, s20  }
0x338: {  	v8 =	vadd.s32 s31, v6;
	v7 =	vld.idx.msk [tilespmem:v7+s2+$0x0], $0xffff;
	_ =	sdelay $0x4  }
0x339: {  	[tilespmem:v8+s15+$0x0] =	vst.idx.msk $0xffff, v7  }
0x33a: {  	v7 =	vld [tilespmem:s21+$0xFFFFFF50];
	_ =	sdelay $0x4  }
0x33b: {  	v7 =	vadd.s32 v4, v7;
	_ =	sdelay $0x3  }
0x33c: {  	s23 =	sadd.s32 $0x7, s20  }
0x33d: {  	v8 =	vadd.s32 s23, v6;
	v7 =	vld.idx.msk [tilespmem:v7+s2+$0x0], $0xffff;
	_ =	sdelay $0x4  }
0x33e: {  	s22 =	sand.u32 $0xFFF0, s20;
	[tilespmem:v8+s15+$0x0] =	vst.idx.msk $0xffff, v7  }
0x33f: {  	v7 =	vld [tilespmem:s22+$0x6880];
	_ =	sdelay $0x4  }
0x340: {  	v7 =	vadd.s32 v4, v7;
	_ =	sdelay $0x3  }
0x341: {  	s23 =	sadd.s32 $0x8, s20  }
0x342: {  	v8 =	vadd.s32 s23, v6;
	v7 =	vld.idx.msk [tilespmem:v7+s2+$0x0], $0xffff;
	_ =	sdelay $0x4  }
0x343: {  	[tilespmem:v8+s15+$0x0] =	vst.idx.msk $0xffff, v7  }
0x344: {  	v7 =	vld [tilespmem:s21+$0xFFFFFF70];
	_ =	sdelay $0x4  }
0x345: {  	v7 =	vadd.s32 v4, v7;
	_ =	sdelay $0x3  }
0x346: {  	s24 =	sadd.s32 $0x9, s20  }
0x347: {  	v8 =	vadd.s32 s24, v6;
	v7 =	vld.idx.msk [tilespmem:v7+s2+$0x0], $0xffff;
	_ =	sdelay $0x4  }
0x348: {  	[tilespmem:v8+s15+$0x0] =	vst.idx.msk $0xffff, v7  }
0x349: {  	v7 =	vld [tilespmem:s21+$0xFFFFFF80];
	_ =	sdelay $0x4  }
0x34a: {  	v7 =	vadd.s32 v4, v7;
	_ =	sdelay $0x3  }
0x34b: {  	s25 =	sadd.s32 $0xA, s20  }
0x34c: {  	v8 =	vadd.s32 s25, v6;
	v7 =	vld.idx.msk [tilespmem:v7+s2+$0x0], $0xffff;
	_ =	sdelay $0x4  }
0x34d: {  	[tilespmem:v8+s15+$0x0] =	vst.idx.msk $0xffff, v7  }
0x34e: {  	v7 =	vld [tilespmem:s21+$0xFFFFFF90];
	_ =	sdelay $0x4  }
0x34f: {  	v7 =	vadd.s32 v4, v7;
	_ =	sdelay $0x3  }
0x350: {  	s26 =	sadd.s32 $0xB, s20  }
0x351: {  	v8 =	vadd.s32 s26, v6;
	v7 =	vld.idx.msk [tilespmem:v7+s2+$0x0], $0xffff;
	_ =	sdelay $0x4  }
0x352: {  	[tilespmem:v8+s15+$0x0] =	vst.idx.msk $0xffff, v7  }
0x353: {  	v7 =	vld [tilespmem:s21+$0xFFFFFFA0];
	_ =	sdelay $0x4  }
0x354: {  	v7 =	vadd.s32 v4, v7;
	_ =	sdelay $0x3  }
0x355: {  	s28 =	sadd.s32 $0xC, s20  }
0x356: {  	v8 =	vadd.s32 s28, v6;
	v7 =	vld.idx.msk [tilespmem:v7+s2+$0x0], $0xffff;
	_ =	sdelay $0x4  }
0x357: {  	[tilespmem:v8+s15+$0x0] =	vst.idx.msk $0xffff, v7  }
0x358: {  	v7 =	vld [tilespmem:s21+$0xFFFFFFB0];
	_ =	sdelay $0x4  }
0x359: {  	v7 =	vadd.s32 v4, v7;
	_ =	sdelay $0x3  }
0x35a: {  	s29 =	sadd.s32 $0xD, s20  }
0x35b: {  	v8 =	vadd.s32 s29, v6;
	v7 =	vld.idx.msk [tilespmem:v7+s2+$0x0], $0xffff;
	_ =	sdelay $0x4  }
0x35c: {  	[tilespmem:v8+s15+$0x0] =	vst.idx.msk $0xffff, v7  }
0x35d: {  	v7 =	vld [tilespmem:s21+$0xFFFFFFC0];
	_ =	sdelay $0x4  }
0x35e: {  	v7 =	vadd.s32 v4, v7;
	_ =	sdelay $0x3  }
0x35f: {  	s30 =	sadd.s32 $0xE, s20  }
0x360: {  	v8 =	vadd.s32 s30, v6;
	v7 =	vld.idx.msk [tilespmem:v7+s2+$0x0], $0xffff;
	_ =	sdelay $0x4  }
0x361: {  	[tilespmem:v8+s15+$0x0] =	vst.idx.msk $0xffff, v7  }
0x362: {  	v7 =	vld [tilespmem:s21+$0xFFFFFFD0];
	_ =	sdelay $0x4  }
0x363: {  	v7 =	vadd.s32 v4, v7;
	_ =	sdelay $0x3  }
0x364: {  	s31 =	sadd.s32 $0xF, s20  }
0x365: {  	v8 =	vadd.s32 s31, v6;
	v7 =	vld.idx.msk [tilespmem:v7+s2+$0x0], $0xffff;
	_ =	sdelay $0x4  }
0x366: {  	[tilespmem:v8+s15+$0x0] =	vst.idx.msk $0xffff, v7  }
0x367: {  	v7 =	vld [tilespmem:s22+$0x6900];
	_ =	sdelay $0x4  }
0x368: {  	v7 =	vadd.s32 v4, v7;
	_ =	sdelay $0x3  }
0x369: {  	s24 =	sadd.s32 $0x10, s20  }
0x36a: {  	v8 =	vadd.s32 s24, v6;
	v7 =	vld.idx.msk [tilespmem:v7+s2+$0x0], $0xffff;
	_ =	sdelay $0x4  }
0x36b: {  	[tilespmem:v8+s15+$0x0] =	vst.idx.msk $0xffff, v7  }
0x36c: {  	v7 =	vld [tilespmem:s21+$0xFFFFFFF0];
	_ =	sdelay $0x4  }
0x36d: {  	v7 =	vadd.s32 v4, v7;
	_ =	sdelay $0x3  }
0x36e: {  	s25 =	sadd.s32 $0x11, s20  }
0x36f: {  	v8 =	vadd.s32 s25, v6;
	v7 =	vld.idx.msk [tilespmem:v7+s2+$0x0], $0xffff;
	_ =	sdelay $0x4  }
0x370: {  	[tilespmem:v8+s15+$0x0] =	vst.idx.msk $0xffff, v7  }
0x371: {  	v7 =	vld [tilespmem:s21+$0x0];
	_ =	sdelay $0x4  }
0x372: {  	v7 =	vadd.s32 v4, v7;
	_ =	sdelay $0x3  }
0x373: {  	s26 =	sadd.s32 $0x12, s20  }
0x374: {  	v8 =	vadd.s32 s26, v6;
	v7 =	vld.idx.msk [tilespmem:v7+s2+$0x0], $0xffff;
	_ =	sdelay $0x4  }
0x375: {  	[tilespmem:v8+s15+$0x0] =	vst.idx.msk $0xffff, v7  }
0x376: {  	v7 =	vld [tilespmem:s21+$0x10];
	_ =	sdelay $0x4  }
0x377: {  	v7 =	vadd.s32 v4, v7;
	_ =	sdelay $0x3  }
0x378: {  	s28 =	sadd.s32 $0x13, s20  }
0x379: {  	v8 =	vadd.s32 s28, v6;
	v7 =	vld.idx.msk [tilespmem:v7+s2+$0x0], $0xffff;
	_ =	sdelay $0x4  }
0x37a: {  	[tilespmem:v8+s15+$0x0] =	vst.idx.msk $0xffff, v7  }
0x37b: {  	v7 =	vld [tilespmem:s21+$0x20];
	_ =	sdelay $0x4  }
0x37c: {  	v7 =	vadd.s32 v4, v7;
	_ =	sdelay $0x3  }
0x37d: {  	s29 =	sadd.s32 $0x14, s20  }
0x37e: {  	v8 =	vadd.s32 s29, v6;
	v7 =	vld.idx.msk [tilespmem:v7+s2+$0x0], $0xffff;
	_ =	sdelay $0x4  }
0x37f: {  	[tilespmem:v8+s15+$0x0] =	vst.idx.msk $0xffff, v7  }
0x380: {  	v7 =	vld [tilespmem:s21+$0x30];
	_ =	sdelay $0x4  }
0x381: {  	v7 =	vadd.s32 v4, v7;
	_ =	sdelay $0x3  }
0x382: {  	s30 =	sadd.s32 $0x15, s20  }
0x383: {  	v8 =	vadd.s32 s30, v6;
	v7 =	vld.idx.msk [tilespmem:v7+s2+$0x0], $0xffff;
	_ =	sdelay $0x4  }
0x384: {  	[tilespmem:v8+s15+$0x0] =	vst.idx.msk $0xffff, v7  }
0x385: {  	v7 =	vld [tilespmem:s21+$0x40];
	_ =	sdelay $0x4  }
0x386: {  	v7 =	vadd.s32 v4, v7;
	_ =	sdelay $0x3  }
0x387: {  	s31 =	sadd.s32 $0x16, s20  }
0x388: {  	v8 =	vadd.s32 s31, v6;
	v7 =	vld.idx.msk [tilespmem:v7+s2+$0x0], $0xffff;
	_ =	sdelay $0x4  }
0x389: {  	[tilespmem:v8+s15+$0x0] =	vst.idx.msk $0xffff, v7  }
0x38a: {  	v7 =	vld [tilespmem:s21+$0x50];
	_ =	sdelay $0x4  }
0x38b: {  	v7 =	vadd.s32 v4, v7;
	_ =	sdelay $0x3  }
0x38c: {  	s24 =	sadd.s32 $0x17, s20  }
0x38d: {  	v8 =	vadd.s32 s24, v6;
	v7 =	vld.idx.msk [tilespmem:v7+s2+$0x0], $0xffff;
	_ =	sdelay $0x4  }
0x38e: {  	[tilespmem:v8+s15+$0x0] =	vst.idx.msk $0xffff, v7  }
0x38f: {  	v7 =	vld [tilespmem:s22+$0x6980];
	_ =	sdelay $0x4  }
0x390: {  	v7 =	vadd.s32 v4, v7;
	_ =	sdelay $0x3  }
0x391: {  	s25 =	sadd.s32 $0x18, s20  }
0x392: {  	v8 =	vadd.s32 s25, v6;
	v7 =	vld.idx.msk [tilespmem:v7+s2+$0x0], $0xffff;
	_ =	sdelay $0x4  }
0x393: {  	[tilespmem:v8+s15+$0x0] =	vst.idx.msk $0xffff, v7  }
0x394: {  	v7 =	vld [tilespmem:s21+$0x70];
	_ =	sdelay $0x4  }
0x395: {  	v7 =	vadd.s32 v4, v7;
	_ =	sdelay $0x3  }
0x396: {  	s26 =	sadd.s32 $0x19, s20  }
0x397: {  	v8 =	vadd.s32 s26, v6;
	v7 =	vld.idx.msk [tilespmem:v7+s2+$0x0], $0xffff;
	_ =	sdelay $0x4  }
0x398: {  	[tilespmem:v8+s15+$0x0] =	vst.idx.msk $0xffff, v7  }
0x399: {  	v7 =	vld [tilespmem:s21+$0x80];
	_ =	sdelay $0x4  }
0x39a: {  	v7 =	vadd.s32 v4, v7;
	_ =	sdelay $0x3  }
0x39b: {  	s28 =	sadd.s32 $0x1A, s20  }
0x39c: {  	v8 =	vadd.s32 s28, v6;
	v7 =	vld.idx.msk [tilespmem:v7+s2+$0x0], $0xffff;
	_ =	sdelay $0x4  }
0x39d: {  	[tilespmem:v8+s15+$0x0] =	vst.idx.msk $0xffff, v7  }
0x39e: {  	v7 =	vld [tilespmem:s21+$0x90];
	_ =	sdelay $0x4  }
0x39f: {  	v7 =	vadd.s32 v4, v7;
	_ =	sdelay $0x3  }
0x3a0: {  	s29 =	sadd.s32 $0x1B, s20  }
0x3a1: {  	v8 =	vadd.s32 s29, v6;
	v7 =	vld.idx.msk [tilespmem:v7+s2+$0x0], $0xffff;
	_ =	sdelay $0x4  }
0x3a2: {  	[tilespmem:v8+s15+$0x0] =	vst.idx.msk $0xffff, v7  }
0x3a3: {  	v7 =	vld [tilespmem:s21+$0xA0];
	_ =	sdelay $0x4  }
0x3a4: {  	v7 =	vadd.s32 v4, v7;
	_ =	sdelay $0x3  }
0x3a5: {  	s30 =	sadd.s32 $0x1C, s20  }
0x3a6: {  	v8 =	vadd.s32 s30, v6;
	v7 =	vld.idx.msk [tilespmem:v7+s2+$0x0], $0xffff;
	_ =	sdelay $0x4  }
0x3a7: {  	[tilespmem:v8+s15+$0x0] =	vst.idx.msk $0xffff, v7  }
0x3a8: {  	v7 =	vld [tilespmem:s21+$0xB0];
	_ =	sdelay $0x4  }
0x3a9: {  	v7 =	vadd.s32 v4, v7;
	_ =	sdelay $0x3  }
0x3aa: {  	s31 =	sadd.s32 $0x1D, s20  }
0x3ab: {  	v8 =	vadd.s32 s31, v6;
	v7 =	vld.idx.msk [tilespmem:v7+s2+$0x0], $0xffff;
	_ =	sdelay $0x4  }
0x3ac: {  	[tilespmem:v8+s15+$0x0] =	vst.idx.msk $0xffff, v7  }
0x3ad: {  	v7 =	vld [tilespmem:s21+$0xC0];
	_ =	sdelay $0x4  }
0x3ae: {  	v7 =	vadd.s32 v4, v7;
	_ =	sdelay $0x3  }
0x3af: {  	s24 =	sadd.s32 $0x1E, s20  }
0x3b0: {  	v8 =	vadd.s32 s24, v6;
	v7 =	vld.idx.msk [tilespmem:v7+s2+$0x0], $0xffff;
	_ =	sdelay $0x4  }
0x3b1: {  	[tilespmem:v8+s15+$0x0] =	vst.idx.msk $0xffff, v7  }
0x3b2: {  	v7 =	vld [tilespmem:s21+$0xD0];
	_ =	sdelay $0x4  }
0x3b3: {  	v7 =	vadd.s32 v4, v7;
	_ =	sdelay $0x3  }
0x3b4: {  	s25 =	sadd.s32 $0x1F, s20  }
0x3b5: {  	v8 =	vadd.s32 s25, v6;
	v7 =	vld.idx.msk [tilespmem:v7+s2+$0x0], $0xffff;
	_ =	sdelay $0x4  }
0x3b6: {  	[tilespmem:v8+s15+$0x0] =	vst.idx.msk $0xffff, v7  }
0x3b7: {  	v7 =	vld [tilespmem:s22+$0x6A00];
	_ =	sdelay $0x4  }
0x3b8: {  	v7 =	vadd.s32 v4, v7;
	_ =	sdelay $0x3  }
0x3b9: {  	s26 =	sadd.s32 $0x20, s20  }
0x3ba: {  	v8 =	vadd.s32 s26, v6;
	v7 =	vld.idx.msk [tilespmem:v7+s2+$0x0], $0xffff;
	_ =	sdelay $0x4  }
0x3bb: {  	[tilespmem:v8+s15+$0x0] =	vst.idx.msk $0xffff, v7  }
0x3bc: {  	v7 =	vld [tilespmem:s21+$0xF0];
	_ =	sdelay $0x4  }
0x3bd: {  	v7 =	vadd.s32 v4, v7;
	_ =	sdelay $0x3  }
0x3be: {  	s28 =	sadd.s32 $0x21, s20  }
0x3bf: {  	v8 =	vadd.s32 s28, v6;
	v7 =	vld.idx.msk [tilespmem:v7+s2+$0x0], $0xffff;
	_ =	sdelay $0x4  }
0x3c0: {  	[tilespmem:v8+s15+$0x0] =	vst.idx.msk $0xffff, v7  }
0x3c1: {  	v7 =	vld [tilespmem:s21+$0x100];
	_ =	sdelay $0x4  }
0x3c2: {  	v7 =	vadd.s32 v4, v7;
	_ =	sdelay $0x3  }
0x3c3: {  	s29 =	sadd.s32 $0x22, s20  }
0x3c4: {  	v8 =	vadd.s32 s29, v6;
	v7 =	vld.idx.msk [tilespmem:v7+s2+$0x0], $0xffff;
	_ =	sdelay $0x4  }
0x3c5: {  	[tilespmem:v8+s15+$0x0] =	vst.idx.msk $0xffff, v7  }
0x3c6: {  	v7 =	vld [tilespmem:s21+$0x110];
	_ =	sdelay $0x4  }
0x3c7: {  	v7 =	vadd.s32 v4, v7;
	_ =	sdelay $0x3  }
0x3c8: {  	s30 =	sadd.s32 $0x23, s20  }
0x3c9: {  	v8 =	vadd.s32 s30, v6;
	v7 =	vld.idx.msk [tilespmem:v7+s2+$0x0], $0xffff;
	_ =	sdelay $0x4  }
0x3ca: {  	[tilespmem:v8+s15+$0x0] =	vst.idx.msk $0xffff, v7  }
0x3cb: {  	v7 =	vld [tilespmem:s21+$0x120];
	_ =	sdelay $0x4  }
0x3cc: {  	v7 =	vadd.s32 v4, v7;
	_ =	sdelay $0x3  }
0x3cd: {  	s31 =	sadd.s32 $0x24, s20  }
0x3ce: {  	p0 =	sne.s32 s20, $0x5A30;
	v8 =	vadd.s32 s31, v6;
	v7 =	vld.idx.msk [tilespmem:v7+s2+$0x0], $0xffff  }
.Ltmp4:
0x3cf: {  	_ = 	snop;
	(pc) =	sbr.rel @p0 .LBB2_10-.Ltmp4, $2  }
0x3d0: {  	_ =	sdelay $0x2  }
0x3d1: {  	s20 =	sadd.s32 $0x250, s20;
	s21 =	sadd.s32 $0x250, s21;
	[tilespmem:v8+s15+$0x0] =	vst.idx.msk $0xffff, v7  }
0x3d2: {  	s20 =	simm.s32 $0x0  }
0x3d3: {  	[hbm4b:s9+s20] =	stream.linear.scatter [tilespmem:s15], [sflag:$0x3], $0x5C80, $0x38;
	[tilespmem:$0x17D80] =	vst v63  }
0x3d4: {  	_ =	swait.ge [sflag:s18], $0x5C80  }
0x3d5: {  	[sflag:s18] =	ssyncset.done $0x0  }
0x3d6: {  	s21 =	simm.s32 $0x6920;
	[sflag:s18] =	ssyncadd.s32 $0xFFFFA380  }
.LBB2_12:
0x3d7: {  	v7 =	vld [tilespmem:s21+$0xFFFFFEE0];
	_ =	sdelay $0x4  }
0x3d8: {  	v7 =	vadd.s32 v5, v7;
	_ =	sdelay $0x4  }
0x3d9: {  	v8 =	vadd.s32 s20, v6;
	v7 =	vld.idx.msk [tilespmem:v7+s2+$0x0], $0xffff;
	_ =	sdelay $0x4  }
0x3da: {  	[tilespmem:v8+s16+$0x0] =	vst.idx.msk $0xffff, v7  }
0x3db: {  	v7 =	vld [tilespmem:s21+$0xFFFFFEF0];
	_ =	sdelay $0x4  }
0x3dc: {  	v7 =	vadd.s32 v5, v7;
	_ =	sdelay $0x3  }
0x3dd: {  	s22 =	sadd.s32 $0x1, s20  }
0x3de: {  	v8 =	vadd.s32 s22, v6;
	v7 =	vld.idx.msk [tilespmem:v7+s2+$0x0], $0xffff;
	_ =	sdelay $0x4  }
0x3df: {  	[tilespmem:v8+s16+$0x0] =	vst.idx.msk $0xffff, v7  }
0x3e0: {  	v7 =	vld [tilespmem:s21+$0xFFFFFF00];
	_ =	sdelay $0x4  }
0x3e1: {  	v7 =	vadd.s32 v5, v7;
	_ =	sdelay $0x3  }
0x3e2: {  	s26 =	sadd.s32 $0x2, s20  }
0x3e3: {  	v8 =	vadd.s32 s26, v6;
	v7 =	vld.idx.msk [tilespmem:v7+s2+$0x0], $0xffff;
	_ =	sdelay $0x4  }
0x3e4: {  	[tilespmem:v8+s16+$0x0] =	vst.idx.msk $0xffff, v7  }
0x3e5: {  	v7 =	vld [tilespmem:s21+$0xFFFFFF10];
	_ =	sdelay $0x4  }
0x3e6: {  	v7 =	vadd.s32 v5, v7;
	_ =	sdelay $0x3  }
0x3e7: {  	s28 =	sadd.s32 $0x3, s20  }
0x3e8: {  	v8 =	vadd.s32 s28, v6;
	v7 =	vld.idx.msk [tilespmem:v7+s2+$0x0], $0xffff;
	_ =	sdelay $0x4  }
0x3e9: {  	[tilespmem:v8+s16+$0x0] =	vst.idx.msk $0xffff, v7  }
0x3ea: {  	v7 =	vld [tilespmem:s21+$0xFFFFFF20];
	_ =	sdelay $0x4  }
0x3eb: {  	v7 =	vadd.s32 v5, v7;
	_ =	sdelay $0x3  }
0x3ec: {  	s29 =	sadd.s32 $0x4, s20  }
0x3ed: {  	v8 =	vadd.s32 s29, v6;
	v7 =	vld.idx.msk [tilespmem:v7+s2+$0x0], $0xffff;
	_ =	sdelay $0x4  }
0x3ee: {  	[tilespmem:v8+s16+$0x0] =	vst.idx.msk $0xffff, v7  }
0x3ef: {  	v7 =	vld [tilespmem:s21+$0xFFFFFF30];
	_ =	sdelay $0x4  }
0x3f0: {  	v7 =	vadd.s32 v5, v7;
	_ =	sdelay $0x3  }
0x3f1: {  	s30 =	sadd.s32 $0x5, s20  }
0x3f2: {  	v8 =	vadd.s32 s30, v6;
	v7 =	vld.idx.msk [tilespmem:v7+s2+$0x0], $0xffff;
	_ =	sdelay $0x4  }
0x3f3: {  	[tilespmem:v8+s16+$0x0] =	vst.idx.msk $0xffff, v7  }
0x3f4: {  	v7 =	vld [tilespmem:s21+$0xFFFFFF40];
	_ =	sdelay $0x4  }
0x3f5: {  	v7 =	vadd.s32 v5, v7;
	_ =	sdelay $0x3  }
0x3f6: {  	s31 =	sadd.s32 $0x6, s20  }
0x3f7: {  	v8 =	vadd.s32 s31, v6;
	v7 =	vld.idx.msk [tilespmem:v7+s2+$0x0], $0xffff;
	_ =	sdelay $0x4  }
0x3f8: {  	[tilespmem:v8+s16+$0x0] =	vst.idx.msk $0xffff, v7  }
0x3f9: {  	v7 =	vld [tilespmem:s21+$0xFFFFFF50];
	_ =	sdelay $0x4  }
0x3fa: {  	v7 =	vadd.s32 v5, v7;
	_ =	sdelay $0x3  }
0x3fb: {  	s23 =	sadd.s32 $0x7, s20  }
0x3fc: {  	v8 =	vadd.s32 s23, v6;
	v7 =	vld.idx.msk [tilespmem:v7+s2+$0x0], $0xffff;
	_ =	sdelay $0x4  }
0x3fd: {  	s22 =	sand.u32 $0xFFF0, s20;
	[tilespmem:v8+s16+$0x0] =	vst.idx.msk $0xffff, v7  }
0x3fe: {  	v7 =	vld [tilespmem:s22+$0x6880];
	_ =	sdelay $0x4  }
0x3ff: {  	v7 =	vadd.s32 v5, v7;
	_ =	sdelay $0x3  }
0x400: {  	s23 =	sadd.s32 $0x8, s20  }
0x401: {  	v8 =	vadd.s32 s23, v6;
	v7 =	vld.idx.msk [tilespmem:v7+s2+$0x0], $0xffff;
	_ =	sdelay $0x4  }
0x402: {  	[tilespmem:v8+s16+$0x0] =	vst.idx.msk $0xffff, v7  }
0x403: {  	v7 =	vld [tilespmem:s21+$0xFFFFFF70];
	_ =	sdelay $0x4  }
0x404: {  	v7 =	vadd.s32 v5, v7;
	_ =	sdelay $0x3  }
0x405: {  	s24 =	sadd.s32 $0x9, s20  }
0x406: {  	v8 =	vadd.s32 s24, v6;
	v7 =	vld.idx.msk [tilespmem:v7+s2+$0x0], $0xffff;
	_ =	sdelay $0x4  }
0x407: {  	[tilespmem:v8+s16+$0x0] =	vst.idx.msk $0xffff, v7  }
0x408: {  	v7 =	vld [tilespmem:s21+$0xFFFFFF80];
	_ =	sdelay $0x4  }
0x409: {  	v7 =	vadd.s32 v5, v7;
	_ =	sdelay $0x3  }
0x40a: {  	s25 =	sadd.s32 $0xA, s20  }
0x40b: {  	v8 =	vadd.s32 s25, v6;
	v7 =	vld.idx.msk [tilespmem:v7+s2+$0x0], $0xffff;
	_ =	sdelay $0x4  }
0x40c: {  	[tilespmem:v8+s16+$0x0] =	vst.idx.msk $0xffff, v7  }
0x40d: {  	v7 =	vld [tilespmem:s21+$0xFFFFFF90];
	_ =	sdelay $0x4  }
0x40e: {  	v7 =	vadd.s32 v5, v7;
	_ =	sdelay $0x3  }
0x40f: {  	s26 =	sadd.s32 $0xB, s20  }
0x410: {  	v8 =	vadd.s32 s26, v6;
	v7 =	vld.idx.msk [tilespmem:v7+s2+$0x0], $0xffff;
	_ =	sdelay $0x4  }
0x411: {  	[tilespmem:v8+s16+$0x0] =	vst.idx.msk $0xffff, v7  }
0x412: {  	v7 =	vld [tilespmem:s21+$0xFFFFFFA0];
	_ =	sdelay $0x4  }
0x413: {  	v7 =	vadd.s32 v5, v7;
	_ =	sdelay $0x3  }
0x414: {  	s28 =	sadd.s32 $0xC, s20  }
0x415: {  	v8 =	vadd.s32 s28, v6;
	v7 =	vld.idx.msk [tilespmem:v7+s2+$0x0], $0xffff;
	_ =	sdelay $0x4  }
0x416: {  	[tilespmem:v8+s16+$0x0] =	vst.idx.msk $0xffff, v7  }
0x417: {  	v7 =	vld [tilespmem:s21+$0xFFFFFFB0];
	_ =	sdelay $0x4  }
0x418: {  	v7 =	vadd.s32 v5, v7;
	_ =	sdelay $0x3  }
0x419: {  	s29 =	sadd.s32 $0xD, s20  }
0x41a: {  	v8 =	vadd.s32 s29, v6;
	v7 =	vld.idx.msk [tilespmem:v7+s2+$0x0], $0xffff;
	_ =	sdelay $0x4  }
0x41b: {  	[tilespmem:v8+s16+$0x0] =	vst.idx.msk $0xffff, v7  }
0x41c: {  	v7 =	vld [tilespmem:s21+$0xFFFFFFC0];
	_ =	sdelay $0x4  }
0x41d: {  	v7 =	vadd.s32 v5, v7;
	_ =	sdelay $0x3  }
0x41e: {  	s30 =	sadd.s32 $0xE, s20  }
0x41f: {  	v8 =	vadd.s32 s30, v6;
	v7 =	vld.idx.msk [tilespmem:v7+s2+$0x0], $0xffff;
	_ =	sdelay $0x4  }
0x420: {  	[tilespmem:v8+s16+$0x0] =	vst.idx.msk $0xffff, v7  }
0x421: {  	v7 =	vld [tilespmem:s21+$0xFFFFFFD0];
	_ =	sdelay $0x4  }
0x422: {  	v7 =	vadd.s32 v5, v7;
	_ =	sdelay $0x3  }
0x423: {  	s31 =	sadd.s32 $0xF, s20  }
0x424: {  	v8 =	vadd.s32 s31, v6;
	v7 =	vld.idx.msk [tilespmem:v7+s2+$0x0], $0xffff;
	_ =	sdelay $0x4  }
0x425: {  	[tilespmem:v8+s16+$0x0] =	vst.idx.msk $0xffff, v7  }
0x426: {  	v7 =	vld [tilespmem:s22+$0x6900];
	_ =	sdelay $0x4  }
0x427: {  	v7 =	vadd.s32 v5, v7;
	_ =	sdelay $0x3  }
0x428: {  	s24 =	sadd.s32 $0x10, s20  }
0x429: {  	v8 =	vadd.s32 s24, v6;
	v7 =	vld.idx.msk [tilespmem:v7+s2+$0x0], $0xffff;
	_ =	sdelay $0x4  }
0x42a: {  	[tilespmem:v8+s16+$0x0] =	vst.idx.msk $0xffff, v7  }
0x42b: {  	v7 =	vld [tilespmem:s21+$0xFFFFFFF0];
	_ =	sdelay $0x4  }
0x42c: {  	v7 =	vadd.s32 v5, v7;
	_ =	sdelay $0x3  }
0x42d: {  	s25 =	sadd.s32 $0x11, s20  }
0x42e: {  	v8 =	vadd.s32 s25, v6;
	v7 =	vld.idx.msk [tilespmem:v7+s2+$0x0], $0xffff;
	_ =	sdelay $0x4  }
0x42f: {  	[tilespmem:v8+s16+$0x0] =	vst.idx.msk $0xffff, v7  }
0x430: {  	v7 =	vld [tilespmem:s21+$0x0];
	_ =	sdelay $0x4  }
0x431: {  	v7 =	vadd.s32 v5, v7;
	_ =	sdelay $0x3  }
0x432: {  	s26 =	sadd.s32 $0x12, s20  }
0x433: {  	v8 =	vadd.s32 s26, v6;
	v7 =	vld.idx.msk [tilespmem:v7+s2+$0x0], $0xffff;
	_ =	sdelay $0x4  }
0x434: {  	[tilespmem:v8+s16+$0x0] =	vst.idx.msk $0xffff, v7  }
0x435: {  	v7 =	vld [tilespmem:s21+$0x10];
	_ =	sdelay $0x4  }
0x436: {  	v7 =	vadd.s32 v5, v7;
	_ =	sdelay $0x3  }
0x437: {  	s28 =	sadd.s32 $0x13, s20  }
0x438: {  	v8 =	vadd.s32 s28, v6;
	v7 =	vld.idx.msk [tilespmem:v7+s2+$0x0], $0xffff;
	_ =	sdelay $0x4  }
0x439: {  	[tilespmem:v8+s16+$0x0] =	vst.idx.msk $0xffff, v7  }
0x43a: {  	v7 =	vld [tilespmem:s21+$0x20];
	_ =	sdelay $0x4  }
0x43b: {  	v7 =	vadd.s32 v5, v7;
	_ =	sdelay $0x3  }
0x43c: {  	s29 =	sadd.s32 $0x14, s20  }
0x43d: {  	v8 =	vadd.s32 s29, v6;
	v7 =	vld.idx.msk [tilespmem:v7+s2+$0x0], $0xffff;
	_ =	sdelay $0x4  }
0x43e: {  	[tilespmem:v8+s16+$0x0] =	vst.idx.msk $0xffff, v7  }
0x43f: {  	v7 =	vld [tilespmem:s21+$0x30];
	_ =	sdelay $0x4  }
0x440: {  	v7 =	vadd.s32 v5, v7;
	_ =	sdelay $0x3  }
0x441: {  	s30 =	sadd.s32 $0x15, s20  }
0x442: {  	v8 =	vadd.s32 s30, v6;
	v7 =	vld.idx.msk [tilespmem:v7+s2+$0x0], $0xffff;
	_ =	sdelay $0x4  }
0x443: {  	[tilespmem:v8+s16+$0x0] =	vst.idx.msk $0xffff, v7  }
0x444: {  	v7 =	vld [tilespmem:s21+$0x40];
	_ =	sdelay $0x4  }
0x445: {  	v7 =	vadd.s32 v5, v7;
	_ =	sdelay $0x3  }
0x446: {  	s31 =	sadd.s32 $0x16, s20  }
0x447: {  	v8 =	vadd.s32 s31, v6;
	v7 =	vld.idx.msk [tilespmem:v7+s2+$0x0], $0xffff;
	_ =	sdelay $0x4  }
0x448: {  	[tilespmem:v8+s16+$0x0] =	vst.idx.msk $0xffff, v7  }
0x449: {  	v7 =	vld [tilespmem:s21+$0x50];
	_ =	sdelay $0x4  }
0x44a: {  	v7 =	vadd.s32 v5, v7;
	_ =	sdelay $0x3  }
0x44b: {  	s24 =	sadd.s32 $0x17, s20  }
0x44c: {  	v8 =	vadd.s32 s24, v6;
	v7 =	vld.idx.msk [tilespmem:v7+s2+$0x0], $0xffff;
	_ =	sdelay $0x4  }
0x44d: {  	[tilespmem:v8+s16+$0x0] =	vst.idx.msk $0xffff, v7  }
0x44e: {  	v7 =	vld [tilespmem:s22+$0x6980];
	_ =	sdelay $0x4  }
0x44f: {  	v7 =	vadd.s32 v5, v7;
	_ =	sdelay $0x3  }
0x450: {  	s25 =	sadd.s32 $0x18, s20  }
0x451: {  	v8 =	vadd.s32 s25, v6;
	v7 =	vld.idx.msk [tilespmem:v7+s2+$0x0], $0xffff;
	_ =	sdelay $0x4  }
0x452: {  	[tilespmem:v8+s16+$0x0] =	vst.idx.msk $0xffff, v7  }
0x453: {  	v7 =	vld [tilespmem:s21+$0x70];
	_ =	sdelay $0x4  }
0x454: {  	v7 =	vadd.s32 v5, v7;
	_ =	sdelay $0x3  }
0x455: {  	s26 =	sadd.s32 $0x19, s20  }
0x456: {  	v8 =	vadd.s32 s26, v6;
	v7 =	vld.idx.msk [tilespmem:v7+s2+$0x0], $0xffff;
	_ =	sdelay $0x4  }
0x457: {  	[tilespmem:v8+s16+$0x0] =	vst.idx.msk $0xffff, v7  }
0x458: {  	v7 =	vld [tilespmem:s21+$0x80];
	_ =	sdelay $0x4  }
0x459: {  	v7 =	vadd.s32 v5, v7;
	_ =	sdelay $0x3  }
0x45a: {  	s28 =	sadd.s32 $0x1A, s20  }
0x45b: {  	v8 =	vadd.s32 s28, v6;
	v7 =	vld.idx.msk [tilespmem:v7+s2+$0x0], $0xffff;
	_ =	sdelay $0x4  }
0x45c: {  	[tilespmem:v8+s16+$0x0] =	vst.idx.msk $0xffff, v7  }
0x45d: {  	v7 =	vld [tilespmem:s21+$0x90];
	_ =	sdelay $0x4  }
0x45e: {  	v7 =	vadd.s32 v5, v7;
	_ =	sdelay $0x3  }
0x45f: {  	s29 =	sadd.s32 $0x1B, s20  }
0x460: {  	v8 =	vadd.s32 s29, v6;
	v7 =	vld.idx.msk [tilespmem:v7+s2+$0x0], $0xffff;
	_ =	sdelay $0x4  }
0x461: {  	[tilespmem:v8+s16+$0x0] =	vst.idx.msk $0xffff, v7  }
0x462: {  	v7 =	vld [tilespmem:s21+$0xA0];
	_ =	sdelay $0x4  }
0x463: {  	v7 =	vadd.s32 v5, v7;
	_ =	sdelay $0x3  }
0x464: {  	s30 =	sadd.s32 $0x1C, s20  }
0x465: {  	v8 =	vadd.s32 s30, v6;
	v7 =	vld.idx.msk [tilespmem:v7+s2+$0x0], $0xffff;
	_ =	sdelay $0x4  }
0x466: {  	[tilespmem:v8+s16+$0x0] =	vst.idx.msk $0xffff, v7  }
0x467: {  	v7 =	vld [tilespmem:s21+$0xB0];
	_ =	sdelay $0x4  }
0x468: {  	v7 =	vadd.s32 v5, v7;
	_ =	sdelay $0x3  }
0x469: {  	s31 =	sadd.s32 $0x1D, s20  }
0x46a: {  	v8 =	vadd.s32 s31, v6;
	v7 =	vld.idx.msk [tilespmem:v7+s2+$0x0], $0xffff;
	_ =	sdelay $0x4  }
0x46b: {  	[tilespmem:v8+s16+$0x0] =	vst.idx.msk $0xffff, v7  }
0x46c: {  	v7 =	vld [tilespmem:s21+$0xC0];
	_ =	sdelay $0x4  }
0x46d: {  	v7 =	vadd.s32 v5, v7;
	_ =	sdelay $0x3  }
0x46e: {  	s24 =	sadd.s32 $0x1E, s20  }
0x46f: {  	v8 =	vadd.s32 s24, v6;
	v7 =	vld.idx.msk [tilespmem:v7+s2+$0x0], $0xffff;
	_ =	sdelay $0x4  }
0x470: {  	[tilespmem:v8+s16+$0x0] =	vst.idx.msk $0xffff, v7  }
0x471: {  	v7 =	vld [tilespmem:s21+$0xD0];
	_ =	sdelay $0x4  }
0x472: {  	v7 =	vadd.s32 v5, v7;
	_ =	sdelay $0x3  }
0x473: {  	s25 =	sadd.s32 $0x1F, s20  }
0x474: {  	v8 =	vadd.s32 s25, v6;
	v7 =	vld.idx.msk [tilespmem:v7+s2+$0x0], $0xffff;
	_ =	sdelay $0x4  }
0x475: {  	[tilespmem:v8+s16+$0x0] =	vst.idx.msk $0xffff, v7  }
0x476: {  	v7 =	vld [tilespmem:s22+$0x6A00];
	_ =	sdelay $0x4  }
0x477: {  	v7 =	vadd.s32 v5, v7;
	_ =	sdelay $0x3  }
0x478: {  	s26 =	sadd.s32 $0x20, s20  }
0x479: {  	v8 =	vadd.s32 s26, v6;
	v7 =	vld.idx.msk [tilespmem:v7+s2+$0x0], $0xffff;
	_ =	sdelay $0x4  }
0x47a: {  	[tilespmem:v8+s16+$0x0] =	vst.idx.msk $0xffff, v7  }
0x47b: {  	v7 =	vld [tilespmem:s21+$0xF0];
	_ =	sdelay $0x4  }
0x47c: {  	v7 =	vadd.s32 v5, v7;
	_ =	sdelay $0x3  }
0x47d: {  	s28 =	sadd.s32 $0x21, s20  }
0x47e: {  	v8 =	vadd.s32 s28, v6;
	v7 =	vld.idx.msk [tilespmem:v7+s2+$0x0], $0xffff;
	_ =	sdelay $0x4  }
0x47f: {  	[tilespmem:v8+s16+$0x0] =	vst.idx.msk $0xffff, v7  }
0x480: {  	v7 =	vld [tilespmem:s21+$0x100];
	_ =	sdelay $0x4  }
0x481: {  	v7 =	vadd.s32 v5, v7;
	_ =	sdelay $0x3  }
0x482: {  	s29 =	sadd.s32 $0x22, s20  }
0x483: {  	v8 =	vadd.s32 s29, v6;
	v7 =	vld.idx.msk [tilespmem:v7+s2+$0x0], $0xffff;
	_ =	sdelay $0x4  }
0x484: {  	[tilespmem:v8+s16+$0x0] =	vst.idx.msk $0xffff, v7  }
0x485: {  	v7 =	vld [tilespmem:s21+$0x110];
	_ =	sdelay $0x4  }
0x486: {  	v7 =	vadd.s32 v5, v7;
	_ =	sdelay $0x3  }
0x487: {  	s30 =	sadd.s32 $0x23, s20  }
0x488: {  	v8 =	vadd.s32 s30, v6;
	v7 =	vld.idx.msk [tilespmem:v7+s2+$0x0], $0xffff;
	_ =	sdelay $0x4  }
0x489: {  	[tilespmem:v8+s16+$0x0] =	vst.idx.msk $0xffff, v7  }
0x48a: {  	v7 =	vld [tilespmem:s21+$0x120];
	_ =	sdelay $0x4  }
0x48b: {  	v7 =	vadd.s32 v5, v7;
	_ =	sdelay $0x3  }
0x48c: {  	s31 =	sadd.s32 $0x24, s20  }
0x48d: {  	p0 =	sne.s32 s20, $0x5A30;
	v8 =	vadd.s32 s31, v6;
	v7 =	vld.idx.msk [tilespmem:v7+s2+$0x0], $0xffff  }
.Ltmp5:
0x48e: {  	_ = 	snop;
	(pc) =	sbr.rel @p0 .LBB2_12-.Ltmp5, $2  }
0x48f: {  	_ =	sdelay $0x2  }
0x490: {  	s20 =	sadd.s32 $0x250, s20;
	s21 =	sadd.s32 $0x250, s21;
	[tilespmem:v8+s16+$0x0] =	vst.idx.msk $0xffff, v7  }
0x491: {  	[hbm4b:s10+s2] =	stream.linear.scatter [tilespmem:s16], [sflag:$0x4], $0x5C80, $0x38;
	[tilespmem:$0x17D80] =	vst v63  }
0x492: {  	s19 =	sadd.s32 $0x1, s19  }
0x493: {  	_ =	swait.ge [sflag:s17], $0x5C80;
	p0 =	sne.s32 s19, s11  }
.Ltmp6:
0x494: {  	[sflag:s17] =	ssyncset.done $0x0;
	(pc) =	sbr.rel @p0 .LBB2_1-.Ltmp6, $4  }
0x495: {  	[sflag:s17] =	ssyncadd.s32 $0xFFFFA380  }
0x496: {  	_ =	swait.ge [sflag:s18], $0x5C80  }
0x497: {  	[sflag:s18] =	ssyncset.done $0x0  }
0x498: {  	[sflag:s18] =	ssyncadd.s32 $0xFFFFA380  }
0x499: {  	_ =	sfence.sel $0x180000  }
0x49a: {  	[bflag:$0x0] =	sbarrier.arrive $0xFFFF  }
0x49b: {  	p0 =	sne.s32 s1, $0x0;
	_ =	strace $0x90000047  }
0x49c: {  	s0 =	sadd.s32 @!p0 $0x100000, s0;
	[bflag:$0x2] =	sbarrier.arrive $0xFFFF  }
0x49d: {  	[sflag:s0] =	ssyncadd.tile.s32 @!p0 $0x1;
	_ =	shalt  }
.Lfunc_end2:
_tile_overlayer_lowered:
.L_overlay_start_2:
0x49e: {  	(tag) =	ssettag $0x2  }
0x49f: {  	s0 =	rddreg [dreg:$0x0];
	s2 =	stileid.u32  }
0x4a0: {  	s1 =	rddreg [dreg:$0x1];
	p0 =	sne.s32 s2, $0x0  }
0x4a1: {  	s3 =	rddreg [dreg:$0x2];
	[bflag:$0x3] =	sbarrier.arrive $0xFFFF;
	s2 =	simm.s32 @!p0 $0x1C05  }
0x4a2: {  	[timem:s3], [sflag:s2] =	dma.local @!p0 [hbm:s0], s1  }
0x4a3: {  	s0 =	simm.s32 @!p0 $0x5  }
0x4a4: {  	_ =	swait.ge @!p0 [sflag:s0], s1  }
0x4a5: {  	s1 =	ssub.s32 @!p0 $0x0, s1;
	[sflag:s0] =	ssyncset.done @!p0 $0x0  }
0x4a6: {  	[sflag:s0] =	ssyncadd.s32 @!p0 s1  }
0x4a7: {  	[bflag:$0x3] =	sbarrier.arrive $0xFFFF  }
0x4a8: {  	_ =	shalt  }

</sc_bundles>
